<compile_context>
chip_gen: v7x
topology: tpu7x:2x2x1
jax: 0.10.2.dev20260603
libtpu: 0.0.44.dev20260713+nightly
codegen_flags: <defaults>
</compile_context>

<pallas_src>
import functools

import jax
import jax.numpy as jnp
from jax import lax
from jax.experimental import pallas as pl
from jax.experimental.pallas import tpu as pltpu
from jax.experimental.pallas import tpu_sc as plsc

N = 10000
E = 160000
D_IN = 256
D_H = 256
N_CLS = 16
P = 8192

HALF = 128
NT = 16
CHUNK = 80
NCHUNK = (E // NT) // CHUNK
NG = 5
GC = NCHUNK // NG
RING = 4
RCHUNK = N // CHUNK

_MESH = dict(core_axis_name="c", subcore_axis_name="s")


def _make_agg(mul: int, with_deg: bool):
  out_type = [jax.ShapeDtypeStruct((2, N, HALF), jnp.float32)]
  if with_deg:
    out_type.append(jax.ShapeDtypeStruct((N,), jnp.float32))

  scratch = [
      pltpu.VMEM((GC, CHUNK), jnp.int32),
      pltpu.VMEM((GC, CHUNK), jnp.int32),
      pltpu.VMEM((RING, CHUNK, HALF), jnp.float32),
      pltpu.VMEM((CHUNK,), jnp.float32),
      pltpu.VMEM_SHARED((N, HALF), jnp.float32),
      pltpu.VMEM_SHARED((N,), jnp.float32),
  ] + [pltpu.SemaphoreType.DMA] * RING

  def body(table, src_h, dst_h, *rest):
    if with_deg:
      out, deg_out = rest[0], rest[1]
      rest = rest[2:]
    else:
      out = rest[0]
      rest = rest[1:]
    idx_s, idx_d, rows, vec80, acc, dacc = rest[:6]
    sems = rest[6:]

    c = lax.axis_index("c")
    s = lax.axis_index("s")

    plane = table if mul else table.at[c]
    off = (c * 1).astype(jnp.int32) if mul else None

    def zrow(j, _):
      for k in range(HALF // 16):
        rows[0, j, pl.ds(k * 16, 16)] = jnp.zeros((16,), jnp.float32)
      return _
    lax.fori_loop(0, CHUNK, zrow, None)
    lo = s * 8
    hi = jnp.minimum((s + 1) * 8, RCHUNK)

    def zacc(j, _):
      pltpu.sync_copy(rows.at[0], acc.at[pl.ds(j * CHUNK, CHUNK)])
      return _
    lax.fori_loop(lo, hi, zacc, None)

    if with_deg:
      for k in range(CHUNK // 16):
        vec80[pl.ds(k * 16, 16)] = jnp.zeros((16,), jnp.float32)

      @pl.when(c == 0)
      def _zero_deg():
        def zd(j, _):
          pltpu.sync_copy(vec80, dacc.at[pl.ds(j * CHUNK, CHUNK)])
          return _
        lax.fori_loop(s * 8, jnp.minimum((s + 1) * 8, NCHUNK), zd, None)

    plsc.subcore_barrier()

    if with_deg:
      for k in range(CHUNK // 16):
        vec80[pl.ds(k * 16, 16)] = jnp.ones((16,), jnp.float32)

    def consume(j, b):
      pltpu.make_async_copy(plane.at[idx_s.at[j]], rows.at[b],
                            sems[b]).wait()
      pltpu.sync_copy(rows.at[b], acc.at[idx_d.at[j]], add=True)
      if with_deg:
        @pl.when(c == 0)
        def _deg():
          pltpu.sync_copy(vec80, dacc.at[idx_d.at[j]], add=True)

    def group(g, _):
      pltpu.sync_copy(src_h.at[s, g], idx_s)
      pltpu.sync_copy(dst_h.at[s, g], idx_d)
      if mul:
        def adj(j, _):
          for k in range(CHUNK // 16):
            sl = pl.ds(k * 16, 16)
            idx_s[j, sl] = idx_s[j, sl] * mul + off
          return _
        lax.fori_loop(0, GC, adj, None)

      for b in range(RING):
        pltpu.async_copy(plane.at[idx_s.at[b]], rows.at[b], sems[b])

      @pl.loop(0, GC - 2 * RING + 1, step=RING)
      def step(i):
        for b in range(RING):
          consume(i + b, b)
          pltpu.async_copy(plane.at[idx_s.at[i + b + RING]], rows.at[b],
                           sems[b])

      jt = GC - RING - 1
      consume(jt, jt % RING)
      pltpu.async_copy(plane.at[idx_s.at[GC - 1]], rows.at[(GC - 1) % RING],
                       sems[(GC - 1) % RING])
      for j in range(GC - RING, GC):
        consume(j, j % RING)
      return _

    lax.fori_loop(0, NG, group, None)

    plsc.subcore_barrier()

    def cout(j, _):
      pltpu.sync_copy(acc.at[pl.ds(j * CHUNK, CHUNK)],
                      out.at[c, pl.ds(j * CHUNK, CHUNK)])
      return _
    lax.fori_loop(lo, hi, cout, None)

    if with_deg:
      @pl.when(c == 0)
      def _deg_out():
        def dout(j, _):
          pltpu.sync_copy(dacc.at[pl.ds(j * CHUNK, CHUNK)], vec80)
          pltpu.sync_copy(vec80, deg_out.at[pl.ds(j * CHUNK, CHUNK)])
          return _
        lax.fori_loop(s * 8, jnp.minimum((s + 1) * 8, NCHUNK), dout, None)

  return pl.kernel(
      body,
      out_type=out_type,
      mesh=plsc.VectorSubcoreMesh(**_MESH),
      scratch_types=scratch,
      name=f"sage_agg_deg{int(with_deg)}",
  )


def _pair_gather_kernel(z, idxp):
  scratch = [
      pltpu.VMEM((P // NT // CHUNK_PG, CHUNK_PG), jnp.int32),
      pltpu.VMEM((CHUNK_PG, HALF), jnp.float32),
      pltpu.SemaphoreType.DMA,
  ]

  def body(z_h, idx_h, out, idxv, rows, sem):
    c = lax.axis_index("c")
    s = lax.axis_index("s")
    pltpu.sync_copy(idx_h.at[c, s], idxv)

    def step(t, _):
      pltpu.async_copy(z_h.at[idxv.at[t]], rows, sem).wait()
      pltpu.sync_copy(rows, out.at[c, pl.ds(s * (P // NT) + t * CHUNK_PG,
                                            CHUNK_PG)])
      return _
    lax.fori_loop(0, P // NT // CHUNK_PG, step, None)

  return pl.kernel(
      body,
      out_type=jax.ShapeDtypeStruct((2, P, HALF), jnp.float32),
      mesh=plsc.VectorSubcoreMesh(**_MESH),
      scratch_types=scratch,
      name="pair_gather",
  )(z, idxp)


CHUNK_PG = 128


def _tc1_body(x, agg, deg, wlt, bl, wrt, out):
  a = jnp.concatenate([agg[0], agg[1]], axis=1)
  a = a / jnp.maximum(deg[...], 1.0)
  h = (jnp.dot(a, wlt[...], preferred_element_type=jnp.float32) + bl[...]
       + jnp.dot(x[...], wrt[...], preferred_element_type=jnp.float32))
  col_mean = jnp.mean(h, axis=0, keepdims=True)
  rn = jnp.sqrt(1e-6 + jnp.sum(h * h, axis=1, keepdims=True))
  h = jnp.maximum(h / rn - col_mean, 0.0)
  out[0] = h[:, :HALF]
  out[1] = h[:, HALF:]


def _tc2_body(agg, deg, h1, wlt, bl, wrt, clf_wt, clf_b,
              bn1_g, bn1_b, ls1_wt, bn2_g, bn2_b, ls2_wt,
              logp_out, z_out):
  a = jnp.concatenate([agg[0], agg[1]], axis=1)
  a = a / jnp.maximum(deg[...], 1.0)
  hp = jnp.concatenate([h1[0], h1[1]], axis=1)
  h = (jnp.dot(a, wlt[...], preferred_element_type=jnp.float32) + bl[...]
       + jnp.dot(hp, wrt[...], preferred_element_type=jnp.float32))

  logits = (jnp.dot(jnp.maximum(h, 0.0), clf_wt[...],
                    preferred_element_type=jnp.float32) + clf_b[...])
  m = jnp.max(logits, axis=1, keepdims=True)
  lse = jnp.log(jnp.sum(jnp.exp(logits - m), axis=1, keepdims=True)) + m
  logp_out[...] = logits - lse

  rs = 1.0 / jnp.sqrt(1.0 + 1e-5)
  z = h * (bn1_g[...] * rs) + bn1_b[...]
  z = jnp.dot(z, ls1_wt[...], preferred_element_type=jnp.float32)
  z = jnp.tanh(z * (bn2_g[...] * rs) + bn2_b[...])
  z_out[...] = jnp.dot(z, ls2_wt[...], preferred_element_type=jnp.float32)


def _tc3_body(zz, ba1_wt, ba1_b, ba2_wt, ba2_b, out):
  za, zb = zz[0], zz[1]

  def biasatt(u):
    t = jnp.tanh(jnp.dot(u, ba1_wt[...],
                         preferred_element_type=jnp.float32) + ba1_b[...])
    return jnp.dot(t, ba2_wt[...],
                   preferred_element_type=jnp.float32) + ba2_b[...]

  a = za + biasatt(za)
  b = zb + biasatt(zb)
  na = jnp.maximum(jnp.sqrt(jnp.sum(a * a, axis=1)), 1e-8)
  nb = jnp.maximum(jnp.sqrt(jnp.sum(b * b, axis=1)), 1e-8)
  alpha = jax.nn.sigmoid(jnp.sum(a * b, axis=1) / (na * nb))
  out[...] = alpha.reshape(P, 1)


@jax.jit
def kernel(x, edge_index, idx1, idx2, params):
  p = params
  ei = edge_index.astype(jnp.int32)
  src = ei[0].reshape(NT, NG, GC, CHUNK)
  dst = ei[1].reshape(NT, NG, GC, CHUNK)

  agg1, deg = _make_agg(2, True)(x.reshape(2 * N, HALF), src, dst)
  deg2 = deg.reshape(N, 1)

  h1 = pl.pallas_call(
      _tc1_body,
      out_shape=jax.ShapeDtypeStruct((2, N, HALF), jnp.float32),
  )(x, agg1, deg2, p['c1_Wl'].T, p['c1_bl'], p['c1_Wr'].T)

  agg2 = _make_agg(0, False)(h1, src, dst)[0]

  logp, z = pl.pallas_call(
      _tc2_body,
      out_shape=[jax.ShapeDtypeStruct((N, N_CLS), jnp.float32),
                 jax.ShapeDtypeStruct((N, HALF), jnp.float32)],
  )(agg2, deg2, h1, p['c2_Wl'].T, p['c2_bl'], p['c2_Wr'].T,
    p['clf_W'].T, p['clf_b'], p['bn1_g'], p['bn1_b'], p['ls1_W'].T,
    p['bn2_g'], p['bn2_b'], p['ls2_W'].T)

  idxp = jnp.stack([idx1, idx2]).astype(jnp.int32).reshape(
      2, NT, P // NT // CHUNK_PG, CHUNK_PG)
  zz = _pair_gather_kernel(z, idxp)

  alpha = pl.pallas_call(
      _tc3_body,
      out_shape=jax.ShapeDtypeStruct((P, 1), jnp.float32),
  )(zz, p['ba1_W'].T, p['ba1_b'], p['ba2_W'].T, p['ba2_b'])

  return (alpha, logp)

# --- scband reference (transcript-rebuilt; emitter-appended) ---
"""Pipeline reference for scband-source-learner-43843026157860 (READ-ONLY COPY).

The authoritative reference and input builder live on the scoring server;
editing this copy changes nothing except your own understanding.
"""

import jax, jax.numpy as jnp
import numpy as np

N = 10000
E = 160000
D_IN = 256
D_H = 256
N_CLS = 16
P = 8192


def glorot(key, shape):
    fan_out, fan_in = shape[0], shape[1]
    lim = np.sqrt(6.0 / (fan_in + fan_out))
    return jax.random.uniform(key, shape, jnp.float32, -lim, lim)


def setup_inputs(seed: int = 0) -> dict:
    key = jax.random.key(seed)
    ks = jax.random.split(key, 16)
    x = jax.random.normal(ks[0], (N, D_IN), jnp.float32)
    edge_index = jax.random.randint(ks[1], (2, E), 0, N)
    idx1 = jax.random.randint(ks[2], (P,), 0, N)
    idx2 = jax.random.randint(ks[3], (P,), 0, N)
    params = {
        'c1_Wl': glorot(ks[4], (D_H, D_IN)), 'c1_bl': jnp.zeros((D_H,), jnp.float32), 'c1_Wr': glorot(ks[5], (D_H, D_IN)),
        'c2_Wl': glorot(ks[6], (D_H, D_H)), 'c2_bl': jnp.zeros((D_H,), jnp.float32), 'c2_Wr': glorot(ks[7], (D_H, D_H)),
        'clf_W': glorot(ks[8], (N_CLS, D_H)), 'clf_b': jnp.zeros((N_CLS,), jnp.float32),
        'bn1_g': jnp.ones((D_H,), jnp.float32), 'bn1_b': jnp.zeros((D_H,), jnp.float32),
        'ls1_W': glorot(ks[9], (64, D_H)),
        'bn2_g': jnp.ones((64,), jnp.float32), 'bn2_b': jnp.zeros((64,), jnp.float32),
        'ls2_W': glorot(ks[10], (128, 64)),
        'ba1_W': glorot(ks[11], (64, 128)), 'ba1_b': jnp.zeros((64,), jnp.float32),
        'ba2_W': glorot(ks[12], (128, 64)), 'ba2_b': jnp.zeros((128,), jnp.float32),
    }
    return {'x': x, 'edge_index': edge_index, 'idx1': idx1, 'idx2': idx2, 'params': params}


def _forward(x, edge_index, idx1, idx2, p):
    src, dst = edge_index[0], edge_index[1]

    def sage(h, Wl, bl, Wr):
        # PyG SAGEConv, aggr='mean', root_weight=True
        agg = jax.ops.segment_sum(h[src], dst, num_segments=N)
        deg = jax.ops.segment_sum(jnp.ones((E,), jnp.float32), dst, num_segments=N)
        agg = agg / jnp.clip(deg, 1.0)[:, None]
        return agg @ Wl.T + bl + h @ Wr.T

    # GraphEncoder layer 0
    h = sage(x, p['c1_Wl'], p['c1_bl'], p['c1_Wr'])
    # PairNorm mode='PN-SCS', scale=1
    col_mean = h.mean(axis=0)
    rn = jnp.sqrt(1e-06 + (h * h).sum(axis=1, keepdims=True))
    h = 1.0 * h / rn - col_mean
    h = jax.nn.relu(h)
    # dropout p=0.5 in eval mode -> identity
    # GraphEncoder layer 1 (last)
    h = sage(h, p['c2_Wl'], p['c2_bl'], p['c2_Wr'])

    # Similar.forward (eval mode: dropout identity, BatchNorm uses running stats mean=0, var=1)
    logits = jax.nn.relu(h) @ p['clf_W'].T + p['clf_b']
    log_probs_clf = jax.nn.log_softmax(logits, axis=-1)

    eps_bn = 1e-05
    z = h / jnp.sqrt(1.0 + eps_bn) * p['bn1_g'] + p['bn1_b']
    z = z @ p['ls1_W'].T
    z = z / jnp.sqrt(1.0 + eps_bn) * p['bn2_g'] + p['bn2_b']
    z = jnp.tanh(z)
    z = z @ p['ls2_W'].T

    def biasatt(u):
        return jnp.tanh(u @ p['ba1_W'].T + p['ba1_b']) @ p['ba2_W'].T + p['ba2_b']

    a = z[idx1] + biasatt(z[idx1])
    b = z[idx2] + biasatt(z[idx2])
    na = jnp.maximum(jnp.linalg.norm(a, axis=1), 1e-08)
    nb = jnp.maximum(jnp.linalg.norm(b, axis=1), 1e-08)
    alpha = jax.nn.sigmoid((a * b).sum(axis=1) / (na * nb))
    return (alpha[:, None], log_probs_clf)


def reference(x, edge_index, idx1, idx2, params):
    return _forward(x, edge_index, idx1, idx2, params)

if __name__ == "__main__":
    import jax
    _d = setup_inputs()
    print(jax.jit(kernel)(*tuple(_d.values())))

</pallas_src>

<mosaic_0001>
#map = affine_map<(d0, d1) -> (0, 0, 0)>
#map1 = affine_map<(d0, d1) -> (0, 0, 0, 0)>
module attributes {stable_mosaic.version = 14 : i64} {
  func.func @sage_agg_deg0(%arg0: i32, %arg1: i32, %arg2: memref<2x10000x128xf32, #tpu.memory_space<hbm>>, %arg3: memref<16x5x25x80xi32, #tpu.memory_space<hbm>>, %arg4: memref<16x5x25x80xi32, #tpu.memory_space<hbm>>, %arg5: memref<2x10000x128xf32, #tpu.memory_space<hbm>>, %arg6: memref<25x80xi32, #tpu.memory_space<vmem>>, %arg7: memref<25x80xi32, #tpu.memory_space<vmem>>, %arg8: memref<4x80x128xf32, #tpu.memory_space<vmem>>, %arg9: memref<80xf32, #tpu.memory_space<vmem>>, %arg10: memref<10000x128xf32, #tpu.memory_space<vmem_shared>>, %arg11: memref<10000xf32, #tpu.memory_space<vmem_shared>>, %arg12: memref<!tpu.dma_semaphore, #tpu.memory_space<semaphore_mem>>, %arg13: memref<!tpu.dma_semaphore, #tpu.memory_space<semaphore_mem>>, %arg14: memref<!tpu.dma_semaphore, #tpu.memory_space<semaphore_mem>>, %arg15: memref<!tpu.dma_semaphore, #tpu.memory_space<semaphore_mem>>) attributes {dimension_semantics = [#tpu.dimension_semantics<core_parallel>, #tpu.dimension_semantics<subcore_parallel>], iteration_bounds = array<i64: 2, 16>, scalar_prefetch = 0 : i64, scratch_operands = 10 : i64, tpu.core_type = #tpu.core_type<sc_vector_subcore>, window_params = [{transform_indices = #map}, {transform_indices = #map1}, {transform_indices = #map1}, {transform_indices = #map}]} {
    %scan3A = arith.constant 0 : i32
    %scan3A_0 = arith.constant 80 : i32
    %scan3A_1 = arith.addi %scan3A, %scan3A_0 : i32
    %scan3A_2 = arith.constant 1 : i32
    scf.for %scan3A_30 = %scan3A to %scan3A_1 step %scan3A_2  : i32 {
      %broadcast_in_dim3A = arith.constant 0.000000e+00 : f32
      %broadcast_in_dim3A_31 = vector.broadcast %broadcast_in_dim3A : f32 to vector<16xf32>
      %swap3A = arith.constant 0 : i32
      %swap3A_32 = arith.index_cast %swap3A : i32 to index
      %swap3A_33 = arith.index_cast %scan3A_30 : i32 to index
      %swap3A_34 = arith.constant 0 : index
      %swap3A_35 = tpu.vector_load %arg8[%swap3A_32, %swap3A_33, %swap3A_34] {strides = array<i32>} : memref<4x80x128xf32, #tpu.memory_space<vmem>>, vector<1x1x16xf32>,
      %swap3A_36 = vector.shape_cast %swap3A_35 : vector<1x1x16xf32> to vector<16xf32>
      %swap3A_37 = vector.shape_cast %broadcast_in_dim3A_31 : vector<16xf32> to vector<1x1x16xf32>
      tpu.vector_store %arg8[%swap3A_32, %swap3A_33, %swap3A_34], %swap3A_37 {strides = array<i32>} : memref<4x80x128xf32, #tpu.memory_space<vmem>>, vector<1x1x16xf32>,
      %broadcast_in_dim3A_38 = arith.constant 0.000000e+00 : f32
      %broadcast_in_dim3A_39 = vector.broadcast %broadcast_in_dim3A_38 : f32 to vector<16xf32>
      %swap3A_40 = arith.constant 0 : i32
      %swap3A_41 = arith.index_cast %swap3A_40 : i32 to index
      %swap3A_42 = arith.index_cast %scan3A_30 : i32 to index
      %swap3A_43 = arith.constant 16 : index
      %swap3A_44 = tpu.vector_load %arg8[%swap3A_41, %swap3A_42, %swap3A_43] {strides = array<i32>} : memref<4x80x128xf32, #tpu.memory_space<vmem>>, vector<1x1x16xf32>,
      %swap3A_45 = vector.shape_cast %swap3A_44 : vector<1x1x16xf32> to vector<16xf32>
      %swap3A_46 = vector.shape_cast %broadcast_in_dim3A_39 : vector<16xf32> to vector<1x1x16xf32>
      tpu.vector_store %arg8[%swap3A_41, %swap3A_42, %swap3A_43], %swap3A_46 {strides = array<i32>} : memref<4x80x128xf32, #tpu.memory_space<vmem>>, vector<1x1x16xf32>,
      %broadcast_in_dim3A_47 = arith.constant 0.000000e+00 : f32
      %broadcast_in_dim3A_48 = vector.broadcast %broadcast_in_dim3A_47 : f32 to vector<16xf32>
      %swap3A_49 = arith.constant 0 : i32
      %swap3A_50 = arith.index_cast %swap3A_49 : i32 to index
      %swap3A_51 = arith.index_cast %scan3A_30 : i32 to index
      %swap3A_52 = arith.constant 32 : index
      %swap3A_53 = tpu.vector_load %arg8[%swap3A_50, %swap3A_51, %swap3A_52] {strides = array<i32>} : memref<4x80x128xf32, #tpu.memory_space<vmem>>, vector<1x1x16xf32>,
      %swap3A_54 = vector.shape_cast %swap3A_53 : vector<1x1x16xf32> to vector<16xf32>
      %swap3A_55 = vector.shape_cast %broadcast_in_dim3A_48 : vector<16xf32> to vector<1x1x16xf32>
      tpu.vector_store %arg8[%swap3A_50, %swap3A_51, %swap3A_52], %swap3A_55 {strides = array<i32>} : memref<4x80x128xf32, #tpu.memory_space<vmem>>, vector<1x1x16xf32>,
      %broadcast_in_dim3A_56 = arith.constant 0.000000e+00 : f32
      %broadcast_in_dim3A_57 = vector.broadcast %broadcast_in_dim3A_56 : f32 to vector<16xf32>
      %swap3A_58 = arith.constant 0 : i32
      %swap3A_59 = arith.index_cast %swap3A_58 : i32 to index
      %swap3A_60 = arith.index_cast %scan3A_30 : i32 to index
      %swap3A_61 = arith.constant 48 : index
      %swap3A_62 = tpu.vector_load %arg8[%swap3A_59, %swap3A_60, %swap3A_61] {strides = array<i32>} : memref<4x80x128xf32, #tpu.memory_space<vmem>>, vector<1x1x16xf32>,
      %swap3A_63 = vector.shape_cast %swap3A_62 : vector<1x1x16xf32> to vector<16xf32>
      %swap3A_64 = vector.shape_cast %broadcast_in_dim3A_57 : vector<16xf32> to vector<1x1x16xf32>
      tpu.vector_store %arg8[%swap3A_59, %swap3A_60, %swap3A_61], %swap3A_64 {strides = array<i32>} : memref<4x80x128xf32, #tpu.memory_space<vmem>>, vector<1x1x16xf32>,
      %broadcast_in_dim3A_65 = arith.constant 0.000000e+00 : f32
      %broadcast_in_dim3A_66 = vector.broadcast %broadcast_in_dim3A_65 : f32 to vector<16xf32>
      %swap3A_67 = arith.constant 0 : i32
      %swap3A_68 = arith.index_cast %swap3A_67 : i32 to index
      %swap3A_69 = arith.index_cast %scan3A_30 : i32 to index
      %swap3A_70 = arith.constant 64 : index
      %swap3A_71 = tpu.vector_load %arg8[%swap3A_68, %swap3A_69, %swap3A_70] {strides = array<i32>} : memref<4x80x128xf32, #tpu.memory_space<vmem>>, vector<1x1x16xf32>,
      %swap3A_72 = vector.shape_cast %swap3A_71 : vector<1x1x16xf32> to vector<16xf32>
      %swap3A_73 = vector.shape_cast %broadcast_in_dim3A_66 : vector<16xf32> to vector<1x1x16xf32>
      tpu.vector_store %arg8[%swap3A_68, %swap3A_69, %swap3A_70], %swap3A_73 {strides = array<i32>} : memref<4x80x128xf32, #tpu.memory_space<vmem>>, vector<1x1x16xf32>,
      %broadcast_in_dim3A_74 = arith.constant 0.000000e+00 : f32
      %broadcast_in_dim3A_75 = vector.broadcast %broadcast_in_dim3A_74 : f32 to vector<16xf32>
      %swap3A_76 = arith.constant 0 : i32
      %swap3A_77 = arith.index_cast %swap3A_76 : i32 to index
      %swap3A_78 = arith.index_cast %scan3A_30 : i32 to index
      %swap3A_79 = arith.constant 80 : index
      %swap3A_80 = tpu.vector_load %arg8[%swap3A_77, %swap3A_78, %swap3A_79] {strides = array<i32>} : memref<4x80x128xf32, #tpu.memory_space<vmem>>, vector<1x1x16xf32>,
      %swap3A_81 = vector.shape_cast %swap3A_80 : vector<1x1x16xf32> to vector<16xf32>
      %swap3A_82 = vector.shape_cast %broadcast_in_dim3A_75 : vector<16xf32> to vector<1x1x16xf32>
      tpu.vector_store %arg8[%swap3A_77, %swap3A_78, %swap3A_79], %swap3A_82 {strides = array<i32>} : memref<4x80x128xf32, #tpu.memory_space<vmem>>, vector<1x1x16xf32>,
      %broadcast_in_dim3A_83 = arith.constant 0.000000e+00 : f32
      %broadcast_in_dim3A_84 = vector.broadcast %broadcast_in_dim3A_83 : f32 to vector<16xf32>
      %swap3A_85 = arith.constant 0 : i32
      %swap3A_86 = arith.index_cast %swap3A_85 : i32 to index
      %swap3A_87 = arith.index_cast %scan3A_30 : i32 to index
      %swap3A_88 = arith.constant 96 : index
      %swap3A_89 = tpu.vector_load %arg8[%swap3A_86, %swap3A_87, %swap3A_88] {strides = array<i32>} : memref<4x80x128xf32, #tpu.memory_space<vmem>>, vector<1x1x16xf32>,
      %swap3A_90 = vector.shape_cast %swap3A_89 : vector<1x1x16xf32> to vector<16xf32>
      %swap3A_91 = vector.shape_cast %broadcast_in_dim3A_84 : vector<16xf32> to vector<1x1x16xf32>
      tpu.vector_store %arg8[%swap3A_86, %swap3A_87, %swap3A_88], %swap3A_91 {strides = array<i32>} : memref<4x80x128xf32, #tpu.memory_space<vmem>>, vector<1x1x16xf32>,
      %broadcast_in_dim3A_92 = arith.constant 0.000000e+00 : f32
      %broadcast_in_dim3A_93 = vector.broadcast %broadcast_in_dim3A_92 : f32 to vector<16xf32>
      %swap3A_94 = arith.constant 0 : i32
      %swap3A_95 = arith.index_cast %swap3A_94 : i32 to index
      %swap3A_96 = arith.index_cast %scan3A_30 : i32 to index
      %swap3A_97 = arith.constant 112 : index
      %swap3A_98 = tpu.vector_load %arg8[%swap3A_95, %swap3A_96, %swap3A_97] {strides = array<i32>} : memref<4x80x128xf32, #tpu.memory_space<vmem>>, vector<1x1x16xf32>,
      %swap3A_99 = vector.shape_cast %swap3A_98 : vector<1x1x16xf32> to vector<16xf32>
      %swap3A_100 = vector.shape_cast %broadcast_in_dim3A_93 : vector<16xf32> to vector<1x1x16xf32>
      tpu.vector_store %arg8[%swap3A_95, %swap3A_96, %swap3A_97], %swap3A_100 {strides = array<i32>} : memref<4x80x128xf32, #tpu.memory_space<vmem>>, vector<1x1x16xf32>,
    }
    %scan3A_3 = arith.constant 80 : i32
    %mul3A = arith.constant 8 : i32
    %mul3A_4 = arith.muli %arg1, %mul3A : i32
    %add3A = arith.constant 1 : i32
    %add3A_5 = arith.addi %arg1, %add3A : i32
    %mul3A_6 = arith.constant 8 : i32
    %mul3A_7 = arith.muli %add3A_5, %mul3A_6 : i32
    %min3A = arith.constant 125 : i32
    %min3A_8 = arith.minsi %mul3A_7, %min3A : i32
    %while3A = arith.subi %min3A_8, %mul3A_4 : i32
    %while3A_9 = arith.addi %mul3A_4, %while3A : i32
    %while3A_10 = arith.constant 1 : i32
    %while3A_11 = arith.divsi %while3A, %while3A_10 : i32
    %while3A_12 = arith.muli %while3A_11, %while3A_10 : i32
    %while3A_13 = arith.addi %mul3A_4, %while3A_12 : i32
    %while3A_14 = arith.constant 1 : i32
    scf.for %while3A_30 = %mul3A_4 to %while3A_13 step %while3A_14  : i32 {
      %mul3A_31 = arith.constant 80 : i32
      %mul3A_32 = arith.muli %while3A_30, %mul3A_31 : i32
      %run_scoped3A = arith.constant 0 : i32
      "tpu.region"() ({
        %run_scoped3A_33 = tpu.sem_alloc : memref<!tpu.dma_semaphore, #tpu.memory_space<semaphore_mem>>
        %dma_start3A = arith.constant 0 : i32
        %dma_start3A_34 = arith.constant 0 : i32
        %dma_start3A_35 = tpu.memref_slice %arg8[%run_scoped3A, %dma_start3A, %dma_start3A_34] : memref<4x80x128xf32, #tpu.memory_space<vmem>> -> memref<1x80x128xf32, #tpu.memory_space<vmem>>
        %dma_start3A_36 = tpu.memref_squeeze %dma_start3A_35 : memref<1x80x128xf32, #tpu.memory_space<vmem>> -> memref<80x128xf32, #tpu.memory_space<vmem>>
        %dma_start3A_37 = arith.constant 0 : i32
        %dma_start3A_38 = tpu.memref_slice %arg10[%mul3A_32, %dma_start3A_37] : memref<10000x128xf32, #tpu.memory_space<vmem_shared>> -> memref<80x128xf32, #tpu.memory_space<vmem_shared>>
        %dma_start3A_39 = arith.constant 0 : i32
        %dma_start3A_40 = tpu.memref_slice %arg10[%mul3A_32, %dma_start3A_39] : memref<10000x128xf32, #tpu.memory_space<vmem_shared>> -> memref<80x128xf32, #tpu.memory_space<vmem_shared>>
        %dma_start3A_41 = arith.constant 0 : i32
        %dma_start3A_42 = arith.constant 0 : i32
        %dma_start3A_43 = tpu.memref_slice %arg8[%run_scoped3A, %dma_start3A_41, %dma_start3A_42] : memref<4x80x128xf32, #tpu.memory_space<vmem>> -> memref<1x80x128xf32, #tpu.memory_space<vmem>>
        %dma_start3A_44 = tpu.memref_squeeze %dma_start3A_43 : memref<1x80x128xf32, #tpu.memory_space<vmem>> -> memref<80x128xf32, #tpu.memory_space<vmem>>
        tpu.enqueue_dma source(%dma_start3A_44 : memref<80x128xf32, #tpu.memory_space<vmem>>) target(%dma_start3A_40 : memref<80x128xf32, #tpu.memory_space<vmem_shared>>) target_semaphore(%run_scoped3A_33 : memref<!tpu.dma_semaphore, #tpu.memory_space<semaphore_mem>>)
        %dma_wait3A = arith.constant 0 : i32
        %dma_wait3A_45 = arith.constant 0 : i32
        %dma_wait3A_46 = tpu.memref_slice %arg8[%run_scoped3A, %dma_wait3A, %dma_wait3A_45] : memref<4x80x128xf32, #tpu.memory_space<vmem>> -> memref<1x80x128xf32, #tpu.memory_space<vmem>>
        %dma_wait3A_47 = tpu.memref_squeeze %dma_wait3A_46 : memref<1x80x128xf32, #tpu.memory_space<vmem>> -> memref<80x128xf32, #tpu.memory_space<vmem>>
        %dma_wait3A_48 = arith.constant 0 : i32
        %dma_wait3A_49 = tpu.memref_slice %arg10[%mul3A_32, %dma_wait3A_48] : memref<10000x128xf32, #tpu.memory_space<vmem_shared>> -> memref<80x128xf32, #tpu.memory_space<vmem_shared>>
        %dma_wait3A_50 = arith.constant 0 : i32
        %dma_wait3A_51 = tpu.memref_slice %arg10[%mul3A_32, %dma_wait3A_50] : memref<10000x128xf32, #tpu.memory_space<vmem_shared>> -> memref<80x128xf32, #tpu.memory_space<vmem_shared>>
        %dma_wait3A_52 = arith.constant 0 : i32
        %dma_wait3A_53 = arith.constant 0 : i32
        %dma_wait3A_54 = tpu.memref_slice %arg8[%run_scoped3A, %dma_wait3A_52, %dma_wait3A_53] : memref<4x80x128xf32, #tpu.memory_space<vmem>> -> memref<1x80x128xf32, #tpu.memory_space<vmem>>
        %dma_wait3A_55 = tpu.memref_squeeze %dma_wait3A_54 : memref<1x80x128xf32, #tpu.memory_space<vmem>> -> memref<80x128xf32, #tpu.memory_space<vmem>>
        tpu.wait_dma2 semaphore(%run_scoped3A_33 : memref<!tpu.dma_semaphore, #tpu.memory_space<semaphore_mem>>) src(%dma_wait3A_55 : memref<80x128xf32, #tpu.memory_space<vmem>>) dst(%dma_wait3A_51 : memref<80x128xf32, #tpu.memory_space<vmem_shared>>)
        tpu.yield
      }) : () -> ()
    }
    %while3A_15 = arith.constant 1 : i32
    scf.for %while3A_30 = %while3A_13 to %while3A_9 step %while3A_15  : i32 {
      %mul3A_31 = arith.constant 80 : i32
      %mul3A_32 = arith.muli %while3A_30, %mul3A_31 : i32
      %run_scoped3A = arith.constant 0 : i32
      "tpu.region"() ({
        %run_scoped3A_33 = tpu.sem_alloc : memref<!tpu.dma_semaphore, #tpu.memory_space<semaphore_mem>>
        %dma_start3A = arith.constant 0 : i32
        %dma_start3A_34 = arith.constant 0 : i32
        %dma_start3A_35 = tpu.memref_slice %arg8[%run_scoped3A, %dma_start3A, %dma_start3A_34] : memref<4x80x128xf32, #tpu.memory_space<vmem>> -> memref<1x80x128xf32, #tpu.memory_space<vmem>>
        %dma_start3A_36 = tpu.memref_squeeze %dma_start3A_35 : memref<1x80x128xf32, #tpu.memory_space<vmem>> -> memref<80x128xf32, #tpu.memory_space<vmem>>
        %dma_start3A_37 = arith.constant 0 : i32
        %dma_start3A_38 = tpu.memref_slice %arg10[%mul3A_32, %dma_start3A_37] : memref<10000x128xf32, #tpu.memory_space<vmem_shared>> -> memref<80x128xf32, #tpu.memory_space<vmem_shared>>
        %dma_start3A_39 = arith.constant 0 : i32
        %dma_start3A_40 = tpu.memref_slice %arg10[%mul3A_32, %dma_start3A_39] : memref<10000x128xf32, #tpu.memory_space<vmem_shared>> -> memref<80x128xf32, #tpu.memory_space<vmem_shared>>
        %dma_start3A_41 = arith.constant 0 : i32
        %dma_start3A_42 = arith.constant 0 : i32
        %dma_start3A_43 = tpu.memref_slice %arg8[%run_scoped3A, %dma_start3A_41, %dma_start3A_42] : memref<4x80x128xf32, #tpu.memory_space<vmem>> -> memref<1x80x128xf32, #tpu.memory_space<vmem>>
        %dma_start3A_44 = tpu.memref_squeeze %dma_start3A_43 : memref<1x80x128xf32, #tpu.memory_space<vmem>> -> memref<80x128xf32, #tpu.memory_space<vmem>>
        tpu.enqueue_dma source(%dma_start3A_44 : memref<80x128xf32, #tpu.memory_space<vmem>>) target(%dma_start3A_40 : memref<80x128xf32, #tpu.memory_space<vmem_shared>>) target_semaphore(%run_scoped3A_33 : memref<!tpu.dma_semaphore, #tpu.memory_space<semaphore_mem>>)
        %dma_wait3A = arith.constant 0 : i32
        %dma_wait3A_45 = arith.constant 0 : i32
        %dma_wait3A_46 = tpu.memref_slice %arg8[%run_scoped3A, %dma_wait3A, %dma_wait3A_45] : memref<4x80x128xf32, #tpu.memory_space<vmem>> -> memref<1x80x128xf32, #tpu.memory_space<vmem>>
        %dma_wait3A_47 = tpu.memref_squeeze %dma_wait3A_46 : memref<1x80x128xf32, #tpu.memory_space<vmem>> -> memref<80x128xf32, #tpu.memory_space<vmem>>
        %dma_wait3A_48 = arith.constant 0 : i32
        %dma_wait3A_49 = tpu.memref_slice %arg10[%mul3A_32, %dma_wait3A_48] : memref<10000x128xf32, #tpu.memory_space<vmem_shared>> -> memref<80x128xf32, #tpu.memory_space<vmem_shared>>
        %dma_wait3A_50 = arith.constant 0 : i32
        %dma_wait3A_51 = tpu.memref_slice %arg10[%mul3A_32, %dma_wait3A_50] : memref<10000x128xf32, #tpu.memory_space<vmem_shared>> -> memref<80x128xf32, #tpu.memory_space<vmem_shared>>
        %dma_wait3A_52 = arith.constant 0 : i32
        %dma_wait3A_53 = arith.constant 0 : i32
        %dma_wait3A_54 = tpu.memref_slice %arg8[%run_scoped3A, %dma_wait3A_52, %dma_wait3A_53] : memref<4x80x128xf32, #tpu.memory_space<vmem>> -> memref<1x80x128xf32, #tpu.memory_space<vmem>>
        %dma_wait3A_55 = tpu.memref_squeeze %dma_wait3A_54 : memref<1x80x128xf32, #tpu.memory_space<vmem>> -> memref<80x128xf32, #tpu.memory_space<vmem>>
        tpu.wait_dma2 semaphore(%run_scoped3A_33 : memref<!tpu.dma_semaphore, #tpu.memory_space<semaphore_mem>>) src(%dma_wait3A_55 : memref<80x128xf32, #tpu.memory_space<vmem>>) dst(%dma_wait3A_51 : memref<80x128xf32, #tpu.memory_space<vmem_shared>>)
        tpu.yield
      }) : () -> ()
    }
    %barrier3A = arith.constant 0 : index
    tpu.barrier barrier_id(%barrier3A)
    %scan3A_16 = arith.constant 0 : i32
    %scan3A_17 = arith.constant 5 : i32
    %scan3A_18 = arith.addi %scan3A_16, %scan3A_17 : i32
    %scan3A_19 = arith.constant 1 : i32
    scf.for %scan3A_30 = %scan3A_16 to %scan3A_18 step %scan3A_19  : i32 {
      "tpu.region"() ({
        %run_scoped3A_203 = tpu.sem_alloc : memref<!tpu.dma_semaphore, #tpu.memory_space<semaphore_mem>>
        %dma_start3A_204 = arith.constant 0 : i32
        %dma_start3A_205 = arith.constant 0 : i32
        %dma_start3A_206 = tpu.memref_slice %arg3[%arg1, %scan3A_30, %dma_start3A_204, %dma_start3A_205] : memref<16x5x25x80xi32, #tpu.memory_space<hbm>> -> memref<1x1x25x80xi32, #tpu.memory_space<hbm>>
        %dma_start3A_207 = tpu.memref_squeeze %dma_start3A_206 : memref<1x1x25x80xi32, #tpu.memory_space<hbm>> -> memref<25x80xi32, #tpu.memory_space<hbm>>
        %dma_start3A_208 = arith.constant 0 : i32
        %dma_start3A_209 = arith.constant 0 : i32
        %dma_start3A_210 = tpu.memref_slice %arg3[%arg1, %scan3A_30, %dma_start3A_208, %dma_start3A_209] : memref<16x5x25x80xi32, #tpu.memory_space<hbm>> -> memref<1x1x25x80xi32, #tpu.memory_space<hbm>>
        %dma_start3A_211 = tpu.memref_squeeze %dma_start3A_210 : memref<1x1x25x80xi32, #tpu.memory_space<hbm>> -> memref<25x80xi32, #tpu.memory_space<hbm>>
        tpu.enqueue_dma source(%dma_start3A_211 : memref<25x80xi32, #tpu.memory_space<hbm>>) target(%arg6 : memref<25x80xi32, #tpu.memory_space<vmem>>) target_semaphore(%run_scoped3A_203 : memref<!tpu.dma_semaphore, #tpu.memory_space<semaphore_mem>>)
        %dma_wait3A_212 = arith.constant 0 : i32
        %dma_wait3A_213 = arith.constant 0 : i32
        %dma_wait3A_214 = tpu.memref_slice %arg3[%arg1, %scan3A_30, %dma_wait3A_212, %dma_wait3A_213] : memref<16x5x25x80xi32, #tpu.memory_space<hbm>> -> memref<1x1x25x80xi32, #tpu.memory_space<hbm>>
        %dma_wait3A_215 = tpu.memref_squeeze %dma_wait3A_214 : memref<1x1x25x80xi32, #tpu.memory_space<hbm>> -> memref<25x80xi32, #tpu.memory_space<hbm>>
        %dma_wait3A_216 = arith.constant 0 : i32
        %dma_wait3A_217 = arith.constant 0 : i32
        %dma_wait3A_218 = tpu.memref_slice %arg3[%arg1, %scan3A_30, %dma_wait3A_216, %dma_wait3A_217] : memref<16x5x25x80xi32, #tpu.memory_space<hbm>> -> memref<1x1x25x80xi32, #tpu.memory_space<hbm>>
        %dma_wait3A_219 = tpu.memref_squeeze %dma_wait3A_218 : memref<1x1x25x80xi32, #tpu.memory_space<hbm>> -> memref<25x80xi32, #tpu.memory_space<hbm>>
        tpu.wait_dma2 semaphore(%run_scoped3A_203 : memref<!tpu.dma_semaphore, #tpu.memory_space<semaphore_mem>>) src(%dma_wait3A_219 : memref<25x80xi32, #tpu.memory_space<hbm>>) dst(%arg6 : memref<25x80xi32, #tpu.memory_space<vmem>>)
        tpu.yield
      }) : () -> ()
      "tpu.region"() ({
        %run_scoped3A_203 = tpu.sem_alloc : memref<!tpu.dma_semaphore, #tpu.memory_space<semaphore_mem>>
        %dma_start3A_204 = arith.constant 0 : i32
        %dma_start3A_205 = arith.constant 0 : i32
        %dma_start3A_206 = tpu.memref_slice %arg4[%arg1, %scan3A_30, %dma_start3A_204, %dma_start3A_205] : memref<16x5x25x80xi32, #tpu.memory_space<hbm>> -> memref<1x1x25x80xi32, #tpu.memory_space<hbm>>
        %dma_start3A_207 = tpu.memref_squeeze %dma_start3A_206 : memref<1x1x25x80xi32, #tpu.memory_space<hbm>> -> memref<25x80xi32, #tpu.memory_space<hbm>>
        %dma_start3A_208 = arith.constant 0 : i32
        %dma_start3A_209 = arith.constant 0 : i32
        %dma_start3A_210 = tpu.memref_slice %arg4[%arg1, %scan3A_30, %dma_start3A_208, %dma_start3A_209] : memref<16x5x25x80xi32, #tpu.memory_space<hbm>> -> memref<1x1x25x80xi32, #tpu.memory_space<hbm>>
        %dma_start3A_211 = tpu.memref_squeeze %dma_start3A_210 : memref<1x1x25x80xi32, #tpu.memory_space<hbm>> -> memref<25x80xi32, #tpu.memory_space<hbm>>
        tpu.enqueue_dma source(%dma_start3A_211 : memref<25x80xi32, #tpu.memory_space<hbm>>) target(%arg7 : memref<25x80xi32, #tpu.memory_space<vmem>>) target_semaphore(%run_scoped3A_203 : memref<!tpu.dma_semaphore, #tpu.memory_space<semaphore_mem>>)
        %dma_wait3A_212 = arith.constant 0 : i32
        %dma_wait3A_213 = arith.constant 0 : i32
        %dma_wait3A_214 = tpu.memref_slice %arg4[%arg1, %scan3A_30, %dma_wait3A_212, %dma_wait3A_213] : memref<16x5x25x80xi32, #tpu.memory_space<hbm>> -> memref<1x1x25x80xi32, #tpu.memory_space<hbm>>
        %dma_wait3A_215 = tpu.memref_squeeze %dma_wait3A_214 : memref<1x1x25x80xi32, #tpu.memory_space<hbm>> -> memref<25x80xi32, #tpu.memory_space<hbm>>
        %dma_wait3A_216 = arith.constant 0 : i32
        %dma_wait3A_217 = arith.constant 0 : i32
        %dma_wait3A_218 = tpu.memref_slice %arg4[%arg1, %scan3A_30, %dma_wait3A_216, %dma_wait3A_217] : memref<16x5x25x80xi32, #tpu.memory_space<hbm>> -> memref<1x1x25x80xi32, #tpu.memory_space<hbm>>
        %dma_wait3A_219 = tpu.memref_squeeze %dma_wait3A_218 : memref<1x1x25x80xi32, #tpu.memory_space<hbm>> -> memref<25x80xi32, #tpu.memory_space<hbm>>
        tpu.wait_dma2 semaphore(%run_scoped3A_203 : memref<!tpu.dma_semaphore, #tpu.memory_space<semaphore_mem>>) src(%dma_wait3A_219 : memref<25x80xi32, #tpu.memory_space<hbm>>) dst(%arg7 : memref<25x80xi32, #tpu.memory_space<vmem>>)
        tpu.yield
      }) : () -> ()
      %dma_start3A = arith.constant 0 : i32
      %dma_start3A_31 = arith.constant 0 : i32
      %dma_start3A_32 = arith.constant 0 : i32
      %dma_start3A_33 = arith.constant 0 : i32
      %dma_start3A_34 = tpu.memref_slice %arg8[%dma_start3A_31, %dma_start3A_32, %dma_start3A_33] : memref<4x80x128xf32, #tpu.memory_space<vmem>> -> memref<1x80x128xf32, #tpu.memory_space<vmem>>
      %dma_start3A_35 = tpu.memref_squeeze %dma_start3A_34 : memref<1x80x128xf32, #tpu.memory_space<vmem>> -> memref<80x128xf32, #tpu.memory_space<vmem>>
      %dma_start3A_36 = arith.constant 0 : i32
      %dma_start3A_37 = tpu.memref_slice %arg6[%dma_start3A, %dma_start3A_36] : memref<25x80xi32, #tpu.memory_space<vmem>> -> memref<1x80xi32, #tpu.memory_space<vmem>>
      %dma_start3A_38 = tpu.memref_squeeze %dma_start3A_37 : memref<1x80xi32, #tpu.memory_space<vmem>> -> memref<80xi32, #tpu.memory_space<vmem>>
      %dma_start3A_39 = arith.constant 0 : i32
      %dma_start3A_40 = arith.constant 0 : i32
      %dma_start3A_41 = tpu.memref_slice %arg2[%arg0, %dma_start3A_39, %dma_start3A_40] : memref<2x10000x128xf32, #tpu.memory_space<hbm>> -> memref<1x10000x128xf32, #tpu.memory_space<hbm>>
      %dma_start3A_42 = tpu.memref_squeeze %dma_start3A_41 : memref<1x10000x128xf32, #tpu.memory_space<hbm>> -> memref<10000x128xf32, #tpu.memory_space<hbm>>
      %dma_start3A_43 = arith.constant 0 : i32
      %dma_start3A_44 = arith.constant 0 : i32
      %dma_start3A_45 = tpu.memref_slice %dma_start3A_42[%dma_start3A_43, %dma_start3A_44] : memref<10000x128xf32, #tpu.memory_space<hbm>> -> memref<10000x128xf32, #tpu.memory_space<hbm>>
      tpu.enqueue_indirect_dma source(%dma_start3A_45 : memref<10000x128xf32, #tpu.memory_space<hbm>>) target(%dma_start3A_35 : memref<80x128xf32, #tpu.memory_space<vmem>>) offsets(%dma_start3A_38 : memref<80xi32, #tpu.memory_space<vmem>>) semaphore(%arg12 : memref<!tpu.dma_semaphore, #tpu.memory_space<semaphore_mem>>)
      %dma_start3A_46 = arith.constant 1 : i32
      %dma_start3A_47 = arith.constant 1 : i32
      %dma_start3A_48 = arith.constant 0 : i32
      %dma_start3A_49 = arith.constant 0 : i32
      %dma_start3A_50 = tpu.memref_slice %arg8[%dma_start3A_47, %dma_start3A_48, %dma_start3A_49] : memref<4x80x128xf32, #tpu.memory_space<vmem>> -> memref<1x80x128xf32, #tpu.memory_space<vmem>>
      %dma_start3A_51 = tpu.memref_squeeze %dma_start3A_50 : memref<1x80x128xf32, #tpu.memory_space<vmem>> -> memref<80x128xf32, #tpu.memory_space<vmem>>
      %dma_start3A_52 = arith.constant 0 : i32
      %dma_start3A_53 = tpu.memref_slice %arg6[%dma_start3A_46, %dma_start3A_52] : memref<25x80xi32, #tpu.memory_space<vmem>> -> memref<1x80xi32, #tpu.memory_space<vmem>>
      %dma_start3A_54 = tpu.memref_squeeze %dma_start3A_53 : memref<1x80xi32, #tpu.memory_space<vmem>> -> memref<80xi32, #tpu.memory_space<vmem>>
      %dma_start3A_55 = arith.constant 0 : i32
      %dma_start3A_56 = arith.constant 0 : i32
      %dma_start3A_57 = tpu.memref_slice %arg2[%arg0, %dma_start3A_55, %dma_start3A_56] : memref<2x10000x128xf32, #tpu.memory_space<hbm>> -> memref<1x10000x128xf32, #tpu.memory_space<hbm>>
      %dma_start3A_58 = tpu.memref_squeeze %dma_start3A_57 : memref<1x10000x128xf32, #tpu.memory_space<hbm>> -> memref<10000x128xf32, #tpu.memory_space<hbm>>
      %dma_start3A_59 = arith.constant 0 : i32
      %dma_start3A_60 = arith.constant 0 : i32
      %dma_start3A_61 = tpu.memref_slice %dma_start3A_58[%dma_start3A_59, %dma_start3A_60] : memref<10000x128xf32, #tpu.memory_space<hbm>> -> memref<10000x128xf32, #tpu.memory_space<hbm>>
      tpu.enqueue_indirect_dma source(%dma_start3A_61 : memref<10000x128xf32, #tpu.memory_space<hbm>>) target(%dma_start3A_51 : memref<80x128xf32, #tpu.memory_space<vmem>>) offsets(%dma_start3A_54 : memref<80xi32, #tpu.memory_space<vmem>>) semaphore(%arg13 : memref<!tpu.dma_semaphore, #tpu.memory_space<semaphore_mem>>)
      %dma_start3A_62 = arith.constant 2 : i32
      %dma_start3A_63 = arith.constant 2 : i32
      %dma_start3A_64 = arith.constant 0 : i32
      %dma_start3A_65 = arith.constant 0 : i32
      %dma_start3A_66 = tpu.memref_slice %arg8[%dma_start3A_63, %dma_start3A_64, %dma_start3A_65] : memref<4x80x128xf32, #tpu.memory_space<vmem>> -> memref<1x80x128xf32, #tpu.memory_space<vmem>>
      %dma_start3A_67 = tpu.memref_squeeze %dma_start3A_66 : memref<1x80x128xf32, #tpu.memory_space<vmem>> -> memref<80x128xf32, #tpu.memory_space<vmem>>
      %dma_start3A_68 = arith.constant 0 : i32
      %dma_start3A_69 = tpu.memref_slice %arg6[%dma_start3A_62, %dma_start3A_68] : memref<25x80xi32, #tpu.memory_space<vmem>> -> memref<1x80xi32, #tpu.memory_space<vmem>>
      %dma_start3A_70 = tpu.memref_squeeze %dma_start3A_69 : memref<1x80xi32, #tpu.memory_space<vmem>> -> memref<80xi32, #tpu.memory_space<vmem>>
      %dma_start3A_71 = arith.constant 0 : i32
      %dma_start3A_72 = arith.constant 0 : i32
      %dma_start3A_73 = tpu.memref_slice %arg2[%arg0, %dma_start3A_71, %dma_start3A_72] : memref<2x10000x128xf32, #tpu.memory_space<hbm>> -> memref<1x10000x128xf32, #tpu.memory_space<hbm>>
      %dma_start3A_74 = tpu.memref_squeeze %dma_start3A_73 : memref<1x10000x128xf32, #tpu.memory_space<hbm>> -> memref<10000x128xf32, #tpu.memory_space<hbm>>
      %dma_start3A_75 = arith.constant 0 : i32
      %dma_start3A_76 = arith.constant 0 : i32
      %dma_start3A_77 = tpu.memref_slice %dma_start3A_74[%dma_start3A_75, %dma_start3A_76] : memref<10000x128xf32, #tpu.memory_space<hbm>> -> memref<10000x128xf32, #tpu.memory_space<hbm>>
      tpu.enqueue_indirect_dma source(%dma_start3A_77 : memref<10000x128xf32, #tpu.memory_space<hbm>>) target(%dma_start3A_67 : memref<80x128xf32, #tpu.memory_space<vmem>>) offsets(%dma_start3A_70 : memref<80xi32, #tpu.memory_space<vmem>>) semaphore(%arg14 : memref<!tpu.dma_semaphore, #tpu.memory_space<semaphore_mem>>)
      %dma_start3A_78 = arith.constant 3 : i32
      %dma_start3A_79 = arith.constant 3 : i32
      %dma_start3A_80 = arith.constant 0 : i32
      %dma_start3A_81 = arith.constant 0 : i32
      %dma_start3A_82 = tpu.memref_slice %arg8[%dma_start3A_79, %dma_start3A_80, %dma_start3A_81] : memref<4x80x128xf32, #tpu.memory_space<vmem>> -> memref<1x80x128xf32, #tpu.memory_space<vmem>>
      %dma_start3A_83 = tpu.memref_squeeze %dma_start3A_82 : memref<1x80x128xf32, #tpu.memory_space<vmem>> -> memref<80x128xf32, #tpu.memory_space<vmem>>
      %dma_start3A_84 = arith.constant 0 : i32
      %dma_start3A_85 = tpu.memref_slice %arg6[%dma_start3A_78, %dma_start3A_84] : memref<25x80xi32, #tpu.memory_space<vmem>> -> memref<1x80xi32, #tpu.memory_space<vmem>>
      %dma_start3A_86 = tpu.memref_squeeze %dma_start3A_85 : memref<1x80xi32, #tpu.memory_space<vmem>> -> memref<80xi32, #tpu.memory_space<vmem>>
      %dma_start3A_87 = arith.constant 0 : i32
      %dma_start3A_88 = arith.constant 0 : i32
      %dma_start3A_89 = tpu.memref_slice %arg2[%arg0, %dma_start3A_87, %dma_start3A_88] : memref<2x10000x128xf32, #tpu.memory_space<hbm>> -> memref<1x10000x128xf32, #tpu.memory_space<hbm>>
      %dma_start3A_90 = tpu.memref_squeeze %dma_start3A_89 : memref<1x10000x128xf32, #tpu.memory_space<hbm>> -> memref<10000x128xf32, #tpu.memory_space<hbm>>
      %dma_start3A_91 = arith.constant 0 : i32
      %dma_start3A_92 = arith.constant 0 : i32
      %dma_start3A_93 = tpu.memref_slice %dma_start3A_90[%dma_start3A_91, %dma_start3A_92] : memref<10000x128xf32, #tpu.memory_space<hbm>> -> memref<10000x128xf32, #tpu.memory_space<hbm>>
      tpu.enqueue_indirect_dma source(%dma_start3A_93 : memref<10000x128xf32, #tpu.memory_space<hbm>>) target(%dma_start3A_83 : memref<80x128xf32, #tpu.memory_space<vmem>>) offsets(%dma_start3A_86 : memref<80xi32, #tpu.memory_space<vmem>>) semaphore(%arg15 : memref<!tpu.dma_semaphore, #tpu.memory_space<semaphore_mem>>)
      %scan3A_94 = arith.constant 0 : i32
      %scan3A_95 = arith.constant 5 : i32
      %scan3A_96 = arith.addi %scan3A_94, %scan3A_95 : i32
      %scan3A_97 = arith.constant 1 : i32
      scf.for %scan3A_203 = %scan3A_94 to %scan3A_96 step %scan3A_97  : i32 {
        %mul3A_204 = arith.constant 4 : i32
        %mul3A_205 = arith.muli %scan3A_203, %mul3A_204 : i32
        %add3A_206 = arith.constant 0 : i32
        %add3A_207 = arith.addi %add3A_206, %mul3A_205 : i32
        %add3A_208 = arith.constant 0 : i32
        %add3A_209 = arith.addi %add3A_207, %add3A_208 : i32
        %dma_wait3A_210 = arith.constant 0 : i32
        %dma_wait3A_211 = arith.constant 0 : i32
        %dma_wait3A_212 = arith.constant 0 : i32
        %dma_wait3A_213 = tpu.memref_slice %arg8[%dma_wait3A_210, %dma_wait3A_211, %dma_wait3A_212] : memref<4x80x128xf32, #tpu.memory_space<vmem>> -> memref<1x80x128xf32, #tpu.memory_space<vmem>>
        %dma_wait3A_214 = tpu.memref_squeeze %dma_wait3A_213 : memref<1x80x128xf32, #tpu.memory_space<vmem>> -> memref<80x128xf32, #tpu.memory_space<vmem>>
        %dma_wait3A_215 = arith.constant 0 : i32
        %dma_wait3A_216 = tpu.memref_slice %arg6[%add3A_209, %dma_wait3A_215] : memref<25x80xi32, #tpu.memory_space<vmem>> -> memref<1x80xi32, #tpu.memory_space<vmem>>
        %dma_wait3A_217 = tpu.memref_squeeze %dma_wait3A_216 : memref<1x80xi32, #tpu.memory_space<vmem>> -> memref<80xi32, #tpu.memory_space<vmem>>
        %dma_wait3A_218 = arith.constant 0 : i32
        %dma_wait3A_219 = arith.constant 0 : i32
        %dma_wait3A_220 = tpu.memref_slice %arg2[%arg0, %dma_wait3A_218, %dma_wait3A_219] : memref<2x10000x128xf32, #tpu.memory_space<hbm>> -> memref<1x10000x128xf32, #tpu.memory_space<hbm>>
        %dma_wait3A_221 = tpu.memref_squeeze %dma_wait3A_220 : memref<1x10000x128xf32, #tpu.memory_space<hbm>> -> memref<10000x128xf32, #tpu.memory_space<hbm>>
        %dma_wait3A_222 = arith.constant 0 : i32
        %dma_wait3A_223 = arith.constant 0 : i32
        %dma_wait3A_224 = tpu.memref_slice %dma_wait3A_221[%dma_wait3A_222, %dma_wait3A_223] : memref<10000x128xf32, #tpu.memory_space<hbm>> -> memref<10000x128xf32, #tpu.memory_space<hbm>>
        tpu.wait_indirect_dma semaphore(%arg12 : memref<!tpu.dma_semaphore, #tpu.memory_space<semaphore_mem>>) src(%dma_wait3A_224 : memref<10000x128xf32, #tpu.memory_space<hbm>>) dst(%dma_wait3A_214 : memref<80x128xf32, #tpu.memory_space<vmem>>)
        %run_scoped3A_225 = arith.constant 0 : i32
        "tpu.region"() ({
          %run_scoped3A_356 = tpu.sem_alloc : memref<!tpu.dma_semaphore, #tpu.memory_space<semaphore_mem>>
          %dma_start3A_357 = arith.constant 0 : i32
          %dma_start3A_358 = arith.constant 0 : i32
          %dma_start3A_359 = tpu.memref_slice %arg8[%run_scoped3A_225, %dma_start3A_357, %dma_start3A_358] : memref<4x80x128xf32, #tpu.memory_space<vmem>> -> memref<1x80x128xf32, #tpu.memory_space<vmem>>
          %dma_start3A_360 = tpu.memref_squeeze %dma_start3A_359 : memref<1x80x128xf32, #tpu.memory_space<vmem>> -> memref<80x128xf32, #tpu.memory_space<vmem>>
          %dma_start3A_361 = arith.constant 0 : i32
          %dma_start3A_362 = tpu.memref_slice %arg7[%add3A_209, %dma_start3A_361] : memref<25x80xi32, #tpu.memory_space<vmem>> -> memref<1x80xi32, #tpu.memory_space<vmem>>
          %dma_start3A_363 = tpu.memref_squeeze %dma_start3A_362 : memref<1x80xi32, #tpu.memory_space<vmem>> -> memref<80xi32, #tpu.memory_space<vmem>>
          %dma_start3A_364 = arith.constant 0 : i32
          %dma_start3A_365 = arith.constant 0 : i32
          %dma_start3A_366 = tpu.memref_slice %arg10[%dma_start3A_364, %dma_start3A_365] : memref<10000x128xf32, #tpu.memory_space<vmem_shared>> -> memref<10000x128xf32, #tpu.memory_space<vmem_shared>>
          tpu.enqueue_indirect_dma source(%dma_start3A_360 : memref<80x128xf32, #tpu.memory_space<vmem>>) target(%dma_start3A_366 : memref<10000x128xf32, #tpu.memory_space<vmem_shared>>) offsets(%dma_start3A_363 : memref<80xi32, #tpu.memory_space<vmem>>) semaphore(%run_scoped3A_356 : memref<!tpu.dma_semaphore, #tpu.memory_space<semaphore_mem>>) {add = true}
          %dma_wait3A_367 = arith.constant 0 : i32
          %dma_wait3A_368 = arith.constant 0 : i32
          %dma_wait3A_369 = tpu.memref_slice %arg8[%run_scoped3A_225, %dma_wait3A_367, %dma_wait3A_368] : memref<4x80x128xf32, #tpu.memory_space<vmem>> -> memref<1x80x128xf32, #tpu.memory_space<vmem>>
          %dma_wait3A_370 = tpu.memref_squeeze %dma_wait3A_369 : memref<1x80x128xf32, #tpu.memory_space<vmem>> -> memref<80x128xf32, #tpu.memory_space<vmem>>
          %dma_wait3A_371 = arith.constant 0 : i32
          %dma_wait3A_372 = tpu.memref_slice %arg7[%add3A_209, %dma_wait3A_371] : memref<25x80xi32, #tpu.memory_space<vmem>> -> memref<1x80xi32, #tpu.memory_space<vmem>>
          %dma_wait3A_373 = tpu.memref_squeeze %dma_wait3A_372 : memref<1x80xi32, #tpu.memory_space<vmem>> -> memref<80xi32, #tpu.memory_space<vmem>>
          %dma_wait3A_374 = arith.constant 0 : i32
          %dma_wait3A_375 = arith.constant 0 : i32
          %dma_wait3A_376 = tpu.memref_slice %arg10[%dma_wait3A_374, %dma_wait3A_375] : memref<10000x128xf32, #tpu.memory_space<vmem_shared>> -> memref<10000x128xf32, #tpu.memory_space<vmem_shared>>
          tpu.wait_indirect_dma semaphore(%run_scoped3A_356 : memref<!tpu.dma_semaphore, #tpu.memory_space<semaphore_mem>>) src(%dma_wait3A_370 : memref<80x128xf32, #tpu.memory_space<vmem>>) dst(%dma_wait3A_376 : memref<10000x128xf32, #tpu.memory_space<vmem_shared>>)
          tpu.yield
        }) : () -> ()
        %add3A_226 = arith.constant 0 : i32
        %add3A_227 = arith.addi %add3A_207, %add3A_226 : i32
        %add3A_228 = arith.constant 4 : i32
        %add3A_229 = arith.addi %add3A_227, %add3A_228 : i32
        %dma_start3A_230 = arith.constant 0 : i32
        %dma_start3A_231 = arith.constant 0 : i32
        %dma_start3A_232 = arith.constant 0 : i32
        %dma_start3A_233 = tpu.memref_slice %arg8[%dma_start3A_230, %dma_start3A_231, %dma_start3A_232] : memref<4x80x128xf32, #tpu.memory_space<vmem>> -> memref<1x80x128xf32, #tpu.memory_space<vmem>>
        %dma_start3A_234 = tpu.memref_squeeze %dma_start3A_233 : memref<1x80x128xf32, #tpu.memory_space<vmem>> -> memref<80x128xf32, #tpu.memory_space<vmem>>
        %dma_start3A_235 = arith.constant 0 : i32
        %dma_start3A_236 = tpu.memref_slice %arg6[%add3A_229, %dma_start3A_235] : memref<25x80xi32, #tpu.memory_space<vmem>> -> memref<1x80xi32, #tpu.memory_space<vmem>>
        %dma_start3A_237 = tpu.memref_squeeze %dma_start3A_236 : memref<1x80xi32, #tpu.memory_space<vmem>> -> memref<80xi32, #tpu.memory_space<vmem>>
        %dma_start3A_238 = arith.constant 0 : i32
        %dma_start3A_239 = arith.constant 0 : i32
        %dma_start3A_240 = tpu.memref_slice %arg2[%arg0, %dma_start3A_238, %dma_start3A_239] : memref<2x10000x128xf32, #tpu.memory_space<hbm>> -> memref<1x10000x128xf32, #tpu.memory_space<hbm>>
        %dma_start3A_241 = tpu.memref_squeeze %dma_start3A_240 : memref<1x10000x128xf32, #tpu.memory_space<hbm>> -> memref<10000x128xf32, #tpu.memory_space<hbm>>
        %dma_start3A_242 = arith.constant 0 : i32
        %dma_start3A_243 = arith.constant 0 : i32
        %dma_start3A_244 = tpu.memref_slice %dma_start3A_241[%dma_start3A_242, %dma_start3A_243] : memref<10000x128xf32, #tpu.memory_space<hbm>> -> memref<10000x128xf32, #tpu.memory_space<hbm>>
        tpu.enqueue_indirect_dma source(%dma_start3A_244 : memref<10000x128xf32, #tpu.memory_space<hbm>>) target(%dma_start3A_234 : memref<80x128xf32, #tpu.memory_space<vmem>>) offsets(%dma_start3A_237 : memref<80xi32, #tpu.memory_space<vmem>>) semaphore(%arg12 : memref<!tpu.dma_semaphore, #tpu.memory_space<semaphore_mem>>)
        %add3A_245 = arith.constant 1 : i32
        %add3A_246 = arith.addi %add3A_207, %add3A_245 : i32
        %dma_wait3A_247 = arith.constant 1 : i32
        %dma_wait3A_248 = arith.constant 0 : i32
        %dma_wait3A_249 = arith.constant 0 : i32
        %dma_wait3A_250 = tpu.memref_slice %arg8[%dma_wait3A_247, %dma_wait3A_248, %dma_wait3A_249] : memref<4x80x128xf32, #tpu.memory_space<vmem>> -> memref<1x80x128xf32, #tpu.memory_space<vmem>>
        %dma_wait3A_251 = tpu.memref_squeeze %dma_wait3A_250 : memref<1x80x128xf32, #tpu.memory_space<vmem>> -> memref<80x128xf32, #tpu.memory_space<vmem>>
        %dma_wait3A_252 = arith.constant 0 : i32
        %dma_wait3A_253 = tpu.memref_slice %arg6[%add3A_246, %dma_wait3A_252] : memref<25x80xi32, #tpu.memory_space<vmem>> -> memref<1x80xi32, #tpu.memory_space<vmem>>
        %dma_wait3A_254 = tpu.memref_squeeze %dma_wait3A_253 : memref<1x80xi32, #tpu.memory_space<vmem>> -> memref<80xi32, #tpu.memory_space<vmem>>
        %dma_wait3A_255 = arith.constant 0 : i32
        %dma_wait3A_256 = arith.constant 0 : i32
        %dma_wait3A_257 = tpu.memref_slice %arg2[%arg0, %dma_wait3A_255, %dma_wait3A_256] : memref<2x10000x128xf32, #tpu.memory_space<hbm>> -> memref<1x10000x128xf32, #tpu.memory_space<hbm>>
        %dma_wait3A_258 = tpu.memref_squeeze %dma_wait3A_257 : memref<1x10000x128xf32, #tpu.memory_space<hbm>> -> memref<10000x128xf32, #tpu.memory_space<hbm>>
        %dma_wait3A_259 = arith.constant 0 : i32
        %dma_wait3A_260 = arith.constant 0 : i32
        %dma_wait3A_261 = tpu.memref_slice %dma_wait3A_258[%dma_wait3A_259, %dma_wait3A_260] : memref<10000x128xf32, #tpu.memory_space<hbm>> -> memref<10000x128xf32, #tpu.memory_space<hbm>>
        tpu.wait_indirect_dma semaphore(%arg13 : memref<!tpu.dma_semaphore, #tpu.memory_space<semaphore_mem>>) src(%dma_wait3A_261 : memref<10000x128xf32, #tpu.memory_space<hbm>>) dst(%dma_wait3A_251 : memref<80x128xf32, #tpu.memory_space<vmem>>)
        %run_scoped3A_262 = arith.constant 1 : i32
        "tpu.region"() ({
          %run_scoped3A_356 = tpu.sem_alloc : memref<!tpu.dma_semaphore, #tpu.memory_space<semaphore_mem>>
          %dma_start3A_357 = arith.constant 0 : i32
          %dma_start3A_358 = arith.constant 0 : i32
          %dma_start3A_359 = tpu.memref_slice %arg8[%run_scoped3A_262, %dma_start3A_357, %dma_start3A_358] : memref<4x80x128xf32, #tpu.memory_space<vmem>> -> memref<1x80x128xf32, #tpu.memory_space<vmem>>
          %dma_start3A_360 = tpu.memref_squeeze %dma_start3A_359 : memref<1x80x128xf32, #tpu.memory_space<vmem>> -> memref<80x128xf32, #tpu.memory_space<vmem>>
          %dma_start3A_361 = arith.constant 0 : i32
          %dma_start3A_362 = tpu.memref_slice %arg7[%add3A_246, %dma_start3A_361] : memref<25x80xi32, #tpu.memory_space<vmem>> -> memref<1x80xi32, #tpu.memory_space<vmem>>
          %dma_start3A_363 = tpu.memref_squeeze %dma_start3A_362 : memref<1x80xi32, #tpu.memory_space<vmem>> -> memref<80xi32, #tpu.memory_space<vmem>>
          %dma_start3A_364 = arith.constant 0 : i32
          %dma_start3A_365 = arith.constant 0 : i32
          %dma_start3A_366 = tpu.memref_slice %arg10[%dma_start3A_364, %dma_start3A_365] : memref<10000x128xf32, #tpu.memory_space<vmem_shared>> -> memref<10000x128xf32, #tpu.memory_space<vmem_shared>>
          tpu.enqueue_indirect_dma source(%dma_start3A_360 : memref<80x128xf32, #tpu.memory_space<vmem>>) target(%dma_start3A_366 : memref<10000x128xf32, #tpu.memory_space<vmem_shared>>) offsets(%dma_start3A_363 : memref<80xi32, #tpu.memory_space<vmem>>) semaphore(%run_scoped3A_356 : memref<!tpu.dma_semaphore, #tpu.memory_space<semaphore_mem>>) {add = true}
          %dma_wait3A_367 = arith.constant 0 : i32
          %dma_wait3A_368 = arith.constant 0 : i32
          %dma_wait3A_369 = tpu.memref_slice %arg8[%run_scoped3A_262, %dma_wait3A_367, %dma_wait3A_368] : memref<4x80x128xf32, #tpu.memory_space<vmem>> -> memref<1x80x128xf32, #tpu.memory_space<vmem>>
          %dma_wait3A_370 = tpu.memref_squeeze %dma_wait3A_369 : memref<1x80x128xf32, #tpu.memory_space<vmem>> -> memref<80x128xf32, #tpu.memory_space<vmem>>
          %dma_wait3A_371 = arith.constant 0 : i32
          %dma_wait3A_372 = tpu.memref_slice %arg7[%add3A_246, %dma_wait3A_371] : memref<25x80xi32, #tpu.memory_space<vmem>> -> memref<1x80xi32, #tpu.memory_space<vmem>>
          %dma_wait3A_373 = tpu.memref_squeeze %dma_wait3A_372 : memref<1x80xi32, #tpu.memory_space<vmem>> -> memref<80xi32, #tpu.memory_space<vmem>>
          %dma_wait3A_374 = arith.constant 0 : i32
          %dma_wait3A_375 = arith.constant 0 : i32
          %dma_wait3A_376 = tpu.memref_slice %arg10[%dma_wait3A_374, %dma_wait3A_375] : memref<10000x128xf32, #tpu.memory_space<vmem_shared>> -> memref<10000x128xf32, #tpu.memory_space<vmem_shared>>
          tpu.wait_indirect_dma semaphore(%run_scoped3A_356 : memref<!tpu.dma_semaphore, #tpu.memory_space<semaphore_mem>>) src(%dma_wait3A_370 : memref<80x128xf32, #tpu.memory_space<vmem>>) dst(%dma_wait3A_376 : memref<10000x128xf32, #tpu.memory_space<vmem_shared>>)
          tpu.yield
        }) : () -> ()
        %add3A_263 = arith.constant 1 : i32
        %add3A_264 = arith.addi %add3A_207, %add3A_263 : i32
        %add3A_265 = arith.constant 4 : i32
        %add3A_266 = arith.addi %add3A_264, %add3A_265 : i32
        %dma_start3A_267 = arith.constant 1 : i32
        %dma_start3A_268 = arith.constant 0 : i32
        %dma_start3A_269 = arith.constant 0 : i32
        %dma_start3A_270 = tpu.memref_slice %arg8[%dma_start3A_267, %dma_start3A_268, %dma_start3A_269] : memref<4x80x128xf32, #tpu.memory_space<vmem>> -> memref<1x80x128xf32, #tpu.memory_space<vmem>>
        %dma_start3A_271 = tpu.memref_squeeze %dma_start3A_270 : memref<1x80x128xf32, #tpu.memory_space<vmem>> -> memref<80x128xf32, #tpu.memory_space<vmem>>
        %dma_start3A_272 = arith.constant 0 : i32
        %dma_start3A_273 = tpu.memref_slice %arg6[%add3A_266, %dma_start3A_272] : memref<25x80xi32, #tpu.memory_space<vmem>> -> memref<1x80xi32, #tpu.memory_space<vmem>>
        %dma_start3A_274 = tpu.memref_squeeze %dma_start3A_273 : memref<1x80xi32, #tpu.memory_space<vmem>> -> memref<80xi32, #tpu.memory_space<vmem>>
        %dma_start3A_275 = arith.constant 0 : i32
        %dma_start3A_276 = arith.constant 0 : i32
        %dma_start3A_277 = tpu.memref_slice %arg2[%arg0, %dma_start3A_275, %dma_start3A_276] : memref<2x10000x128xf32, #tpu.memory_space<hbm>> -> memref<1x10000x128xf32, #tpu.memory_space<hbm>>
        %dma_start3A_278 = tpu.memref_squeeze %dma_start3A_277 : memref<1x10000x128xf32, #tpu.memory_space<hbm>> -> memref<10000x128xf32, #tpu.memory_space<hbm>>
        %dma_start3A_279 = arith.constant 0 : i32
        %dma_start3A_280 = arith.constant 0 : i32
        %dma_start3A_281 = tpu.memref_slice %dma_start3A_278[%dma_start3A_279, %dma_start3A_280] : memref<10000x128xf32, #tpu.memory_space<hbm>> -> memref<10000x128xf32, #tpu.memory_space<hbm>>
        tpu.enqueue_indirect_dma source(%dma_start3A_281 : memref<10000x128xf32, #tpu.memory_space<hbm>>) target(%dma_start3A_271 : memref<80x128xf32, #tpu.memory_space<vmem>>) offsets(%dma_start3A_274 : memref<80xi32, #tpu.memory_space<vmem>>) semaphore(%arg13 : memref<!tpu.dma_semaphore, #tpu.memory_space<semaphore_mem>>)
        %add3A_282 = arith.constant 2 : i32
        %add3A_283 = arith.addi %add3A_207, %add3A_282 : i32
        %dma_wait3A_284 = arith.constant 2 : i32
        %dma_wait3A_285 = arith.constant 0 : i32
        %dma_wait3A_286 = arith.constant 0 : i32
        %dma_wait3A_287 = tpu.memref_slice %arg8[%dma_wait3A_284, %dma_wait3A_285, %dma_wait3A_286] : memref<4x80x128xf32, #tpu.memory_space<vmem>> -> memref<1x80x128xf32, #tpu.memory_space<vmem>>
        %dma_wait3A_288 = tpu.memref_squeeze %dma_wait3A_287 : memref<1x80x128xf32, #tpu.memory_space<vmem>> -> memref<80x128xf32, #tpu.memory_space<vmem>>
        %dma_wait3A_289 = arith.constant 0 : i32
        %dma_wait3A_290 = tpu.memref_slice %arg6[%add3A_283, %dma_wait3A_289] : memref<25x80xi32, #tpu.memory_space<vmem>> -> memref<1x80xi32, #tpu.memory_space<vmem>>
        %dma_wait3A_291 = tpu.memref_squeeze %dma_wait3A_290 : memref<1x80xi32, #tpu.memory_space<vmem>> -> memref<80xi32, #tpu.memory_space<vmem>>
        %dma_wait3A_292 = arith.constant 0 : i32
        %dma_wait3A_293 = arith.constant 0 : i32
        %dma_wait3A_294 = tpu.memref_slice %arg2[%arg0, %dma_wait3A_292, %dma_wait3A_293] : memref<2x10000x128xf32, #tpu.memory_space<hbm>> -> memref<1x10000x128xf32, #tpu.memory_space<hbm>>
        %dma_wait3A_295 = tpu.memref_squeeze %dma_wait3A_294 : memref<1x10000x128xf32, #tpu.memory_space<hbm>> -> memref<10000x128xf32, #tpu.memory_space<hbm>>
        %dma_wait3A_296 = arith.constant 0 : i32
        %dma_wait3A_297 = arith.constant 0 : i32
        %dma_wait3A_298 = tpu.memref_slice %dma_wait3A_295[%dma_wait3A_296, %dma_wait3A_297] : memref<10000x128xf32, #tpu.memory_space<hbm>> -> memref<10000x128xf32, #tpu.memory_space<hbm>>
        tpu.wait_indirect_dma semaphore(%arg14 : memref<!tpu.dma_semaphore, #tpu.memory_space<semaphore_mem>>) src(%dma_wait3A_298 : memref<10000x128xf32, #tpu.memory_space<hbm>>) dst(%dma_wait3A_288 : memref<80x128xf32, #tpu.memory_space<vmem>>)
        %run_scoped3A_299 = arith.constant 2 : i32
        "tpu.region"() ({
          %run_scoped3A_356 = tpu.sem_alloc : memref<!tpu.dma_semaphore, #tpu.memory_space<semaphore_mem>>
          %dma_start3A_357 = arith.constant 0 : i32
          %dma_start3A_358 = arith.constant 0 : i32
          %dma_start3A_359 = tpu.memref_slice %arg8[%run_scoped3A_299, %dma_start3A_357, %dma_start3A_358] : memref<4x80x128xf32, #tpu.memory_space<vmem>> -> memref<1x80x128xf32, #tpu.memory_space<vmem>>
          %dma_start3A_360 = tpu.memref_squeeze %dma_start3A_359 : memref<1x80x128xf32, #tpu.memory_space<vmem>> -> memref<80x128xf32, #tpu.memory_space<vmem>>
          %dma_start3A_361 = arith.constant 0 : i32
          %dma_start3A_362 = tpu.memref_slice %arg7[%add3A_283, %dma_start3A_361] : memref<25x80xi32, #tpu.memory_space<vmem>> -> memref<1x80xi32, #tpu.memory_space<vmem>>
          %dma_start3A_363 = tpu.memref_squeeze %dma_start3A_362 : memref<1x80xi32, #tpu.memory_space<vmem>> -> memref<80xi32, #tpu.memory_space<vmem>>
          %dma_start3A_364 = arith.constant 0 : i32
          %dma_start3A_365 = arith.constant 0 : i32
          %dma_start3A_366 = tpu.memref_slice %arg10[%dma_start3A_364, %dma_start3A_365] : memref<10000x128xf32, #tpu.memory_space<vmem_shared>> -> memref<10000x128xf32, #tpu.memory_space<vmem_shared>>
          tpu.enqueue_indirect_dma source(%dma_start3A_360 : memref<80x128xf32, #tpu.memory_space<vmem>>) target(%dma_start3A_366 : memref<10000x128xf32, #tpu.memory_space<vmem_shared>>) offsets(%dma_start3A_363 : memref<80xi32, #tpu.memory_space<vmem>>) semaphore(%run_scoped3A_356 : memref<!tpu.dma_semaphore, #tpu.memory_space<semaphore_mem>>) {add = true}
          %dma_wait3A_367 = arith.constant 0 : i32
          %dma_wait3A_368 = arith.constant 0 : i32
          %dma_wait3A_369 = tpu.memref_slice %arg8[%run_scoped3A_299, %dma_wait3A_367, %dma_wait3A_368] : memref<4x80x128xf32, #tpu.memory_space<vmem>> -> memref<1x80x128xf32, #tpu.memory_space<vmem>>
          %dma_wait3A_370 = tpu.memref_squeeze %dma_wait3A_369 : memref<1x80x128xf32, #tpu.memory_space<vmem>> -> memref<80x128xf32, #tpu.memory_space<vmem>>
          %dma_wait3A_371 = arith.constant 0 : i32
          %dma_wait3A_372 = tpu.memref_slice %arg7[%add3A_283, %dma_wait3A_371] : memref<25x80xi32, #tpu.memory_space<vmem>> -> memref<1x80xi32, #tpu.memory_space<vmem>>
          %dma_wait3A_373 = tpu.memref_squeeze %dma_wait3A_372 : memref<1x80xi32, #tpu.memory_space<vmem>> -> memref<80xi32, #tpu.memory_space<vmem>>
          %dma_wait3A_374 = arith.constant 0 : i32
          %dma_wait3A_375 = arith.constant 0 : i32
          %dma_wait3A_376 = tpu.memref_slice %arg10[%dma_wait3A_374, %dma_wait3A_375] : memref<10000x128xf32, #tpu.memory_space<vmem_shared>> -> memref<10000x128xf32, #tpu.memory_space<vmem_shared>>
          tpu.wait_indirect_dma semaphore(%run_scoped3A_356 : memref<!tpu.dma_semaphore, #tpu.memory_space<semaphore_mem>>) src(%dma_wait3A_370 : memref<80x128xf32, #tpu.memory_space<vmem>>) dst(%dma_wait3A_376 : memref<10000x128xf32, #tpu.memory_space<vmem_shared>>)
          tpu.yield
        }) : () -> ()
        %add3A_300 = arith.constant 2 : i32
        %add3A_301 = arith.addi %add3A_207, %add3A_300 : i32
        %add3A_302 = arith.constant 4 : i32
        %add3A_303 = arith.addi %add3A_301, %add3A_302 : i32
        %dma_start3A_304 = arith.constant 2 : i32
        %dma_start3A_305 = arith.constant 0 : i32
        %dma_start3A_306 = arith.constant 0 : i32
        %dma_start3A_307 = tpu.memref_slice %arg8[%dma_start3A_304, %dma_start3A_305, %dma_start3A_306] : memref<4x80x128xf32, #tpu.memory_space<vmem>> -> memref<1x80x128xf32, #tpu.memory_space<vmem>>
        %dma_start3A_308 = tpu.memref_squeeze %dma_start3A_307 : memref<1x80x128xf32, #tpu.memory_space<vmem>> -> memref<80x128xf32, #tpu.memory_space<vmem>>
        %dma_start3A_309 = arith.constant 0 : i32
        %dma_start3A_310 = tpu.memref_slice %arg6[%add3A_303, %dma_start3A_309] : memref<25x80xi32, #tpu.memory_space<vmem>> -> memref<1x80xi32, #tpu.memory_space<vmem>>
        %dma_start3A_311 = tpu.memref_squeeze %dma_start3A_310 : memref<1x80xi32, #tpu.memory_space<vmem>> -> memref<80xi32, #tpu.memory_space<vmem>>
        %dma_start3A_312 = arith.constant 0 : i32
        %dma_start3A_313 = arith.constant 0 : i32
        %dma_start3A_314 = tpu.memref_slice %arg2[%arg0, %dma_start3A_312, %dma_start3A_313] : memref<2x10000x128xf32, #tpu.memory_space<hbm>> -> memref<1x10000x128xf32, #tpu.memory_space<hbm>>
        %dma_start3A_315 = tpu.memref_squeeze %dma_start3A_314 : memref<1x10000x128xf32, #tpu.memory_space<hbm>> -> memref<10000x128xf32, #tpu.memory_space<hbm>>
        %dma_start3A_316 = arith.constant 0 : i32
        %dma_start3A_317 = arith.constant 0 : i32
        %dma_start3A_318 = tpu.memref_slice %dma_start3A_315[%dma_start3A_316, %dma_start3A_317] : memref<10000x128xf32, #tpu.memory_space<hbm>> -> memref<10000x128xf32, #tpu.memory_space<hbm>>
        tpu.enqueue_indirect_dma source(%dma_start3A_318 : memref<10000x128xf32, #tpu.memory_space<hbm>>) target(%dma_start3A_308 : memref<80x128xf32, #tpu.memory_space<vmem>>) offsets(%dma_start3A_311 : memref<80xi32, #tpu.memory_space<vmem>>) semaphore(%arg14 : memref<!tpu.dma_semaphore, #tpu.memory_space<semaphore_mem>>)
        %add3A_319 = arith.constant 3 : i32
        %add3A_320 = arith.addi %add3A_207, %add3A_319 : i32
        %dma_wait3A_321 = arith.constant 3 : i32
        %dma_wait3A_322 = arith.constant 0 : i32
        %dma_wait3A_323 = arith.constant 0 : i32
        %dma_wait3A_324 = tpu.memref_slice %arg8[%dma_wait3A_321, %dma_wait3A_322, %dma_wait3A_323] : memref<4x80x128xf32, #tpu.memory_space<vmem>> -> memref<1x80x128xf32, #tpu.memory_space<vmem>>
        %dma_wait3A_325 = tpu.memref_squeeze %dma_wait3A_324 : memref<1x80x128xf32, #tpu.memory_space<vmem>> -> memref<80x128xf32, #tpu.memory_space<vmem>>
        %dma_wait3A_326 = arith.constant 0 : i32
        %dma_wait3A_327 = tpu.memref_slice %arg6[%add3A_320, %dma_wait3A_326] : memref<25x80xi32, #tpu.memory_space<vmem>> -> memref<1x80xi32, #tpu.memory_space<vmem>>
        %dma_wait3A_328 = tpu.memref_squeeze %dma_wait3A_327 : memref<1x80xi32, #tpu.memory_space<vmem>> -> memref<80xi32, #tpu.memory_space<vmem>>
        %dma_wait3A_329 = arith.constant 0 : i32
        %dma_wait3A_330 = arith.constant 0 : i32
        %dma_wait3A_331 = tpu.memref_slice %arg2[%arg0, %dma_wait3A_329, %dma_wait3A_330] : memref<2x10000x128xf32, #tpu.memory_space<hbm>> -> memref<1x10000x128xf32, #tpu.memory_space<hbm>>
        %dma_wait3A_332 = tpu.memref_squeeze %dma_wait3A_331 : memref<1x10000x128xf32, #tpu.memory_space<hbm>> -> memref<10000x128xf32, #tpu.memory_space<hbm>>
        %dma_wait3A_333 = arith.constant 0 : i32
        %dma_wait3A_334 = arith.constant 0 : i32
        %dma_wait3A_335 = tpu.memref_slice %dma_wait3A_332[%dma_wait3A_333, %dma_wait3A_334] : memref<10000x128xf32, #tpu.memory_space<hbm>> -> memref<10000x128xf32, #tpu.memory_space<hbm>>
        tpu.wait_indirect_dma semaphore(%arg15 : memref<!tpu.dma_semaphore, #tpu.memory_space<semaphore_mem>>) src(%dma_wait3A_335 : memref<10000x128xf32, #tpu.memory_space<hbm>>) dst(%dma_wait3A_325 : memref<80x128xf32, #tpu.memory_space<vmem>>)
        %run_scoped3A_336 = arith.constant 3 : i32
        "tpu.region"() ({
          %run_scoped3A_356 = tpu.sem_alloc : memref<!tpu.dma_semaphore, #tpu.memory_space<semaphore_mem>>
          %dma_start3A_357 = arith.constant 0 : i32
          %dma_start3A_358 = arith.constant 0 : i32
          %dma_start3A_359 = tpu.memref_slice %arg8[%run_scoped3A_336, %dma_start3A_357, %dma_start3A_358] : memref<4x80x128xf32, #tpu.memory_space<vmem>> -> memref<1x80x128xf32, #tpu.memory_space<vmem>>
          %dma_start3A_360 = tpu.memref_squeeze %dma_start3A_359 : memref<1x80x128xf32, #tpu.memory_space<vmem>> -> memref<80x128xf32, #tpu.memory_space<vmem>>
          %dma_start3A_361 = arith.constant 0 : i32
          %dma_start3A_362 = tpu.memref_slice %arg7[%add3A_320, %dma_start3A_361] : memref<25x80xi32, #tpu.memory_space<vmem>> -> memref<1x80xi32, #tpu.memory_space<vmem>>
          %dma_start3A_363 = tpu.memref_squeeze %dma_start3A_362 : memref<1x80xi32, #tpu.memory_space<vmem>> -> memref<80xi32, #tpu.memory_space<vmem>>
          %dma_start3A_364 = arith.constant 0 : i32
          %dma_start3A_365 = arith.constant 0 : i32
          %dma_start3A_366 = tpu.memref_slice %arg10[%dma_start3A_364, %dma_start3A_365] : memref<10000x128xf32, #tpu.memory_space<vmem_shared>> -> memref<10000x128xf32, #tpu.memory_space<vmem_shared>>
          tpu.enqueue_indirect_dma source(%dma_start3A_360 : memref<80x128xf32, #tpu.memory_space<vmem>>) target(%dma_start3A_366 : memref<10000x128xf32, #tpu.memory_space<vmem_shared>>) offsets(%dma_start3A_363 : memref<80xi32, #tpu.memory_space<vmem>>) semaphore(%run_scoped3A_356 : memref<!tpu.dma_semaphore, #tpu.memory_space<semaphore_mem>>) {add = true}
          %dma_wait3A_367 = arith.constant 0 : i32
          %dma_wait3A_368 = arith.constant 0 : i32
          %dma_wait3A_369 = tpu.memref_slice %arg8[%run_scoped3A_336, %dma_wait3A_367, %dma_wait3A_368] : memref<4x80x128xf32, #tpu.memory_space<vmem>> -> memref<1x80x128xf32, #tpu.memory_space<vmem>>
          %dma_wait3A_370 = tpu.memref_squeeze %dma_wait3A_369 : memref<1x80x128xf32, #tpu.memory_space<vmem>> -> memref<80x128xf32, #tpu.memory_space<vmem>>
          %dma_wait3A_371 = arith.constant 0 : i32
          %dma_wait3A_372 = tpu.memref_slice %arg7[%add3A_320, %dma_wait3A_371] : memref<25x80xi32, #tpu.memory_space<vmem>> -> memref<1x80xi32, #tpu.memory_space<vmem>>
          %dma_wait3A_373 = tpu.memref_squeeze %dma_wait3A_372 : memref<1x80xi32, #tpu.memory_space<vmem>> -> memref<80xi32, #tpu.memory_space<vmem>>
          %dma_wait3A_374 = arith.constant 0 : i32
          %dma_wait3A_375 = arith.constant 0 : i32
          %dma_wait3A_376 = tpu.memref_slice %arg10[%dma_wait3A_374, %dma_wait3A_375] : memref<10000x128xf32, #tpu.memory_space<vmem_shared>> -> memref<10000x128xf32, #tpu.memory_space<vmem_shared>>
          tpu.wait_indirect_dma semaphore(%run_scoped3A_356 : memref<!tpu.dma_semaphore, #tpu.memory_space<semaphore_mem>>) src(%dma_wait3A_370 : memref<80x128xf32, #tpu.memory_space<vmem>>) dst(%dma_wait3A_376 : memref<10000x128xf32, #tpu.memory_space<vmem_shared>>)
          tpu.yield
        }) : () -> ()
        %add3A_337 = arith.constant 3 : i32
        %add3A_338 = arith.addi %add3A_207, %add3A_337 : i32
        %add3A_339 = arith.constant 4 : i32
        %add3A_340 = arith.addi %add3A_338, %add3A_339 : i32
        %dma_start3A_341 = arith.constant 3 : i32
        %dma_start3A_342 = arith.constant 0 : i32
        %dma_start3A_343 = arith.constant 0 : i32
        %dma_start3A_344 = tpu.memref_slice %arg8[%dma_start3A_341, %dma_start3A_342, %dma_start3A_343] : memref<4x80x128xf32, #tpu.memory_space<vmem>> -> memref<1x80x128xf32, #tpu.memory_space<vmem>>
        %dma_start3A_345 = tpu.memref_squeeze %dma_start3A_344 : memref<1x80x128xf32, #tpu.memory_space<vmem>> -> memref<80x128xf32, #tpu.memory_space<vmem>>
        %dma_start3A_346 = arith.constant 0 : i32
        %dma_start3A_347 = tpu.memref_slice %arg6[%add3A_340, %dma_start3A_346] : memref<25x80xi32, #tpu.memory_space<vmem>> -> memref<1x80xi32, #tpu.memory_space<vmem>>
        %dma_start3A_348 = tpu.memref_squeeze %dma_start3A_347 : memref<1x80xi32, #tpu.memory_space<vmem>> -> memref<80xi32, #tpu.memory_space<vmem>>
        %dma_start3A_349 = arith.constant 0 : i32
        %dma_start3A_350 = arith.constant 0 : i32
        %dma_start3A_351 = tpu.memref_slice %arg2[%arg0, %dma_start3A_349, %dma_start3A_350] : memref<2x10000x128xf32, #tpu.memory_space<hbm>> -> memref<1x10000x128xf32, #tpu.memory_space<hbm>>
        %dma_start3A_352 = tpu.memref_squeeze %dma_start3A_351 : memref<1x10000x128xf32, #tpu.memory_space<hbm>> -> memref<10000x128xf32, #tpu.memory_space<hbm>>
        %dma_start3A_353 = arith.constant 0 : i32
        %dma_start3A_354 = arith.constant 0 : i32
        %dma_start3A_355 = tpu.memref_slice %dma_start3A_352[%dma_start3A_353, %dma_start3A_354] : memref<10000x128xf32, #tpu.memory_space<hbm>> -> memref<10000x128xf32, #tpu.memory_space<hbm>>
        tpu.enqueue_indirect_dma source(%dma_start3A_355 : memref<10000x128xf32, #tpu.memory_space<hbm>>) target(%dma_start3A_345 : memref<80x128xf32, #tpu.memory_space<vmem>>) offsets(%dma_start3A_348 : memref<80xi32, #tpu.memory_space<vmem>>) semaphore(%arg15 : memref<!tpu.dma_semaphore, #tpu.memory_space<semaphore_mem>>)
      }
      %scan3A_98 = arith.constant 5 : i32
      %dma_wait3A = arith.constant 20 : i32
      %dma_wait3A_99 = arith.constant 0 : i32
      %dma_wait3A_100 = arith.constant 0 : i32
      %dma_wait3A_101 = arith.constant 0 : i32
      %dma_wait3A_102 = tpu.memref_slice %arg8[%dma_wait3A_99, %dma_wait3A_100, %dma_wait3A_101] : memref<4x80x128xf32, #tpu.memory_space<vmem>> -> memref<1x80x128xf32, #tpu.memory_space<vmem>>
      %dma_wait3A_103 = tpu.memref_squeeze %dma_wait3A_102 : memref<1x80x128xf32, #tpu.memory_space<vmem>> -> memref<80x128xf32, #tpu.memory_space<vmem>>
      %dma_wait3A_104 = arith.constant 0 : i32
      %dma_wait3A_105 = tpu.memref_slice %arg6[%dma_wait3A, %dma_wait3A_104] : memref<25x80xi32, #tpu.memory_space<vmem>> -> memref<1x80xi32, #tpu.memory_space<vmem>>
      %dma_wait3A_106 = tpu.memref_squeeze %dma_wait3A_105 : memref<1x80xi32, #tpu.memory_space<vmem>> -> memref<80xi32, #tpu.memory_space<vmem>>
      %dma_wait3A_107 = arith.constant 0 : i32
      %dma_wait3A_108 = arith.constant 0 : i32
      %dma_wait3A_109 = tpu.memref_slice %arg2[%arg0, %dma_wait3A_107, %dma_wait3A_108] : memref<2x10000x128xf32, #tpu.memory_space<hbm>> -> memref<1x10000x128xf32, #tpu.memory_space<hbm>>
      %dma_wait3A_110 = tpu.memref_squeeze %dma_wait3A_109 : memref<1x10000x128xf32, #tpu.memory_space<hbm>> -> memref<10000x128xf32, #tpu.memory_space<hbm>>
      %dma_wait3A_111 = arith.constant 0 : i32
      %dma_wait3A_112 = arith.constant 0 : i32
      %dma_wait3A_113 = tpu.memref_slice %dma_wait3A_110[%dma_wait3A_111, %dma_wait3A_112] : memref<10000x128xf32, #tpu.memory_space<hbm>> -> memref<10000x128xf32, #tpu.memory_space<hbm>>
      tpu.wait_indirect_dma semaphore(%arg12 : memref<!tpu.dma_semaphore, #tpu.memory_space<semaphore_mem>>) src(%dma_wait3A_113 : memref<10000x128xf32, #tpu.memory_space<hbm>>) dst(%dma_wait3A_103 : memref<80x128xf32, #tpu.memory_space<vmem>>)
      %run_scoped3A = arith.constant 0 : i32
      %run_scoped3A_114 = arith.constant 20 : i32
      "tpu.region"() ({
        %run_scoped3A_203 = tpu.sem_alloc : memref<!tpu.dma_semaphore, #tpu.memory_space<semaphore_mem>>
        %dma_start3A_204 = arith.constant 0 : i32
        %dma_start3A_205 = arith.constant 0 : i32
        %dma_start3A_206 = tpu.memref_slice %arg8[%run_scoped3A, %dma_start3A_204, %dma_start3A_205] : memref<4x80x128xf32, #tpu.memory_space<vmem>> -> memref<1x80x128xf32, #tpu.memory_space<vmem>>
        %dma_start3A_207 = tpu.memref_squeeze %dma_start3A_206 : memref<1x80x128xf32, #tpu.memory_space<vmem>> -> memref<80x128xf32, #tpu.memory_space<vmem>>
        %dma_start3A_208 = arith.constant 0 : i32
        %dma_start3A_209 = tpu.memref_slice %arg7[%run_scoped3A_114, %dma_start3A_208] : memref<25x80xi32, #tpu.memory_space<vmem>> -> memref<1x80xi32, #tpu.memory_space<vmem>>
        %dma_start3A_210 = tpu.memref_squeeze %dma_start3A_209 : memref<1x80xi32, #tpu.memory_space<vmem>> -> memref<80xi32, #tpu.memory_space<vmem>>
        %dma_start3A_211 = arith.constant 0 : i32
        %dma_start3A_212 = arith.constant 0 : i32
        %dma_start3A_213 = tpu.memref_slice %arg10[%dma_start3A_211, %dma_start3A_212] : memref<10000x128xf32, #tpu.memory_space<vmem_shared>> -> memref<10000x128xf32, #tpu.memory_space<vmem_shared>>
        tpu.enqueue_indirect_dma source(%dma_start3A_207 : memref<80x128xf32, #tpu.memory_space<vmem>>) target(%dma_start3A_213 : memref<10000x128xf32, #tpu.memory_space<vmem_shared>>) offsets(%dma_start3A_210 : memref<80xi32, #tpu.memory_space<vmem>>) semaphore(%run_scoped3A_203 : memref<!tpu.dma_semaphore, #tpu.memory_space<semaphore_mem>>) {add = true}
        %dma_wait3A_214 = arith.constant 0 : i32
        %dma_wait3A_215 = arith.constant 0 : i32
        %dma_wait3A_216 = tpu.memref_slice %arg8[%run_scoped3A, %dma_wait3A_214, %dma_wait3A_215] : memref<4x80x128xf32, #tpu.memory_space<vmem>> -> memref<1x80x128xf32, #tpu.memory_space<vmem>>
        %dma_wait3A_217 = tpu.memref_squeeze %dma_wait3A_216 : memref<1x80x128xf32, #tpu.memory_space<vmem>> -> memref<80x128xf32, #tpu.memory_space<vmem>>
        %dma_wait3A_218 = arith.constant 0 : i32
        %dma_wait3A_219 = tpu.memref_slice %arg7[%run_scoped3A_114, %dma_wait3A_218] : memref<25x80xi32, #tpu.memory_space<vmem>> -> memref<1x80xi32, #tpu.memory_space<vmem>>
        %dma_wait3A_220 = tpu.memref_squeeze %dma_wait3A_219 : memref<1x80xi32, #tpu.memory_space<vmem>> -> memref<80xi32, #tpu.memory_space<vmem>>
        %dma_wait3A_221 = arith.constant 0 : i32
        %dma_wait3A_222 = arith.constant 0 : i32
        %dma_wait3A_223 = tpu.memref_slice %arg10[%dma_wait3A_221, %dma_wait3A_222] : memref<10000x128xf32, #tpu.memory_space<vmem_shared>> -> memref<10000x128xf32, #tpu.memory_space<vmem_shared>>
        tpu.wait_indirect_dma semaphore(%run_scoped3A_203 : memref<!tpu.dma_semaphore, #tpu.memory_space<semaphore_mem>>) src(%dma_wait3A_217 : memref<80x128xf32, #tpu.memory_space<vmem>>) dst(%dma_wait3A_223 : memref<10000x128xf32, #tpu.memory_space<vmem_shared>>)
        tpu.yield
      }) : () -> ()
      %dma_start3A_115 = arith.constant 24 : i32
      %dma_start3A_116 = arith.constant 0 : i32
      %dma_start3A_117 = arith.constant 0 : i32
      %dma_start3A_118 = arith.constant 0 : i32
      %dma_start3A_119 = tpu.memref_slice %arg8[%dma_start3A_116, %dma_start3A_117, %dma_start3A_118] : memref<4x80x128xf32, #tpu.memory_space<vmem>> -> memref<1x80x128xf32, #tpu.memory_space<vmem>>
      %dma_start3A_120 = tpu.memref_squeeze %dma_start3A_119 : memref<1x80x128xf32, #tpu.memory_space<vmem>> -> memref<80x128xf32, #tpu.memory_space<vmem>>
      %dma_start3A_121 = arith.constant 0 : i32
      %dma_start3A_122 = tpu.memref_slice %arg6[%dma_start3A_115, %dma_start3A_121] : memref<25x80xi32, #tpu.memory_space<vmem>> -> memref<1x80xi32, #tpu.memory_space<vmem>>
      %dma_start3A_123 = tpu.memref_squeeze %dma_start3A_122 : memref<1x80xi32, #tpu.memory_space<vmem>> -> memref<80xi32, #tpu.memory_space<vmem>>
      %dma_start3A_124 = arith.constant 0 : i32
      %dma_start3A_125 = arith.constant 0 : i32
      %dma_start3A_126 = tpu.memref_slice %arg2[%arg0, %dma_start3A_124, %dma_start3A_125] : memref<2x10000x128xf32, #tpu.memory_space<hbm>> -> memref<1x10000x128xf32, #tpu.memory_space<hbm>>
      %dma_start3A_127 = tpu.memref_squeeze %dma_start3A_126 : memref<1x10000x128xf32, #tpu.memory_space<hbm>> -> memref<10000x128xf32, #tpu.memory_space<hbm>>
      %dma_start3A_128 = arith.constant 0 : i32
      %dma_start3A_129 = arith.constant 0 : i32
      %dma_start3A_130 = tpu.memref_slice %dma_start3A_127[%dma_start3A_128, %dma_start3A_129] : memref<10000x128xf32, #tpu.memory_space<hbm>> -> memref<10000x128xf32, #tpu.memory_space<hbm>>
      tpu.enqueue_indirect_dma source(%dma_start3A_130 : memref<10000x128xf32, #tpu.memory_space<hbm>>) target(%dma_start3A_120 : memref<80x128xf32, #tpu.memory_space<vmem>>) offsets(%dma_start3A_123 : memref<80xi32, #tpu.memory_space<vmem>>) semaphore(%arg12 : memref<!tpu.dma_semaphore, #tpu.memory_space<semaphore_mem>>)
      %dma_wait3A_131 = arith.constant 21 : i32
      %dma_wait3A_132 = arith.constant 1 : i32
      %dma_wait3A_133 = arith.constant 0 : i32
      %dma_wait3A_134 = arith.constant 0 : i32
      %dma_wait3A_135 = tpu.memref_slice %arg8[%dma_wait3A_132, %dma_wait3A_133, %dma_wait3A_134] : memref<4x80x128xf32, #tpu.memory_space<vmem>> -> memref<1x80x128xf32, #tpu.memory_space<vmem>>
      %dma_wait3A_136 = tpu.memref_squeeze %dma_wait3A_135 : memref<1x80x128xf32, #tpu.memory_space<vmem>> -> memref<80x128xf32, #tpu.memory_space<vmem>>
      %dma_wait3A_137 = arith.constant 0 : i32
      %dma_wait3A_138 = tpu.memref_slice %arg6[%dma_wait3A_131, %dma_wait3A_137] : memref<25x80xi32, #tpu.memory_space<vmem>> -> memref<1x80xi32, #tpu.memory_space<vmem>>
      %dma_wait3A_139 = tpu.memref_squeeze %dma_wait3A_138 : memref<1x80xi32, #tpu.memory_space<vmem>> -> memref<80xi32, #tpu.memory_space<vmem>>
      %dma_wait3A_140 = arith.constant 0 : i32
      %dma_wait3A_141 = arith.constant 0 : i32
      %dma_wait3A_142 = tpu.memref_slice %arg2[%arg0, %dma_wait3A_140, %dma_wait3A_141] : memref<2x10000x128xf32, #tpu.memory_space<hbm>> -> memref<1x10000x128xf32, #tpu.memory_space<hbm>>
      %dma_wait3A_143 = tpu.memref_squeeze %dma_wait3A_142 : memref<1x10000x128xf32, #tpu.memory_space<hbm>> -> memref<10000x128xf32, #tpu.memory_space<hbm>>
      %dma_wait3A_144 = arith.constant 0 : i32
      %dma_wait3A_145 = arith.constant 0 : i32
      %dma_wait3A_146 = tpu.memref_slice %dma_wait3A_143[%dma_wait3A_144, %dma_wait3A_145] : memref<10000x128xf32, #tpu.memory_space<hbm>> -> memref<10000x128xf32, #tpu.memory_space<hbm>>
      tpu.wait_indirect_dma semaphore(%arg13 : memref<!tpu.dma_semaphore, #tpu.memory_space<semaphore_mem>>) src(%dma_wait3A_146 : memref<10000x128xf32, #tpu.memory_space<hbm>>) dst(%dma_wait3A_136 : memref<80x128xf32, #tpu.memory_space<vmem>>)
      %run_scoped3A_147 = arith.constant 1 : i32
      %run_scoped3A_148 = arith.constant 21 : i32
      "tpu.region"() ({
        %run_scoped3A_203 = tpu.sem_alloc : memref<!tpu.dma_semaphore, #tpu.memory_space<semaphore_mem>>
        %dma_start3A_204 = arith.constant 0 : i32
        %dma_start3A_205 = arith.constant 0 : i32
        %dma_start3A_206 = tpu.memref_slice %arg8[%run_scoped3A_147, %dma_start3A_204, %dma_start3A_205] : memref<4x80x128xf32, #tpu.memory_space<vmem>> -> memref<1x80x128xf32, #tpu.memory_space<vmem>>
        %dma_start3A_207 = tpu.memref_squeeze %dma_start3A_206 : memref<1x80x128xf32, #tpu.memory_space<vmem>> -> memref<80x128xf32, #tpu.memory_space<vmem>>
        %dma_start3A_208 = arith.constant 0 : i32
        %dma_start3A_209 = tpu.memref_slice %arg7[%run_scoped3A_148, %dma_start3A_208] : memref<25x80xi32, #tpu.memory_space<vmem>> -> memref<1x80xi32, #tpu.memory_space<vmem>>
        %dma_start3A_210 = tpu.memref_squeeze %dma_start3A_209 : memref<1x80xi32, #tpu.memory_space<vmem>> -> memref<80xi32, #tpu.memory_space<vmem>>
        %dma_start3A_211 = arith.constant 0 : i32
        %dma_start3A_212 = arith.constant 0 : i32
        %dma_start3A_213 = tpu.memref_slice %arg10[%dma_start3A_211, %dma_start3A_212] : memref<10000x128xf32, #tpu.memory_space<vmem_shared>> -> memref<10000x128xf32, #tpu.memory_space<vmem_shared>>
        tpu.enqueue_indirect_dma source(%dma_start3A_207 : memref<80x128xf32, #tpu.memory_space<vmem>>) target(%dma_start3A_213 : memref<10000x128xf32, #tpu.memory_space<vmem_shared>>) offsets(%dma_start3A_210 : memref<80xi32, #tpu.memory_space<vmem>>) semaphore(%run_scoped3A_203 : memref<!tpu.dma_semaphore, #tpu.memory_space<semaphore_mem>>) {add = true}
        %dma_wait3A_214 = arith.constant 0 : i32
        %dma_wait3A_215 = arith.constant 0 : i32
        %dma_wait3A_216 = tpu.memref_slice %arg8[%run_scoped3A_147, %dma_wait3A_214, %dma_wait3A_215] : memref<4x80x128xf32, #tpu.memory_space<vmem>> -> memref<1x80x128xf32, #tpu.memory_space<vmem>>
        %dma_wait3A_217 = tpu.memref_squeeze %dma_wait3A_216 : memref<1x80x128xf32, #tpu.memory_space<vmem>> -> memref<80x128xf32, #tpu.memory_space<vmem>>
        %dma_wait3A_218 = arith.constant 0 : i32
        %dma_wait3A_219 = tpu.memref_slice %arg7[%run_scoped3A_148, %dma_wait3A_218] : memref<25x80xi32, #tpu.memory_space<vmem>> -> memref<1x80xi32, #tpu.memory_space<vmem>>
        %dma_wait3A_220 = tpu.memref_squeeze %dma_wait3A_219 : memref<1x80xi32, #tpu.memory_space<vmem>> -> memref<80xi32, #tpu.memory_space<vmem>>
        %dma_wait3A_221 = arith.constant 0 : i32
        %dma_wait3A_222 = arith.constant 0 : i32
        %dma_wait3A_223 = tpu.memref_slice %arg10[%dma_wait3A_221, %dma_wait3A_222] : memref<10000x128xf32, #tpu.memory_space<vmem_shared>> -> memref<10000x128xf32, #tpu.memory_space<vmem_shared>>
        tpu.wait_indirect_dma semaphore(%run_scoped3A_203 : memref<!tpu.dma_semaphore, #tpu.memory_space<semaphore_mem>>) src(%dma_wait3A_217 : memref<80x128xf32, #tpu.memory_space<vmem>>) dst(%dma_wait3A_223 : memref<10000x128xf32, #tpu.memory_space<vmem_shared>>)
        tpu.yield
      }) : () -> ()
      %dma_wait3A_149 = arith.constant 22 : i32
      %dma_wait3A_150 = arith.constant 2 : i32
      %dma_wait3A_151 = arith.constant 0 : i32
      %dma_wait3A_152 = arith.constant 0 : i32
      %dma_wait3A_153 = tpu.memref_slice %arg8[%dma_wait3A_150, %dma_wait3A_151, %dma_wait3A_152] : memref<4x80x128xf32, #tpu.memory_space<vmem>> -> memref<1x80x128xf32, #tpu.memory_space<vmem>>
      %dma_wait3A_154 = tpu.memref_squeeze %dma_wait3A_153 : memref<1x80x128xf32, #tpu.memory_space<vmem>> -> memref<80x128xf32, #tpu.memory_space<vmem>>
      %dma_wait3A_155 = arith.constant 0 : i32
      %dma_wait3A_156 = tpu.memref_slice %arg6[%dma_wait3A_149, %dma_wait3A_155] : memref<25x80xi32, #tpu.memory_space<vmem>> -> memref<1x80xi32, #tpu.memory_space<vmem>>
      %dma_wait3A_157 = tpu.memref_squeeze %dma_wait3A_156 : memref<1x80xi32, #tpu.memory_space<vmem>> -> memref<80xi32, #tpu.memory_space<vmem>>
      %dma_wait3A_158 = arith.constant 0 : i32
      %dma_wait3A_159 = arith.constant 0 : i32
      %dma_wait3A_160 = tpu.memref_slice %arg2[%arg0, %dma_wait3A_158, %dma_wait3A_159] : memref<2x10000x128xf32, #tpu.memory_space<hbm>> -> memref<1x10000x128xf32, #tpu.memory_space<hbm>>
      %dma_wait3A_161 = tpu.memref_squeeze %dma_wait3A_160 : memref<1x10000x128xf32, #tpu.memory_space<hbm>> -> memref<10000x128xf32, #tpu.memory_space<hbm>>
      %dma_wait3A_162 = arith.constant 0 : i32
      %dma_wait3A_163 = arith.constant 0 : i32
      %dma_wait3A_164 = tpu.memref_slice %dma_wait3A_161[%dma_wait3A_162, %dma_wait3A_163] : memref<10000x128xf32, #tpu.memory_space<hbm>> -> memref<10000x128xf32, #tpu.memory_space<hbm>>
      tpu.wait_indirect_dma semaphore(%arg14 : memref<!tpu.dma_semaphore, #tpu.memory_space<semaphore_mem>>) src(%dma_wait3A_164 : memref<10000x128xf32, #tpu.memory_space<hbm>>) dst(%dma_wait3A_154 : memref<80x128xf32, #tpu.memory_space<vmem>>)
      %run_scoped3A_165 = arith.constant 2 : i32
      %run_scoped3A_166 = arith.constant 22 : i32
      "tpu.region"() ({
        %run_scoped3A_203 = tpu.sem_alloc : memref<!tpu.dma_semaphore, #tpu.memory_space<semaphore_mem>>
        %dma_start3A_204 = arith.constant 0 : i32
        %dma_start3A_205 = arith.constant 0 : i32
        %dma_start3A_206 = tpu.memref_slice %arg8[%run_scoped3A_165, %dma_start3A_204, %dma_start3A_205] : memref<4x80x128xf32, #tpu.memory_space<vmem>> -> memref<1x80x128xf32, #tpu.memory_space<vmem>>
        %dma_start3A_207 = tpu.memref_squeeze %dma_start3A_206 : memref<1x80x128xf32, #tpu.memory_space<vmem>> -> memref<80x128xf32, #tpu.memory_space<vmem>>
        %dma_start3A_208 = arith.constant 0 : i32
        %dma_start3A_209 = tpu.memref_slice %arg7[%run_scoped3A_166, %dma_start3A_208] : memref<25x80xi32, #tpu.memory_space<vmem>> -> memref<1x80xi32, #tpu.memory_space<vmem>>
        %dma_start3A_210 = tpu.memref_squeeze %dma_start3A_209 : memref<1x80xi32, #tpu.memory_space<vmem>> -> memref<80xi32, #tpu.memory_space<vmem>>
        %dma_start3A_211 = arith.constant 0 : i32
        %dma_start3A_212 = arith.constant 0 : i32
        %dma_start3A_213 = tpu.memref_slice %arg10[%dma_start3A_211, %dma_start3A_212] : memref<10000x128xf32, #tpu.memory_space<vmem_shared>> -> memref<10000x128xf32, #tpu.memory_space<vmem_shared>>
        tpu.enqueue_indirect_dma source(%dma_start3A_207 : memref<80x128xf32, #tpu.memory_space<vmem>>) target(%dma_start3A_213 : memref<10000x128xf32, #tpu.memory_space<vmem_shared>>) offsets(%dma_start3A_210 : memref<80xi32, #tpu.memory_space<vmem>>) semaphore(%run_scoped3A_203 : memref<!tpu.dma_semaphore, #tpu.memory_space<semaphore_mem>>) {add = true}
        %dma_wait3A_214 = arith.constant 0 : i32
        %dma_wait3A_215 = arith.constant 0 : i32
        %dma_wait3A_216 = tpu.memref_slice %arg8[%run_scoped3A_165, %dma_wait3A_214, %dma_wait3A_215] : memref<4x80x128xf32, #tpu.memory_space<vmem>> -> memref<1x80x128xf32, #tpu.memory_space<vmem>>
        %dma_wait3A_217 = tpu.memref_squeeze %dma_wait3A_216 : memref<1x80x128xf32, #tpu.memory_space<vmem>> -> memref<80x128xf32, #tpu.memory_space<vmem>>
        %dma_wait3A_218 = arith.constant 0 : i32
        %dma_wait3A_219 = tpu.memref_slice %arg7[%run_scoped3A_166, %dma_wait3A_218] : memref<25x80xi32, #tpu.memory_space<vmem>> -> memref<1x80xi32, #tpu.memory_space<vmem>>
        %dma_wait3A_220 = tpu.memref_squeeze %dma_wait3A_219 : memref<1x80xi32, #tpu.memory_space<vmem>> -> memref<80xi32, #tpu.memory_space<vmem>>
        %dma_wait3A_221 = arith.constant 0 : i32
        %dma_wait3A_222 = arith.constant 0 : i32
        %dma_wait3A_223 = tpu.memref_slice %arg10[%dma_wait3A_221, %dma_wait3A_222] : memref<10000x128xf32, #tpu.memory_space<vmem_shared>> -> memref<10000x128xf32, #tpu.memory_space<vmem_shared>>
        tpu.wait_indirect_dma semaphore(%run_scoped3A_203 : memref<!tpu.dma_semaphore, #tpu.memory_space<semaphore_mem>>) src(%dma_wait3A_217 : memref<80x128xf32, #tpu.memory_space<vmem>>) dst(%dma_wait3A_223 : memref<10000x128xf32, #tpu.memory_space<vmem_shared>>)
        tpu.yield
      }) : () -> ()
      %dma_wait3A_167 = arith.constant 23 : i32
      %dma_wait3A_168 = arith.constant 3 : i32
      %dma_wait3A_169 = arith.constant 0 : i32
      %dma_wait3A_170 = arith.constant 0 : i32
      %dma_wait3A_171 = tpu.memref_slice %arg8[%dma_wait3A_168, %dma_wait3A_169, %dma_wait3A_170] : memref<4x80x128xf32, #tpu.memory_space<vmem>> -> memref<1x80x128xf32, #tpu.memory_space<vmem>>
      %dma_wait3A_172 = tpu.memref_squeeze %dma_wait3A_171 : memref<1x80x128xf32, #tpu.memory_space<vmem>> -> memref<80x128xf32, #tpu.memory_space<vmem>>
      %dma_wait3A_173 = arith.constant 0 : i32
      %dma_wait3A_174 = tpu.memref_slice %arg6[%dma_wait3A_167, %dma_wait3A_173] : memref<25x80xi32, #tpu.memory_space<vmem>> -> memref<1x80xi32, #tpu.memory_space<vmem>>
      %dma_wait3A_175 = tpu.memref_squeeze %dma_wait3A_174 : memref<1x80xi32, #tpu.memory_space<vmem>> -> memref<80xi32, #tpu.memory_space<vmem>>
      %dma_wait3A_176 = arith.constant 0 : i32
      %dma_wait3A_177 = arith.constant 0 : i32
      %dma_wait3A_178 = tpu.memref_slice %arg2[%arg0, %dma_wait3A_176, %dma_wait3A_177] : memref<2x10000x128xf32, #tpu.memory_space<hbm>> -> memref<1x10000x128xf32, #tpu.memory_space<hbm>>
      %dma_wait3A_179 = tpu.memref_squeeze %dma_wait3A_178 : memref<1x10000x128xf32, #tpu.memory_space<hbm>> -> memref<10000x128xf32, #tpu.memory_space<hbm>>
      %dma_wait3A_180 = arith.constant 0 : i32
      %dma_wait3A_181 = arith.constant 0 : i32
      %dma_wait3A_182 = tpu.memref_slice %dma_wait3A_179[%dma_wait3A_180, %dma_wait3A_181] : memref<10000x128xf32, #tpu.memory_space<hbm>> -> memref<10000x128xf32, #tpu.memory_space<hbm>>
      tpu.wait_indirect_dma semaphore(%arg15 : memref<!tpu.dma_semaphore, #tpu.memory_space<semaphore_mem>>) src(%dma_wait3A_182 : memref<10000x128xf32, #tpu.memory_space<hbm>>) dst(%dma_wait3A_172 : memref<80x128xf32, #tpu.memory_space<vmem>>)
      %run_scoped3A_183 = arith.constant 3 : i32
      %run_scoped3A_184 = arith.constant 23 : i32
      "tpu.region"() ({
        %run_scoped3A_203 = tpu.sem_alloc : memref<!tpu.dma_semaphore, #tpu.memory_space<semaphore_mem>>
        %dma_start3A_204 = arith.constant 0 : i32
        %dma_start3A_205 = arith.constant 0 : i32
        %dma_start3A_206 = tpu.memref_slice %arg8[%run_scoped3A_183, %dma_start3A_204, %dma_start3A_205] : memref<4x80x128xf32, #tpu.memory_space<vmem>> -> memref<1x80x128xf32, #tpu.memory_space<vmem>>
        %dma_start3A_207 = tpu.memref_squeeze %dma_start3A_206 : memref<1x80x128xf32, #tpu.memory_space<vmem>> -> memref<80x128xf32, #tpu.memory_space<vmem>>
        %dma_start3A_208 = arith.constant 0 : i32
        %dma_start3A_209 = tpu.memref_slice %arg7[%run_scoped3A_184, %dma_start3A_208] : memref<25x80xi32, #tpu.memory_space<vmem>> -> memref<1x80xi32, #tpu.memory_space<vmem>>
        %dma_start3A_210 = tpu.memref_squeeze %dma_start3A_209 : memref<1x80xi32, #tpu.memory_space<vmem>> -> memref<80xi32, #tpu.memory_space<vmem>>
        %dma_start3A_211 = arith.constant 0 : i32
        %dma_start3A_212 = arith.constant 0 : i32
        %dma_start3A_213 = tpu.memref_slice %arg10[%dma_start3A_211, %dma_start3A_212] : memref<10000x128xf32, #tpu.memory_space<vmem_shared>> -> memref<10000x128xf32, #tpu.memory_space<vmem_shared>>
        tpu.enqueue_indirect_dma source(%dma_start3A_207 : memref<80x128xf32, #tpu.memory_space<vmem>>) target(%dma_start3A_213 : memref<10000x128xf32, #tpu.memory_space<vmem_shared>>) offsets(%dma_start3A_210 : memref<80xi32, #tpu.memory_space<vmem>>) semaphore(%run_scoped3A_203 : memref<!tpu.dma_semaphore, #tpu.memory_space<semaphore_mem>>) {add = true}
        %dma_wait3A_214 = arith.constant 0 : i32
        %dma_wait3A_215 = arith.constant 0 : i32
        %dma_wait3A_216 = tpu.memref_slice %arg8[%run_scoped3A_183, %dma_wait3A_214, %dma_wait3A_215] : memref<4x80x128xf32, #tpu.memory_space<vmem>> -> memref<1x80x128xf32, #tpu.memory_space<vmem>>
        %dma_wait3A_217 = tpu.memref_squeeze %dma_wait3A_216 : memref<1x80x128xf32, #tpu.memory_space<vmem>> -> memref<80x128xf32, #tpu.memory_space<vmem>>
        %dma_wait3A_218 = arith.constant 0 : i32
        %dma_wait3A_219 = tpu.memref_slice %arg7[%run_scoped3A_184, %dma_wait3A_218] : memref<25x80xi32, #tpu.memory_space<vmem>> -> memref<1x80xi32, #tpu.memory_space<vmem>>
        %dma_wait3A_220 = tpu.memref_squeeze %dma_wait3A_219 : memref<1x80xi32, #tpu.memory_space<vmem>> -> memref<80xi32, #tpu.memory_space<vmem>>
        %dma_wait3A_221 = arith.constant 0 : i32
        %dma_wait3A_222 = arith.constant 0 : i32
        %dma_wait3A_223 = tpu.memref_slice %arg10[%dma_wait3A_221, %dma_wait3A_222] : memref<10000x128xf32, #tpu.memory_space<vmem_shared>> -> memref<10000x128xf32, #tpu.memory_space<vmem_shared>>
        tpu.wait_indirect_dma semaphore(%run_scoped3A_203 : memref<!tpu.dma_semaphore, #tpu.memory_space<semaphore_mem>>) src(%dma_wait3A_217 : memref<80x128xf32, #tpu.memory_space<vmem>>) dst(%dma_wait3A_223 : memref<10000x128xf32, #tpu.memory_space<vmem_shared>>)
        tpu.yield
      }) : () -> ()
      %dma_wait3A_185 = arith.constant 24 : i32
      %dma_wait3A_186 = arith.constant 0 : i32
      %dma_wait3A_187 = arith.constant 0 : i32
      %dma_wait3A_188 = arith.constant 0 : i32
      %dma_wait3A_189 = tpu.memref_slice %arg8[%dma_wait3A_186, %dma_wait3A_187, %dma_wait3A_188] : memref<4x80x128xf32, #tpu.memory_space<vmem>> -> memref<1x80x128xf32, #tpu.memory_space<vmem>>
      %dma_wait3A_190 = tpu.memref_squeeze %dma_wait3A_189 : memref<1x80x128xf32, #tpu.memory_space<vmem>> -> memref<80x128xf32, #tpu.memory_space<vmem>>
      %dma_wait3A_191 = arith.constant 0 : i32
      %dma_wait3A_192 = tpu.memref_slice %arg6[%dma_wait3A_185, %dma_wait3A_191] : memref<25x80xi32, #tpu.memory_space<vmem>> -> memref<1x80xi32, #tpu.memory_space<vmem>>
      %dma_wait3A_193 = tpu.memref_squeeze %dma_wait3A_192 : memref<1x80xi32, #tpu.memory_space<vmem>> -> memref<80xi32, #tpu.memory_space<vmem>>
      %dma_wait3A_194 = arith.constant 0 : i32
      %dma_wait3A_195 = arith.constant 0 : i32
      %dma_wait3A_196 = tpu.memref_slice %arg2[%arg0, %dma_wait3A_194, %dma_wait3A_195] : memref<2x10000x128xf32, #tpu.memory_space<hbm>> -> memref<1x10000x128xf32, #tpu.memory_space<hbm>>
      %dma_wait3A_197 = tpu.memref_squeeze %dma_wait3A_196 : memref<1x10000x128xf32, #tpu.memory_space<hbm>> -> memref<10000x128xf32, #tpu.memory_space<hbm>>
      %dma_wait3A_198 = arith.constant 0 : i32
      %dma_wait3A_199 = arith.constant 0 : i32
      %dma_wait3A_200 = tpu.memref_slice %dma_wait3A_197[%dma_wait3A_198, %dma_wait3A_199] : memref<10000x128xf32, #tpu.memory_space<hbm>> -> memref<10000x128xf32, #tpu.memory_space<hbm>>
      tpu.wait_indirect_dma semaphore(%arg12 : memref<!tpu.dma_semaphore, #tpu.memory_space<semaphore_mem>>) src(%dma_wait3A_200 : memref<10000x128xf32, #tpu.memory_space<hbm>>) dst(%dma_wait3A_190 : memref<80x128xf32, #tpu.memory_space<vmem>>)
      %run_scoped3A_201 = arith.constant 0 : i32
      %run_scoped3A_202 = arith.constant 24 : i32
      "tpu.region"() ({
        %run_scoped3A_203 = tpu.sem_alloc : memref<!tpu.dma_semaphore, #tpu.memory_space<semaphore_mem>>
        %dma_start3A_204 = arith.constant 0 : i32
        %dma_start3A_205 = arith.constant 0 : i32
        %dma_start3A_206 = tpu.memref_slice %arg8[%run_scoped3A_201, %dma_start3A_204, %dma_start3A_205] : memref<4x80x128xf32, #tpu.memory_space<vmem>> -> memref<1x80x128xf32, #tpu.memory_space<vmem>>
        %dma_start3A_207 = tpu.memref_squeeze %dma_start3A_206 : memref<1x80x128xf32, #tpu.memory_space<vmem>> -> memref<80x128xf32, #tpu.memory_space<vmem>>
        %dma_start3A_208 = arith.constant 0 : i32
        %dma_start3A_209 = tpu.memref_slice %arg7[%run_scoped3A_202, %dma_start3A_208] : memref<25x80xi32, #tpu.memory_space<vmem>> -> memref<1x80xi32, #tpu.memory_space<vmem>>
        %dma_start3A_210 = tpu.memref_squeeze %dma_start3A_209 : memref<1x80xi32, #tpu.memory_space<vmem>> -> memref<80xi32, #tpu.memory_space<vmem>>
        %dma_start3A_211 = arith.constant 0 : i32
        %dma_start3A_212 = arith.constant 0 : i32
        %dma_start3A_213 = tpu.memref_slice %arg10[%dma_start3A_211, %dma_start3A_212] : memref<10000x128xf32, #tpu.memory_space<vmem_shared>> -> memref<10000x128xf32, #tpu.memory_space<vmem_shared>>
        tpu.enqueue_indirect_dma source(%dma_start3A_207 : memref<80x128xf32, #tpu.memory_space<vmem>>) target(%dma_start3A_213 : memref<10000x128xf32, #tpu.memory_space<vmem_shared>>) offsets(%dma_start3A_210 : memref<80xi32, #tpu.memory_space<vmem>>) semaphore(%run_scoped3A_203 : memref<!tpu.dma_semaphore, #tpu.memory_space<semaphore_mem>>) {add = true}
        %dma_wait3A_214 = arith.constant 0 : i32
        %dma_wait3A_215 = arith.constant 0 : i32
        %dma_wait3A_216 = tpu.memref_slice %arg8[%run_scoped3A_201, %dma_wait3A_214, %dma_wait3A_215] : memref<4x80x128xf32, #tpu.memory_space<vmem>> -> memref<1x80x128xf32, #tpu.memory_space<vmem>>
        %dma_wait3A_217 = tpu.memref_squeeze %dma_wait3A_216 : memref<1x80x128xf32, #tpu.memory_space<vmem>> -> memref<80x128xf32, #tpu.memory_space<vmem>>
        %dma_wait3A_218 = arith.constant 0 : i32
        %dma_wait3A_219 = tpu.memref_slice %arg7[%run_scoped3A_202, %dma_wait3A_218] : memref<25x80xi32, #tpu.memory_space<vmem>> -> memref<1x80xi32, #tpu.memory_space<vmem>>
        %dma_wait3A_220 = tpu.memref_squeeze %dma_wait3A_219 : memref<1x80xi32, #tpu.memory_space<vmem>> -> memref<80xi32, #tpu.memory_space<vmem>>
        %dma_wait3A_221 = arith.constant 0 : i32
        %dma_wait3A_222 = arith.constant 0 : i32
        %dma_wait3A_223 = tpu.memref_slice %arg10[%dma_wait3A_221, %dma_wait3A_222] : memref<10000x128xf32, #tpu.memory_space<vmem_shared>> -> memref<10000x128xf32, #tpu.memory_space<vmem_shared>>
        tpu.wait_indirect_dma semaphore(%run_scoped3A_203 : memref<!tpu.dma_semaphore, #tpu.memory_space<semaphore_mem>>) src(%dma_wait3A_217 : memref<80x128xf32, #tpu.memory_space<vmem>>) dst(%dma_wait3A_223 : memref<10000x128xf32, #tpu.memory_space<vmem_shared>>)
        tpu.yield
      }) : () -> ()
    }
    %scan3A_20 = arith.constant 5 : i32
    %barrier3A_21 = arith.constant 0 : index
    tpu.barrier barrier_id(%barrier3A_21)
    %while3A_22 = arith.subi %min3A_8, %mul3A_4 : i32
    %while3A_23 = arith.addi %mul3A_4, %while3A_22 : i32
    %while3A_24 = arith.constant 1 : i32
    %while3A_25 = arith.divsi %while3A_22, %while3A_24 : i32
    %while3A_26 = arith.muli %while3A_25, %while3A_24 : i32
    %while3A_27 = arith.addi %mul3A_4, %while3A_26 : i32
    %while3A_28 = arith.constant 1 : i32
    scf.for %while3A_30 = %mul3A_4 to %while3A_27 step %while3A_28  : i32 {
      %mul3A_31 = arith.constant 80 : i32
      %mul3A_32 = arith.muli %while3A_30, %mul3A_31 : i32
      %mul3A_33 = arith.constant 80 : i32
      %mul3A_34 = arith.muli %while3A_30, %mul3A_33 : i32
      "tpu.region"() ({
        %run_scoped3A = tpu.sem_alloc : memref<!tpu.dma_semaphore, #tpu.memory_space<semaphore_mem>>
        %dma_start3A = arith.constant 0 : i32
        %dma_start3A_35 = tpu.memref_slice %arg5[%arg0, %mul3A_34, %dma_start3A] : memref<2x10000x128xf32, #tpu.memory_space<hbm>> -> memref<1x80x128xf32, #tpu.memory_space<hbm>>
        %dma_start3A_36 = tpu.memref_squeeze %dma_start3A_35 : memref<1x80x128xf32, #tpu.memory_space<hbm>> -> memref<80x128xf32, #tpu.memory_space<hbm>>
        %dma_start3A_37 = arith.constant 0 : i32
        %dma_start3A_38 = tpu.memref_slice %arg10[%mul3A_32, %dma_start3A_37] : memref<10000x128xf32, #tpu.memory_space<vmem_shared>> -> memref<80x128xf32, #tpu.memory_space<vmem_shared>>
        tpu.enqueue_dma source(%dma_start3A_38 : memref<80x128xf32, #tpu.memory_space<vmem_shared>>) target(%dma_start3A_36 : memref<80x128xf32, #tpu.memory_space<hbm>>) target_semaphore(%run_scoped3A : memref<!tpu.dma_semaphore, #tpu.memory_space<semaphore_mem>>)
        %dma_wait3A = arith.constant 0 : i32
        %dma_wait3A_39 = tpu.memref_slice %arg5[%arg0, %mul3A_34, %dma_wait3A] : memref<2x10000x128xf32, #tpu.memory_space<hbm>> -> memref<1x80x128xf32, #tpu.memory_space<hbm>>
        %dma_wait3A_40 = tpu.memref_squeeze %dma_wait3A_39 : memref<1x80x128xf32, #tpu.memory_space<hbm>> -> memref<80x128xf32, #tpu.memory_space<hbm>>
        %dma_wait3A_41 = arith.constant 0 : i32
        %dma_wait3A_42 = tpu.memref_slice %arg10[%mul3A_32, %dma_wait3A_41] : memref<10000x128xf32, #tpu.memory_space<vmem_shared>> -> memref<80x128xf32, #tpu.memory_space<vmem_shared>>
        tpu.wait_dma2 semaphore(%run_scoped3A : memref<!tpu.dma_semaphore, #tpu.memory_space<semaphore_mem>>) src(%dma_wait3A_42 : memref<80x128xf32, #tpu.memory_space<vmem_shared>>) dst(%dma_wait3A_40 : memref<80x128xf32, #tpu.memory_space<hbm>>)
        tpu.yield
      }) : () -> ()
    }
    %while3A_29 = arith.constant 1 : i32
    scf.for %while3A_30 = %while3A_27 to %while3A_23 step %while3A_29  : i32 {
      %mul3A_31 = arith.constant 80 : i32
      %mul3A_32 = arith.muli %while3A_30, %mul3A_31 : i32
      %mul3A_33 = arith.constant 80 : i32
      %mul3A_34 = arith.muli %while3A_30, %mul3A_33 : i32
      "tpu.region"() ({
        %run_scoped3A = tpu.sem_alloc : memref<!tpu.dma_semaphore, #tpu.memory_space<semaphore_mem>>
        %dma_start3A = arith.constant 0 : i32
        %dma_start3A_35 = tpu.memref_slice %arg5[%arg0, %mul3A_34, %dma_start3A] : memref<2x10000x128xf32, #tpu.memory_space<hbm>> -> memref<1x80x128xf32, #tpu.memory_space<hbm>>
        %dma_start3A_36 = tpu.memref_squeeze %dma_start3A_35 : memref<1x80x128xf32, #tpu.memory_space<hbm>> -> memref<80x128xf32, #tpu.memory_space<hbm>>
        %dma_start3A_37 = arith.constant 0 : i32
        %dma_start3A_38 = tpu.memref_slice %arg10[%mul3A_32, %dma_start3A_37] : memref<10000x128xf32, #tpu.memory_space<vmem_shared>> -> memref<80x128xf32, #tpu.memory_space<vmem_shared>>
        tpu.enqueue_dma source(%dma_start3A_38 : memref<80x128xf32, #tpu.memory_space<vmem_shared>>) target(%dma_start3A_36 : memref<80x128xf32, #tpu.memory_space<hbm>>) target_semaphore(%run_scoped3A : memref<!tpu.dma_semaphore, #tpu.memory_space<semaphore_mem>>)
        %dma_wait3A = arith.constant 0 : i32
        %dma_wait3A_39 = tpu.memref_slice %arg5[%arg0, %mul3A_34, %dma_wait3A] : memref<2x10000x128xf32, #tpu.memory_space<hbm>> -> memref<1x80x128xf32, #tpu.memory_space<hbm>>
        %dma_wait3A_40 = tpu.memref_squeeze %dma_wait3A_39 : memref<1x80x128xf32, #tpu.memory_space<hbm>> -> memref<80x128xf32, #tpu.memory_space<hbm>>
        %dma_wait3A_41 = arith.constant 0 : i32
        %dma_wait3A_42 = tpu.memref_slice %arg10[%mul3A_32, %dma_wait3A_41] : memref<10000x128xf32, #tpu.memory_space<vmem_shared>> -> memref<80x128xf32, #tpu.memory_space<vmem_shared>>
        tpu.wait_dma2 semaphore(%run_scoped3A : memref<!tpu.dma_semaphore, #tpu.memory_space<semaphore_mem>>) src(%dma_wait3A_42 : memref<80x128xf32, #tpu.memory_space<vmem_shared>>) dst(%dma_wait3A_40 : memref<80x128xf32, #tpu.memory_space<hbm>>)
        tpu.yield
      }) : () -> ()
    }
    return
  }
}

#map = affine_map<(d0, d1) -> (0, 0)>
#map1 = affine_map<(d0, d1) -> (0, 0, 0, 0)>
#map2 = affine_map<(d0, d1) -> (0, 0, 0)>
#map3 = affine_map<(d0, d1) -> (0)>
module attributes {stable_mosaic.version = 14 : i64} {
  func.func @sage_agg_deg1(%arg0: i32, %arg1: i32, %arg2: memref<20000x128xf32, #tpu.memory_space<hbm>>, %arg3: memref<16x5x25x80xi32, #tpu.memory_space<hbm>>, %arg4: memref<16x5x25x80xi32, #tpu.memory_space<hbm>>, %arg5: memref<2x10000x128xf32, #tpu.memory_space<hbm>>, %arg6: memref<10000xf32, #tpu.memory_space<hbm>>, %arg7: memref<25x80xi32, #tpu.memory_space<vmem>>, %arg8: memref<25x80xi32, #tpu.memory_space<vmem>>, %arg9: memref<4x80x128xf32, #tpu.memory_space<vmem>>, %arg10: memref<80xf32, #tpu.memory_space<vmem>>, %arg11: memref<10000x128xf32, #tpu.memory_space<vmem_shared>>, %arg12: memref<10000xf32, #tpu.memory_space<vmem_shared>>, %arg13: memref<!tpu.dma_semaphore, #tpu.memory_space<semaphore_mem>>, %arg14: memref<!tpu.dma_semaphore, #tpu.memory_space<semaphore_mem>>, %arg15: memref<!tpu.dma_semaphore, #tpu.memory_space<semaphore_mem>>, %arg16: memref<!tpu.dma_semaphore, #tpu.memory_space<semaphore_mem>>) attributes {dimension_semantics = [#tpu.dimension_semantics<core_parallel>, #tpu.dimension_semantics<subcore_parallel>], iteration_bounds = array<i64: 2, 16>, scalar_prefetch = 0 : i64, scratch_operands = 10 : i64, tpu.core_type = #tpu.core_type<sc_vector_subcore>, window_params = [{transform_indices = #map}, {transform_indices = #map1}, {transform_indices = #map1}, {transform_indices = #map2}, {transform_indices = #map3}]} {
    %mul3A = arith.constant 1 : i32
    %mul3A_0 = arith.muli %arg0, %mul3A : i32
    %scan3A = arith.constant 0 : i32
    %scan3A_1 = arith.constant 80 : i32
    %scan3A_2 = arith.addi %scan3A, %scan3A_1 : i32
    %scan3A_3 = arith.constant 1 : i32
    scf.for %scan3A_97 = %scan3A to %scan3A_2 step %scan3A_3  : i32 {
      %broadcast_in_dim3A_98 = arith.constant 0.000000e+00 : f32
      %broadcast_in_dim3A_99 = vector.broadcast %broadcast_in_dim3A_98 : f32 to vector<16xf32>
      %swap3A_100 = arith.constant 0 : i32
      %swap3A_101 = arith.index_cast %swap3A_100 : i32 to index
      %swap3A_102 = arith.index_cast %scan3A_97 : i32 to index
      %swap3A_103 = arith.constant 0 : index
      %swap3A_104 = tpu.vector_load %arg9[%swap3A_101, %swap3A_102, %swap3A_103] {strides = array<i32>} : memref<4x80x128xf32, #tpu.memory_space<vmem>>, vector<1x1x16xf32>,
      %swap3A_105 = vector.shape_cast %swap3A_104 : vector<1x1x16xf32> to vector<16xf32>
      %swap3A_106 = vector.shape_cast %broadcast_in_dim3A_99 : vector<16xf32> to vector<1x1x16xf32>
      tpu.vector_store %arg9[%swap3A_101, %swap3A_102, %swap3A_103], %swap3A_106 {strides = array<i32>} : memref<4x80x128xf32, #tpu.memory_space<vmem>>, vector<1x1x16xf32>,
      %broadcast_in_dim3A_107 = arith.constant 0.000000e+00 : f32
      %broadcast_in_dim3A_108 = vector.broadcast %broadcast_in_dim3A_107 : f32 to vector<16xf32>
      %swap3A_109 = arith.constant 0 : i32
      %swap3A_110 = arith.index_cast %swap3A_109 : i32 to index
      %swap3A_111 = arith.index_cast %scan3A_97 : i32 to index
      %swap3A_112 = arith.constant 16 : index
      %swap3A_113 = tpu.vector_load %arg9[%swap3A_110, %swap3A_111, %swap3A_112] {strides = array<i32>} : memref<4x80x128xf32, #tpu.memory_space<vmem>>, vector<1x1x16xf32>,
      %swap3A_114 = vector.shape_cast %swap3A_113 : vector<1x1x16xf32> to vector<16xf32>
      %swap3A_115 = vector.shape_cast %broadcast_in_dim3A_108 : vector<16xf32> to vector<1x1x16xf32>
      tpu.vector_store %arg9[%swap3A_110, %swap3A_111, %swap3A_112], %swap3A_115 {strides = array<i32>} : memref<4x80x128xf32, #tpu.memory_space<vmem>>, vector<1x1x16xf32>,
      %broadcast_in_dim3A_116 = arith.constant 0.000000e+00 : f32
      %broadcast_in_dim3A_117 = vector.broadcast %broadcast_in_dim3A_116 : f32 to vector<16xf32>
      %swap3A_118 = arith.constant 0 : i32
      %swap3A_119 = arith.index_cast %swap3A_118 : i32 to index
      %swap3A_120 = arith.index_cast %scan3A_97 : i32 to index
      %swap3A_121 = arith.constant 32 : index
      %swap3A_122 = tpu.vector_load %arg9[%swap3A_119, %swap3A_120, %swap3A_121] {strides = array<i32>} : memref<4x80x128xf32, #tpu.memory_space<vmem>>, vector<1x1x16xf32>,
      %swap3A_123 = vector.shape_cast %swap3A_122 : vector<1x1x16xf32> to vector<16xf32>
      %swap3A_124 = vector.shape_cast %broadcast_in_dim3A_117 : vector<16xf32> to vector<1x1x16xf32>
      tpu.vector_store %arg9[%swap3A_119, %swap3A_120, %swap3A_121], %swap3A_124 {strides = array<i32>} : memref<4x80x128xf32, #tpu.memory_space<vmem>>, vector<1x1x16xf32>,
      %broadcast_in_dim3A_125 = arith.constant 0.000000e+00 : f32
      %broadcast_in_dim3A_126 = vector.broadcast %broadcast_in_dim3A_125 : f32 to vector<16xf32>
      %swap3A_127 = arith.constant 0 : i32
      %swap3A_128 = arith.index_cast %swap3A_127 : i32 to index
      %swap3A_129 = arith.index_cast %scan3A_97 : i32 to index
      %swap3A_130 = arith.constant 48 : index
      %swap3A_131 = tpu.vector_load %arg9[%swap3A_128, %swap3A_129, %swap3A_130] {strides = array<i32>} : memref<4x80x128xf32, #tpu.memory_space<vmem>>, vector<1x1x16xf32>,
      %swap3A_132 = vector.shape_cast %swap3A_131 : vector<1x1x16xf32> to vector<16xf32>
      %swap3A_133 = vector.shape_cast %broadcast_in_dim3A_126 : vector<16xf32> to vector<1x1x16xf32>
      tpu.vector_store %arg9[%swap3A_128, %swap3A_129, %swap3A_130], %swap3A_133 {strides = array<i32>} : memref<4x80x128xf32, #tpu.memory_space<vmem>>, vector<1x1x16xf32>,
      %broadcast_in_dim3A_134 = arith.constant 0.000000e+00 : f32
      %broadcast_in_dim3A_135 = vector.broadcast %broadcast_in_dim3A_134 : f32 to vector<16xf32>
      %swap3A_136 = arith.constant 0 : i32
      %swap3A_137 = arith.index_cast %swap3A_136 : i32 to index
      %swap3A_138 = arith.index_cast %scan3A_97 : i32 to index
      %swap3A_139 = arith.constant 64 : index
      %swap3A_140 = tpu.vector_load %arg9[%swap3A_137, %swap3A_138, %swap3A_139] {strides = array<i32>} : memref<4x80x128xf32, #tpu.memory_space<vmem>>, vector<1x1x16xf32>,
      %swap3A_141 = vector.shape_cast %swap3A_140 : vector<1x1x16xf32> to vector<16xf32>
      %swap3A_142 = vector.shape_cast %broadcast_in_dim3A_135 : vector<16xf32> to vector<1x1x16xf32>
      tpu.vector_store %arg9[%swap3A_137, %swap3A_138, %swap3A_139], %swap3A_142 {strides = array<i32>} : memref<4x80x128xf32, #tpu.memory_space<vmem>>, vector<1x1x16xf32>,
      %broadcast_in_dim3A_143 = arith.constant 0.000000e+00 : f32
      %broadcast_in_dim3A_144 = vector.broadcast %broadcast_in_dim3A_143 : f32 to vector<16xf32>
      %swap3A_145 = arith.constant 0 : i32
      %swap3A_146 = arith.index_cast %swap3A_145 : i32 to index
      %swap3A_147 = arith.index_cast %scan3A_97 : i32 to index
      %swap3A_148 = arith.constant 80 : index
      %swap3A_149 = tpu.vector_load %arg9[%swap3A_146, %swap3A_147, %swap3A_148] {strides = array<i32>} : memref<4x80x128xf32, #tpu.memory_space<vmem>>, vector<1x1x16xf32>,
      %swap3A_150 = vector.shape_cast %swap3A_149 : vector<1x1x16xf32> to vector<16xf32>
      %swap3A_151 = vector.shape_cast %broadcast_in_dim3A_144 : vector<16xf32> to vector<1x1x16xf32>
      tpu.vector_store %arg9[%swap3A_146, %swap3A_147, %swap3A_148], %swap3A_151 {strides = array<i32>} : memref<4x80x128xf32, #tpu.memory_space<vmem>>, vector<1x1x16xf32>,
      %broadcast_in_dim3A_152 = arith.constant 0.000000e+00 : f32
      %broadcast_in_dim3A_153 = vector.broadcast %broadcast_in_dim3A_152 : f32 to vector<16xf32>
      %swap3A_154 = arith.constant 0 : i32
      %swap3A_155 = arith.index_cast %swap3A_154 : i32 to index
      %swap3A_156 = arith.index_cast %scan3A_97 : i32 to index
      %swap3A_157 = arith.constant 96 : index
      %swap3A_158 = tpu.vector_load %arg9[%swap3A_155, %swap3A_156, %swap3A_157] {strides = array<i32>} : memref<4x80x128xf32, #tpu.memory_space<vmem>>, vector<1x1x16xf32>,
      %swap3A_159 = vector.shape_cast %swap3A_158 : vector<1x1x16xf32> to vector<16xf32>
      %swap3A_160 = vector.shape_cast %broadcast_in_dim3A_153 : vector<16xf32> to vector<1x1x16xf32>
      tpu.vector_store %arg9[%swap3A_155, %swap3A_156, %swap3A_157], %swap3A_160 {strides = array<i32>} : memref<4x80x128xf32, #tpu.memory_space<vmem>>, vector<1x1x16xf32>,
      %broadcast_in_dim3A_161 = arith.constant 0.000000e+00 : f32
      %broadcast_in_dim3A_162 = vector.broadcast %broadcast_in_dim3A_161 : f32 to vector<16xf32>
      %swap3A_163 = arith.constant 0 : i32
      %swap3A_164 = arith.index_cast %swap3A_163 : i32 to index
      %swap3A_165 = arith.index_cast %scan3A_97 : i32 to index
      %swap3A_166 = arith.constant 112 : index
      %swap3A_167 = tpu.vector_load %arg9[%swap3A_164, %swap3A_165, %swap3A_166] {strides = array<i32>} : memref<4x80x128xf32, #tpu.memory_space<vmem>>, vector<1x1x16xf32>,
      %swap3A_168 = vector.shape_cast %swap3A_167 : vector<1x1x16xf32> to vector<16xf32>
      %swap3A_169 = vector.shape_cast %broadcast_in_dim3A_162 : vector<16xf32> to vector<1x1x16xf32>
      tpu.vector_store %arg9[%swap3A_164, %swap3A_165, %swap3A_166], %swap3A_169 {strides = array<i32>} : memref<4x80x128xf32, #tpu.memory_space<vmem>>, vector<1x1x16xf32>,
    }
    %scan3A_4 = arith.constant 80 : i32
    %mul3A_5 = arith.constant 8 : i32
    %mul3A_6 = arith.muli %arg1, %mul3A_5 : i32
    %add3A = arith.constant 1 : i32
    %add3A_7 = arith.addi %arg1, %add3A : i32
    %mul3A_8 = arith.constant 8 : i32
    %mul3A_9 = arith.muli %add3A_7, %mul3A_8 : i32
    %min3A = arith.constant 125 : i32
    %min3A_10 = arith.minsi %mul3A_9, %min3A : i32
    %while3A = arith.subi %min3A_10, %mul3A_6 : i32
    %while3A_11 = arith.addi %mul3A_6, %while3A : i32
    %while3A_12 = arith.constant 1 : i32
    %while3A_13 = arith.divsi %while3A, %while3A_12 : i32
    %while3A_14 = arith.muli %while3A_13, %while3A_12 : i32
    %while3A_15 = arith.addi %mul3A_6, %while3A_14 : i32
    %while3A_16 = arith.constant 1 : i32
    scf.for %while3A_97 = %mul3A_6 to %while3A_15 step %while3A_16  : i32 {
      %mul3A_98 = arith.constant 80 : i32
      %mul3A_99 = arith.muli %while3A_97, %mul3A_98 : i32
      %run_scoped3A = arith.constant 0 : i32
      "tpu.region"() ({
        %run_scoped3A_100 = tpu.sem_alloc : memref<!tpu.dma_semaphore, #tpu.memory_space<semaphore_mem>>
        %dma_start3A = arith.constant 0 : i32
        %dma_start3A_101 = arith.constant 0 : i32
        %dma_start3A_102 = tpu.memref_slice %arg9[%run_scoped3A, %dma_start3A, %dma_start3A_101] : memref<4x80x128xf32, #tpu.memory_space<vmem>> -> memref<1x80x128xf32, #tpu.memory_space<vmem>>
        %dma_start3A_103 = tpu.memref_squeeze %dma_start3A_102 : memref<1x80x128xf32, #tpu.memory_space<vmem>> -> memref<80x128xf32, #tpu.memory_space<vmem>>
        %dma_start3A_104 = arith.constant 0 : i32
        %dma_start3A_105 = tpu.memref_slice %arg11[%mul3A_99, %dma_start3A_104] : memref<10000x128xf32, #tpu.memory_space<vmem_shared>> -> memref<80x128xf32, #tpu.memory_space<vmem_shared>>
        %dma_start3A_106 = arith.constant 0 : i32
        %dma_start3A_107 = tpu.memref_slice %arg11[%mul3A_99, %dma_start3A_106] : memref<10000x128xf32, #tpu.memory_space<vmem_shared>> -> memref<80x128xf32, #tpu.memory_space<vmem_shared>>
        %dma_start3A_108 = arith.constant 0 : i32
        %dma_start3A_109 = arith.constant 0 : i32
        %dma_start3A_110 = tpu.memref_slice %arg9[%run_scoped3A, %dma_start3A_108, %dma_start3A_109] : memref<4x80x128xf32, #tpu.memory_space<vmem>> -> memref<1x80x128xf32, #tpu.memory_space<vmem>>
        %dma_start3A_111 = tpu.memref_squeeze %dma_start3A_110 : memref<1x80x128xf32, #tpu.memory_space<vmem>> -> memref<80x128xf32, #tpu.memory_space<vmem>>
        tpu.enqueue_dma source(%dma_start3A_111 : memref<80x128xf32, #tpu.memory_space<vmem>>) target(%dma_start3A_107 : memref<80x128xf32, #tpu.memory_space<vmem_shared>>) target_semaphore(%run_scoped3A_100 : memref<!tpu.dma_semaphore, #tpu.memory_space<semaphore_mem>>)
        %dma_wait3A = arith.constant 0 : i32
        %dma_wait3A_112 = arith.constant 0 : i32
        %dma_wait3A_113 = tpu.memref_slice %arg9[%run_scoped3A, %dma_wait3A, %dma_wait3A_112] : memref<4x80x128xf32, #tpu.memory_space<vmem>> -> memref<1x80x128xf32, #tpu.memory_space<vmem>>
        %dma_wait3A_114 = tpu.memref_squeeze %dma_wait3A_113 : memref<1x80x128xf32, #tpu.memory_space<vmem>> -> memref<80x128xf32, #tpu.memory_space<vmem>>
        %dma_wait3A_115 = arith.constant 0 : i32
        %dma_wait3A_116 = tpu.memref_slice %arg11[%mul3A_99, %dma_wait3A_115] : memref<10000x128xf32, #tpu.memory_space<vmem_shared>> -> memref<80x128xf32, #tpu.memory_space<vmem_shared>>
        %dma_wait3A_117 = arith.constant 0 : i32
        %dma_wait3A_118 = tpu.memref_slice %arg11[%mul3A_99, %dma_wait3A_117] : memref<10000x128xf32, #tpu.memory_space<vmem_shared>> -> memref<80x128xf32, #tpu.memory_space<vmem_shared>>
        %dma_wait3A_119 = arith.constant 0 : i32
        %dma_wait3A_120 = arith.constant 0 : i32
        %dma_wait3A_121 = tpu.memref_slice %arg9[%run_scoped3A, %dma_wait3A_119, %dma_wait3A_120] : memref<4x80x128xf32, #tpu.memory_space<vmem>> -> memref<1x80x128xf32, #tpu.memory_space<vmem>>
        %dma_wait3A_122 = tpu.memref_squeeze %dma_wait3A_121 : memref<1x80x128xf32, #tpu.memory_space<vmem>> -> memref<80x128xf32, #tpu.memory_space<vmem>>
        tpu.wait_dma2 semaphore(%run_scoped3A_100 : memref<!tpu.dma_semaphore, #tpu.memory_space<semaphore_mem>>) src(%dma_wait3A_122 : memref<80x128xf32, #tpu.memory_space<vmem>>) dst(%dma_wait3A_118 : memref<80x128xf32, #tpu.memory_space<vmem_shared>>)
        tpu.yield
      }) : () -> ()
    }
    %while3A_17 = arith.constant 1 : i32
    scf.for %while3A_97 = %while3A_15 to %while3A_11 step %while3A_17  : i32 {
      %mul3A_98 = arith.constant 80 : i32
      %mul3A_99 = arith.muli %while3A_97, %mul3A_98 : i32
      %run_scoped3A = arith.constant 0 : i32
      "tpu.region"() ({
        %run_scoped3A_100 = tpu.sem_alloc : memref<!tpu.dma_semaphore, #tpu.memory_space<semaphore_mem>>
        %dma_start3A = arith.constant 0 : i32
        %dma_start3A_101 = arith.constant 0 : i32
        %dma_start3A_102 = tpu.memref_slice %arg9[%run_scoped3A, %dma_start3A, %dma_start3A_101] : memref<4x80x128xf32, #tpu.memory_space<vmem>> -> memref<1x80x128xf32, #tpu.memory_space<vmem>>
        %dma_start3A_103 = tpu.memref_squeeze %dma_start3A_102 : memref<1x80x128xf32, #tpu.memory_space<vmem>> -> memref<80x128xf32, #tpu.memory_space<vmem>>
        %dma_start3A_104 = arith.constant 0 : i32
        %dma_start3A_105 = tpu.memref_slice %arg11[%mul3A_99, %dma_start3A_104] : memref<10000x128xf32, #tpu.memory_space<vmem_shared>> -> memref<80x128xf32, #tpu.memory_space<vmem_shared>>
        %dma_start3A_106 = arith.constant 0 : i32
        %dma_start3A_107 = tpu.memref_slice %arg11[%mul3A_99, %dma_start3A_106] : memref<10000x128xf32, #tpu.memory_space<vmem_shared>> -> memref<80x128xf32, #tpu.memory_space<vmem_shared>>
        %dma_start3A_108 = arith.constant 0 : i32
        %dma_start3A_109 = arith.constant 0 : i32
        %dma_start3A_110 = tpu.memref_slice %arg9[%run_scoped3A, %dma_start3A_108, %dma_start3A_109] : memref<4x80x128xf32, #tpu.memory_space<vmem>> -> memref<1x80x128xf32, #tpu.memory_space<vmem>>
        %dma_start3A_111 = tpu.memref_squeeze %dma_start3A_110 : memref<1x80x128xf32, #tpu.memory_space<vmem>> -> memref<80x128xf32, #tpu.memory_space<vmem>>
        tpu.enqueue_dma source(%dma_start3A_111 : memref<80x128xf32, #tpu.memory_space<vmem>>) target(%dma_start3A_107 : memref<80x128xf32, #tpu.memory_space<vmem_shared>>) target_semaphore(%run_scoped3A_100 : memref<!tpu.dma_semaphore, #tpu.memory_space<semaphore_mem>>)
        %dma_wait3A = arith.constant 0 : i32
        %dma_wait3A_112 = arith.constant 0 : i32
        %dma_wait3A_113 = tpu.memref_slice %arg9[%run_scoped3A, %dma_wait3A, %dma_wait3A_112] : memref<4x80x128xf32, #tpu.memory_space<vmem>> -> memref<1x80x128xf32, #tpu.memory_space<vmem>>
        %dma_wait3A_114 = tpu.memref_squeeze %dma_wait3A_113 : memref<1x80x128xf32, #tpu.memory_space<vmem>> -> memref<80x128xf32, #tpu.memory_space<vmem>>
        %dma_wait3A_115 = arith.constant 0 : i32
        %dma_wait3A_116 = tpu.memref_slice %arg11[%mul3A_99, %dma_wait3A_115] : memref<10000x128xf32, #tpu.memory_space<vmem_shared>> -> memref<80x128xf32, #tpu.memory_space<vmem_shared>>
        %dma_wait3A_117 = arith.constant 0 : i32
        %dma_wait3A_118 = tpu.memref_slice %arg11[%mul3A_99, %dma_wait3A_117] : memref<10000x128xf32, #tpu.memory_space<vmem_shared>> -> memref<80x128xf32, #tpu.memory_space<vmem_shared>>
        %dma_wait3A_119 = arith.constant 0 : i32
        %dma_wait3A_120 = arith.constant 0 : i32
        %dma_wait3A_121 = tpu.memref_slice %arg9[%run_scoped3A, %dma_wait3A_119, %dma_wait3A_120] : memref<4x80x128xf32, #tpu.memory_space<vmem>> -> memref<1x80x128xf32, #tpu.memory_space<vmem>>
        %dma_wait3A_122 = tpu.memref_squeeze %dma_wait3A_121 : memref<1x80x128xf32, #tpu.memory_space<vmem>> -> memref<80x128xf32, #tpu.memory_space<vmem>>
        tpu.wait_dma2 semaphore(%run_scoped3A_100 : memref<!tpu.dma_semaphore, #tpu.memory_space<semaphore_mem>>) src(%dma_wait3A_122 : memref<80x128xf32, #tpu.memory_space<vmem>>) dst(%dma_wait3A_118 : memref<80x128xf32, #tpu.memory_space<vmem_shared>>)
        tpu.yield
      }) : () -> ()
    }
    %broadcast_in_dim3A = arith.constant 0.000000e+00 : f32
    %broadcast_in_dim3A_18 = vector.broadcast %broadcast_in_dim3A : f32 to vector<16xf32>
    %swap3A = arith.constant 0 : index
    %swap3A_19 = tpu.vector_load %arg10[%swap3A] {strides = array<i32>} : memref<80xf32, #tpu.memory_space<vmem>>, vector<16xf32>,
    %swap3A_20 = vector.shape_cast %swap3A_19 : vector<16xf32> to vector<16xf32>
    %swap3A_21 = vector.shape_cast %broadcast_in_dim3A_18 : vector<16xf32> to vector<16xf32>
    tpu.vector_store %arg10[%swap3A], %swap3A_21 {strides = array<i32>} : memref<80xf32, #tpu.memory_space<vmem>>, vector<16xf32>,
    %broadcast_in_dim3A_22 = arith.constant 0.000000e+00 : f32
    %broadcast_in_dim3A_23 = vector.broadcast %broadcast_in_dim3A_22 : f32 to vector<16xf32>
    %swap3A_24 = arith.constant 16 : index
    %swap3A_25 = tpu.vector_load %arg10[%swap3A_24] {strides = array<i32>} : memref<80xf32, #tpu.memory_space<vmem>>, vector<16xf32>,
    %swap3A_26 = vector.shape_cast %swap3A_25 : vector<16xf32> to vector<16xf32>
    %swap3A_27 = vector.shape_cast %broadcast_in_dim3A_23 : vector<16xf32> to vector<16xf32>
    tpu.vector_store %arg10[%swap3A_24], %swap3A_27 {strides = array<i32>} : memref<80xf32, #tpu.memory_space<vmem>>, vector<16xf32>,
    %broadcast_in_dim3A_28 = arith.constant 0.000000e+00 : f32
    %broadcast_in_dim3A_29 = vector.broadcast %broadcast_in_dim3A_28 : f32 to vector<16xf32>
    %swap3A_30 = arith.constant 32 : index
    %swap3A_31 = tpu.vector_load %arg10[%swap3A_30] {strides = array<i32>} : memref<80xf32, #tpu.memory_space<vmem>>, vector<16xf32>,
    %swap3A_32 = vector.shape_cast %swap3A_31 : vector<16xf32> to vector<16xf32>
    %swap3A_33 = vector.shape_cast %broadcast_in_dim3A_29 : vector<16xf32> to vector<16xf32>
    tpu.vector_store %arg10[%swap3A_30], %swap3A_33 {strides = array<i32>} : memref<80xf32, #tpu.memory_space<vmem>>, vector<16xf32>,
    %broadcast_in_dim3A_34 = arith.constant 0.000000e+00 : f32
    %broadcast_in_dim3A_35 = vector.broadcast %broadcast_in_dim3A_34 : f32 to vector<16xf32>
    %swap3A_36 = arith.constant 48 : index
    %swap3A_37 = tpu.vector_load %arg10[%swap3A_36] {strides = array<i32>} : memref<80xf32, #tpu.memory_space<vmem>>, vector<16xf32>,
    %swap3A_38 = vector.shape_cast %swap3A_37 : vector<16xf32> to vector<16xf32>
    %swap3A_39 = vector.shape_cast %broadcast_in_dim3A_35 : vector<16xf32> to vector<16xf32>
    tpu.vector_store %arg10[%swap3A_36], %swap3A_39 {strides = array<i32>} : memref<80xf32, #tpu.memory_space<vmem>>, vector<16xf32>,
    %broadcast_in_dim3A_40 = arith.constant 0.000000e+00 : f32
    %broadcast_in_dim3A_41 = vector.broadcast %broadcast_in_dim3A_40 : f32 to vector<16xf32>
    %swap3A_42 = arith.constant 64 : index
    %swap3A_43 = tpu.vector_load %arg10[%swap3A_42] {strides = array<i32>} : memref<80xf32, #tpu.memory_space<vmem>>, vector<16xf32>,
    %swap3A_44 = vector.shape_cast %swap3A_43 : vector<16xf32> to vector<16xf32>
    %swap3A_45 = vector.shape_cast %broadcast_in_dim3A_41 : vector<16xf32> to vector<16xf32>
    tpu.vector_store %arg10[%swap3A_42], %swap3A_45 {strides = array<i32>} : memref<80xf32, #tpu.memory_space<vmem>>, vector<16xf32>,
    %eq3A = arith.constant 0 : i32
    %eq3A_46 = arith.cmpi eq, %arg0, %eq3A : i32
    %convert_element_type3A = arith.extui %eq3A_46 : i1 to i32
    %cond3A = arith.constant 0 : i32
    %cond3A_47 = arith.cmpi ne, %convert_element_type3A, %cond3A : i32
    scf.if %cond3A_47 {
      %mul3A_97 = arith.constant 8 : i32
      %mul3A_98 = arith.muli %arg1, %mul3A_97 : i32
      %add3A_99 = arith.constant 1 : i32
      %add3A_100 = arith.addi %arg1, %add3A_99 : i32
      %mul3A_101 = arith.constant 8 : i32
      %mul3A_102 = arith.muli %add3A_100, %mul3A_101 : i32
      %min3A_103 = arith.constant 125 : i32
      %min3A_104 = arith.minsi %mul3A_102, %min3A_103 : i32
      %while3A_105 = arith.subi %min3A_104, %mul3A_98 : i32
      %while3A_106 = arith.addi %mul3A_98, %while3A_105 : i32
      %while3A_107 = arith.constant 1 : i32
      %while3A_108 = arith.divsi %while3A_105, %while3A_107 : i32
      %while3A_109 = arith.muli %while3A_108, %while3A_107 : i32
      %while3A_110 = arith.addi %mul3A_98, %while3A_109 : i32
      %while3A_111 = arith.constant 1 : i32
      scf.for %while3A_113 = %mul3A_98 to %while3A_110 step %while3A_111  : i32 {
        %mul3A_114 = arith.constant 80 : i32
        %mul3A_115 = arith.muli %while3A_113, %mul3A_114 : i32
        "tpu.region"() ({
          %run_scoped3A = tpu.sem_alloc : memref<!tpu.dma_semaphore, #tpu.memory_space<semaphore_mem>>
          %dma_start3A = tpu.memref_slice %arg12[%mul3A_115] : memref<10000xf32, #tpu.memory_space<vmem_shared>> -> memref<80xf32, #tpu.memory_space<vmem_shared>>
          %dma_start3A_116 = tpu.memref_slice %arg12[%mul3A_115] : memref<10000xf32, #tpu.memory_space<vmem_shared>> -> memref<80xf32, #tpu.memory_space<vmem_shared>>
          tpu.enqueue_dma source(%arg10 : memref<80xf32, #tpu.memory_space<vmem>>) target(%dma_start3A_116 : memref<80xf32, #tpu.memory_space<vmem_shared>>) target_semaphore(%run_scoped3A : memref<!tpu.dma_semaphore, #tpu.memory_space<semaphore_mem>>)
          %dma_wait3A = tpu.memref_slice %arg12[%mul3A_115] : memref<10000xf32, #tpu.memory_space<vmem_shared>> -> memref<80xf32, #tpu.memory_space<vmem_shared>>
          %dma_wait3A_117 = tpu.memref_slice %arg12[%mul3A_115] : memref<10000xf32, #tpu.memory_space<vmem_shared>> -> memref<80xf32, #tpu.memory_space<vmem_shared>>
          tpu.wait_dma2 semaphore(%run_scoped3A : memref<!tpu.dma_semaphore, #tpu.memory_space<semaphore_mem>>) src(%arg10 : memref<80xf32, #tpu.memory_space<vmem>>) dst(%dma_wait3A_117 : memref<80xf32, #tpu.memory_space<vmem_shared>>)
          tpu.yield
        }) : () -> ()
      }
      %while3A_112 = arith.constant 1 : i32
      scf.for %while3A_113 = %while3A_110 to %while3A_106 step %while3A_112  : i32 {
        %mul3A_114 = arith.constant 80 : i32
        %mul3A_115 = arith.muli %while3A_113, %mul3A_114 : i32
        "tpu.region"() ({
          %run_scoped3A = tpu.sem_alloc : memref<!tpu.dma_semaphore, #tpu.memory_space<semaphore_mem>>
          %dma_start3A = tpu.memref_slice %arg12[%mul3A_115] : memref<10000xf32, #tpu.memory_space<vmem_shared>> -> memref<80xf32, #tpu.memory_space<vmem_shared>>
          %dma_start3A_116 = tpu.memref_slice %arg12[%mul3A_115] : memref<10000xf32, #tpu.memory_space<vmem_shared>> -> memref<80xf32, #tpu.memory_space<vmem_shared>>
          tpu.enqueue_dma source(%arg10 : memref<80xf32, #tpu.memory_space<vmem>>) target(%dma_start3A_116 : memref<80xf32, #tpu.memory_space<vmem_shared>>) target_semaphore(%run_scoped3A : memref<!tpu.dma_semaphore, #tpu.memory_space<semaphore_mem>>)
          %dma_wait3A = tpu.memref_slice %arg12[%mul3A_115] : memref<10000xf32, #tpu.memory_space<vmem_shared>> -> memref<80xf32, #tpu.memory_space<vmem_shared>>
          %dma_wait3A_117 = tpu.memref_slice %arg12[%mul3A_115] : memref<10000xf32, #tpu.memory_space<vmem_shared>> -> memref<80xf32, #tpu.memory_space<vmem_shared>>
          tpu.wait_dma2 semaphore(%run_scoped3A : memref<!tpu.dma_semaphore, #tpu.memory_space<semaphore_mem>>) src(%arg10 : memref<80xf32, #tpu.memory_space<vmem>>) dst(%dma_wait3A_117 : memref<80xf32, #tpu.memory_space<vmem_shared>>)
          tpu.yield
        }) : () -> ()
      }
    } else {
    }
    %barrier3A = arith.constant 0 : index
    tpu.barrier barrier_id(%barrier3A)
    %broadcast_in_dim3A_48 = arith.constant 1.000000e+00 : f32
    %broadcast_in_dim3A_49 = vector.broadcast %broadcast_in_dim3A_48 : f32 to vector<16xf32>
    %swap3A_50 = arith.constant 0 : index
    %swap3A_51 = tpu.vector_load %arg10[%swap3A_50] {strides = array<i32>} : memref<80xf32, #tpu.memory_space<vmem>>, vector<16xf32>,
    %swap3A_52 = vector.shape_cast %swap3A_51 : vector<16xf32> to vector<16xf32>
    %swap3A_53 = vector.shape_cast %broadcast_in_dim3A_49 : vector<16xf32> to vector<16xf32>
    tpu.vector_store %arg10[%swap3A_50], %swap3A_53 {strides = array<i32>} : memref<80xf32, #tpu.memory_space<vmem>>, vector<16xf32>,
    %broadcast_in_dim3A_54 = arith.constant 1.000000e+00 : f32
    %broadcast_in_dim3A_55 = vector.broadcast %broadcast_in_dim3A_54 : f32 to vector<16xf32>
    %swap3A_56 = arith.constant 16 : index
    %swap3A_57 = tpu.vector_load %arg10[%swap3A_56] {strides = array<i32>} : memref<80xf32, #tpu.memory_space<vmem>>, vector<16xf32>,
    %swap3A_58 = vector.shape_cast %swap3A_57 : vector<16xf32> to vector<16xf32>
    %swap3A_59 = vector.shape_cast %broadcast_in_dim3A_55 : vector<16xf32> to vector<16xf32>
    tpu.vector_store %arg10[%swap3A_56], %swap3A_59 {strides = array<i32>} : memref<80xf32, #tpu.memory_space<vmem>>, vector<16xf32>,
    %broadcast_in_dim3A_60 = arith.constant 1.000000e+00 : f32
    %broadcast_in_dim3A_61 = vector.broadcast %broadcast_in_dim3A_60 : f32 to vector<16xf32>
    %swap3A_62 = arith.constant 32 : index
    %swap3A_63 = tpu.vector_load %arg10[%swap3A_62] {strides = array<i32>} : memref<80xf32, #tpu.memory_space<vmem>>, vector<16xf32>,
    %swap3A_64 = vector.shape_cast %swap3A_63 : vector<16xf32> to vector<16xf32>
    %swap3A_65 = vector.shape_cast %broadcast_in_dim3A_61 : vector<16xf32> to vector<16xf32>
    tpu.vector_store %arg10[%swap3A_62], %swap3A_65 {strides = array<i32>} : memref<80xf32, #tpu.memory_space<vmem>>, vector<16xf32>,
    %broadcast_in_dim3A_66 = arith.constant 1.000000e+00 : f32
    %broadcast_in_dim3A_67 = vector.broadcast %broadcast_in_dim3A_66 : f32 to vector<16xf32>
    %swap3A_68 = arith.constant 48 : index
    %swap3A_69 = tpu.vector_load %arg10[%swap3A_68] {strides = array<i32>} : memref<80xf32, #tpu.memory_space<vmem>>, vector<16xf32>,
    %swap3A_70 = vector.shape_cast %swap3A_69 : vector<16xf32> to vector<16xf32>
    %swap3A_71 = vector.shape_cast %broadcast_in_dim3A_67 : vector<16xf32> to vector<16xf32>
    tpu.vector_store %arg10[%swap3A_68], %swap3A_71 {strides = array<i32>} : memref<80xf32, #tpu.memory_space<vmem>>, vector<16xf32>,
    %broadcast_in_dim3A_72 = arith.constant 1.000000e+00 : f32
    %broadcast_in_dim3A_73 = vector.broadcast %broadcast_in_dim3A_72 : f32 to vector<16xf32>
    %swap3A_74 = arith.constant 64 : index
    %swap3A_75 = tpu.vector_load %arg10[%swap3A_74] {strides = array<i32>} : memref<80xf32, #tpu.memory_space<vmem>>, vector<16xf32>,
    %swap3A_76 = vector.shape_cast %swap3A_75 : vector<16xf32> to vector<16xf32>
    %swap3A_77 = vector.shape_cast %broadcast_in_dim3A_73 : vector<16xf32> to vector<16xf32>
    tpu.vector_store %arg10[%swap3A_74], %swap3A_77 {strides = array<i32>} : memref<80xf32, #tpu.memory_space<vmem>>, vector<16xf32>,
    %scan3A_78 = arith.constant 0 : i32
    %scan3A_79 = arith.constant 5 : i32
    %scan3A_80 = arith.addi %scan3A_78, %scan3A_79 : i32
    %scan3A_81 = arith.constant 1 : i32
    scf.for %scan3A_97 = %scan3A_78 to %scan3A_80 step %scan3A_81  : i32 {
      "tpu.region"() ({
        %run_scoped3A_260 = tpu.sem_alloc : memref<!tpu.dma_semaphore, #tpu.memory_space<semaphore_mem>>
        %dma_start3A_261 = arith.constant 0 : i32
        %dma_start3A_262 = arith.constant 0 : i32
        %dma_start3A_263 = tpu.memref_slice %arg3[%arg1, %scan3A_97, %dma_start3A_261, %dma_start3A_262] : memref<16x5x25x80xi32, #tpu.memory_space<hbm>> -> memref<1x1x25x80xi32, #tpu.memory_space<hbm>>
        %dma_start3A_264 = tpu.memref_squeeze %dma_start3A_263 : memref<1x1x25x80xi32, #tpu.memory_space<hbm>> -> memref<25x80xi32, #tpu.memory_space<hbm>>
        %dma_start3A_265 = arith.constant 0 : i32
        %dma_start3A_266 = arith.constant 0 : i32
        %dma_start3A_267 = tpu.memref_slice %arg3[%arg1, %scan3A_97, %dma_start3A_265, %dma_start3A_266] : memref<16x5x25x80xi32, #tpu.memory_space<hbm>> -> memref<1x1x25x80xi32, #tpu.memory_space<hbm>>
        %dma_start3A_268 = tpu.memref_squeeze %dma_start3A_267 : memref<1x1x25x80xi32, #tpu.memory_space<hbm>> -> memref<25x80xi32, #tpu.memory_space<hbm>>
        tpu.enqueue_dma source(%dma_start3A_268 : memref<25x80xi32, #tpu.memory_space<hbm>>) target(%arg7 : memref<25x80xi32, #tpu.memory_space<vmem>>) target_semaphore(%run_scoped3A_260 : memref<!tpu.dma_semaphore, #tpu.memory_space<semaphore_mem>>)
        %dma_wait3A_269 = arith.constant 0 : i32
        %dma_wait3A_270 = arith.constant 0 : i32
        %dma_wait3A_271 = tpu.memref_slice %arg3[%arg1, %scan3A_97, %dma_wait3A_269, %dma_wait3A_270] : memref<16x5x25x80xi32, #tpu.memory_space<hbm>> -> memref<1x1x25x80xi32, #tpu.memory_space<hbm>>
        %dma_wait3A_272 = tpu.memref_squeeze %dma_wait3A_271 : memref<1x1x25x80xi32, #tpu.memory_space<hbm>> -> memref<25x80xi32, #tpu.memory_space<hbm>>
        %dma_wait3A_273 = arith.constant 0 : i32
        %dma_wait3A_274 = arith.constant 0 : i32
        %dma_wait3A_275 = tpu.memref_slice %arg3[%arg1, %scan3A_97, %dma_wait3A_273, %dma_wait3A_274] : memref<16x5x25x80xi32, #tpu.memory_space<hbm>> -> memref<1x1x25x80xi32, #tpu.memory_space<hbm>>
        %dma_wait3A_276 = tpu.memref_squeeze %dma_wait3A_275 : memref<1x1x25x80xi32, #tpu.memory_space<hbm>> -> memref<25x80xi32, #tpu.memory_space<hbm>>
        tpu.wait_dma2 semaphore(%run_scoped3A_260 : memref<!tpu.dma_semaphore, #tpu.memory_space<semaphore_mem>>) src(%dma_wait3A_276 : memref<25x80xi32, #tpu.memory_space<hbm>>) dst(%arg7 : memref<25x80xi32, #tpu.memory_space<vmem>>)
        tpu.yield
      }) : () -> ()
      "tpu.region"() ({
        %run_scoped3A_260 = tpu.sem_alloc : memref<!tpu.dma_semaphore, #tpu.memory_space<semaphore_mem>>
        %dma_start3A_261 = arith.constant 0 : i32
        %dma_start3A_262 = arith.constant 0 : i32
        %dma_start3A_263 = tpu.memref_slice %arg4[%arg1, %scan3A_97, %dma_start3A_261, %dma_start3A_262] : memref<16x5x25x80xi32, #tpu.memory_space<hbm>> -> memref<1x1x25x80xi32, #tpu.memory_space<hbm>>
        %dma_start3A_264 = tpu.memref_squeeze %dma_start3A_263 : memref<1x1x25x80xi32, #tpu.memory_space<hbm>> -> memref<25x80xi32, #tpu.memory_space<hbm>>
        %dma_start3A_265 = arith.constant 0 : i32
        %dma_start3A_266 = arith.constant 0 : i32
        %dma_start3A_267 = tpu.memref_slice %arg4[%arg1, %scan3A_97, %dma_start3A_265, %dma_start3A_266] : memref<16x5x25x80xi32, #tpu.memory_space<hbm>> -> memref<1x1x25x80xi32, #tpu.memory_space<hbm>>
        %dma_start3A_268 = tpu.memref_squeeze %dma_start3A_267 : memref<1x1x25x80xi32, #tpu.memory_space<hbm>> -> memref<25x80xi32, #tpu.memory_space<hbm>>
        tpu.enqueue_dma source(%dma_start3A_268 : memref<25x80xi32, #tpu.memory_space<hbm>>) target(%arg8 : memref<25x80xi32, #tpu.memory_space<vmem>>) target_semaphore(%run_scoped3A_260 : memref<!tpu.dma_semaphore, #tpu.memory_space<semaphore_mem>>)
        %dma_wait3A_269 = arith.constant 0 : i32
        %dma_wait3A_270 = arith.constant 0 : i32
        %dma_wait3A_271 = tpu.memref_slice %arg4[%arg1, %scan3A_97, %dma_wait3A_269, %dma_wait3A_270] : memref<16x5x25x80xi32, #tpu.memory_space<hbm>> -> memref<1x1x25x80xi32, #tpu.memory_space<hbm>>
        %dma_wait3A_272 = tpu.memref_squeeze %dma_wait3A_271 : memref<1x1x25x80xi32, #tpu.memory_space<hbm>> -> memref<25x80xi32, #tpu.memory_space<hbm>>
        %dma_wait3A_273 = arith.constant 0 : i32
        %dma_wait3A_274 = arith.constant 0 : i32
        %dma_wait3A_275 = tpu.memref_slice %arg4[%arg1, %scan3A_97, %dma_wait3A_273, %dma_wait3A_274] : memref<16x5x25x80xi32, #tpu.memory_space<hbm>> -> memref<1x1x25x80xi32, #tpu.memory_space<hbm>>
        %dma_wait3A_276 = tpu.memref_squeeze %dma_wait3A_275 : memref<1x1x25x80xi32, #tpu.memory_space<hbm>> -> memref<25x80xi32, #tpu.memory_space<hbm>>
        tpu.wait_dma2 semaphore(%run_scoped3A_260 : memref<!tpu.dma_semaphore, #tpu.memory_space<semaphore_mem>>) src(%dma_wait3A_276 : memref<25x80xi32, #tpu.memory_space<hbm>>) dst(%arg8 : memref<25x80xi32, #tpu.memory_space<vmem>>)
        tpu.yield
      }) : () -> ()
      %scan3A_98 = arith.constant 0 : i32
      %scan3A_99 = arith.constant 25 : i32
      %scan3A_100 = arith.addi %scan3A_98, %scan3A_99 : i32
      %scan3A_101 = arith.constant 1 : i32
      scf.for %scan3A_260 = %scan3A_98 to %scan3A_100 step %scan3A_101  : i32 {
        %get3A = arith.index_cast %scan3A_260 : i32 to index
        %get3A_261 = arith.constant 0 : index
        %get3A_262 = tpu.vector_load %arg7[%get3A, %get3A_261] {strides = array<i32>} : memref<25x80xi32, #tpu.memory_space<vmem>>, vector<1x16xi32>,
        %get3A_263 = vector.shape_cast %get3A_262 : vector<1x16xi32> to vector<16xi32>
        %mul3A_264 = arith.constant 2 : i32
        %mul3A_265 = vector.broadcast %mul3A_264 : i32 to vector<16xi32>
        %mul3A_266 = arith.muli %get3A_263, %mul3A_265 : vector<16xi32>
        %add3A_267 = vector.broadcast %mul3A_0 : i32 to vector<16xi32>
        %add3A_268 = arith.addi %mul3A_266, %add3A_267 : vector<16xi32>
        %swap3A_269 = arith.index_cast %scan3A_260 : i32 to index
        %swap3A_270 = arith.constant 0 : index
        %swap3A_271 = tpu.vector_load %arg7[%swap3A_269, %swap3A_270] {strides = array<i32>} : memref<25x80xi32, #tpu.memory_space<vmem>>, vector<1x16xi32>,
        %swap3A_272 = vector.shape_cast %swap3A_271 : vector<1x16xi32> to vector<16xi32>
        %swap3A_273 = vector.shape_cast %add3A_268 : vector<16xi32> to vector<1x16xi32>
        tpu.vector_store %arg7[%swap3A_269, %swap3A_270], %swap3A_273 {strides = array<i32>} : memref<25x80xi32, #tpu.memory_space<vmem>>, vector<1x16xi32>,
        %get3A_274 = arith.index_cast %scan3A_260 : i32 to index
        %get3A_275 = arith.constant 16 : index
        %get3A_276 = tpu.vector_load %arg7[%get3A_274, %get3A_275] {strides = array<i32>} : memref<25x80xi32, #tpu.memory_space<vmem>>, vector<1x16xi32>,
        %get3A_277 = vector.shape_cast %get3A_276 : vector<1x16xi32> to vector<16xi32>
        %mul3A_278 = arith.constant 2 : i32
        %mul3A_279 = vector.broadcast %mul3A_278 : i32 to vector<16xi32>
        %mul3A_280 = arith.muli %get3A_277, %mul3A_279 : vector<16xi32>
        %add3A_281 = vector.broadcast %mul3A_0 : i32 to vector<16xi32>
        %add3A_282 = arith.addi %mul3A_280, %add3A_281 : vector<16xi32>
        %swap3A_283 = arith.index_cast %scan3A_260 : i32 to index
        %swap3A_284 = arith.constant 16 : index
        %swap3A_285 = tpu.vector_load %arg7[%swap3A_283, %swap3A_284] {strides = array<i32>} : memref<25x80xi32, #tpu.memory_space<vmem>>, vector<1x16xi32>,
        %swap3A_286 = vector.shape_cast %swap3A_285 : vector<1x16xi32> to vector<16xi32>
        %swap3A_287 = vector.shape_cast %add3A_282 : vector<16xi32> to vector<1x16xi32>
        tpu.vector_store %arg7[%swap3A_283, %swap3A_284], %swap3A_287 {strides = array<i32>} : memref<25x80xi32, #tpu.memory_space<vmem>>, vector<1x16xi32>,
        %get3A_288 = arith.index_cast %scan3A_260 : i32 to index
        %get3A_289 = arith.constant 32 : index
        %get3A_290 = tpu.vector_load %arg7[%get3A_288, %get3A_289] {strides = array<i32>} : memref<25x80xi32, #tpu.memory_space<vmem>>, vector<1x16xi32>,
        %get3A_291 = vector.shape_cast %get3A_290 : vector<1x16xi32> to vector<16xi32>
        %mul3A_292 = arith.constant 2 : i32
        %mul3A_293 = vector.broadcast %mul3A_292 : i32 to vector<16xi32>
        %mul3A_294 = arith.muli %get3A_291, %mul3A_293 : vector<16xi32>
        %add3A_295 = vector.broadcast %mul3A_0 : i32 to vector<16xi32>
        %add3A_296 = arith.addi %mul3A_294, %add3A_295 : vector<16xi32>
        %swap3A_297 = arith.index_cast %scan3A_260 : i32 to index
        %swap3A_298 = arith.constant 32 : index
        %swap3A_299 = tpu.vector_load %arg7[%swap3A_297, %swap3A_298] {strides = array<i32>} : memref<25x80xi32, #tpu.memory_space<vmem>>, vector<1x16xi32>,
        %swap3A_300 = vector.shape_cast %swap3A_299 : vector<1x16xi32> to vector<16xi32>
        %swap3A_301 = vector.shape_cast %add3A_296 : vector<16xi32> to vector<1x16xi32>
        tpu.vector_store %arg7[%swap3A_297, %swap3A_298], %swap3A_301 {strides = array<i32>} : memref<25x80xi32, #tpu.memory_space<vmem>>, vector<1x16xi32>,
        %get3A_302 = arith.index_cast %scan3A_260 : i32 to index
        %get3A_303 = arith.constant 48 : index
        %get3A_304 = tpu.vector_load %arg7[%get3A_302, %get3A_303] {strides = array<i32>} : memref<25x80xi32, #tpu.memory_space<vmem>>, vector<1x16xi32>,
        %get3A_305 = vector.shape_cast %get3A_304 : vector<1x16xi32> to vector<16xi32>
        %mul3A_306 = arith.constant 2 : i32
        %mul3A_307 = vector.broadcast %mul3A_306 : i32 to vector<16xi32>
        %mul3A_308 = arith.muli %get3A_305, %mul3A_307 : vector<16xi32>
        %add3A_309 = vector.broadcast %mul3A_0 : i32 to vector<16xi32>
        %add3A_310 = arith.addi %mul3A_308, %add3A_309 : vector<16xi32>
        %swap3A_311 = arith.index_cast %scan3A_260 : i32 to index
        %swap3A_312 = arith.constant 48 : index
        %swap3A_313 = tpu.vector_load %arg7[%swap3A_311, %swap3A_312] {strides = array<i32>} : memref<25x80xi32, #tpu.memory_space<vmem>>, vector<1x16xi32>,
        %swap3A_314 = vector.shape_cast %swap3A_313 : vector<1x16xi32> to vector<16xi32>
        %swap3A_315 = vector.shape_cast %add3A_310 : vector<16xi32> to vector<1x16xi32>
        tpu.vector_store %arg7[%swap3A_311, %swap3A_312], %swap3A_315 {strides = array<i32>} : memref<25x80xi32, #tpu.memory_space<vmem>>, vector<1x16xi32>,
        %get3A_316 = arith.index_cast %scan3A_260 : i32 to index
        %get3A_317 = arith.constant 64 : index
        %get3A_318 = tpu.vector_load %arg7[%get3A_316, %get3A_317] {strides = array<i32>} : memref<25x80xi32, #tpu.memory_space<vmem>>, vector<1x16xi32>,
        %get3A_319 = vector.shape_cast %get3A_318 : vector<1x16xi32> to vector<16xi32>
        %mul3A_320 = arith.constant 2 : i32
        %mul3A_321 = vector.broadcast %mul3A_320 : i32 to vector<16xi32>
        %mul3A_322 = arith.muli %get3A_319, %mul3A_321 : vector<16xi32>
        %add3A_323 = vector.broadcast %mul3A_0 : i32 to vector<16xi32>
        %add3A_324 = arith.addi %mul3A_322, %add3A_323 : vector<16xi32>
        %swap3A_325 = arith.index_cast %scan3A_260 : i32 to index
        %swap3A_326 = arith.constant 64 : index
        %swap3A_327 = tpu.vector_load %arg7[%swap3A_325, %swap3A_326] {strides = array<i32>} : memref<25x80xi32, #tpu.memory_space<vmem>>, vector<1x16xi32>,
        %swap3A_328 = vector.shape_cast %swap3A_327 : vector<1x16xi32> to vector<16xi32>
        %swap3A_329 = vector.shape_cast %add3A_324 : vector<16xi32> to vector<1x16xi32>
        tpu.vector_store %arg7[%swap3A_325, %swap3A_326], %swap3A_329 {strides = array<i32>} : memref<25x80xi32, #tpu.memory_space<vmem>>, vector<1x16xi32>,
      }
      %scan3A_102 = arith.constant 25 : i32
      %dma_start3A = arith.constant 0 : i32
      %dma_start3A_103 = arith.constant 0 : i32
      %dma_start3A_104 = arith.constant 0 : i32
      %dma_start3A_105 = arith.constant 0 : i32
      %dma_start3A_106 = tpu.memref_slice %arg9[%dma_start3A_103, %dma_start3A_104, %dma_start3A_105] : memref<4x80x128xf32, #tpu.memory_space<vmem>> -> memref<1x80x128xf32, #tpu.memory_space<vmem>>
      %dma_start3A_107 = tpu.memref_squeeze %dma_start3A_106 : memref<1x80x128xf32, #tpu.memory_space<vmem>> -> memref<80x128xf32, #tpu.memory_space<vmem>>
      %dma_start3A_108 = arith.constant 0 : i32
      %dma_start3A_109 = tpu.memref_slice %arg7[%dma_start3A, %dma_start3A_108] : memref<25x80xi32, #tpu.memory_space<vmem>> -> memref<1x80xi32, #tpu.memory_space<vmem>>
      %dma_start3A_110 = tpu.memref_squeeze %dma_start3A_109 : memref<1x80xi32, #tpu.memory_space<vmem>> -> memref<80xi32, #tpu.memory_space<vmem>>
      %dma_start3A_111 = arith.constant 0 : i32
      %dma_start3A_112 = arith.constant 0 : i32
      %dma_start3A_113 = tpu.memref_slice %arg2[%dma_start3A_111, %dma_start3A_112] : memref<20000x128xf32, #tpu.memory_space<hbm>> -> memref<20000x128xf32, #tpu.memory_space<hbm>>
      tpu.enqueue_indirect_dma source(%dma_start3A_113 : memref<20000x128xf32, #tpu.memory_space<hbm>>) target(%dma_start3A_107 : memref<80x128xf32, #tpu.memory_space<vmem>>) offsets(%dma_start3A_110 : memref<80xi32, #tpu.memory_space<vmem>>) semaphore(%arg13 : memref<!tpu.dma_semaphore, #tpu.memory_space<semaphore_mem>>)
      %dma_start3A_114 = arith.constant 1 : i32
      %dma_start3A_115 = arith.constant 1 : i32
      %dma_start3A_116 = arith.constant 0 : i32
      %dma_start3A_117 = arith.constant 0 : i32
      %dma_start3A_118 = tpu.memref_slice %arg9[%dma_start3A_115, %dma_start3A_116, %dma_start3A_117] : memref<4x80x128xf32, #tpu.memory_space<vmem>> -> memref<1x80x128xf32, #tpu.memory_space<vmem>>
      %dma_start3A_119 = tpu.memref_squeeze %dma_start3A_118 : memref<1x80x128xf32, #tpu.memory_space<vmem>> -> memref<80x128xf32, #tpu.memory_space<vmem>>
      %dma_start3A_120 = arith.constant 0 : i32
      %dma_start3A_121 = tpu.memref_slice %arg7[%dma_start3A_114, %dma_start3A_120] : memref<25x80xi32, #tpu.memory_space<vmem>> -> memref<1x80xi32, #tpu.memory_space<vmem>>
      %dma_start3A_122 = tpu.memref_squeeze %dma_start3A_121 : memref<1x80xi32, #tpu.memory_space<vmem>> -> memref<80xi32, #tpu.memory_space<vmem>>
      %dma_start3A_123 = arith.constant 0 : i32
      %dma_start3A_124 = arith.constant 0 : i32
      %dma_start3A_125 = tpu.memref_slice %arg2[%dma_start3A_123, %dma_start3A_124] : memref<20000x128xf32, #tpu.memory_space<hbm>> -> memref<20000x128xf32, #tpu.memory_space<hbm>>
      tpu.enqueue_indirect_dma source(%dma_start3A_125 : memref<20000x128xf32, #tpu.memory_space<hbm>>) target(%dma_start3A_119 : memref<80x128xf32, #tpu.memory_space<vmem>>) offsets(%dma_start3A_122 : memref<80xi32, #tpu.memory_space<vmem>>) semaphore(%arg14 : memref<!tpu.dma_semaphore, #tpu.memory_space<semaphore_mem>>)
      %dma_start3A_126 = arith.constant 2 : i32
      %dma_start3A_127 = arith.constant 2 : i32
      %dma_start3A_128 = arith.constant 0 : i32
      %dma_start3A_129 = arith.constant 0 : i32
      %dma_start3A_130 = tpu.memref_slice %arg9[%dma_start3A_127, %dma_start3A_128, %dma_start3A_129] : memref<4x80x128xf32, #tpu.memory_space<vmem>> -> memref<1x80x128xf32, #tpu.memory_space<vmem>>
      %dma_start3A_131 = tpu.memref_squeeze %dma_start3A_130 : memref<1x80x128xf32, #tpu.memory_space<vmem>> -> memref<80x128xf32, #tpu.memory_space<vmem>>
      %dma_start3A_132 = arith.constant 0 : i32
      %dma_start3A_133 = tpu.memref_slice %arg7[%dma_start3A_126, %dma_start3A_132] : memref<25x80xi32, #tpu.memory_space<vmem>> -> memref<1x80xi32, #tpu.memory_space<vmem>>
      %dma_start3A_134 = tpu.memref_squeeze %dma_start3A_133 : memref<1x80xi32, #tpu.memory_space<vmem>> -> memref<80xi32, #tpu.memory_space<vmem>>
      %dma_start3A_135 = arith.constant 0 : i32
      %dma_start3A_136 = arith.constant 0 : i32
      %dma_start3A_137 = tpu.memref_slice %arg2[%dma_start3A_135, %dma_start3A_136] : memref<20000x128xf32, #tpu.memory_space<hbm>> -> memref<20000x128xf32, #tpu.memory_space<hbm>>
      tpu.enqueue_indirect_dma source(%dma_start3A_137 : memref<20000x128xf32, #tpu.memory_space<hbm>>) target(%dma_start3A_131 : memref<80x128xf32, #tpu.memory_space<vmem>>) offsets(%dma_start3A_134 : memref<80xi32, #tpu.memory_space<vmem>>) semaphore(%arg15 : memref<!tpu.dma_semaphore, #tpu.memory_space<semaphore_mem>>)
      %dma_start3A_138 = arith.constant 3 : i32
      %dma_start3A_139 = arith.constant 3 : i32
      %dma_start3A_140 = arith.constant 0 : i32
      %dma_start3A_141 = arith.constant 0 : i32
      %dma_start3A_142 = tpu.memref_slice %arg9[%dma_start3A_139, %dma_start3A_140, %dma_start3A_141] : memref<4x80x128xf32, #tpu.memory_space<vmem>> -> memref<1x80x128xf32, #tpu.memory_space<vmem>>
      %dma_start3A_143 = tpu.memref_squeeze %dma_start3A_142 : memref<1x80x128xf32, #tpu.memory_space<vmem>> -> memref<80x128xf32, #tpu.memory_space<vmem>>
      %dma_start3A_144 = arith.constant 0 : i32
      %dma_start3A_145 = tpu.memref_slice %arg7[%dma_start3A_138, %dma_start3A_144] : memref<25x80xi32, #tpu.memory_space<vmem>> -> memref<1x80xi32, #tpu.memory_space<vmem>>
      %dma_start3A_146 = tpu.memref_squeeze %dma_start3A_145 : memref<1x80xi32, #tpu.memory_space<vmem>> -> memref<80xi32, #tpu.memory_space<vmem>>
      %dma_start3A_147 = arith.constant 0 : i32
      %dma_start3A_148 = arith.constant 0 : i32
      %dma_start3A_149 = tpu.memref_slice %arg2[%dma_start3A_147, %dma_start3A_148] : memref<20000x128xf32, #tpu.memory_space<hbm>> -> memref<20000x128xf32, #tpu.memory_space<hbm>>
      tpu.enqueue_indirect_dma source(%dma_start3A_149 : memref<20000x128xf32, #tpu.memory_space<hbm>>) target(%dma_start3A_143 : memref<80x128xf32, #tpu.memory_space<vmem>>) offsets(%dma_start3A_146 : memref<80xi32, #tpu.memory_space<vmem>>) semaphore(%arg16 : memref<!tpu.dma_semaphore, #tpu.memory_space<semaphore_mem>>)
      %scan3A_150 = arith.constant 0 : i32
      %scan3A_151 = arith.constant 5 : i32
      %scan3A_152 = arith.addi %scan3A_150, %scan3A_151 : i32
      %scan3A_153 = arith.constant 1 : i32
      scf.for %scan3A_260 = %scan3A_150 to %scan3A_152 step %scan3A_153  : i32 {
        %mul3A_261 = arith.constant 4 : i32
        %mul3A_262 = arith.muli %scan3A_260, %mul3A_261 : i32
        %add3A_263 = arith.constant 0 : i32
        %add3A_264 = arith.addi %add3A_263, %mul3A_262 : i32
        %add3A_265 = arith.constant 0 : i32
        %add3A_266 = arith.addi %add3A_264, %add3A_265 : i32
        %dma_wait3A_267 = arith.constant 0 : i32
        %dma_wait3A_268 = arith.constant 0 : i32
        %dma_wait3A_269 = arith.constant 0 : i32
        %dma_wait3A_270 = tpu.memref_slice %arg9[%dma_wait3A_267, %dma_wait3A_268, %dma_wait3A_269] : memref<4x80x128xf32, #tpu.memory_space<vmem>> -> memref<1x80x128xf32, #tpu.memory_space<vmem>>
        %dma_wait3A_271 = tpu.memref_squeeze %dma_wait3A_270 : memref<1x80x128xf32, #tpu.memory_space<vmem>> -> memref<80x128xf32, #tpu.memory_space<vmem>>
        %dma_wait3A_272 = arith.constant 0 : i32
        %dma_wait3A_273 = tpu.memref_slice %arg7[%add3A_266, %dma_wait3A_272] : memref<25x80xi32, #tpu.memory_space<vmem>> -> memref<1x80xi32, #tpu.memory_space<vmem>>
        %dma_wait3A_274 = tpu.memref_squeeze %dma_wait3A_273 : memref<1x80xi32, #tpu.memory_space<vmem>> -> memref<80xi32, #tpu.memory_space<vmem>>
        %dma_wait3A_275 = arith.constant 0 : i32
        %dma_wait3A_276 = arith.constant 0 : i32
        %dma_wait3A_277 = tpu.memref_slice %arg2[%dma_wait3A_275, %dma_wait3A_276] : memref<20000x128xf32, #tpu.memory_space<hbm>> -> memref<20000x128xf32, #tpu.memory_space<hbm>>
        tpu.wait_indirect_dma semaphore(%arg13 : memref<!tpu.dma_semaphore, #tpu.memory_space<semaphore_mem>>) src(%dma_wait3A_277 : memref<20000x128xf32, #tpu.memory_space<hbm>>) dst(%dma_wait3A_271 : memref<80x128xf32, #tpu.memory_space<vmem>>)
        %run_scoped3A_278 = arith.constant 0 : i32
        "tpu.region"() ({
          %run_scoped3A_401 = tpu.sem_alloc : memref<!tpu.dma_semaphore, #tpu.memory_space<semaphore_mem>>
          %dma_start3A_402 = arith.constant 0 : i32
          %dma_start3A_403 = arith.constant 0 : i32
          %dma_start3A_404 = tpu.memref_slice %arg9[%run_scoped3A_278, %dma_start3A_402, %dma_start3A_403] : memref<4x80x128xf32, #tpu.memory_space<vmem>> -> memref<1x80x128xf32, #tpu.memory_space<vmem>>
          %dma_start3A_405 = tpu.memref_squeeze %dma_start3A_404 : memref<1x80x128xf32, #tpu.memory_space<vmem>> -> memref<80x128xf32, #tpu.memory_space<vmem>>
          %dma_start3A_406 = arith.constant 0 : i32
          %dma_start3A_407 = tpu.memref_slice %arg8[%add3A_266, %dma_start3A_406] : memref<25x80xi32, #tpu.memory_space<vmem>> -> memref<1x80xi32, #tpu.memory_space<vmem>>
          %dma_start3A_408 = tpu.memref_squeeze %dma_start3A_407 : memref<1x80xi32, #tpu.memory_space<vmem>> -> memref<80xi32, #tpu.memory_space<vmem>>
          %dma_start3A_409 = arith.constant 0 : i32
          %dma_start3A_410 = arith.constant 0 : i32
          %dma_start3A_411 = tpu.memref_slice %arg11[%dma_start3A_409, %dma_start3A_410] : memref<10000x128xf32, #tpu.memory_space<vmem_shared>> -> memref<10000x128xf32, #tpu.memory_space<vmem_shared>>
          tpu.enqueue_indirect_dma source(%dma_start3A_405 : memref<80x128xf32, #tpu.memory_space<vmem>>) target(%dma_start3A_411 : memref<10000x128xf32, #tpu.memory_space<vmem_shared>>) offsets(%dma_start3A_408 : memref<80xi32, #tpu.memory_space<vmem>>) semaphore(%run_scoped3A_401 : memref<!tpu.dma_semaphore, #tpu.memory_space<semaphore_mem>>) {add = true}
          %dma_wait3A_412 = arith.constant 0 : i32
          %dma_wait3A_413 = arith.constant 0 : i32
          %dma_wait3A_414 = tpu.memref_slice %arg9[%run_scoped3A_278, %dma_wait3A_412, %dma_wait3A_413] : memref<4x80x128xf32, #tpu.memory_space<vmem>> -> memref<1x80x128xf32, #tpu.memory_space<vmem>>
          %dma_wait3A_415 = tpu.memref_squeeze %dma_wait3A_414 : memref<1x80x128xf32, #tpu.memory_space<vmem>> -> memref<80x128xf32, #tpu.memory_space<vmem>>
          %dma_wait3A_416 = arith.constant 0 : i32
          %dma_wait3A_417 = tpu.memref_slice %arg8[%add3A_266, %dma_wait3A_416] : memref<25x80xi32, #tpu.memory_space<vmem>> -> memref<1x80xi32, #tpu.memory_space<vmem>>
          %dma_wait3A_418 = tpu.memref_squeeze %dma_wait3A_417 : memref<1x80xi32, #tpu.memory_space<vmem>> -> memref<80xi32, #tpu.memory_space<vmem>>
          %dma_wait3A_419 = arith.constant 0 : i32
          %dma_wait3A_420 = arith.constant 0 : i32
          %dma_wait3A_421 = tpu.memref_slice %arg11[%dma_wait3A_419, %dma_wait3A_420] : memref<10000x128xf32, #tpu.memory_space<vmem_shared>> -> memref<10000x128xf32, #tpu.memory_space<vmem_shared>>
          tpu.wait_indirect_dma semaphore(%run_scoped3A_401 : memref<!tpu.dma_semaphore, #tpu.memory_space<semaphore_mem>>) src(%dma_wait3A_415 : memref<80x128xf32, #tpu.memory_space<vmem>>) dst(%dma_wait3A_421 : memref<10000x128xf32, #tpu.memory_space<vmem_shared>>)
          tpu.yield
        }) : () -> ()
        %eq3A_279 = arith.constant 0 : i32
        %eq3A_280 = arith.cmpi eq, %arg0, %eq3A_279 : i32
        %convert_element_type3A_281 = arith.extui %eq3A_280 : i1 to i32
        %cond3A_282 = arith.constant 0 : i32
        %cond3A_283 = arith.cmpi ne, %convert_element_type3A_281, %cond3A_282 : i32
        scf.if %cond3A_283 {
          "tpu.region"() ({
            %run_scoped3A_401 = tpu.sem_alloc : memref<!tpu.dma_semaphore, #tpu.memory_space<semaphore_mem>>
            %dma_start3A_402 = arith.constant 0 : i32
            %dma_start3A_403 = tpu.memref_slice %arg8[%add3A_266, %dma_start3A_402] : memref<25x80xi32, #tpu.memory_space<vmem>> -> memref<1x80xi32, #tpu.memory_space<vmem>>
            %dma_start3A_404 = tpu.memref_squeeze %dma_start3A_403 : memref<1x80xi32, #tpu.memory_space<vmem>> -> memref<80xi32, #tpu.memory_space<vmem>>
            %dma_start3A_405 = arith.constant 0 : i32
            %dma_start3A_406 = tpu.memref_slice %arg12[%dma_start3A_405] : memref<10000xf32, #tpu.memory_space<vmem_shared>> -> memref<10000xf32, #tpu.memory_space<vmem_shared>>
            tpu.enqueue_indirect_dma source(%arg10 : memref<80xf32, #tpu.memory_space<vmem>>) target(%dma_start3A_406 : memref<10000xf32, #tpu.memory_space<vmem_shared>>) offsets(%dma_start3A_404 : memref<80xi32, #tpu.memory_space<vmem>>) semaphore(%run_scoped3A_401 : memref<!tpu.dma_semaphore, #tpu.memory_space<semaphore_mem>>) {add = true}
            %dma_wait3A_407 = arith.constant 0 : i32
            %dma_wait3A_408 = tpu.memref_slice %arg8[%add3A_266, %dma_wait3A_407] : memref<25x80xi32, #tpu.memory_space<vmem>> -> memref<1x80xi32, #tpu.memory_space<vmem>>
            %dma_wait3A_409 = tpu.memref_squeeze %dma_wait3A_408 : memref<1x80xi32, #tpu.memory_space<vmem>> -> memref<80xi32, #tpu.memory_space<vmem>>
            %dma_wait3A_410 = arith.constant 0 : i32
            %dma_wait3A_411 = tpu.memref_slice %arg12[%dma_wait3A_410] : memref<10000xf32, #tpu.memory_space<vmem_shared>> -> memref<10000xf32, #tpu.memory_space<vmem_shared>>
            tpu.wait_indirect_dma semaphore(%run_scoped3A_401 : memref<!tpu.dma_semaphore, #tpu.memory_space<semaphore_mem>>) src(%arg10 : memref<80xf32, #tpu.memory_space<vmem>>) dst(%dma_wait3A_411 : memref<10000xf32, #tpu.memory_space<vmem_shared>>)
            tpu.yield
          }) : () -> ()
        } else {
        }
        %add3A_284 = arith.constant 0 : i32
        %add3A_285 = arith.addi %add3A_264, %add3A_284 : i32
        %add3A_286 = arith.constant 4 : i32
        %add3A_287 = arith.addi %add3A_285, %add3A_286 : i32
        %dma_start3A_288 = arith.constant 0 : i32
        %dma_start3A_289 = arith.constant 0 : i32
        %dma_start3A_290 = arith.constant 0 : i32
        %dma_start3A_291 = tpu.memref_slice %arg9[%dma_start3A_288, %dma_start3A_289, %dma_start3A_290] : memref<4x80x128xf32, #tpu.memory_space<vmem>> -> memref<1x80x128xf32, #tpu.memory_space<vmem>>
        %dma_start3A_292 = tpu.memref_squeeze %dma_start3A_291 : memref<1x80x128xf32, #tpu.memory_space<vmem>> -> memref<80x128xf32, #tpu.memory_space<vmem>>
        %dma_start3A_293 = arith.constant 0 : i32
        %dma_start3A_294 = tpu.memref_slice %arg7[%add3A_287, %dma_start3A_293] : memref<25x80xi32, #tpu.memory_space<vmem>> -> memref<1x80xi32, #tpu.memory_space<vmem>>
        %dma_start3A_295 = tpu.memref_squeeze %dma_start3A_294 : memref<1x80xi32, #tpu.memory_space<vmem>> -> memref<80xi32, #tpu.memory_space<vmem>>
        %dma_start3A_296 = arith.constant 0 : i32
        %dma_start3A_297 = arith.constant 0 : i32
        %dma_start3A_298 = tpu.memref_slice %arg2[%dma_start3A_296, %dma_start3A_297] : memref<20000x128xf32, #tpu.memory_space<hbm>> -> memref<20000x128xf32, #tpu.memory_space<hbm>>
        tpu.enqueue_indirect_dma source(%dma_start3A_298 : memref<20000x128xf32, #tpu.memory_space<hbm>>) target(%dma_start3A_292 : memref<80x128xf32, #tpu.memory_space<vmem>>) offsets(%dma_start3A_295 : memref<80xi32, #tpu.memory_space<vmem>>) semaphore(%arg13 : memref<!tpu.dma_semaphore, #tpu.memory_space<semaphore_mem>>)
        %add3A_299 = arith.constant 1 : i32
        %add3A_300 = arith.addi %add3A_264, %add3A_299 : i32
        %dma_wait3A_301 = arith.constant 1 : i32
        %dma_wait3A_302 = arith.constant 0 : i32
        %dma_wait3A_303 = arith.constant 0 : i32
        %dma_wait3A_304 = tpu.memref_slice %arg9[%dma_wait3A_301, %dma_wait3A_302, %dma_wait3A_303] : memref<4x80x128xf32, #tpu.memory_space<vmem>> -> memref<1x80x128xf32, #tpu.memory_space<vmem>>
        %dma_wait3A_305 = tpu.memref_squeeze %dma_wait3A_304 : memref<1x80x128xf32, #tpu.memory_space<vmem>> -> memref<80x128xf32, #tpu.memory_space<vmem>>
        %dma_wait3A_306 = arith.constant 0 : i32
        %dma_wait3A_307 = tpu.memref_slice %arg7[%add3A_300, %dma_wait3A_306] : memref<25x80xi32, #tpu.memory_space<vmem>> -> memref<1x80xi32, #tpu.memory_space<vmem>>
        %dma_wait3A_308 = tpu.memref_squeeze %dma_wait3A_307 : memref<1x80xi32, #tpu.memory_space<vmem>> -> memref<80xi32, #tpu.memory_space<vmem>>
        %dma_wait3A_309 = arith.constant 0 : i32
        %dma_wait3A_310 = arith.constant 0 : i32
        %dma_wait3A_311 = tpu.memref_slice %arg2[%dma_wait3A_309, %dma_wait3A_310] : memref<20000x128xf32, #tpu.memory_space<hbm>> -> memref<20000x128xf32, #tpu.memory_space<hbm>>
        tpu.wait_indirect_dma semaphore(%arg14 : memref<!tpu.dma_semaphore, #tpu.memory_space<semaphore_mem>>) src(%dma_wait3A_311 : memref<20000x128xf32, #tpu.memory_space<hbm>>) dst(%dma_wait3A_305 : memref<80x128xf32, #tpu.memory_space<vmem>>)
        %run_scoped3A_312 = arith.constant 1 : i32
        "tpu.region"() ({
          %run_scoped3A_401 = tpu.sem_alloc : memref<!tpu.dma_semaphore, #tpu.memory_space<semaphore_mem>>
          %dma_start3A_402 = arith.constant 0 : i32
          %dma_start3A_403 = arith.constant 0 : i32
          %dma_start3A_404 = tpu.memref_slice %arg9[%run_scoped3A_312, %dma_start3A_402, %dma_start3A_403] : memref<4x80x128xf32, #tpu.memory_space<vmem>> -> memref<1x80x128xf32, #tpu.memory_space<vmem>>
          %dma_start3A_405 = tpu.memref_squeeze %dma_start3A_404 : memref<1x80x128xf32, #tpu.memory_space<vmem>> -> memref<80x128xf32, #tpu.memory_space<vmem>>
          %dma_start3A_406 = arith.constant 0 : i32
          %dma_start3A_407 = tpu.memref_slice %arg8[%add3A_300, %dma_start3A_406] : memref<25x80xi32, #tpu.memory_space<vmem>> -> memref<1x80xi32, #tpu.memory_space<vmem>>
          %dma_start3A_408 = tpu.memref_squeeze %dma_start3A_407 : memref<1x80xi32, #tpu.memory_space<vmem>> -> memref<80xi32, #tpu.memory_space<vmem>>
          %dma_start3A_409 = arith.constant 0 : i32
          %dma_start3A_410 = arith.constant 0 : i32
          %dma_start3A_411 = tpu.memref_slice %arg11[%dma_start3A_409, %dma_start3A_410] : memref<10000x128xf32, #tpu.memory_space<vmem_shared>> -> memref<10000x128xf32, #tpu.memory_space<vmem_shared>>
          tpu.enqueue_indirect_dma source(%dma_start3A_405 : memref<80x128xf32, #tpu.memory_space<vmem>>) target(%dma_start3A_411 : memref<10000x128xf32, #tpu.memory_space<vmem_shared>>) offsets(%dma_start3A_408 : memref<80xi32, #tpu.memory_space<vmem>>) semaphore(%run_scoped3A_401 : memref<!tpu.dma_semaphore, #tpu.memory_space<semaphore_mem>>) {add = true}
          %dma_wait3A_412 = arith.constant 0 : i32
          %dma_wait3A_413 = arith.constant 0 : i32
          %dma_wait3A_414 = tpu.memref_slice %arg9[%run_scoped3A_312, %dma_wait3A_412, %dma_wait3A_413] : memref<4x80x128xf32, #tpu.memory_space<vmem>> -> memref<1x80x128xf32, #tpu.memory_space<vmem>>
          %dma_wait3A_415 = tpu.memref_squeeze %dma_wait3A_414 : memref<1x80x128xf32, #tpu.memory_space<vmem>> -> memref<80x128xf32, #tpu.memory_space<vmem>>
          %dma_wait3A_416 = arith.constant 0 : i32
          %dma_wait3A_417 = tpu.memref_slice %arg8[%add3A_300, %dma_wait3A_416] : memref<25x80xi32, #tpu.memory_space<vmem>> -> memref<1x80xi32, #tpu.memory_space<vmem>>
          %dma_wait3A_418 = tpu.memref_squeeze %dma_wait3A_417 : memref<1x80xi32, #tpu.memory_space<vmem>> -> memref<80xi32, #tpu.memory_space<vmem>>
          %dma_wait3A_419 = arith.constant 0 : i32
          %dma_wait3A_420 = arith.constant 0 : i32
          %dma_wait3A_421 = tpu.memref_slice %arg11[%dma_wait3A_419, %dma_wait3A_420] : memref<10000x128xf32, #tpu.memory_space<vmem_shared>> -> memref<10000x128xf32, #tpu.memory_space<vmem_shared>>
          tpu.wait_indirect_dma semaphore(%run_scoped3A_401 : memref<!tpu.dma_semaphore, #tpu.memory_space<semaphore_mem>>) src(%dma_wait3A_415 : memref<80x128xf32, #tpu.memory_space<vmem>>) dst(%dma_wait3A_421 : memref<10000x128xf32, #tpu.memory_space<vmem_shared>>)
          tpu.yield
        }) : () -> ()
        %eq3A_313 = arith.constant 0 : i32
        %eq3A_314 = arith.cmpi eq, %arg0, %eq3A_313 : i32
        %convert_element_type3A_315 = arith.extui %eq3A_314 : i1 to i32
        %cond3A_316 = arith.constant 0 : i32
        %cond3A_317 = arith.cmpi ne, %convert_element_type3A_315, %cond3A_316 : i32
        scf.if %cond3A_317 {
          "tpu.region"() ({
            %run_scoped3A_401 = tpu.sem_alloc : memref<!tpu.dma_semaphore, #tpu.memory_space<semaphore_mem>>
            %dma_start3A_402 = arith.constant 0 : i32
            %dma_start3A_403 = tpu.memref_slice %arg8[%add3A_300, %dma_start3A_402] : memref<25x80xi32, #tpu.memory_space<vmem>> -> memref<1x80xi32, #tpu.memory_space<vmem>>
            %dma_start3A_404 = tpu.memref_squeeze %dma_start3A_403 : memref<1x80xi32, #tpu.memory_space<vmem>> -> memref<80xi32, #tpu.memory_space<vmem>>
            %dma_start3A_405 = arith.constant 0 : i32
            %dma_start3A_406 = tpu.memref_slice %arg12[%dma_start3A_405] : memref<10000xf32, #tpu.memory_space<vmem_shared>> -> memref<10000xf32, #tpu.memory_space<vmem_shared>>
            tpu.enqueue_indirect_dma source(%arg10 : memref<80xf32, #tpu.memory_space<vmem>>) target(%dma_start3A_406 : memref<10000xf32, #tpu.memory_space<vmem_shared>>) offsets(%dma_start3A_404 : memref<80xi32, #tpu.memory_space<vmem>>) semaphore(%run_scoped3A_401 : memref<!tpu.dma_semaphore, #tpu.memory_space<semaphore_mem>>) {add = true}
            %dma_wait3A_407 = arith.constant 0 : i32
            %dma_wait3A_408 = tpu.memref_slice %arg8[%add3A_300, %dma_wait3A_407] : memref<25x80xi32, #tpu.memory_space<vmem>> -> memref<1x80xi32, #tpu.memory_space<vmem>>
            %dma_wait3A_409 = tpu.memref_squeeze %dma_wait3A_408 : memref<1x80xi32, #tpu.memory_space<vmem>> -> memref<80xi32, #tpu.memory_space<vmem>>
            %dma_wait3A_410 = arith.constant 0 : i32
            %dma_wait3A_411 = tpu.memref_slice %arg12[%dma_wait3A_410] : memref<10000xf32, #tpu.memory_space<vmem_shared>> -> memref<10000xf32, #tpu.memory_space<vmem_shared>>
            tpu.wait_indirect_dma semaphore(%run_scoped3A_401 : memref<!tpu.dma_semaphore, #tpu.memory_space<semaphore_mem>>) src(%arg10 : memref<80xf32, #tpu.memory_space<vmem>>) dst(%dma_wait3A_411 : memref<10000xf32, #tpu.memory_space<vmem_shared>>)
            tpu.yield
          }) : () -> ()
        } else {
        }
        %add3A_318 = arith.constant 1 : i32
        %add3A_319 = arith.addi %add3A_264, %add3A_318 : i32
        %add3A_320 = arith.constant 4 : i32
        %add3A_321 = arith.addi %add3A_319, %add3A_320 : i32
        %dma_start3A_322 = arith.constant 1 : i32
        %dma_start3A_323 = arith.constant 0 : i32
        %dma_start3A_324 = arith.constant 0 : i32
        %dma_start3A_325 = tpu.memref_slice %arg9[%dma_start3A_322, %dma_start3A_323, %dma_start3A_324] : memref<4x80x128xf32, #tpu.memory_space<vmem>> -> memref<1x80x128xf32, #tpu.memory_space<vmem>>
        %dma_start3A_326 = tpu.memref_squeeze %dma_start3A_325 : memref<1x80x128xf32, #tpu.memory_space<vmem>> -> memref<80x128xf32, #tpu.memory_space<vmem>>
        %dma_start3A_327 = arith.constant 0 : i32
        %dma_start3A_328 = tpu.memref_slice %arg7[%add3A_321, %dma_start3A_327] : memref<25x80xi32, #tpu.memory_space<vmem>> -> memref<1x80xi32, #tpu.memory_space<vmem>>
        %dma_start3A_329 = tpu.memref_squeeze %dma_start3A_328 : memref<1x80xi32, #tpu.memory_space<vmem>> -> memref<80xi32, #tpu.memory_space<vmem>>
        %dma_start3A_330 = arith.constant 0 : i32
        %dma_start3A_331 = arith.constant 0 : i32
        %dma_start3A_332 = tpu.memref_slice %arg2[%dma_start3A_330, %dma_start3A_331] : memref<20000x128xf32, #tpu.memory_space<hbm>> -> memref<20000x128xf32, #tpu.memory_space<hbm>>
        tpu.enqueue_indirect_dma source(%dma_start3A_332 : memref<20000x128xf32, #tpu.memory_space<hbm>>) target(%dma_start3A_326 : memref<80x128xf32, #tpu.memory_space<vmem>>) offsets(%dma_start3A_329 : memref<80xi32, #tpu.memory_space<vmem>>) semaphore(%arg14 : memref<!tpu.dma_semaphore, #tpu.memory_space<semaphore_mem>>)
        %add3A_333 = arith.constant 2 : i32
        %add3A_334 = arith.addi %add3A_264, %add3A_333 : i32
        %dma_wait3A_335 = arith.constant 2 : i32
        %dma_wait3A_336 = arith.constant 0 : i32
        %dma_wait3A_337 = arith.constant 0 : i32
        %dma_wait3A_338 = tpu.memref_slice %arg9[%dma_wait3A_335, %dma_wait3A_336, %dma_wait3A_337] : memref<4x80x128xf32, #tpu.memory_space<vmem>> -> memref<1x80x128xf32, #tpu.memory_space<vmem>>
        %dma_wait3A_339 = tpu.memref_squeeze %dma_wait3A_338 : memref<1x80x128xf32, #tpu.memory_space<vmem>> -> memref<80x128xf32, #tpu.memory_space<vmem>>
        %dma_wait3A_340 = arith.constant 0 : i32
        %dma_wait3A_341 = tpu.memref_slice %arg7[%add3A_334, %dma_wait3A_340] : memref<25x80xi32, #tpu.memory_space<vmem>> -> memref<1x80xi32, #tpu.memory_space<vmem>>
        %dma_wait3A_342 = tpu.memref_squeeze %dma_wait3A_341 : memref<1x80xi32, #tpu.memory_space<vmem>> -> memref<80xi32, #tpu.memory_space<vmem>>
        %dma_wait3A_343 = arith.constant 0 : i32
        %dma_wait3A_344 = arith.constant 0 : i32
        %dma_wait3A_345 = tpu.memref_slice %arg2[%dma_wait3A_343, %dma_wait3A_344] : memref<20000x128xf32, #tpu.memory_space<hbm>> -> memref<20000x128xf32, #tpu.memory_space<hbm>>
        tpu.wait_indirect_dma semaphore(%arg15 : memref<!tpu.dma_semaphore, #tpu.memory_space<semaphore_mem>>) src(%dma_wait3A_345 : memref<20000x128xf32, #tpu.memory_space<hbm>>) dst(%dma_wait3A_339 : memref<80x128xf32, #tpu.memory_space<vmem>>)
        %run_scoped3A_346 = arith.constant 2 : i32
        "tpu.region"() ({
          %run_scoped3A_401 = tpu.sem_alloc : memref<!tpu.dma_semaphore, #tpu.memory_space<semaphore_mem>>
          %dma_start3A_402 = arith.constant 0 : i32
          %dma_start3A_403 = arith.constant 0 : i32
          %dma_start3A_404 = tpu.memref_slice %arg9[%run_scoped3A_346, %dma_start3A_402, %dma_start3A_403] : memref<4x80x128xf32, #tpu.memory_space<vmem>> -> memref<1x80x128xf32, #tpu.memory_space<vmem>>
          %dma_start3A_405 = tpu.memref_squeeze %dma_start3A_404 : memref<1x80x128xf32, #tpu.memory_space<vmem>> -> memref<80x128xf32, #tpu.memory_space<vmem>>
          %dma_start3A_406 = arith.constant 0 : i32
          %dma_start3A_407 = tpu.memref_slice %arg8[%add3A_334, %dma_start3A_406] : memref<25x80xi32, #tpu.memory_space<vmem>> -> memref<1x80xi32, #tpu.memory_space<vmem>>
          %dma_start3A_408 = tpu.memref_squeeze %dma_start3A_407 : memref<1x80xi32, #tpu.memory_space<vmem>> -> memref<80xi32, #tpu.memory_space<vmem>>
          %dma_start3A_409 = arith.constant 0 : i32
          %dma_start3A_410 = arith.constant 0 : i32
          %dma_start3A_411 = tpu.memref_slice %arg11[%dma_start3A_409, %dma_start3A_410] : memref<10000x128xf32, #tpu.memory_space<vmem_shared>> -> memref<10000x128xf32, #tpu.memory_space<vmem_shared>>
          tpu.enqueue_indirect_dma source(%dma_start3A_405 : memref<80x128xf32, #tpu.memory_space<vmem>>) target(%dma_start3A_411 : memref<10000x128xf32, #tpu.memory_space<vmem_shared>>) offsets(%dma_start3A_408 : memref<80xi32, #tpu.memory_space<vmem>>) semaphore(%run_scoped3A_401 : memref<!tpu.dma_semaphore, #tpu.memory_space<semaphore_mem>>) {add = true}
          %dma_wait3A_412 = arith.constant 0 : i32
          %dma_wait3A_413 = arith.constant 0 : i32
          %dma_wait3A_414 = tpu.memref_slice %arg9[%run_scoped3A_346, %dma_wait3A_412, %dma_wait3A_413] : memref<4x80x128xf32, #tpu.memory_space<vmem>> -> memref<1x80x128xf32, #tpu.memory_space<vmem>>
          %dma_wait3A_415 = tpu.memref_squeeze %dma_wait3A_414 : memref<1x80x128xf32, #tpu.memory_space<vmem>> -> memref<80x128xf32, #tpu.memory_space<vmem>>
          %dma_wait3A_416 = arith.constant 0 : i32
          %dma_wait3A_417 = tpu.memref_slice %arg8[%add3A_334, %dma_wait3A_416] : memref<25x80xi32, #tpu.memory_space<vmem>> -> memref<1x80xi32, #tpu.memory_space<vmem>>
          %dma_wait3A_418 = tpu.memref_squeeze %dma_wait3A_417 : memref<1x80xi32, #tpu.memory_space<vmem>> -> memref<80xi32, #tpu.memory_space<vmem>>
          %dma_wait3A_419 = arith.constant 0 : i32
          %dma_wait3A_420 = arith.constant 0 : i32
          %dma_wait3A_421 = tpu.memref_slice %arg11[%dma_wait3A_419, %dma_wait3A_420] : memref<10000x128xf32, #tpu.memory_space<vmem_shared>> -> memref<10000x128xf32, #tpu.memory_space<vmem_shared>>
          tpu.wait_indirect_dma semaphore(%run_scoped3A_401 : memref<!tpu.dma_semaphore, #tpu.memory_space<semaphore_mem>>) src(%dma_wait3A_415 : memref<80x128xf32, #tpu.memory_space<vmem>>) dst(%dma_wait3A_421 : memref<10000x128xf32, #tpu.memory_space<vmem_shared>>)
          tpu.yield
        }) : () -> ()
        %eq3A_347 = arith.constant 0 : i32
        %eq3A_348 = arith.cmpi eq, %arg0, %eq3A_347 : i32
        %convert_element_type3A_349 = arith.extui %eq3A_348 : i1 to i32
        %cond3A_350 = arith.constant 0 : i32
        %cond3A_351 = arith.cmpi ne, %convert_element_type3A_349, %cond3A_350 : i32
        scf.if %cond3A_351 {
          "tpu.region"() ({
            %run_scoped3A_401 = tpu.sem_alloc : memref<!tpu.dma_semaphore, #tpu.memory_space<semaphore_mem>>
            %dma_start3A_402 = arith.constant 0 : i32
            %dma_start3A_403 = tpu.memref_slice %arg8[%add3A_334, %dma_start3A_402] : memref<25x80xi32, #tpu.memory_space<vmem>> -> memref<1x80xi32, #tpu.memory_space<vmem>>
            %dma_start3A_404 = tpu.memref_squeeze %dma_start3A_403 : memref<1x80xi32, #tpu.memory_space<vmem>> -> memref<80xi32, #tpu.memory_space<vmem>>
            %dma_start3A_405 = arith.constant 0 : i32
            %dma_start3A_406 = tpu.memref_slice %arg12[%dma_start3A_405] : memref<10000xf32, #tpu.memory_space<vmem_shared>> -> memref<10000xf32, #tpu.memory_space<vmem_shared>>
            tpu.enqueue_indirect_dma source(%arg10 : memref<80xf32, #tpu.memory_space<vmem>>) target(%dma_start3A_406 : memref<10000xf32, #tpu.memory_space<vmem_shared>>) offsets(%dma_start3A_404 : memref<80xi32, #tpu.memory_space<vmem>>) semaphore(%run_scoped3A_401 : memref<!tpu.dma_semaphore, #tpu.memory_space<semaphore_mem>>) {add = true}
            %dma_wait3A_407 = arith.constant 0 : i32
            %dma_wait3A_408 = tpu.memref_slice %arg8[%add3A_334, %dma_wait3A_407] : memref<25x80xi32, #tpu.memory_space<vmem>> -> memref<1x80xi32, #tpu.memory_space<vmem>>
            %dma_wait3A_409 = tpu.memref_squeeze %dma_wait3A_408 : memref<1x80xi32, #tpu.memory_space<vmem>> -> memref<80xi32, #tpu.memory_space<vmem>>
            %dma_wait3A_410 = arith.constant 0 : i32
            %dma_wait3A_411 = tpu.memref_slice %arg12[%dma_wait3A_410] : memref<10000xf32, #tpu.memory_space<vmem_shared>> -> memref<10000xf32, #tpu.memory_space<vmem_shared>>
            tpu.wait_indirect_dma semaphore(%run_scoped3A_401 : memref<!tpu.dma_semaphore, #tpu.memory_space<semaphore_mem>>) src(%arg10 : memref<80xf32, #tpu.memory_space<vmem>>) dst(%dma_wait3A_411 : memref<10000xf32, #tpu.memory_space<vmem_shared>>)
            tpu.yield
          }) : () -> ()
        } else {
        }
        %add3A_352 = arith.constant 2 : i32
        %add3A_353 = arith.addi %add3A_264, %add3A_352 : i32
        %add3A_354 = arith.constant 4 : i32
        %add3A_355 = arith.addi %add3A_353, %add3A_354 : i32
        %dma_start3A_356 = arith.constant 2 : i32
        %dma_start3A_357 = arith.constant 0 : i32
        %dma_start3A_358 = arith.constant 0 : i32
        %dma_start3A_359 = tpu.memref_slice %arg9[%dma_start3A_356, %dma_start3A_357, %dma_start3A_358] : memref<4x80x128xf32, #tpu.memory_space<vmem>> -> memref<1x80x128xf32, #tpu.memory_space<vmem>>
        %dma_start3A_360 = tpu.memref_squeeze %dma_start3A_359 : memref<1x80x128xf32, #tpu.memory_space<vmem>> -> memref<80x128xf32, #tpu.memory_space<vmem>>
        %dma_start3A_361 = arith.constant 0 : i32
        %dma_start3A_362 = tpu.memref_slice %arg7[%add3A_355, %dma_start3A_361] : memref<25x80xi32, #tpu.memory_space<vmem>> -> memref<1x80xi32, #tpu.memory_space<vmem>>
        %dma_start3A_363 = tpu.memref_squeeze %dma_start3A_362 : memref<1x80xi32, #tpu.memory_space<vmem>> -> memref<80xi32, #tpu.memory_space<vmem>>
        %dma_start3A_364 = arith.constant 0 : i32
        %dma_start3A_365 = arith.constant 0 : i32
        %dma_start3A_366 = tpu.memref_slice %arg2[%dma_start3A_364, %dma_start3A_365] : memref<20000x128xf32, #tpu.memory_space<hbm>> -> memref<20000x128xf32, #tpu.memory_space<hbm>>
        tpu.enqueue_indirect_dma source(%dma_start3A_366 : memref<20000x128xf32, #tpu.memory_space<hbm>>) target(%dma_start3A_360 : memref<80x128xf32, #tpu.memory_space<vmem>>) offsets(%dma_start3A_363 : memref<80xi32, #tpu.memory_space<vmem>>) semaphore(%arg15 : memref<!tpu.dma_semaphore, #tpu.memory_space<semaphore_mem>>)
        %add3A_367 = arith.constant 3 : i32
        %add3A_368 = arith.addi %add3A_264, %add3A_367 : i32
        %dma_wait3A_369 = arith.constant 3 : i32
        %dma_wait3A_370 = arith.constant 0 : i32
        %dma_wait3A_371 = arith.constant 0 : i32
        %dma_wait3A_372 = tpu.memref_slice %arg9[%dma_wait3A_369, %dma_wait3A_370, %dma_wait3A_371] : memref<4x80x128xf32, #tpu.memory_space<vmem>> -> memref<1x80x128xf32, #tpu.memory_space<vmem>>
        %dma_wait3A_373 = tpu.memref_squeeze %dma_wait3A_372 : memref<1x80x128xf32, #tpu.memory_space<vmem>> -> memref<80x128xf32, #tpu.memory_space<vmem>>
        %dma_wait3A_374 = arith.constant 0 : i32
        %dma_wait3A_375 = tpu.memref_slice %arg7[%add3A_368, %dma_wait3A_374] : memref<25x80xi32, #tpu.memory_space<vmem>> -> memref<1x80xi32, #tpu.memory_space<vmem>>
        %dma_wait3A_376 = tpu.memref_squeeze %dma_wait3A_375 : memref<1x80xi32, #tpu.memory_space<vmem>> -> memref<80xi32, #tpu.memory_space<vmem>>
        %dma_wait3A_377 = arith.constant 0 : i32
        %dma_wait3A_378 = arith.constant 0 : i32
        %dma_wait3A_379 = tpu.memref_slice %arg2[%dma_wait3A_377, %dma_wait3A_378] : memref<20000x128xf32, #tpu.memory_space<hbm>> -> memref<20000x128xf32, #tpu.memory_space<hbm>>
        tpu.wait_indirect_dma semaphore(%arg16 : memref<!tpu.dma_semaphore, #tpu.memory_space<semaphore_mem>>) src(%dma_wait3A_379 : memref<20000x128xf32, #tpu.memory_space<hbm>>) dst(%dma_wait3A_373 : memref<80x128xf32, #tpu.memory_space<vmem>>)
        %run_scoped3A_380 = arith.constant 3 : i32
        "tpu.region"() ({
          %run_scoped3A_401 = tpu.sem_alloc : memref<!tpu.dma_semaphore, #tpu.memory_space<semaphore_mem>>
          %dma_start3A_402 = arith.constant 0 : i32
          %dma_start3A_403 = arith.constant 0 : i32
          %dma_start3A_404 = tpu.memref_slice %arg9[%run_scoped3A_380, %dma_start3A_402, %dma_start3A_403] : memref<4x80x128xf32, #tpu.memory_space<vmem>> -> memref<1x80x128xf32, #tpu.memory_space<vmem>>
          %dma_start3A_405 = tpu.memref_squeeze %dma_start3A_404 : memref<1x80x128xf32, #tpu.memory_space<vmem>> -> memref<80x128xf32, #tpu.memory_space<vmem>>
          %dma_start3A_406 = arith.constant 0 : i32
          %dma_start3A_407 = tpu.memref_slice %arg8[%add3A_368, %dma_start3A_406] : memref<25x80xi32, #tpu.memory_space<vmem>> -> memref<1x80xi32, #tpu.memory_space<vmem>>
          %dma_start3A_408 = tpu.memref_squeeze %dma_start3A_407 : memref<1x80xi32, #tpu.memory_space<vmem>> -> memref<80xi32, #tpu.memory_space<vmem>>
          %dma_start3A_409 = arith.constant 0 : i32
          %dma_start3A_410 = arith.constant 0 : i32
          %dma_start3A_411 = tpu.memref_slice %arg11[%dma_start3A_409, %dma_start3A_410] : memref<10000x128xf32, #tpu.memory_space<vmem_shared>> -> memref<10000x128xf32, #tpu.memory_space<vmem_shared>>
          tpu.enqueue_indirect_dma source(%dma_start3A_405 : memref<80x128xf32, #tpu.memory_space<vmem>>) target(%dma_start3A_411 : memref<10000x128xf32, #tpu.memory_space<vmem_shared>>) offsets(%dma_start3A_408 : memref<80xi32, #tpu.memory_space<vmem>>) semaphore(%run_scoped3A_401 : memref<!tpu.dma_semaphore, #tpu.memory_space<semaphore_mem>>) {add = true}
          %dma_wait3A_412 = arith.constant 0 : i32
          %dma_wait3A_413 = arith.constant 0 : i32
          %dma_wait3A_414 = tpu.memref_slice %arg9[%run_scoped3A_380, %dma_wait3A_412, %dma_wait3A_413] : memref<4x80x128xf32, #tpu.memory_space<vmem>> -> memref<1x80x128xf32, #tpu.memory_space<vmem>>
          %dma_wait3A_415 = tpu.memref_squeeze %dma_wait3A_414 : memref<1x80x128xf32, #tpu.memory_space<vmem>> -> memref<80x128xf32, #tpu.memory_space<vmem>>
          %dma_wait3A_416 = arith.constant 0 : i32
          %dma_wait3A_417 = tpu.memref_slice %arg8[%add3A_368, %dma_wait3A_416] : memref<25x80xi32, #tpu.memory_space<vmem>> -> memref<1x80xi32, #tpu.memory_space<vmem>>
          %dma_wait3A_418 = tpu.memref_squeeze %dma_wait3A_417 : memref<1x80xi32, #tpu.memory_space<vmem>> -> memref<80xi32, #tpu.memory_space<vmem>>
          %dma_wait3A_419 = arith.constant 0 : i32
          %dma_wait3A_420 = arith.constant 0 : i32
          %dma_wait3A_421 = tpu.memref_slice %arg11[%dma_wait3A_419, %dma_wait3A_420] : memref<10000x128xf32, #tpu.memory_space<vmem_shared>> -> memref<10000x128xf32, #tpu.memory_space<vmem_shared>>
          tpu.wait_indirect_dma semaphore(%run_scoped3A_401 : memref<!tpu.dma_semaphore, #tpu.memory_space<semaphore_mem>>) src(%dma_wait3A_415 : memref<80x128xf32, #tpu.memory_space<vmem>>) dst(%dma_wait3A_421 : memref<10000x128xf32, #tpu.memory_space<vmem_shared>>)
          tpu.yield
        }) : () -> ()
        %eq3A_381 = arith.constant 0 : i32
        %eq3A_382 = arith.cmpi eq, %arg0, %eq3A_381 : i32
        %convert_element_type3A_383 = arith.extui %eq3A_382 : i1 to i32
        %cond3A_384 = arith.constant 0 : i32
        %cond3A_385 = arith.cmpi ne, %convert_element_type3A_383, %cond3A_384 : i32
        scf.if %cond3A_385 {
          "tpu.region"() ({
            %run_scoped3A_401 = tpu.sem_alloc : memref<!tpu.dma_semaphore, #tpu.memory_space<semaphore_mem>>
            %dma_start3A_402 = arith.constant 0 : i32
            %dma_start3A_403 = tpu.memref_slice %arg8[%add3A_368, %dma_start3A_402] : memref<25x80xi32, #tpu.memory_space<vmem>> -> memref<1x80xi32, #tpu.memory_space<vmem>>
            %dma_start3A_404 = tpu.memref_squeeze %dma_start3A_403 : memref<1x80xi32, #tpu.memory_space<vmem>> -> memref<80xi32, #tpu.memory_space<vmem>>
            %dma_start3A_405 = arith.constant 0 : i32
            %dma_start3A_406 = tpu.memref_slice %arg12[%dma_start3A_405] : memref<10000xf32, #tpu.memory_space<vmem_shared>> -> memref<10000xf32, #tpu.memory_space<vmem_shared>>
            tpu.enqueue_indirect_dma source(%arg10 : memref<80xf32, #tpu.memory_space<vmem>>) target(%dma_start3A_406 : memref<10000xf32, #tpu.memory_space<vmem_shared>>) offsets(%dma_start3A_404 : memref<80xi32, #tpu.memory_space<vmem>>) semaphore(%run_scoped3A_401 : memref<!tpu.dma_semaphore, #tpu.memory_space<semaphore_mem>>) {add = true}
            %dma_wait3A_407 = arith.constant 0 : i32
            %dma_wait3A_408 = tpu.memref_slice %arg8[%add3A_368, %dma_wait3A_407] : memref<25x80xi32, #tpu.memory_space<vmem>> -> memref<1x80xi32, #tpu.memory_space<vmem>>
            %dma_wait3A_409 = tpu.memref_squeeze %dma_wait3A_408 : memref<1x80xi32, #tpu.memory_space<vmem>> -> memref<80xi32, #tpu.memory_space<vmem>>
            %dma_wait3A_410 = arith.constant 0 : i32
            %dma_wait3A_411 = tpu.memref_slice %arg12[%dma_wait3A_410] : memref<10000xf32, #tpu.memory_space<vmem_shared>> -> memref<10000xf32, #tpu.memory_space<vmem_shared>>
            tpu.wait_indirect_dma semaphore(%run_scoped3A_401 : memref<!tpu.dma_semaphore, #tpu.memory_space<semaphore_mem>>) src(%arg10 : memref<80xf32, #tpu.memory_space<vmem>>) dst(%dma_wait3A_411 : memref<10000xf32, #tpu.memory_space<vmem_shared>>)
            tpu.yield
          }) : () -> ()
        } else {
        }
        %add3A_386 = arith.constant 3 : i32
        %add3A_387 = arith.addi %add3A_264, %add3A_386 : i32
        %add3A_388 = arith.constant 4 : i32
        %add3A_389 = arith.addi %add3A_387, %add3A_388 : i32
        %dma_start3A_390 = arith.constant 3 : i32
        %dma_start3A_391 = arith.constant 0 : i32
        %dma_start3A_392 = arith.constant 0 : i32
        %dma_start3A_393 = tpu.memref_slice %arg9[%dma_start3A_390, %dma_start3A_391, %dma_start3A_392] : memref<4x80x128xf32, #tpu.memory_space<vmem>> -> memref<1x80x128xf32, #tpu.memory_space<vmem>>
        %dma_start3A_394 = tpu.memref_squeeze %dma_start3A_393 : memref<1x80x128xf32, #tpu.memory_space<vmem>> -> memref<80x128xf32, #tpu.memory_space<vmem>>
        %dma_start3A_395 = arith.constant 0 : i32
        %dma_start3A_396 = tpu.memref_slice %arg7[%add3A_389, %dma_start3A_395] : memref<25x80xi32, #tpu.memory_space<vmem>> -> memref<1x80xi32, #tpu.memory_space<vmem>>
        %dma_start3A_397 = tpu.memref_squeeze %dma_start3A_396 : memref<1x80xi32, #tpu.memory_space<vmem>> -> memref<80xi32, #tpu.memory_space<vmem>>
        %dma_start3A_398 = arith.constant 0 : i32
        %dma_start3A_399 = arith.constant 0 : i32
        %dma_start3A_400 = tpu.memref_slice %arg2[%dma_start3A_398, %dma_start3A_399] : memref<20000x128xf32, #tpu.memory_space<hbm>> -> memref<20000x128xf32, #tpu.memory_space<hbm>>
        tpu.enqueue_indirect_dma source(%dma_start3A_400 : memref<20000x128xf32, #tpu.memory_space<hbm>>) target(%dma_start3A_394 : memref<80x128xf32, #tpu.memory_space<vmem>>) offsets(%dma_start3A_397 : memref<80xi32, #tpu.memory_space<vmem>>) semaphore(%arg16 : memref<!tpu.dma_semaphore, #tpu.memory_space<semaphore_mem>>)
      }
      %scan3A_154 = arith.constant 5 : i32
      %dma_wait3A = arith.constant 20 : i32
      %dma_wait3A_155 = arith.constant 0 : i32
      %dma_wait3A_156 = arith.constant 0 : i32
      %dma_wait3A_157 = arith.constant 0 : i32
      %dma_wait3A_158 = tpu.memref_slice %arg9[%dma_wait3A_155, %dma_wait3A_156, %dma_wait3A_157] : memref<4x80x128xf32, #tpu.memory_space<vmem>> -> memref<1x80x128xf32, #tpu.memory_space<vmem>>
      %dma_wait3A_159 = tpu.memref_squeeze %dma_wait3A_158 : memref<1x80x128xf32, #tpu.memory_space<vmem>> -> memref<80x128xf32, #tpu.memory_space<vmem>>
      %dma_wait3A_160 = arith.constant 0 : i32
      %dma_wait3A_161 = tpu.memref_slice %arg7[%dma_wait3A, %dma_wait3A_160] : memref<25x80xi32, #tpu.memory_space<vmem>> -> memref<1x80xi32, #tpu.memory_space<vmem>>
      %dma_wait3A_162 = tpu.memref_squeeze %dma_wait3A_161 : memref<1x80xi32, #tpu.memory_space<vmem>> -> memref<80xi32, #tpu.memory_space<vmem>>
      %dma_wait3A_163 = arith.constant 0 : i32
      %dma_wait3A_164 = arith.constant 0 : i32
      %dma_wait3A_165 = tpu.memref_slice %arg2[%dma_wait3A_163, %dma_wait3A_164] : memref<20000x128xf32, #tpu.memory_space<hbm>> -> memref<20000x128xf32, #tpu.memory_space<hbm>>
      tpu.wait_indirect_dma semaphore(%arg13 : memref<!tpu.dma_semaphore, #tpu.memory_space<semaphore_mem>>) src(%dma_wait3A_165 : memref<20000x128xf32, #tpu.memory_space<hbm>>) dst(%dma_wait3A_159 : memref<80x128xf32, #tpu.memory_space<vmem>>)
      %run_scoped3A = arith.constant 0 : i32
      %run_scoped3A_166 = arith.constant 20 : i32
      "tpu.region"() ({
        %run_scoped3A_260 = tpu.sem_alloc : memref<!tpu.dma_semaphore, #tpu.memory_space<semaphore_mem>>
        %dma_start3A_261 = arith.constant 0 : i32
        %dma_start3A_262 = arith.constant 0 : i32
        %dma_start3A_263 = tpu.memref_slice %arg9[%run_scoped3A, %dma_start3A_261, %dma_start3A_262] : memref<4x80x128xf32, #tpu.memory_space<vmem>> -> memref<1x80x128xf32, #tpu.memory_space<vmem>>
        %dma_start3A_264 = tpu.memref_squeeze %dma_start3A_263 : memref<1x80x128xf32, #tpu.memory_space<vmem>> -> memref<80x128xf32, #tpu.memory_space<vmem>>
        %dma_start3A_265 = arith.constant 0 : i32
        %dma_start3A_266 = tpu.memref_slice %arg8[%run_scoped3A_166, %dma_start3A_265] : memref<25x80xi32, #tpu.memory_space<vmem>> -> memref<1x80xi32, #tpu.memory_space<vmem>>
        %dma_start3A_267 = tpu.memref_squeeze %dma_start3A_266 : memref<1x80xi32, #tpu.memory_space<vmem>> -> memref<80xi32, #tpu.memory_space<vmem>>
        %dma_start3A_268 = arith.constant 0 : i32
        %dma_start3A_269 = arith.constant 0 : i32
        %dma_start3A_270 = tpu.memref_slice %arg11[%dma_start3A_268, %dma_start3A_269] : memref<10000x128xf32, #tpu.memory_space<vmem_shared>> -> memref<10000x128xf32, #tpu.memory_space<vmem_shared>>
        tpu.enqueue_indirect_dma source(%dma_start3A_264 : memref<80x128xf32, #tpu.memory_space<vmem>>) target(%dma_start3A_270 : memref<10000x128xf32, #tpu.memory_space<vmem_shared>>) offsets(%dma_start3A_267 : memref<80xi32, #tpu.memory_space<vmem>>) semaphore(%run_scoped3A_260 : memref<!tpu.dma_semaphore, #tpu.memory_space<semaphore_mem>>) {add = true}
        %dma_wait3A_271 = arith.constant 0 : i32
        %dma_wait3A_272 = arith.constant 0 : i32
        %dma_wait3A_273 = tpu.memref_slice %arg9[%run_scoped3A, %dma_wait3A_271, %dma_wait3A_272] : memref<4x80x128xf32, #tpu.memory_space<vmem>> -> memref<1x80x128xf32, #tpu.memory_space<vmem>>
        %dma_wait3A_274 = tpu.memref_squeeze %dma_wait3A_273 : memref<1x80x128xf32, #tpu.memory_space<vmem>> -> memref<80x128xf32, #tpu.memory_space<vmem>>
        %dma_wait3A_275 = arith.constant 0 : i32
        %dma_wait3A_276 = tpu.memref_slice %arg8[%run_scoped3A_166, %dma_wait3A_275] : memref<25x80xi32, #tpu.memory_space<vmem>> -> memref<1x80xi32, #tpu.memory_space<vmem>>
        %dma_wait3A_277 = tpu.memref_squeeze %dma_wait3A_276 : memref<1x80xi32, #tpu.memory_space<vmem>> -> memref<80xi32, #tpu.memory_space<vmem>>
        %dma_wait3A_278 = arith.constant 0 : i32
        %dma_wait3A_279 = arith.constant 0 : i32
        %dma_wait3A_280 = tpu.memref_slice %arg11[%dma_wait3A_278, %dma_wait3A_279] : memref<10000x128xf32, #tpu.memory_space<vmem_shared>> -> memref<10000x128xf32, #tpu.memory_space<vmem_shared>>
        tpu.wait_indirect_dma semaphore(%run_scoped3A_260 : memref<!tpu.dma_semaphore, #tpu.memory_space<semaphore_mem>>) src(%dma_wait3A_274 : memref<80x128xf32, #tpu.memory_space<vmem>>) dst(%dma_wait3A_280 : memref<10000x128xf32, #tpu.memory_space<vmem_shared>>)
        tpu.yield
      }) : () -> ()
      %eq3A_167 = arith.constant 0 : i32
      %eq3A_168 = arith.cmpi eq, %arg0, %eq3A_167 : i32
      %convert_element_type3A_169 = arith.extui %eq3A_168 : i1 to i32
      %cond3A_170 = arith.constant 0 : i32
      %cond3A_171 = arith.cmpi ne, %convert_element_type3A_169, %cond3A_170 : i32
      scf.if %cond3A_171 {
        %run_scoped3A_260 = arith.constant 20 : i32
        "tpu.region"() ({
          %run_scoped3A_261 = tpu.sem_alloc : memref<!tpu.dma_semaphore, #tpu.memory_space<semaphore_mem>>
          %dma_start3A_262 = arith.constant 0 : i32
          %dma_start3A_263 = tpu.memref_slice %arg8[%run_scoped3A_260, %dma_start3A_262] : memref<25x80xi32, #tpu.memory_space<vmem>> -> memref<1x80xi32, #tpu.memory_space<vmem>>
          %dma_start3A_264 = tpu.memref_squeeze %dma_start3A_263 : memref<1x80xi32, #tpu.memory_space<vmem>> -> memref<80xi32, #tpu.memory_space<vmem>>
          %dma_start3A_265 = arith.constant 0 : i32
          %dma_start3A_266 = tpu.memref_slice %arg12[%dma_start3A_265] : memref<10000xf32, #tpu.memory_space<vmem_shared>> -> memref<10000xf32, #tpu.memory_space<vmem_shared>>
          tpu.enqueue_indirect_dma source(%arg10 : memref<80xf32, #tpu.memory_space<vmem>>) target(%dma_start3A_266 : memref<10000xf32, #tpu.memory_space<vmem_shared>>) offsets(%dma_start3A_264 : memref<80xi32, #tpu.memory_space<vmem>>) semaphore(%run_scoped3A_261 : memref<!tpu.dma_semaphore, #tpu.memory_space<semaphore_mem>>) {add = true}
          %dma_wait3A_267 = arith.constant 0 : i32
          %dma_wait3A_268 = tpu.memref_slice %arg8[%run_scoped3A_260, %dma_wait3A_267] : memref<25x80xi32, #tpu.memory_space<vmem>> -> memref<1x80xi32, #tpu.memory_space<vmem>>
          %dma_wait3A_269 = tpu.memref_squeeze %dma_wait3A_268 : memref<1x80xi32, #tpu.memory_space<vmem>> -> memref<80xi32, #tpu.memory_space<vmem>>
          %dma_wait3A_270 = arith.constant 0 : i32
          %dma_wait3A_271 = tpu.memref_slice %arg12[%dma_wait3A_270] : memref<10000xf32, #tpu.memory_space<vmem_shared>> -> memref<10000xf32, #tpu.memory_space<vmem_shared>>
          tpu.wait_indirect_dma semaphore(%run_scoped3A_261 : memref<!tpu.dma_semaphore, #tpu.memory_space<semaphore_mem>>) src(%arg10 : memref<80xf32, #tpu.memory_space<vmem>>) dst(%dma_wait3A_271 : memref<10000xf32, #tpu.memory_space<vmem_shared>>)
          tpu.yield
        }) : () -> ()
      } else {
      }
      %dma_start3A_172 = arith.constant 24 : i32
      %dma_start3A_173 = arith.constant 0 : i32
      %dma_start3A_174 = arith.constant 0 : i32
      %dma_start3A_175 = arith.constant 0 : i32
      %dma_start3A_176 = tpu.memref_slice %arg9[%dma_start3A_173, %dma_start3A_174, %dma_start3A_175] : memref<4x80x128xf32, #tpu.memory_space<vmem>> -> memref<1x80x128xf32, #tpu.memory_space<vmem>>
      %dma_start3A_177 = tpu.memref_squeeze %dma_start3A_176 : memref<1x80x128xf32, #tpu.memory_space<vmem>> -> memref<80x128xf32, #tpu.memory_space<vmem>>
      %dma_start3A_178 = arith.constant 0 : i32
      %dma_start3A_179 = tpu.memref_slice %arg7[%dma_start3A_172, %dma_start3A_178] : memref<25x80xi32, #tpu.memory_space<vmem>> -> memref<1x80xi32, #tpu.memory_space<vmem>>
      %dma_start3A_180 = tpu.memref_squeeze %dma_start3A_179 : memref<1x80xi32, #tpu.memory_space<vmem>> -> memref<80xi32, #tpu.memory_space<vmem>>
      %dma_start3A_181 = arith.constant 0 : i32
      %dma_start3A_182 = arith.constant 0 : i32
      %dma_start3A_183 = tpu.memref_slice %arg2[%dma_start3A_181, %dma_start3A_182] : memref<20000x128xf32, #tpu.memory_space<hbm>> -> memref<20000x128xf32, #tpu.memory_space<hbm>>
      tpu.enqueue_indirect_dma source(%dma_start3A_183 : memref<20000x128xf32, #tpu.memory_space<hbm>>) target(%dma_start3A_177 : memref<80x128xf32, #tpu.memory_space<vmem>>) offsets(%dma_start3A_180 : memref<80xi32, #tpu.memory_space<vmem>>) semaphore(%arg13 : memref<!tpu.dma_semaphore, #tpu.memory_space<semaphore_mem>>)
      %dma_wait3A_184 = arith.constant 21 : i32
      %dma_wait3A_185 = arith.constant 1 : i32
      %dma_wait3A_186 = arith.constant 0 : i32
      %dma_wait3A_187 = arith.constant 0 : i32
      %dma_wait3A_188 = tpu.memref_slice %arg9[%dma_wait3A_185, %dma_wait3A_186, %dma_wait3A_187] : memref<4x80x128xf32, #tpu.memory_space<vmem>> -> memref<1x80x128xf32, #tpu.memory_space<vmem>>
      %dma_wait3A_189 = tpu.memref_squeeze %dma_wait3A_188 : memref<1x80x128xf32, #tpu.memory_space<vmem>> -> memref<80x128xf32, #tpu.memory_space<vmem>>
      %dma_wait3A_190 = arith.constant 0 : i32
      %dma_wait3A_191 = tpu.memref_slice %arg7[%dma_wait3A_184, %dma_wait3A_190] : memref<25x80xi32, #tpu.memory_space<vmem>> -> memref<1x80xi32, #tpu.memory_space<vmem>>
      %dma_wait3A_192 = tpu.memref_squeeze %dma_wait3A_191 : memref<1x80xi32, #tpu.memory_space<vmem>> -> memref<80xi32, #tpu.memory_space<vmem>>
      %dma_wait3A_193 = arith.constant 0 : i32
      %dma_wait3A_194 = arith.constant 0 : i32
      %dma_wait3A_195 = tpu.memref_slice %arg2[%dma_wait3A_193, %dma_wait3A_194] : memref<20000x128xf32, #tpu.memory_space<hbm>> -> memref<20000x128xf32, #tpu.memory_space<hbm>>
      tpu.wait_indirect_dma semaphore(%arg14 : memref<!tpu.dma_semaphore, #tpu.memory_space<semaphore_mem>>) src(%dma_wait3A_195 : memref<20000x128xf32, #tpu.memory_space<hbm>>) dst(%dma_wait3A_189 : memref<80x128xf32, #tpu.memory_space<vmem>>)
      %run_scoped3A_196 = arith.constant 1 : i32
      %run_scoped3A_197 = arith.constant 21 : i32
      "tpu.region"() ({
        %run_scoped3A_260 = tpu.sem_alloc : memref<!tpu.dma_semaphore, #tpu.memory_space<semaphore_mem>>
        %dma_start3A_261 = arith.constant 0 : i32
        %dma_start3A_262 = arith.constant 0 : i32
        %dma_start3A_263 = tpu.memref_slice %arg9[%run_scoped3A_196, %dma_start3A_261, %dma_start3A_262] : memref<4x80x128xf32, #tpu.memory_space<vmem>> -> memref<1x80x128xf32, #tpu.memory_space<vmem>>
        %dma_start3A_264 = tpu.memref_squeeze %dma_start3A_263 : memref<1x80x128xf32, #tpu.memory_space<vmem>> -> memref<80x128xf32, #tpu.memory_space<vmem>>
        %dma_start3A_265 = arith.constant 0 : i32
        %dma_start3A_266 = tpu.memref_slice %arg8[%run_scoped3A_197, %dma_start3A_265] : memref<25x80xi32, #tpu.memory_space<vmem>> -> memref<1x80xi32, #tpu.memory_space<vmem>>
        %dma_start3A_267 = tpu.memref_squeeze %dma_start3A_266 : memref<1x80xi32, #tpu.memory_space<vmem>> -> memref<80xi32, #tpu.memory_space<vmem>>
        %dma_start3A_268 = arith.constant 0 : i32
        %dma_start3A_269 = arith.constant 0 : i32
        %dma_start3A_270 = tpu.memref_slice %arg11[%dma_start3A_268, %dma_start3A_269] : memref<10000x128xf32, #tpu.memory_space<vmem_shared>> -> memref<10000x128xf32, #tpu.memory_space<vmem_shared>>
        tpu.enqueue_indirect_dma source(%dma_start3A_264 : memref<80x128xf32, #tpu.memory_space<vmem>>) target(%dma_start3A_270 : memref<10000x128xf32, #tpu.memory_space<vmem_shared>>) offsets(%dma_start3A_267 : memref<80xi32, #tpu.memory_space<vmem>>) semaphore(%run_scoped3A_260 : memref<!tpu.dma_semaphore, #tpu.memory_space<semaphore_mem>>) {add = true}
        %dma_wait3A_271 = arith.constant 0 : i32
        %dma_wait3A_272 = arith.constant 0 : i32
        %dma_wait3A_273 = tpu.memref_slice %arg9[%run_scoped3A_196, %dma_wait3A_271, %dma_wait3A_272] : memref<4x80x128xf32, #tpu.memory_space<vmem>> -> memref<1x80x128xf32, #tpu.memory_space<vmem>>
        %dma_wait3A_274 = tpu.memref_squeeze %dma_wait3A_273 : memref<1x80x128xf32, #tpu.memory_space<vmem>> -> memref<80x128xf32, #tpu.memory_space<vmem>>
        %dma_wait3A_275 = arith.constant 0 : i32
        %dma_wait3A_276 = tpu.memref_slice %arg8[%run_scoped3A_197, %dma_wait3A_275] : memref<25x80xi32, #tpu.memory_space<vmem>> -> memref<1x80xi32, #tpu.memory_space<vmem>>
        %dma_wait3A_277 = tpu.memref_squeeze %dma_wait3A_276 : memref<1x80xi32, #tpu.memory_space<vmem>> -> memref<80xi32, #tpu.memory_space<vmem>>
        %dma_wait3A_278 = arith.constant 0 : i32
        %dma_wait3A_279 = arith.constant 0 : i32
        %dma_wait3A_280 = tpu.memref_slice %arg11[%dma_wait3A_278, %dma_wait3A_279] : memref<10000x128xf32, #tpu.memory_space<vmem_shared>> -> memref<10000x128xf32, #tpu.memory_space<vmem_shared>>
        tpu.wait_indirect_dma semaphore(%run_scoped3A_260 : memref<!tpu.dma_semaphore, #tpu.memory_space<semaphore_mem>>) src(%dma_wait3A_274 : memref<80x128xf32, #tpu.memory_space<vmem>>) dst(%dma_wait3A_280 : memref<10000x128xf32, #tpu.memory_space<vmem_shared>>)
        tpu.yield
      }) : () -> ()
      %eq3A_198 = arith.constant 0 : i32
      %eq3A_199 = arith.cmpi eq, %arg0, %eq3A_198 : i32
      %convert_element_type3A_200 = arith.extui %eq3A_199 : i1 to i32
      %cond3A_201 = arith.constant 0 : i32
      %cond3A_202 = arith.cmpi ne, %convert_element_type3A_200, %cond3A_201 : i32
      scf.if %cond3A_202 {
        %run_scoped3A_260 = arith.constant 21 : i32
        "tpu.region"() ({
          %run_scoped3A_261 = tpu.sem_alloc : memref<!tpu.dma_semaphore, #tpu.memory_space<semaphore_mem>>
          %dma_start3A_262 = arith.constant 0 : i32
          %dma_start3A_263 = tpu.memref_slice %arg8[%run_scoped3A_260, %dma_start3A_262] : memref<25x80xi32, #tpu.memory_space<vmem>> -> memref<1x80xi32, #tpu.memory_space<vmem>>
          %dma_start3A_264 = tpu.memref_squeeze %dma_start3A_263 : memref<1x80xi32, #tpu.memory_space<vmem>> -> memref<80xi32, #tpu.memory_space<vmem>>
          %dma_start3A_265 = arith.constant 0 : i32
          %dma_start3A_266 = tpu.memref_slice %arg12[%dma_start3A_265] : memref<10000xf32, #tpu.memory_space<vmem_shared>> -> memref<10000xf32, #tpu.memory_space<vmem_shared>>
          tpu.enqueue_indirect_dma source(%arg10 : memref<80xf32, #tpu.memory_space<vmem>>) target(%dma_start3A_266 : memref<10000xf32, #tpu.memory_space<vmem_shared>>) offsets(%dma_start3A_264 : memref<80xi32, #tpu.memory_space<vmem>>) semaphore(%run_scoped3A_261 : memref<!tpu.dma_semaphore, #tpu.memory_space<semaphore_mem>>) {add = true}
          %dma_wait3A_267 = arith.constant 0 : i32
          %dma_wait3A_268 = tpu.memref_slice %arg8[%run_scoped3A_260, %dma_wait3A_267] : memref<25x80xi32, #tpu.memory_space<vmem>> -> memref<1x80xi32, #tpu.memory_space<vmem>>
          %dma_wait3A_269 = tpu.memref_squeeze %dma_wait3A_268 : memref<1x80xi32, #tpu.memory_space<vmem>> -> memref<80xi32, #tpu.memory_space<vmem>>
          %dma_wait3A_270 = arith.constant 0 : i32
          %dma_wait3A_271 = tpu.memref_slice %arg12[%dma_wait3A_270] : memref<10000xf32, #tpu.memory_space<vmem_shared>> -> memref<10000xf32, #tpu.memory_space<vmem_shared>>
          tpu.wait_indirect_dma semaphore(%run_scoped3A_261 : memref<!tpu.dma_semaphore, #tpu.memory_space<semaphore_mem>>) src(%arg10 : memref<80xf32, #tpu.memory_space<vmem>>) dst(%dma_wait3A_271 : memref<10000xf32, #tpu.memory_space<vmem_shared>>)
          tpu.yield
        }) : () -> ()
      } else {
      }
      %dma_wait3A_203 = arith.constant 22 : i32
      %dma_wait3A_204 = arith.constant 2 : i32
      %dma_wait3A_205 = arith.constant 0 : i32
      %dma_wait3A_206 = arith.constant 0 : i32
      %dma_wait3A_207 = tpu.memref_slice %arg9[%dma_wait3A_204, %dma_wait3A_205, %dma_wait3A_206] : memref<4x80x128xf32, #tpu.memory_space<vmem>> -> memref<1x80x128xf32, #tpu.memory_space<vmem>>
      %dma_wait3A_208 = tpu.memref_squeeze %dma_wait3A_207 : memref<1x80x128xf32, #tpu.memory_space<vmem>> -> memref<80x128xf32, #tpu.memory_space<vmem>>
      %dma_wait3A_209 = arith.constant 0 : i32
      %dma_wait3A_210 = tpu.memref_slice %arg7[%dma_wait3A_203, %dma_wait3A_209] : memref<25x80xi32, #tpu.memory_space<vmem>> -> memref<1x80xi32, #tpu.memory_space<vmem>>
      %dma_wait3A_211 = tpu.memref_squeeze %dma_wait3A_210 : memref<1x80xi32, #tpu.memory_space<vmem>> -> memref<80xi32, #tpu.memory_space<vmem>>
      %dma_wait3A_212 = arith.constant 0 : i32
      %dma_wait3A_213 = arith.constant 0 : i32
      %dma_wait3A_214 = tpu.memref_slice %arg2[%dma_wait3A_212, %dma_wait3A_213] : memref<20000x128xf32, #tpu.memory_space<hbm>> -> memref<20000x128xf32, #tpu.memory_space<hbm>>
      tpu.wait_indirect_dma semaphore(%arg15 : memref<!tpu.dma_semaphore, #tpu.memory_space<semaphore_mem>>) src(%dma_wait3A_214 : memref<20000x128xf32, #tpu.memory_space<hbm>>) dst(%dma_wait3A_208 : memref<80x128xf32, #tpu.memory_space<vmem>>)
      %run_scoped3A_215 = arith.constant 2 : i32
      %run_scoped3A_216 = arith.constant 22 : i32
      "tpu.region"() ({
        %run_scoped3A_260 = tpu.sem_alloc : memref<!tpu.dma_semaphore, #tpu.memory_space<semaphore_mem>>
        %dma_start3A_261 = arith.constant 0 : i32
        %dma_start3A_262 = arith.constant 0 : i32
        %dma_start3A_263 = tpu.memref_slice %arg9[%run_scoped3A_215, %dma_start3A_261, %dma_start3A_262] : memref<4x80x128xf32, #tpu.memory_space<vmem>> -> memref<1x80x128xf32, #tpu.memory_space<vmem>>
        %dma_start3A_264 = tpu.memref_squeeze %dma_start3A_263 : memref<1x80x128xf32, #tpu.memory_space<vmem>> -> memref<80x128xf32, #tpu.memory_space<vmem>>
        %dma_start3A_265 = arith.constant 0 : i32
        %dma_start3A_266 = tpu.memref_slice %arg8[%run_scoped3A_216, %dma_start3A_265] : memref<25x80xi32, #tpu.memory_space<vmem>> -> memref<1x80xi32, #tpu.memory_space<vmem>>
        %dma_start3A_267 = tpu.memref_squeeze %dma_start3A_266 : memref<1x80xi32, #tpu.memory_space<vmem>> -> memref<80xi32, #tpu.memory_space<vmem>>
        %dma_start3A_268 = arith.constant 0 : i32
        %dma_start3A_269 = arith.constant 0 : i32
        %dma_start3A_270 = tpu.memref_slice %arg11[%dma_start3A_268, %dma_start3A_269] : memref<10000x128xf32, #tpu.memory_space<vmem_shared>> -> memref<10000x128xf32, #tpu.memory_space<vmem_shared>>
        tpu.enqueue_indirect_dma source(%dma_start3A_264 : memref<80x128xf32, #tpu.memory_space<vmem>>) target(%dma_start3A_270 : memref<10000x128xf32, #tpu.memory_space<vmem_shared>>) offsets(%dma_start3A_267 : memref<80xi32, #tpu.memory_space<vmem>>) semaphore(%run_scoped3A_260 : memref<!tpu.dma_semaphore, #tpu.memory_space<semaphore_mem>>) {add = true}
        %dma_wait3A_271 = arith.constant 0 : i32
        %dma_wait3A_272 = arith.constant 0 : i32
        %dma_wait3A_273 = tpu.memref_slice %arg9[%run_scoped3A_215, %dma_wait3A_271, %dma_wait3A_272] : memref<4x80x128xf32, #tpu.memory_space<vmem>> -> memref<1x80x128xf32, #tpu.memory_space<vmem>>
        %dma_wait3A_274 = tpu.memref_squeeze %dma_wait3A_273 : memref<1x80x128xf32, #tpu.memory_space<vmem>> -> memref<80x128xf32, #tpu.memory_space<vmem>>
        %dma_wait3A_275 = arith.constant 0 : i32
        %dma_wait3A_276 = tpu.memref_slice %arg8[%run_scoped3A_216, %dma_wait3A_275] : memref<25x80xi32, #tpu.memory_space<vmem>> -> memref<1x80xi32, #tpu.memory_space<vmem>>
        %dma_wait3A_277 = tpu.memref_squeeze %dma_wait3A_276 : memref<1x80xi32, #tpu.memory_space<vmem>> -> memref<80xi32, #tpu.memory_space<vmem>>
        %dma_wait3A_278 = arith.constant 0 : i32
        %dma_wait3A_279 = arith.constant 0 : i32
        %dma_wait3A_280 = tpu.memref_slice %arg11[%dma_wait3A_278, %dma_wait3A_279] : memref<10000x128xf32, #tpu.memory_space<vmem_shared>> -> memref<10000x128xf32, #tpu.memory_space<vmem_shared>>
        tpu.wait_indirect_dma semaphore(%run_scoped3A_260 : memref<!tpu.dma_semaphore, #tpu.memory_space<semaphore_mem>>) src(%dma_wait3A_274 : memref<80x128xf32, #tpu.memory_space<vmem>>) dst(%dma_wait3A_280 : memref<10000x128xf32, #tpu.memory_space<vmem_shared>>)
        tpu.yield
      }) : () -> ()
      %eq3A_217 = arith.constant 0 : i32
      %eq3A_218 = arith.cmpi eq, %arg0, %eq3A_217 : i32
      %convert_element_type3A_219 = arith.extui %eq3A_218 : i1 to i32
      %cond3A_220 = arith.constant 0 : i32
      %cond3A_221 = arith.cmpi ne, %convert_element_type3A_219, %cond3A_220 : i32
      scf.if %cond3A_221 {
        %run_scoped3A_260 = arith.constant 22 : i32
        "tpu.region"() ({
          %run_scoped3A_261 = tpu.sem_alloc : memref<!tpu.dma_semaphore, #tpu.memory_space<semaphore_mem>>
          %dma_start3A_262 = arith.constant 0 : i32
          %dma_start3A_263 = tpu.memref_slice %arg8[%run_scoped3A_260, %dma_start3A_262] : memref<25x80xi32, #tpu.memory_space<vmem>> -> memref<1x80xi32, #tpu.memory_space<vmem>>
          %dma_start3A_264 = tpu.memref_squeeze %dma_start3A_263 : memref<1x80xi32, #tpu.memory_space<vmem>> -> memref<80xi32, #tpu.memory_space<vmem>>
          %dma_start3A_265 = arith.constant 0 : i32
          %dma_start3A_266 = tpu.memref_slice %arg12[%dma_start3A_265] : memref<10000xf32, #tpu.memory_space<vmem_shared>> -> memref<10000xf32, #tpu.memory_space<vmem_shared>>
          tpu.enqueue_indirect_dma source(%arg10 : memref<80xf32, #tpu.memory_space<vmem>>) target(%dma_start3A_266 : memref<10000xf32, #tpu.memory_space<vmem_shared>>) offsets(%dma_start3A_264 : memref<80xi32, #tpu.memory_space<vmem>>) semaphore(%run_scoped3A_261 : memref<!tpu.dma_semaphore, #tpu.memory_space<semaphore_mem>>) {add = true}
          %dma_wait3A_267 = arith.constant 0 : i32
          %dma_wait3A_268 = tpu.memref_slice %arg8[%run_scoped3A_260, %dma_wait3A_267] : memref<25x80xi32, #tpu.memory_space<vmem>> -> memref<1x80xi32, #tpu.memory_space<vmem>>
          %dma_wait3A_269 = tpu.memref_squeeze %dma_wait3A_268 : memref<1x80xi32, #tpu.memory_space<vmem>> -> memref<80xi32, #tpu.memory_space<vmem>>
          %dma_wait3A_270 = arith.constant 0 : i32
          %dma_wait3A_271 = tpu.memref_slice %arg12[%dma_wait3A_270] : memref<10000xf32, #tpu.memory_space<vmem_shared>> -> memref<10000xf32, #tpu.memory_space<vmem_shared>>
          tpu.wait_indirect_dma semaphore(%run_scoped3A_261 : memref<!tpu.dma_semaphore, #tpu.memory_space<semaphore_mem>>) src(%arg10 : memref<80xf32, #tpu.memory_space<vmem>>) dst(%dma_wait3A_271 : memref<10000xf32, #tpu.memory_space<vmem_shared>>)
          tpu.yield
        }) : () -> ()
      } else {
      }
      %dma_wait3A_222 = arith.constant 23 : i32
      %dma_wait3A_223 = arith.constant 3 : i32
      %dma_wait3A_224 = arith.constant 0 : i32
      %dma_wait3A_225 = arith.constant 0 : i32
      %dma_wait3A_226 = tpu.memref_slice %arg9[%dma_wait3A_223, %dma_wait3A_224, %dma_wait3A_225] : memref<4x80x128xf32, #tpu.memory_space<vmem>> -> memref<1x80x128xf32, #tpu.memory_space<vmem>>
      %dma_wait3A_227 = tpu.memref_squeeze %dma_wait3A_226 : memref<1x80x128xf32, #tpu.memory_space<vmem>> -> memref<80x128xf32, #tpu.memory_space<vmem>>
      %dma_wait3A_228 = arith.constant 0 : i32
      %dma_wait3A_229 = tpu.memref_slice %arg7[%dma_wait3A_222, %dma_wait3A_228] : memref<25x80xi32, #tpu.memory_space<vmem>> -> memref<1x80xi32, #tpu.memory_space<vmem>>
      %dma_wait3A_230 = tpu.memref_squeeze %dma_wait3A_229 : memref<1x80xi32, #tpu.memory_space<vmem>> -> memref<80xi32, #tpu.memory_space<vmem>>
      %dma_wait3A_231 = arith.constant 0 : i32
      %dma_wait3A_232 = arith.constant 0 : i32
      %dma_wait3A_233 = tpu.memref_slice %arg2[%dma_wait3A_231, %dma_wait3A_232] : memref<20000x128xf32, #tpu.memory_space<hbm>> -> memref<20000x128xf32, #tpu.memory_space<hbm>>
      tpu.wait_indirect_dma semaphore(%arg16 : memref<!tpu.dma_semaphore, #tpu.memory_space<semaphore_mem>>) src(%dma_wait3A_233 : memref<20000x128xf32, #tpu.memory_space<hbm>>) dst(%dma_wait3A_227 : memref<80x128xf32, #tpu.memory_space<vmem>>)
      %run_scoped3A_234 = arith.constant 3 : i32
      %run_scoped3A_235 = arith.constant 23 : i32
      "tpu.region"() ({
        %run_scoped3A_260 = tpu.sem_alloc : memref<!tpu.dma_semaphore, #tpu.memory_space<semaphore_mem>>
        %dma_start3A_261 = arith.constant 0 : i32
        %dma_start3A_262 = arith.constant 0 : i32
        %dma_start3A_263 = tpu.memref_slice %arg9[%run_scoped3A_234, %dma_start3A_261, %dma_start3A_262] : memref<4x80x128xf32, #tpu.memory_space<vmem>> -> memref<1x80x128xf32, #tpu.memory_space<vmem>>
        %dma_start3A_264 = tpu.memref_squeeze %dma_start3A_263 : memref<1x80x128xf32, #tpu.memory_space<vmem>> -> memref<80x128xf32, #tpu.memory_space<vmem>>
        %dma_start3A_265 = arith.constant 0 : i32
        %dma_start3A_266 = tpu.memref_slice %arg8[%run_scoped3A_235, %dma_start3A_265] : memref<25x80xi32, #tpu.memory_space<vmem>> -> memref<1x80xi32, #tpu.memory_space<vmem>>
        %dma_start3A_267 = tpu.memref_squeeze %dma_start3A_266 : memref<1x80xi32, #tpu.memory_space<vmem>> -> memref<80xi32, #tpu.memory_space<vmem>>
        %dma_start3A_268 = arith.constant 0 : i32
        %dma_start3A_269 = arith.constant 0 : i32
        %dma_start3A_270 = tpu.memref_slice %arg11[%dma_start3A_268, %dma_start3A_269] : memref<10000x128xf32, #tpu.memory_space<vmem_shared>> -> memref<10000x128xf32, #tpu.memory_space<vmem_shared>>
        tpu.enqueue_indirect_dma source(%dma_start3A_264 : memref<80x128xf32, #tpu.memory_space<vmem>>) target(%dma_start3A_270 : memref<10000x128xf32, #tpu.memory_space<vmem_shared>>) offsets(%dma_start3A_267 : memref<80xi32, #tpu.memory_space<vmem>>) semaphore(%run_scoped3A_260 : memref<!tpu.dma_semaphore, #tpu.memory_space<semaphore_mem>>) {add = true}
        %dma_wait3A_271 = arith.constant 0 : i32
        %dma_wait3A_272 = arith.constant 0 : i32
        %dma_wait3A_273 = tpu.memref_slice %arg9[%run_scoped3A_234, %dma_wait3A_271, %dma_wait3A_272] : memref<4x80x128xf32, #tpu.memory_space<vmem>> -> memref<1x80x128xf32, #tpu.memory_space<vmem>>
        %dma_wait3A_274 = tpu.memref_squeeze %dma_wait3A_273 : memref<1x80x128xf32, #tpu.memory_space<vmem>> -> memref<80x128xf32, #tpu.memory_space<vmem>>
        %dma_wait3A_275 = arith.constant 0 : i32
        %dma_wait3A_276 = tpu.memref_slice %arg8[%run_scoped3A_235, %dma_wait3A_275] : memref<25x80xi32, #tpu.memory_space<vmem>> -> memref<1x80xi32, #tpu.memory_space<vmem>>
        %dma_wait3A_277 = tpu.memref_squeeze %dma_wait3A_276 : memref<1x80xi32, #tpu.memory_space<vmem>> -> memref<80xi32, #tpu.memory_space<vmem>>
        %dma_wait3A_278 = arith.constant 0 : i32
        %dma_wait3A_279 = arith.constant 0 : i32
        %dma_wait3A_280 = tpu.memref_slice %arg11[%dma_wait3A_278, %dma_wait3A_279] : memref<10000x128xf32, #tpu.memory_space<vmem_shared>> -> memref<10000x128xf32, #tpu.memory_space<vmem_shared>>
        tpu.wait_indirect_dma semaphore(%run_scoped3A_260 : memref<!tpu.dma_semaphore, #tpu.memory_space<semaphore_mem>>) src(%dma_wait3A_274 : memref<80x128xf32, #tpu.memory_space<vmem>>) dst(%dma_wait3A_280 : memref<10000x128xf32, #tpu.memory_space<vmem_shared>>)
        tpu.yield
      }) : () -> ()
      %eq3A_236 = arith.constant 0 : i32
      %eq3A_237 = arith.cmpi eq, %arg0, %eq3A_236 : i32
      %convert_element_type3A_238 = arith.extui %eq3A_237 : i1 to i32
      %cond3A_239 = arith.constant 0 : i32
      %cond3A_240 = arith.cmpi ne, %convert_element_type3A_238, %cond3A_239 : i32
      scf.if %cond3A_240 {
        %run_scoped3A_260 = arith.constant 23 : i32
        "tpu.region"() ({
          %run_scoped3A_261 = tpu.sem_alloc : memref<!tpu.dma_semaphore, #tpu.memory_space<semaphore_mem>>
          %dma_start3A_262 = arith.constant 0 : i32
          %dma_start3A_263 = tpu.memref_slice %arg8[%run_scoped3A_260, %dma_start3A_262] : memref<25x80xi32, #tpu.memory_space<vmem>> -> memref<1x80xi32, #tpu.memory_space<vmem>>
          %dma_start3A_264 = tpu.memref_squeeze %dma_start3A_263 : memref<1x80xi32, #tpu.memory_space<vmem>> -> memref<80xi32, #tpu.memory_space<vmem>>
          %dma_start3A_265 = arith.constant 0 : i32
          %dma_start3A_266 = tpu.memref_slice %arg12[%dma_start3A_265] : memref<10000xf32, #tpu.memory_space<vmem_shared>> -> memref<10000xf32, #tpu.memory_space<vmem_shared>>
          tpu.enqueue_indirect_dma source(%arg10 : memref<80xf32, #tpu.memory_space<vmem>>) target(%dma_start3A_266 : memref<10000xf32, #tpu.memory_space<vmem_shared>>) offsets(%dma_start3A_264 : memref<80xi32, #tpu.memory_space<vmem>>) semaphore(%run_scoped3A_261 : memref<!tpu.dma_semaphore, #tpu.memory_space<semaphore_mem>>) {add = true}
          %dma_wait3A_267 = arith.constant 0 : i32
          %dma_wait3A_268 = tpu.memref_slice %arg8[%run_scoped3A_260, %dma_wait3A_267] : memref<25x80xi32, #tpu.memory_space<vmem>> -> memref<1x80xi32, #tpu.memory_space<vmem>>
          %dma_wait3A_269 = tpu.memref_squeeze %dma_wait3A_268 : memref<1x80xi32, #tpu.memory_space<vmem>> -> memref<80xi32, #tpu.memory_space<vmem>>
          %dma_wait3A_270 = arith.constant 0 : i32
          %dma_wait3A_271 = tpu.memref_slice %arg12[%dma_wait3A_270] : memref<10000xf32, #tpu.memory_space<vmem_shared>> -> memref<10000xf32, #tpu.memory_space<vmem_shared>>
          tpu.wait_indirect_dma semaphore(%run_scoped3A_261 : memref<!tpu.dma_semaphore, #tpu.memory_space<semaphore_mem>>) src(%arg10 : memref<80xf32, #tpu.memory_space<vmem>>) dst(%dma_wait3A_271 : memref<10000xf32, #tpu.memory_space<vmem_shared>>)
          tpu.yield
        }) : () -> ()
      } else {
      }
      %dma_wait3A_241 = arith.constant 24 : i32
      %dma_wait3A_242 = arith.constant 0 : i32
      %dma_wait3A_243 = arith.constant 0 : i32
      %dma_wait3A_244 = arith.constant 0 : i32
      %dma_wait3A_245 = tpu.memref_slice %arg9[%dma_wait3A_242, %dma_wait3A_243, %dma_wait3A_244] : memref<4x80x128xf32, #tpu.memory_space<vmem>> -> memref<1x80x128xf32, #tpu.memory_space<vmem>>
      %dma_wait3A_246 = tpu.memref_squeeze %dma_wait3A_245 : memref<1x80x128xf32, #tpu.memory_space<vmem>> -> memref<80x128xf32, #tpu.memory_space<vmem>>
      %dma_wait3A_247 = arith.constant 0 : i32
      %dma_wait3A_248 = tpu.memref_slice %arg7[%dma_wait3A_241, %dma_wait3A_247] : memref<25x80xi32, #tpu.memory_space<vmem>> -> memref<1x80xi32, #tpu.memory_space<vmem>>
      %dma_wait3A_249 = tpu.memref_squeeze %dma_wait3A_248 : memref<1x80xi32, #tpu.memory_space<vmem>> -> memref<80xi32, #tpu.memory_space<vmem>>
      %dma_wait3A_250 = arith.constant 0 : i32
      %dma_wait3A_251 = arith.constant 0 : i32
      %dma_wait3A_252 = tpu.memref_slice %arg2[%dma_wait3A_250, %dma_wait3A_251] : memref<20000x128xf32, #tpu.memory_space<hbm>> -> memref<20000x128xf32, #tpu.memory_space<hbm>>
      tpu.wait_indirect_dma semaphore(%arg13 : memref<!tpu.dma_semaphore, #tpu.memory_space<semaphore_mem>>) src(%dma_wait3A_252 : memref<20000x128xf32, #tpu.memory_space<hbm>>) dst(%dma_wait3A_246 : memref<80x128xf32, #tpu.memory_space<vmem>>)
      %run_scoped3A_253 = arith.constant 0 : i32
      %run_scoped3A_254 = arith.constant 24 : i32
      "tpu.region"() ({
        %run_scoped3A_260 = tpu.sem_alloc : memref<!tpu.dma_semaphore, #tpu.memory_space<semaphore_mem>>
        %dma_start3A_261 = arith.constant 0 : i32
        %dma_start3A_262 = arith.constant 0 : i32
        %dma_start3A_263 = tpu.memref_slice %arg9[%run_scoped3A_253, %dma_start3A_261, %dma_start3A_262] : memref<4x80x128xf32, #tpu.memory_space<vmem>> -> memref<1x80x128xf32, #tpu.memory_space<vmem>>
        %dma_start3A_264 = tpu.memref_squeeze %dma_start3A_263 : memref<1x80x128xf32, #tpu.memory_space<vmem>> -> memref<80x128xf32, #tpu.memory_space<vmem>>
        %dma_start3A_265 = arith.constant 0 : i32
        %dma_start3A_266 = tpu.memref_slice %arg8[%run_scoped3A_254, %dma_start3A_265] : memref<25x80xi32, #tpu.memory_space<vmem>> -> memref<1x80xi32, #tpu.memory_space<vmem>>
        %dma_start3A_267 = tpu.memref_squeeze %dma_start3A_266 : memref<1x80xi32, #tpu.memory_space<vmem>> -> memref<80xi32, #tpu.memory_space<vmem>>
        %dma_start3A_268 = arith.constant 0 : i32
        %dma_start3A_269 = arith.constant 0 : i32
        %dma_start3A_270 = tpu.memref_slice %arg11[%dma_start3A_268, %dma_start3A_269] : memref<10000x128xf32, #tpu.memory_space<vmem_shared>> -> memref<10000x128xf32, #tpu.memory_space<vmem_shared>>
        tpu.enqueue_indirect_dma source(%dma_start3A_264 : memref<80x128xf32, #tpu.memory_space<vmem>>) target(%dma_start3A_270 : memref<10000x128xf32, #tpu.memory_space<vmem_shared>>) offsets(%dma_start3A_267 : memref<80xi32, #tpu.memory_space<vmem>>) semaphore(%run_scoped3A_260 : memref<!tpu.dma_semaphore, #tpu.memory_space<semaphore_mem>>) {add = true}
        %dma_wait3A_271 = arith.constant 0 : i32
        %dma_wait3A_272 = arith.constant 0 : i32
        %dma_wait3A_273 = tpu.memref_slice %arg9[%run_scoped3A_253, %dma_wait3A_271, %dma_wait3A_272] : memref<4x80x128xf32, #tpu.memory_space<vmem>> -> memref<1x80x128xf32, #tpu.memory_space<vmem>>
        %dma_wait3A_274 = tpu.memref_squeeze %dma_wait3A_273 : memref<1x80x128xf32, #tpu.memory_space<vmem>> -> memref<80x128xf32, #tpu.memory_space<vmem>>
        %dma_wait3A_275 = arith.constant 0 : i32
        %dma_wait3A_276 = tpu.memref_slice %arg8[%run_scoped3A_254, %dma_wait3A_275] : memref<25x80xi32, #tpu.memory_space<vmem>> -> memref<1x80xi32, #tpu.memory_space<vmem>>
        %dma_wait3A_277 = tpu.memref_squeeze %dma_wait3A_276 : memref<1x80xi32, #tpu.memory_space<vmem>> -> memref<80xi32, #tpu.memory_space<vmem>>
        %dma_wait3A_278 = arith.constant 0 : i32
        %dma_wait3A_279 = arith.constant 0 : i32
        %dma_wait3A_280 = tpu.memref_slice %arg11[%dma_wait3A_278, %dma_wait3A_279] : memref<10000x128xf32, #tpu.memory_space<vmem_shared>> -> memref<10000x128xf32, #tpu.memory_space<vmem_shared>>
        tpu.wait_indirect_dma semaphore(%run_scoped3A_260 : memref<!tpu.dma_semaphore, #tpu.memory_space<semaphore_mem>>) src(%dma_wait3A_274 : memref<80x128xf32, #tpu.memory_space<vmem>>) dst(%dma_wait3A_280 : memref<10000x128xf32, #tpu.memory_space<vmem_shared>>)
        tpu.yield
      }) : () -> ()
      %eq3A_255 = arith.constant 0 : i32
      %eq3A_256 = arith.cmpi eq, %arg0, %eq3A_255 : i32
      %convert_element_type3A_257 = arith.extui %eq3A_256 : i1 to i32
      %cond3A_258 = arith.constant 0 : i32
      %cond3A_259 = arith.cmpi ne, %convert_element_type3A_257, %cond3A_258 : i32
      scf.if %cond3A_259 {
        %run_scoped3A_260 = arith.constant 24 : i32
        "tpu.region"() ({
          %run_scoped3A_261 = tpu.sem_alloc : memref<!tpu.dma_semaphore, #tpu.memory_space<semaphore_mem>>
          %dma_start3A_262 = arith.constant 0 : i32
          %dma_start3A_263 = tpu.memref_slice %arg8[%run_scoped3A_260, %dma_start3A_262] : memref<25x80xi32, #tpu.memory_space<vmem>> -> memref<1x80xi32, #tpu.memory_space<vmem>>
          %dma_start3A_264 = tpu.memref_squeeze %dma_start3A_263 : memref<1x80xi32, #tpu.memory_space<vmem>> -> memref<80xi32, #tpu.memory_space<vmem>>
          %dma_start3A_265 = arith.constant 0 : i32
          %dma_start3A_266 = tpu.memref_slice %arg12[%dma_start3A_265] : memref<10000xf32, #tpu.memory_space<vmem_shared>> -> memref<10000xf32, #tpu.memory_space<vmem_shared>>
          tpu.enqueue_indirect_dma source(%arg10 : memref<80xf32, #tpu.memory_space<vmem>>) target(%dma_start3A_266 : memref<10000xf32, #tpu.memory_space<vmem_shared>>) offsets(%dma_start3A_264 : memref<80xi32, #tpu.memory_space<vmem>>) semaphore(%run_scoped3A_261 : memref<!tpu.dma_semaphore, #tpu.memory_space<semaphore_mem>>) {add = true}
          %dma_wait3A_267 = arith.constant 0 : i32
          %dma_wait3A_268 = tpu.memref_slice %arg8[%run_scoped3A_260, %dma_wait3A_267] : memref<25x80xi32, #tpu.memory_space<vmem>> -> memref<1x80xi32, #tpu.memory_space<vmem>>
          %dma_wait3A_269 = tpu.memref_squeeze %dma_wait3A_268 : memref<1x80xi32, #tpu.memory_space<vmem>> -> memref<80xi32, #tpu.memory_space<vmem>>
          %dma_wait3A_270 = arith.constant 0 : i32
          %dma_wait3A_271 = tpu.memref_slice %arg12[%dma_wait3A_270] : memref<10000xf32, #tpu.memory_space<vmem_shared>> -> memref<10000xf32, #tpu.memory_space<vmem_shared>>
          tpu.wait_indirect_dma semaphore(%run_scoped3A_261 : memref<!tpu.dma_semaphore, #tpu.memory_space<semaphore_mem>>) src(%arg10 : memref<80xf32, #tpu.memory_space<vmem>>) dst(%dma_wait3A_271 : memref<10000xf32, #tpu.memory_space<vmem_shared>>)
          tpu.yield
        }) : () -> ()
      } else {
      }
    }
    %scan3A_82 = arith.constant 5 : i32
    %barrier3A_83 = arith.constant 0 : index
    tpu.barrier barrier_id(%barrier3A_83)
    %while3A_84 = arith.subi %min3A_10, %mul3A_6 : i32
    %while3A_85 = arith.addi %mul3A_6, %while3A_84 : i32
    %while3A_86 = arith.constant 1 : i32
    %while3A_87 = arith.divsi %while3A_84, %while3A_86 : i32
    %while3A_88 = arith.muli %while3A_87, %while3A_86 : i32
    %while3A_89 = arith.addi %mul3A_6, %while3A_88 : i32
    %while3A_90 = arith.constant 1 : i32
    scf.for %while3A_97 = %mul3A_6 to %while3A_89 step %while3A_90  : i32 {
      %mul3A_98 = arith.constant 80 : i32
      %mul3A_99 = arith.muli %while3A_97, %mul3A_98 : i32
      %mul3A_100 = arith.constant 80 : i32
      %mul3A_101 = arith.muli %while3A_97, %mul3A_100 : i32
      "tpu.region"() ({
        %run_scoped3A = tpu.sem_alloc : memref<!tpu.dma_semaphore, #tpu.memory_space<semaphore_mem>>
        %dma_start3A = arith.constant 0 : i32
        %dma_start3A_102 = tpu.memref_slice %arg5[%arg0, %mul3A_101, %dma_start3A] : memref<2x10000x128xf32, #tpu.memory_space<hbm>> -> memref<1x80x128xf32, #tpu.memory_space<hbm>>
        %dma_start3A_103 = tpu.memref_squeeze %dma_start3A_102 : memref<1x80x128xf32, #tpu.memory_space<hbm>> -> memref<80x128xf32, #tpu.memory_space<hbm>>
        %dma_start3A_104 = arith.constant 0 : i32
        %dma_start3A_105 = tpu.memref_slice %arg11[%mul3A_99, %dma_start3A_104] : memref<10000x128xf32, #tpu.memory_space<vmem_shared>> -> memref<80x128xf32, #tpu.memory_space<vmem_shared>>
        tpu.enqueue_dma source(%dma_start3A_105 : memref<80x128xf32, #tpu.memory_space<vmem_shared>>) target(%dma_start3A_103 : memref<80x128xf32, #tpu.memory_space<hbm>>) target_semaphore(%run_scoped3A : memref<!tpu.dma_semaphore, #tpu.memory_space<semaphore_mem>>)
        %dma_wait3A = arith.constant 0 : i32
        %dma_wait3A_106 = tpu.memref_slice %arg5[%arg0, %mul3A_101, %dma_wait3A] : memref<2x10000x128xf32, #tpu.memory_space<hbm>> -> memref<1x80x128xf32, #tpu.memory_space<hbm>>
        %dma_wait3A_107 = tpu.memref_squeeze %dma_wait3A_106 : memref<1x80x128xf32, #tpu.memory_space<hbm>> -> memref<80x128xf32, #tpu.memory_space<hbm>>
        %dma_wait3A_108 = arith.constant 0 : i32
        %dma_wait3A_109 = tpu.memref_slice %arg11[%mul3A_99, %dma_wait3A_108] : memref<10000x128xf32, #tpu.memory_space<vmem_shared>> -> memref<80x128xf32, #tpu.memory_space<vmem_shared>>
        tpu.wait_dma2 semaphore(%run_scoped3A : memref<!tpu.dma_semaphore, #tpu.memory_space<semaphore_mem>>) src(%dma_wait3A_109 : memref<80x128xf32, #tpu.memory_space<vmem_shared>>) dst(%dma_wait3A_107 : memref<80x128xf32, #tpu.memory_space<hbm>>)
        tpu.yield
      }) : () -> ()
    }
    %while3A_91 = arith.constant 1 : i32
    scf.for %while3A_97 = %while3A_89 to %while3A_85 step %while3A_91  : i32 {
      %mul3A_98 = arith.constant 80 : i32
      %mul3A_99 = arith.muli %while3A_97, %mul3A_98 : i32
      %mul3A_100 = arith.constant 80 : i32
      %mul3A_101 = arith.muli %while3A_97, %mul3A_100 : i32
      "tpu.region"() ({
        %run_scoped3A = tpu.sem_alloc : memref<!tpu.dma_semaphore, #tpu.memory_space<semaphore_mem>>
        %dma_start3A = arith.constant 0 : i32
        %dma_start3A_102 = tpu.memref_slice %arg5[%arg0, %mul3A_101, %dma_start3A] : memref<2x10000x128xf32, #tpu.memory_space<hbm>> -> memref<1x80x128xf32, #tpu.memory_space<hbm>>
        %dma_start3A_103 = tpu.memref_squeeze %dma_start3A_102 : memref<1x80x128xf32, #tpu.memory_space<hbm>> -> memref<80x128xf32, #tpu.memory_space<hbm>>
        %dma_start3A_104 = arith.constant 0 : i32
        %dma_start3A_105 = tpu.memref_slice %arg11[%mul3A_99, %dma_start3A_104] : memref<10000x128xf32, #tpu.memory_space<vmem_shared>> -> memref<80x128xf32, #tpu.memory_space<vmem_shared>>
        tpu.enqueue_dma source(%dma_start3A_105 : memref<80x128xf32, #tpu.memory_space<vmem_shared>>) target(%dma_start3A_103 : memref<80x128xf32, #tpu.memory_space<hbm>>) target_semaphore(%run_scoped3A : memref<!tpu.dma_semaphore, #tpu.memory_space<semaphore_mem>>)
        %dma_wait3A = arith.constant 0 : i32
        %dma_wait3A_106 = tpu.memref_slice %arg5[%arg0, %mul3A_101, %dma_wait3A] : memref<2x10000x128xf32, #tpu.memory_space<hbm>> -> memref<1x80x128xf32, #tpu.memory_space<hbm>>
        %dma_wait3A_107 = tpu.memref_squeeze %dma_wait3A_106 : memref<1x80x128xf32, #tpu.memory_space<hbm>> -> memref<80x128xf32, #tpu.memory_space<hbm>>
        %dma_wait3A_108 = arith.constant 0 : i32
        %dma_wait3A_109 = tpu.memref_slice %arg11[%mul3A_99, %dma_wait3A_108] : memref<10000x128xf32, #tpu.memory_space<vmem_shared>> -> memref<80x128xf32, #tpu.memory_space<vmem_shared>>
        tpu.wait_dma2 semaphore(%run_scoped3A : memref<!tpu.dma_semaphore, #tpu.memory_space<semaphore_mem>>) src(%dma_wait3A_109 : memref<80x128xf32, #tpu.memory_space<vmem_shared>>) dst(%dma_wait3A_107 : memref<80x128xf32, #tpu.memory_space<hbm>>)
        tpu.yield
      }) : () -> ()
    }
    %eq3A_92 = arith.constant 0 : i32
    %eq3A_93 = arith.cmpi eq, %arg0, %eq3A_92 : i32
    %convert_element_type3A_94 = arith.extui %eq3A_93 : i1 to i32
    %cond3A_95 = arith.constant 0 : i32
    %cond3A_96 = arith.cmpi ne, %convert_element_type3A_94, %cond3A_95 : i32
    scf.if %cond3A_96 {
      %mul3A_97 = arith.constant 8 : i32
      %mul3A_98 = arith.muli %arg1, %mul3A_97 : i32
      %add3A_99 = arith.constant 1 : i32
      %add3A_100 = arith.addi %arg1, %add3A_99 : i32
      %mul3A_101 = arith.constant 8 : i32
      %mul3A_102 = arith.muli %add3A_100, %mul3A_101 : i32
      %min3A_103 = arith.constant 125 : i32
      %min3A_104 = arith.minsi %mul3A_102, %min3A_103 : i32
      %while3A_105 = arith.subi %min3A_104, %mul3A_98 : i32
      %while3A_106 = arith.addi %mul3A_98, %while3A_105 : i32
      %while3A_107 = arith.constant 1 : i32
      %while3A_108 = arith.divsi %while3A_105, %while3A_107 : i32
      %while3A_109 = arith.muli %while3A_108, %while3A_107 : i32
      %while3A_110 = arith.addi %mul3A_98, %while3A_109 : i32
      %while3A_111 = arith.constant 1 : i32
      scf.for %while3A_113 = %mul3A_98 to %while3A_110 step %while3A_111  : i32 {
        %mul3A_114 = arith.constant 80 : i32
        %mul3A_115 = arith.muli %while3A_113, %mul3A_114 : i32
        "tpu.region"() ({
          %run_scoped3A = tpu.sem_alloc : memref<!tpu.dma_semaphore, #tpu.memory_space<semaphore_mem>>
          %dma_start3A = tpu.memref_slice %arg12[%mul3A_115] : memref<10000xf32, #tpu.memory_space<vmem_shared>> -> memref<80xf32, #tpu.memory_space<vmem_shared>>
          %dma_start3A_118 = tpu.memref_slice %arg12[%mul3A_115] : memref<10000xf32, #tpu.memory_space<vmem_shared>> -> memref<80xf32, #tpu.memory_space<vmem_shared>>
          tpu.enqueue_dma source(%dma_start3A_118 : memref<80xf32, #tpu.memory_space<vmem_shared>>) target(%arg10 : memref<80xf32, #tpu.memory_space<vmem>>) target_semaphore(%run_scoped3A : memref<!tpu.dma_semaphore, #tpu.memory_space<semaphore_mem>>)
          %dma_wait3A = tpu.memref_slice %arg12[%mul3A_115] : memref<10000xf32, #tpu.memory_space<vmem_shared>> -> memref<80xf32, #tpu.memory_space<vmem_shared>>
          %dma_wait3A_119 = tpu.memref_slice %arg12[%mul3A_115] : memref<10000xf32, #tpu.memory_space<vmem_shared>> -> memref<80xf32, #tpu.memory_space<vmem_shared>>
          tpu.wait_dma2 semaphore(%run_scoped3A : memref<!tpu.dma_semaphore, #tpu.memory_space<semaphore_mem>>) src(%dma_wait3A_119 : memref<80xf32, #tpu.memory_space<vmem_shared>>) dst(%arg10 : memref<80xf32, #tpu.memory_space<vmem>>)
          tpu.yield
        }) : () -> ()
        %mul3A_116 = arith.constant 80 : i32
        %mul3A_117 = arith.muli %while3A_113, %mul3A_116 : i32
        "tpu.region"() ({
          %run_scoped3A = tpu.sem_alloc : memref<!tpu.dma_semaphore, #tpu.memory_space<semaphore_mem>>
          %dma_start3A = tpu.memref_slice %arg6[%mul3A_117] : memref<10000xf32, #tpu.memory_space<hbm>> -> memref<80xf32, #tpu.memory_space<hbm>>
          %dma_start3A_118 = tpu.memref_slice %arg6[%mul3A_117] : memref<10000xf32, #tpu.memory_space<hbm>> -> memref<80xf32, #tpu.memory_space<hbm>>
          tpu.enqueue_dma source(%arg10 : memref<80xf32, #tpu.memory_space<vmem>>) target(%dma_start3A_118 : memref<80xf32, #tpu.memory_space<hbm>>) target_semaphore(%run_scoped3A : memref<!tpu.dma_semaphore, #tpu.memory_space<semaphore_mem>>)
          %dma_wait3A = tpu.memref_slice %arg6[%mul3A_117] : memref<10000xf32, #tpu.memory_space<hbm>> -> memref<80xf32, #tpu.memory_space<hbm>>
          %dma_wait3A_119 = tpu.memref_slice %arg6[%mul3A_117] : memref<10000xf32, #tpu.memory_space<hbm>> -> memref<80xf32, #tpu.memory_space<hbm>>
          tpu.wait_dma2 semaphore(%run_scoped3A : memref<!tpu.dma_semaphore, #tpu.memory_space<semaphore_mem>>) src(%arg10 : memref<80xf32, #tpu.memory_space<vmem>>) dst(%dma_wait3A_119 : memref<80xf32, #tpu.memory_space<hbm>>)
          tpu.yield
        }) : () -> ()
      }
      %while3A_112 = arith.constant 1 : i32
      scf.for %while3A_113 = %while3A_110 to %while3A_106 step %while3A_112  : i32 {
        %mul3A_114 = arith.constant 80 : i32
        %mul3A_115 = arith.muli %while3A_113, %mul3A_114 : i32
        "tpu.region"() ({
          %run_scoped3A = tpu.sem_alloc : memref<!tpu.dma_semaphore, #tpu.memory_space<semaphore_mem>>
          %dma_start3A = tpu.memref_slice %arg12[%mul3A_115] : memref<10000xf32, #tpu.memory_space<vmem_shared>> -> memref<80xf32, #tpu.memory_space<vmem_shared>>
          %dma_start3A_118 = tpu.memref_slice %arg12[%mul3A_115] : memref<10000xf32, #tpu.memory_space<vmem_shared>> -> memref<80xf32, #tpu.memory_space<vmem_shared>>
          tpu.enqueue_dma source(%dma_start3A_118 : memref<80xf32, #tpu.memory_space<vmem_shared>>) target(%arg10 : memref<80xf32, #tpu.memory_space<vmem>>) target_semaphore(%run_scoped3A : memref<!tpu.dma_semaphore, #tpu.memory_space<semaphore_mem>>)
          %dma_wait3A = tpu.memref_slice %arg12[%mul3A_115] : memref<10000xf32, #tpu.memory_space<vmem_shared>> -> memref<80xf32, #tpu.memory_space<vmem_shared>>
          %dma_wait3A_119 = tpu.memref_slice %arg12[%mul3A_115] : memref<10000xf32, #tpu.memory_space<vmem_shared>> -> memref<80xf32, #tpu.memory_space<vmem_shared>>
          tpu.wait_dma2 semaphore(%run_scoped3A : memref<!tpu.dma_semaphore, #tpu.memory_space<semaphore_mem>>) src(%dma_wait3A_119 : memref<80xf32, #tpu.memory_space<vmem_shared>>) dst(%arg10 : memref<80xf32, #tpu.memory_space<vmem>>)
          tpu.yield
        }) : () -> ()
        %mul3A_116 = arith.constant 80 : i32
        %mul3A_117 = arith.muli %while3A_113, %mul3A_116 : i32
        "tpu.region"() ({
          %run_scoped3A = tpu.sem_alloc : memref<!tpu.dma_semaphore, #tpu.memory_space<semaphore_mem>>
          %dma_start3A = tpu.memref_slice %arg6[%mul3A_117] : memref<10000xf32, #tpu.memory_space<hbm>> -> memref<80xf32, #tpu.memory_space<hbm>>
          %dma_start3A_118 = tpu.memref_slice %arg6[%mul3A_117] : memref<10000xf32, #tpu.memory_space<hbm>> -> memref<80xf32, #tpu.memory_space<hbm>>
          tpu.enqueue_dma source(%arg10 : memref<80xf32, #tpu.memory_space<vmem>>) target(%dma_start3A_118 : memref<80xf32, #tpu.memory_space<hbm>>) target_semaphore(%run_scoped3A : memref<!tpu.dma_semaphore, #tpu.memory_space<semaphore_mem>>)
          %dma_wait3A = tpu.memref_slice %arg6[%mul3A_117] : memref<10000xf32, #tpu.memory_space<hbm>> -> memref<80xf32, #tpu.memory_space<hbm>>
          %dma_wait3A_119 = tpu.memref_slice %arg6[%mul3A_117] : memref<10000xf32, #tpu.memory_space<hbm>> -> memref<80xf32, #tpu.memory_space<hbm>>
          tpu.wait_dma2 semaphore(%run_scoped3A : memref<!tpu.dma_semaphore, #tpu.memory_space<semaphore_mem>>) src(%arg10 : memref<80xf32, #tpu.memory_space<vmem>>) dst(%dma_wait3A_119 : memref<80xf32, #tpu.memory_space<hbm>>)
          tpu.yield
        }) : () -> ()
      }
    } else {
    }
    return
  }
}

#map = affine_map<(d0, d1) -> (0, 0)>
#map1 = affine_map<(d0, d1) -> (0, 0, 0, 0)>
#map2 = affine_map<(d0, d1) -> (0, 0, 0)>
module attributes {stable_mosaic.version = 14 : i64} {
  func.func @pair_gather(%arg0: i32, %arg1: i32, %arg2: memref<10000x128xf32, #tpu.memory_space<hbm>>, %arg3: memref<2x16x4x128xi32, #tpu.memory_space<hbm>>, %arg4: memref<2x8192x128xf32, #tpu.memory_space<hbm>>, %arg5: memref<4x128xi32, #tpu.memory_space<vmem>>, %arg6: memref<128x128xf32, #tpu.memory_space<vmem>>, %arg7: memref<!tpu.dma_semaphore, #tpu.memory_space<semaphore_mem>>) attributes {dimension_semantics = [#tpu.dimension_semantics<core_parallel>, #tpu.dimension_semantics<subcore_parallel>], iteration_bounds = array<i64: 2, 16>, scalar_prefetch = 0 : i64, scratch_operands = 3 : i64, tpu.core_type = #tpu.core_type<sc_vector_subcore>, window_params = [{transform_indices = #map}, {transform_indices = #map1}, {transform_indices = #map2}]} {
    "tpu.region"() ({
      %run_scoped3A = tpu.sem_alloc : memref<!tpu.dma_semaphore, #tpu.memory_space<semaphore_mem>>
      %dma_start3A = arith.constant 0 : i32
      %dma_start3A_4 = arith.constant 0 : i32
      %dma_start3A_5 = tpu.memref_slice %arg3[%arg0, %arg1, %dma_start3A, %dma_start3A_4] : memref<2x16x4x128xi32, #tpu.memory_space<hbm>> -> memref<1x1x4x128xi32, #tpu.memory_space<hbm>>
      %dma_start3A_6 = tpu.memref_squeeze %dma_start3A_5 : memref<1x1x4x128xi32, #tpu.memory_space<hbm>> -> memref<4x128xi32, #tpu.memory_space<hbm>>
      %dma_start3A_7 = arith.constant 0 : i32
      %dma_start3A_8 = arith.constant 0 : i32
      %dma_start3A_9 = tpu.memref_slice %arg3[%arg0, %arg1, %dma_start3A_7, %dma_start3A_8] : memref<2x16x4x128xi32, #tpu.memory_space<hbm>> -> memref<1x1x4x128xi32, #tpu.memory_space<hbm>>
      %dma_start3A_10 = tpu.memref_squeeze %dma_start3A_9 : memref<1x1x4x128xi32, #tpu.memory_space<hbm>> -> memref<4x128xi32, #tpu.memory_space<hbm>>
      tpu.enqueue_dma source(%dma_start3A_10 : memref<4x128xi32, #tpu.memory_space<hbm>>) target(%arg5 : memref<4x128xi32, #tpu.memory_space<vmem>>) target_semaphore(%run_scoped3A : memref<!tpu.dma_semaphore, #tpu.memory_space<semaphore_mem>>)
      %dma_wait3A = arith.constant 0 : i32
      %dma_wait3A_11 = arith.constant 0 : i32
      %dma_wait3A_12 = tpu.memref_slice %arg3[%arg0, %arg1, %dma_wait3A, %dma_wait3A_11] : memref<2x16x4x128xi32, #tpu.memory_space<hbm>> -> memref<1x1x4x128xi32, #tpu.memory_space<hbm>>
      %dma_wait3A_13 = tpu.memref_squeeze %dma_wait3A_12 : memref<1x1x4x128xi32, #tpu.memory_space<hbm>> -> memref<4x128xi32, #tpu.memory_space<hbm>>
      %dma_wait3A_14 = arith.constant 0 : i32
      %dma_wait3A_15 = arith.constant 0 : i32
      %dma_wait3A_16 = tpu.memref_slice %arg3[%arg0, %arg1, %dma_wait3A_14, %dma_wait3A_15] : memref<2x16x4x128xi32, #tpu.memory_space<hbm>> -> memref<1x1x4x128xi32, #tpu.memory_space<hbm>>
      %dma_wait3A_17 = tpu.memref_squeeze %dma_wait3A_16 : memref<1x1x4x128xi32, #tpu.memory_space<hbm>> -> memref<4x128xi32, #tpu.memory_space<hbm>>
      tpu.wait_dma2 semaphore(%run_scoped3A : memref<!tpu.dma_semaphore, #tpu.memory_space<semaphore_mem>>) src(%dma_wait3A_17 : memref<4x128xi32, #tpu.memory_space<hbm>>) dst(%arg5 : memref<4x128xi32, #tpu.memory_space<vmem>>)
      tpu.yield
    }) : () -> ()
    %scan3A = arith.constant 0 : i32
    %scan3A_0 = arith.constant 4 : i32
    %scan3A_1 = arith.addi %scan3A, %scan3A_0 : i32
    %scan3A_2 = arith.constant 1 : i32
    scf.for %scan3A_4 = %scan3A to %scan3A_1 step %scan3A_2  : i32 {
      %dma_start3A = arith.constant 0 : i32
      %dma_start3A_5 = tpu.memref_slice %arg5[%scan3A_4, %dma_start3A] : memref<4x128xi32, #tpu.memory_space<vmem>> -> memref<1x128xi32, #tpu.memory_space<vmem>>
      %dma_start3A_6 = tpu.memref_squeeze %dma_start3A_5 : memref<1x128xi32, #tpu.memory_space<vmem>> -> memref<128xi32, #tpu.memory_space<vmem>>
      %dma_start3A_7 = arith.constant 0 : i32
      %dma_start3A_8 = arith.constant 0 : i32
      %dma_start3A_9 = tpu.memref_slice %arg2[%dma_start3A_7, %dma_start3A_8] : memref<10000x128xf32, #tpu.memory_space<hbm>> -> memref<10000x128xf32, #tpu.memory_space<hbm>>
      tpu.enqueue_indirect_dma source(%dma_start3A_9 : memref<10000x128xf32, #tpu.memory_space<hbm>>) target(%arg6 : memref<128x128xf32, #tpu.memory_space<vmem>>) offsets(%dma_start3A_6 : memref<128xi32, #tpu.memory_space<vmem>>) semaphore(%arg7 : memref<!tpu.dma_semaphore, #tpu.memory_space<semaphore_mem>>)
      %dma_wait3A = arith.constant 0 : i32
      %dma_wait3A_10 = tpu.memref_slice %arg5[%scan3A_4, %dma_wait3A] : memref<4x128xi32, #tpu.memory_space<vmem>> -> memref<1x128xi32, #tpu.memory_space<vmem>>
      %dma_wait3A_11 = tpu.memref_squeeze %dma_wait3A_10 : memref<1x128xi32, #tpu.memory_space<vmem>> -> memref<128xi32, #tpu.memory_space<vmem>>
      %dma_wait3A_12 = arith.constant 0 : i32
      %dma_wait3A_13 = arith.constant 0 : i32
      %dma_wait3A_14 = tpu.memref_slice %arg2[%dma_wait3A_12, %dma_wait3A_13] : memref<10000x128xf32, #tpu.memory_space<hbm>> -> memref<10000x128xf32, #tpu.memory_space<hbm>>
      tpu.wait_indirect_dma semaphore(%arg7 : memref<!tpu.dma_semaphore, #tpu.memory_space<semaphore_mem>>) src(%dma_wait3A_14 : memref<10000x128xf32, #tpu.memory_space<hbm>>) dst(%arg6 : memref<128x128xf32, #tpu.memory_space<vmem>>)
      %mul3A = arith.constant 512 : i32
      %mul3A_15 = arith.muli %arg1, %mul3A : i32
      %mul3A_16 = arith.constant 128 : i32
      %mul3A_17 = arith.muli %scan3A_4, %mul3A_16 : i32
      %add3A = arith.addi %mul3A_15, %mul3A_17 : i32
      "tpu.region"() ({
        %run_scoped3A = tpu.sem_alloc : memref<!tpu.dma_semaphore, #tpu.memory_space<semaphore_mem>>
        %dma_start3A_18 = arith.constant 0 : i32
        %dma_start3A_19 = tpu.memref_slice %arg4[%arg0, %add3A, %dma_start3A_18] : memref<2x8192x128xf32, #tpu.memory_space<hbm>> -> memref<1x128x128xf32, #tpu.memory_space<hbm>>
        %dma_start3A_20 = tpu.memref_squeeze %dma_start3A_19 : memref<1x128x128xf32, #tpu.memory_space<hbm>> -> memref<128x128xf32, #tpu.memory_space<hbm>>
        %dma_start3A_21 = arith.constant 0 : i32
        %dma_start3A_22 = tpu.memref_slice %arg4[%arg0, %add3A, %dma_start3A_21] : memref<2x8192x128xf32, #tpu.memory_space<hbm>> -> memref<1x128x128xf32, #tpu.memory_space<hbm>>
        %dma_start3A_23 = tpu.memref_squeeze %dma_start3A_22 : memref<1x128x128xf32, #tpu.memory_space<hbm>> -> memref<128x128xf32, #tpu.memory_space<hbm>>
        tpu.enqueue_dma source(%arg6 : memref<128x128xf32, #tpu.memory_space<vmem>>) target(%dma_start3A_23 : memref<128x128xf32, #tpu.memory_space<hbm>>) target_semaphore(%run_scoped3A : memref<!tpu.dma_semaphore, #tpu.memory_space<semaphore_mem>>)
        %dma_wait3A_24 = arith.constant 0 : i32
        %dma_wait3A_25 = tpu.memref_slice %arg4[%arg0, %add3A, %dma_wait3A_24] : memref<2x8192x128xf32, #tpu.memory_space<hbm>> -> memref<1x128x128xf32, #tpu.memory_space<hbm>>
        %dma_wait3A_26 = tpu.memref_squeeze %dma_wait3A_25 : memref<1x128x128xf32, #tpu.memory_space<hbm>> -> memref<128x128xf32, #tpu.memory_space<hbm>>
        %dma_wait3A_27 = arith.constant 0 : i32
        %dma_wait3A_28 = tpu.memref_slice %arg4[%arg0, %add3A, %dma_wait3A_27] : memref<2x8192x128xf32, #tpu.memory_space<hbm>> -> memref<1x128x128xf32, #tpu.memory_space<hbm>>
        %dma_wait3A_29 = tpu.memref_squeeze %dma_wait3A_28 : memref<1x128x128xf32, #tpu.memory_space<hbm>> -> memref<128x128xf32, #tpu.memory_space<hbm>>
        tpu.wait_dma2 semaphore(%run_scoped3A : memref<!tpu.dma_semaphore, #tpu.memory_space<semaphore_mem>>) src(%arg6 : memref<128x128xf32, #tpu.memory_space<vmem>>) dst(%dma_wait3A_29 : memref<128x128xf32, #tpu.memory_space<hbm>>)
        tpu.yield
      }) : () -> ()
    }
    %scan3A_3 = arith.constant 4 : i32
    return
  }
}

module attributes {stable_mosaic.version = 14 : i64} {
  func.func @_tc1_body(%arg0: memref<10000x256xf32, #tpu.memory_space<vmem>>, %arg1: memref<2x10000x128xf32, #tpu.memory_space<vmem>>, %arg2: memref<10000x1xf32, #tpu.memory_space<vmem>>, %arg3: memref<256x256xf32, #tpu.memory_space<vmem>>, %arg4: memref<256xf32, #tpu.memory_space<vmem>>, %arg5: memref<256x256xf32, #tpu.memory_space<vmem>>, %arg6: memref<2x10000x128xf32, #tpu.memory_space<vmem>>) attributes {dimension_semantics = [], scalar_prefetch = 0 : i64, scratch_operands = 0 : i64, tpu.core_type = #tpu.core_type<tc>} {
    %get3A = arith.constant 0 : index
    %get3A_0 = arith.constant 0 : index
    %get3A_1 = arith.constant 0 : index
    %get3A_2 = vector.load %arg1[%get3A, %get3A_0, %get3A_1] : memref<2x10000x128xf32, #tpu.memory_space<vmem>>, vector<1x10000x128xf32>
    %get3A_3 = vector.shape_cast %get3A_2 : vector<1x10000x128xf32> to vector<10000x128xf32>
    %get3A_4 = arith.constant 1 : index
    %get3A_5 = arith.constant 0 : index
    %get3A_6 = arith.constant 0 : index
    %get3A_7 = vector.load %arg1[%get3A_4, %get3A_5, %get3A_6] : memref<2x10000x128xf32, #tpu.memory_space<vmem>>, vector<1x10000x128xf32>
    %get3A_8 = vector.shape_cast %get3A_7 : vector<1x10000x128xf32> to vector<10000x128xf32>
    %concatenate3A = tpu.concatenate %get3A_3, %get3A_8 in 1 : vector<10000x128xf32>, vector<10000x128xf32> -> vector<10000x256xf32>
    %get3A_9 = arith.constant 0 : index
    %get3A_10 = arith.constant 0 : index
    %get3A_11 = vector.load %arg2[%get3A_9, %get3A_10] : memref<10000x1xf32, #tpu.memory_space<vmem>>, vector<10000x1xf32>
    %max3A = arith.constant 1.000000e+00 : f32
    %max3A_12 = vector.broadcast %max3A : f32 to vector<10000x1xf32>
    %max3A_13 = arith.maximumf %get3A_11, %max3A_12 : vector<10000x1xf32>
    %div3A = vector.broadcast %max3A_13 : vector<10000x1xf32> to vector<10000x256xf32>
    %div3A_14 = arith.divf %concatenate3A, %div3A : vector<10000x256xf32>
    %get3A_15 = arith.constant 0 : index
    %get3A_16 = arith.constant 0 : index
    %get3A_17 = vector.load %arg3[%get3A_15, %get3A_16] : memref<256x256xf32, #tpu.memory_space<vmem>>, vector<256x256xf32>
    %dot_general3A = arith.constant dense<0.000000e+00> : vector<10000x256xf32>
    %dot_general3A_18 = tpu.matmul %div3A_14, %get3A_17, %dot_general3A {dimension_numbers = #tpu.dot_dimension_numbers<[1], [0], [0], [1], [0, 0, 1, 1], [], []>, transpose_lhs_hint = false} : vector<10000x256xf32>, vector<256x256xf32>, vector<10000x256xf32> -> vector<10000x256xf32>
    %get3A_19 = arith.constant 0 : index
    %get3A_20 = vector.load %arg4[%get3A_19] : memref<256xf32, #tpu.memory_space<vmem>>, vector<256xf32>
    %broadcast_in_dim3A = vector.shape_cast %get3A_20 : vector<256xf32> to vector<1x256xf32>
    %add3A = vector.broadcast %broadcast_in_dim3A : vector<1x256xf32> to vector<10000x256xf32>
    %add3A_21 = arith.addf %dot_general3A_18, %add3A : vector<10000x256xf32>
    %get3A_22 = arith.constant 0 : index
    %get3A_23 = arith.constant 0 : index
    %get3A_24 = vector.load %arg0[%get3A_22, %get3A_23] : memref<10000x256xf32, #tpu.memory_space<vmem>>, vector<10000x256xf32>
    %get3A_25 = arith.constant 0 : index
    %get3A_26 = arith.constant 0 : index
    %get3A_27 = vector.load %arg5[%get3A_25, %get3A_26] : memref<256x256xf32, #tpu.memory_space<vmem>>, vector<256x256xf32>
    %dot_general3A_28 = arith.constant dense<0.000000e+00> : vector<10000x256xf32>
    %dot_general3A_29 = tpu.matmul %get3A_24, %get3A_27, %dot_general3A_28 {dimension_numbers = #tpu.dot_dimension_numbers<[1], [0], [0], [1], [0, 0, 1, 1], [], []>, transpose_lhs_hint = false} : vector<10000x256xf32>, vector<256x256xf32>, vector<10000x256xf32> -> vector<10000x256xf32>
    %add3A_30 = arith.addf %add3A_21, %dot_general3A_29 : vector<10000x256xf32>
    %reduce_sum3A = arith.constant dense<0.000000e+00> : vector<256xf32>
    %reduce_sum3A_31 = vector.multi_reduction <add>, %add3A_30, %reduce_sum3A [0] : vector<10000x256xf32> to vector<256xf32>
    %broadcast_in_dim3A_32 = vector.shape_cast %reduce_sum3A_31 : vector<256xf32> to vector<1x256xf32>
    %div3A_33 = arith.constant 1.000000e+04 : f32
    %div3A_34 = vector.broadcast %div3A_33 : f32 to vector<1x256xf32>
    %div3A_35 = arith.divf %broadcast_in_dim3A_32, %div3A_34 : vector<1x256xf32>
    %mul3A = arith.mulf %add3A_30, %add3A_30 : vector<10000x256xf32>
    %reduce_sum3A_36 = arith.constant dense<0.000000e+00> : vector<10000xf32>
    %reduce_sum3A_37 = vector.multi_reduction <add>, %mul3A, %reduce_sum3A_36 [1] : vector<10000x256xf32> to vector<10000xf32>
    %broadcast_in_dim3A_38 = vector.shape_cast %reduce_sum3A_37 : vector<10000xf32> to vector<10000x1xf32>
    %add3A_39 = arith.constant 9.99999997E-7 : f32
    %add3A_40 = vector.broadcast %add3A_39 : f32 to vector<10000x1xf32>
    %add3A_41 = arith.addf %add3A_40, %broadcast_in_dim3A_38 : vector<10000x1xf32>
    %sqrt3A = math.sqrt %add3A_41 : vector<10000x1xf32>
    %div3A_42 = vector.broadcast %sqrt3A : vector<10000x1xf32> to vector<10000x256xf32>
    %div3A_43 = arith.divf %add3A_30, %div3A_42 : vector<10000x256xf32>
    %sub3A = vector.broadcast %div3A_35 : vector<1x256xf32> to vector<10000x256xf32>
    %sub3A_44 = arith.subf %div3A_43, %sub3A : vector<10000x256xf32>
    %max3A_45 = arith.constant 0.000000e+00 : f32
    %max3A_46 = vector.broadcast %max3A_45 : f32 to vector<10000x256xf32>
    %max3A_47 = arith.maximumf %sub3A_44, %max3A_46 : vector<10000x256xf32>
    %slice3A = vector.extract_strided_slice %max3A_47 {offsets = [0, 0], sizes = [10000, 128], strides = [1, 1]} : vector<10000x256xf32> to vector<10000x128xf32>
    %swap3A = arith.constant 0 : index
    %swap3A_48 = arith.constant 0 : index
    %swap3A_49 = arith.constant 0 : index
    %swap3A_50 = vector.load %arg6[%swap3A, %swap3A_48, %swap3A_49] : memref<2x10000x128xf32, #tpu.memory_space<vmem>>, vector<1x10000x128xf32>
    %swap3A_51 = vector.shape_cast %swap3A_50 : vector<1x10000x128xf32> to vector<10000x128xf32>
    %swap3A_52 = vector.shape_cast %slice3A : vector<10000x128xf32> to vector<1x10000x128xf32>
    tpu.vector_store %arg6[%swap3A, %swap3A_48, %swap3A_49], %swap3A_52 {strides = array<i32>} : memref<2x10000x128xf32, #tpu.memory_space<vmem>>, vector<1x10000x128xf32>,
    %slice3A_53 = vector.extract_strided_slice %max3A_47 {offsets = [0, 128], sizes = [10000, 128], strides = [1, 1]} : vector<10000x256xf32> to vector<10000x128xf32>
    %swap3A_54 = arith.constant 1 : index
    %swap3A_55 = arith.constant 0 : index
    %swap3A_56 = arith.constant 0 : index
    %swap3A_57 = vector.load %arg6[%swap3A_54, %swap3A_55, %swap3A_56] : memref<2x10000x128xf32, #tpu.memory_space<vmem>>, vector<1x10000x128xf32>
    %swap3A_58 = vector.shape_cast %swap3A_57 : vector<1x10000x128xf32> to vector<10000x128xf32>
    %swap3A_59 = vector.shape_cast %slice3A_53 : vector<10000x128xf32> to vector<1x10000x128xf32>
    tpu.vector_store %arg6[%swap3A_54, %swap3A_55, %swap3A_56], %swap3A_59 {strides = array<i32>} : memref<2x10000x128xf32, #tpu.memory_space<vmem>>, vector<1x10000x128xf32>,
    return
  }
}

module attributes {stable_mosaic.version = 14 : i64} {
  func.func @_tc2_body(%arg0: memref<2x10000x128xf32, #tpu.memory_space<vmem>>, %arg1: memref<10000x1xf32, #tpu.memory_space<vmem>>, %arg2: memref<2x10000x128xf32, #tpu.memory_space<vmem>>, %arg3: memref<256x256xf32, #tpu.memory_space<vmem>>, %arg4: memref<256xf32, #tpu.memory_space<vmem>>, %arg5: memref<256x256xf32, #tpu.memory_space<vmem>>, %arg6: memref<256x16xf32, #tpu.memory_space<vmem>>, %arg7: memref<16xf32, #tpu.memory_space<vmem>>, %arg8: memref<256xf32, #tpu.memory_space<vmem>>, %arg9: memref<256xf32, #tpu.memory_space<vmem>>, %arg10: memref<256x64xf32, #tpu.memory_space<vmem>>, %arg11: memref<64xf32, #tpu.memory_space<vmem>>, %arg12: memref<64xf32, #tpu.memory_space<vmem>>, %arg13: memref<64x128xf32, #tpu.memory_space<vmem>>, %arg14: memref<10000x16xf32, #tpu.memory_space<vmem>>, %arg15: memref<10000x128xf32, #tpu.memory_space<vmem>>) attributes {dimension_semantics = [], scalar_prefetch = 0 : i64, scratch_operands = 0 : i64, tpu.core_type = #tpu.core_type<tc>} {
    %get3A = arith.constant 0 : index
    %get3A_0 = arith.constant 0 : index
    %get3A_1 = arith.constant 0 : index
    %get3A_2 = vector.load %arg0[%get3A, %get3A_0, %get3A_1] : memref<2x10000x128xf32, #tpu.memory_space<vmem>>, vector<1x10000x128xf32>
    %get3A_3 = vector.shape_cast %get3A_2 : vector<1x10000x128xf32> to vector<10000x128xf32>
    %get3A_4 = arith.constant 1 : index
    %get3A_5 = arith.constant 0 : index
    %get3A_6 = arith.constant 0 : index
    %get3A_7 = vector.load %arg0[%get3A_4, %get3A_5, %get3A_6] : memref<2x10000x128xf32, #tpu.memory_space<vmem>>, vector<1x10000x128xf32>
    %get3A_8 = vector.shape_cast %get3A_7 : vector<1x10000x128xf32> to vector<10000x128xf32>
    %concatenate3A = tpu.concatenate %get3A_3, %get3A_8 in 1 : vector<10000x128xf32>, vector<10000x128xf32> -> vector<10000x256xf32>
    %get3A_9 = arith.constant 0 : index
    %get3A_10 = arith.constant 0 : index
    %get3A_11 = vector.load %arg1[%get3A_9, %get3A_10] : memref<10000x1xf32, #tpu.memory_space<vmem>>, vector<10000x1xf32>
    %max3A = arith.constant 1.000000e+00 : f32
    %max3A_12 = vector.broadcast %max3A : f32 to vector<10000x1xf32>
    %max3A_13 = arith.maximumf %get3A_11, %max3A_12 : vector<10000x1xf32>
    %div3A = vector.broadcast %max3A_13 : vector<10000x1xf32> to vector<10000x256xf32>
    %div3A_14 = arith.divf %concatenate3A, %div3A : vector<10000x256xf32>
    %get3A_15 = arith.constant 0 : index
    %get3A_16 = arith.constant 0 : index
    %get3A_17 = arith.constant 0 : index
    %get3A_18 = vector.load %arg2[%get3A_15, %get3A_16, %get3A_17] : memref<2x10000x128xf32, #tpu.memory_space<vmem>>, vector<1x10000x128xf32>
    %get3A_19 = vector.shape_cast %get3A_18 : vector<1x10000x128xf32> to vector<10000x128xf32>
    %get3A_20 = arith.constant 1 : index
    %get3A_21 = arith.constant 0 : index
    %get3A_22 = arith.constant 0 : index
    %get3A_23 = vector.load %arg2[%get3A_20, %get3A_21, %get3A_22] : memref<2x10000x128xf32, #tpu.memory_space<vmem>>, vector<1x10000x128xf32>
    %get3A_24 = vector.shape_cast %get3A_23 : vector<1x10000x128xf32> to vector<10000x128xf32>
    %concatenate3A_25 = tpu.concatenate %get3A_19, %get3A_24 in 1 : vector<10000x128xf32>, vector<10000x128xf32> -> vector<10000x256xf32>
    %get3A_26 = arith.constant 0 : index
    %get3A_27 = arith.constant 0 : index
    %get3A_28 = vector.load %arg3[%get3A_26, %get3A_27] : memref<256x256xf32, #tpu.memory_space<vmem>>, vector<256x256xf32>
    %dot_general3A = arith.constant dense<0.000000e+00> : vector<10000x256xf32>
    %dot_general3A_29 = tpu.matmul %div3A_14, %get3A_28, %dot_general3A {dimension_numbers = #tpu.dot_dimension_numbers<[1], [0], [0], [1], [0, 0, 1, 1], [], []>, transpose_lhs_hint = false} : vector<10000x256xf32>, vector<256x256xf32>, vector<10000x256xf32> -> vector<10000x256xf32>
    %get3A_30 = arith.constant 0 : index
    %get3A_31 = vector.load %arg4[%get3A_30] : memref<256xf32, #tpu.memory_space<vmem>>, vector<256xf32>
    %broadcast_in_dim3A = vector.shape_cast %get3A_31 : vector<256xf32> to vector<1x256xf32>
    %add3A = vector.broadcast %broadcast_in_dim3A : vector<1x256xf32> to vector<10000x256xf32>
    %add3A_32 = arith.addf %dot_general3A_29, %add3A : vector<10000x256xf32>
    %get3A_33 = arith.constant 0 : index
    %get3A_34 = arith.constant 0 : index
    %get3A_35 = vector.load %arg5[%get3A_33, %get3A_34] : memref<256x256xf32, #tpu.memory_space<vmem>>, vector<256x256xf32>
    %dot_general3A_36 = arith.constant dense<0.000000e+00> : vector<10000x256xf32>
    %dot_general3A_37 = tpu.matmul %concatenate3A_25, %get3A_35, %dot_general3A_36 {dimension_numbers = #tpu.dot_dimension_numbers<[1], [0], [0], [1], [0, 0, 1, 1], [], []>, transpose_lhs_hint = false} : vector<10000x256xf32>, vector<256x256xf32>, vector<10000x256xf32> -> vector<10000x256xf32>
    %add3A_38 = arith.addf %add3A_32, %dot_general3A_37 : vector<10000x256xf32>
    %max3A_39 = arith.constant 0.000000e+00 : f32
    %max3A_40 = vector.broadcast %max3A_39 : f32 to vector<10000x256xf32>
    %max3A_41 = arith.maximumf %add3A_38, %max3A_40 : vector<10000x256xf32>
    %get3A_42 = arith.constant 0 : index
    %get3A_43 = arith.constant 0 : index
    %get3A_44 = vector.load %arg6[%get3A_42, %get3A_43] : memref<256x16xf32, #tpu.memory_space<vmem>>, vector<256x16xf32>
    %dot_general3A_45 = arith.constant dense<0.000000e+00> : vector<10000x16xf32>
    %dot_general3A_46 = tpu.matmul %max3A_41, %get3A_44, %dot_general3A_45 {dimension_numbers = #tpu.dot_dimension_numbers<[1], [0], [0], [1], [0, 0, 1, 1], [], []>, transpose_lhs_hint = false} : vector<10000x256xf32>, vector<256x16xf32>, vector<10000x16xf32> -> vector<10000x16xf32>
    %get3A_47 = arith.constant 0 : index
    %get3A_48 = vector.load %arg7[%get3A_47] : memref<16xf32, #tpu.memory_space<vmem>>, vector<16xf32>
    %broadcast_in_dim3A_49 = vector.shape_cast %get3A_48 : vector<16xf32> to vector<1x16xf32>
    %add3A_50 = vector.broadcast %broadcast_in_dim3A_49 : vector<1x16xf32> to vector<10000x16xf32>
    %add3A_51 = arith.addf %dot_general3A_46, %add3A_50 : vector<10000x16xf32>
    %reduce_max3A = arith.constant dense<0xFF800000> : vector<10000xf32>
    %reduce_max3A_52 = vector.multi_reduction <maximumf>, %add3A_51, %reduce_max3A [1] : vector<10000x16xf32> to vector<10000xf32>
    %broadcast_in_dim3A_53 = vector.shape_cast %reduce_max3A_52 : vector<10000xf32> to vector<10000x1xf32>
    %sub3A = vector.broadcast %broadcast_in_dim3A_53 : vector<10000x1xf32> to vector<10000x16xf32>
    %sub3A_54 = arith.subf %add3A_51, %sub3A : vector<10000x16xf32>
    %exp3A = math.exp %sub3A_54 : vector<10000x16xf32>
    %reduce_sum3A = arith.constant dense<0.000000e+00> : vector<10000xf32>
    %reduce_sum3A_55 = vector.multi_reduction <add>, %exp3A, %reduce_sum3A [1] : vector<10000x16xf32> to vector<10000xf32>
    %broadcast_in_dim3A_56 = vector.shape_cast %reduce_sum3A_55 : vector<10000xf32> to vector<10000x1xf32>
    %log3A = math.log %broadcast_in_dim3A_56 : vector<10000x1xf32>
    %add3A_57 = arith.addf %log3A, %broadcast_in_dim3A_53 : vector<10000x1xf32>
    %sub3A_58 = vector.broadcast %add3A_57 : vector<10000x1xf32> to vector<10000x16xf32>
    %sub3A_59 = arith.subf %add3A_51, %sub3A_58 : vector<10000x16xf32>
    %swap3A = arith.constant 0 : index
    %swap3A_60 = arith.constant 0 : index
    %swap3A_61 = vector.load %arg14[%swap3A, %swap3A_60] : memref<10000x16xf32, #tpu.memory_space<vmem>>, vector<10000x16xf32>
    tpu.vector_store %arg14[%swap3A, %swap3A_60], %sub3A_59 {strides = array<i32>} : memref<10000x16xf32, #tpu.memory_space<vmem>>, vector<10000x16xf32>,
    %sqrt3A = arith.constant 1.000010e+00 : f32
    %sqrt3A_62 = math.sqrt %sqrt3A : f32
    %div3A_63 = arith.constant 1.000000e+00 : f32
    %div3A_64 = arith.divf %div3A_63, %sqrt3A_62 : f32
    %get3A_65 = arith.constant 0 : index
    %get3A_66 = vector.load %arg8[%get3A_65] : memref<256xf32, #tpu.memory_space<vmem>>, vector<256xf32>
    %mul3A = vector.broadcast %div3A_64 : f32 to vector<256xf32>
    %mul3A_67 = arith.mulf %get3A_66, %mul3A : vector<256xf32>
    %broadcast_in_dim3A_68 = vector.shape_cast %mul3A_67 : vector<256xf32> to vector<1x256xf32>
    %mul3A_69 = vector.broadcast %broadcast_in_dim3A_68 : vector<1x256xf32> to vector<10000x256xf32>
    %mul3A_70 = arith.mulf %add3A_38, %mul3A_69 : vector<10000x256xf32>
    %get3A_71 = arith.constant 0 : index
    %get3A_72 = vector.load %arg9[%get3A_71] : memref<256xf32, #tpu.memory_space<vmem>>, vector<256xf32>
    %broadcast_in_dim3A_73 = vector.shape_cast %get3A_72 : vector<256xf32> to vector<1x256xf32>
    %add3A_74 = vector.broadcast %broadcast_in_dim3A_73 : vector<1x256xf32> to vector<10000x256xf32>
    %add3A_75 = arith.addf %mul3A_70, %add3A_74 : vector<10000x256xf32>
    %get3A_76 = arith.constant 0 : index
    %get3A_77 = arith.constant 0 : index
    %get3A_78 = vector.load %arg10[%get3A_76, %get3A_77] : memref<256x64xf32, #tpu.memory_space<vmem>>, vector<256x64xf32>
    %dot_general3A_79 = arith.constant dense<0.000000e+00> : vector<10000x64xf32>
    %dot_general3A_80 = tpu.matmul %add3A_75, %get3A_78, %dot_general3A_79 {dimension_numbers = #tpu.dot_dimension_numbers<[1], [0], [0], [1], [0, 0, 1, 1], [], []>, transpose_lhs_hint = false} : vector<10000x256xf32>, vector<256x64xf32>, vector<10000x64xf32> -> vector<10000x64xf32>
    %get3A_81 = arith.constant 0 : index
    %get3A_82 = vector.load %arg11[%get3A_81] : memref<64xf32, #tpu.memory_space<vmem>>, vector<64xf32>
    %mul3A_83 = vector.broadcast %div3A_64 : f32 to vector<64xf32>
    %mul3A_84 = arith.mulf %get3A_82, %mul3A_83 : vector<64xf32>
    %broadcast_in_dim3A_85 = vector.shape_cast %mul3A_84 : vector<64xf32> to vector<1x64xf32>
    %mul3A_86 = vector.broadcast %broadcast_in_dim3A_85 : vector<1x64xf32> to vector<10000x64xf32>
    %mul3A_87 = arith.mulf %dot_general3A_80, %mul3A_86 : vector<10000x64xf32>
    %get3A_88 = arith.constant 0 : index
    %get3A_89 = vector.load %arg12[%get3A_88] : memref<64xf32, #tpu.memory_space<vmem>>, vector<64xf32>
    %broadcast_in_dim3A_90 = vector.shape_cast %get3A_89 : vector<64xf32> to vector<1x64xf32>
    %add3A_91 = vector.broadcast %broadcast_in_dim3A_90 : vector<1x64xf32> to vector<10000x64xf32>
    %add3A_92 = arith.addf %mul3A_87, %add3A_91 : vector<10000x64xf32>
    %tanh3A = math.tanh %add3A_92 : vector<10000x64xf32>
    %get3A_93 = arith.constant 0 : index
    %get3A_94 = arith.constant 0 : index
    %get3A_95 = vector.load %arg13[%get3A_93, %get3A_94] : memref<64x128xf32, #tpu.memory_space<vmem>>, vector<64x128xf32>
    %dot_general3A_96 = arith.constant dense<0.000000e+00> : vector<10000x128xf32>
    %dot_general3A_97 = tpu.matmul %tanh3A, %get3A_95, %dot_general3A_96 {dimension_numbers = #tpu.dot_dimension_numbers<[1], [0], [0], [1], [0, 0, 1, 1], [], []>, transpose_lhs_hint = false} : vector<10000x64xf32>, vector<64x128xf32>, vector<10000x128xf32> -> vector<10000x128xf32>
    %swap3A_98 = arith.constant 0 : index
    %swap3A_99 = arith.constant 0 : index
    %swap3A_100 = vector.load %arg15[%swap3A_98, %swap3A_99] : memref<10000x128xf32, #tpu.memory_space<vmem>>, vector<10000x128xf32>
    tpu.vector_store %arg15[%swap3A_98, %swap3A_99], %dot_general3A_97 {strides = array<i32>} : memref<10000x128xf32, #tpu.memory_space<vmem>>, vector<10000x128xf32>,
    return
  }
}

module attributes {stable_mosaic.version = 14 : i64} {
  func.func @_tc3_body(%arg0: memref<2x8192x128xf32, #tpu.memory_space<vmem>>, %arg1: memref<128x64xf32, #tpu.memory_space<vmem>>, %arg2: memref<64xf32, #tpu.memory_space<vmem>>, %arg3: memref<64x128xf32, #tpu.memory_space<vmem>>, %arg4: memref<128xf32, #tpu.memory_space<vmem>>, %arg5: memref<8192x1xf32, #tpu.memory_space<vmem>>) attributes {dimension_semantics = [], scalar_prefetch = 0 : i64, scratch_operands = 0 : i64, tpu.core_type = #tpu.core_type<tc>} {
    %get3A = arith.constant 0 : index
    %get3A_0 = arith.constant 0 : index
    %get3A_1 = arith.constant 0 : index
    %get3A_2 = vector.load %arg0[%get3A, %get3A_0, %get3A_1] : memref<2x8192x128xf32, #tpu.memory_space<vmem>>, vector<1x8192x128xf32>
    %get3A_3 = vector.shape_cast %get3A_2 : vector<1x8192x128xf32> to vector<8192x128xf32>
    %get3A_4 = arith.constant 1 : index
    %get3A_5 = arith.constant 0 : index
    %get3A_6 = arith.constant 0 : index
    %get3A_7 = vector.load %arg0[%get3A_4, %get3A_5, %get3A_6] : memref<2x8192x128xf32, #tpu.memory_space<vmem>>, vector<1x8192x128xf32>
    %get3A_8 = vector.shape_cast %get3A_7 : vector<1x8192x128xf32> to vector<8192x128xf32>
    %get3A_9 = arith.constant 0 : index
    %get3A_10 = arith.constant 0 : index
    %get3A_11 = vector.load %arg1[%get3A_9, %get3A_10] : memref<128x64xf32, #tpu.memory_space<vmem>>, vector<128x64xf32>
    %dot_general3A = arith.constant dense<0.000000e+00> : vector<8192x64xf32>
    %dot_general3A_12 = tpu.matmul %get3A_3, %get3A_11, %dot_general3A {dimension_numbers = #tpu.dot_dimension_numbers<[1], [0], [0], [1], [0, 0, 1, 1], [], []>, transpose_lhs_hint = false} : vector<8192x128xf32>, vector<128x64xf32>, vector<8192x64xf32> -> vector<8192x64xf32>
    %get3A_13 = arith.constant 0 : index
    %get3A_14 = vector.load %arg2[%get3A_13] : memref<64xf32, #tpu.memory_space<vmem>>, vector<64xf32>
    %broadcast_in_dim3A = vector.shape_cast %get3A_14 : vector<64xf32> to vector<1x64xf32>
    %add3A = vector.broadcast %broadcast_in_dim3A : vector<1x64xf32> to vector<8192x64xf32>
    %add3A_15 = arith.addf %dot_general3A_12, %add3A : vector<8192x64xf32>
    %tanh3A = math.tanh %add3A_15 : vector<8192x64xf32>
    %get3A_16 = arith.constant 0 : index
    %get3A_17 = arith.constant 0 : index
    %get3A_18 = vector.load %arg3[%get3A_16, %get3A_17] : memref<64x128xf32, #tpu.memory_space<vmem>>, vector<64x128xf32>
    %dot_general3A_19 = arith.constant dense<0.000000e+00> : vector<8192x128xf32>
    %dot_general3A_20 = tpu.matmul %tanh3A, %get3A_18, %dot_general3A_19 {dimension_numbers = #tpu.dot_dimension_numbers<[1], [0], [0], [1], [0, 0, 1, 1], [], []>, transpose_lhs_hint = false} : vector<8192x64xf32>, vector<64x128xf32>, vector<8192x128xf32> -> vector<8192x128xf32>
    %get3A_21 = arith.constant 0 : index
    %get3A_22 = vector.load %arg4[%get3A_21] : memref<128xf32, #tpu.memory_space<vmem>>, vector<128xf32>
    %broadcast_in_dim3A_23 = vector.shape_cast %get3A_22 : vector<128xf32> to vector<1x128xf32>
    %add3A_24 = vector.broadcast %broadcast_in_dim3A_23 : vector<1x128xf32> to vector<8192x128xf32>
    %add3A_25 = arith.addf %dot_general3A_20, %add3A_24 : vector<8192x128xf32>
    %add3A_26 = arith.addf %get3A_3, %add3A_25 : vector<8192x128xf32>
    %get3A_27 = arith.constant 0 : index
    %get3A_28 = arith.constant 0 : index
    %get3A_29 = vector.load %arg1[%get3A_27, %get3A_28] : memref<128x64xf32, #tpu.memory_space<vmem>>, vector<128x64xf32>
    %dot_general3A_30 = arith.constant dense<0.000000e+00> : vector<8192x64xf32>
    %dot_general3A_31 = tpu.matmul %get3A_8, %get3A_29, %dot_general3A_30 {dimension_numbers = #tpu.dot_dimension_numbers<[1], [0], [0], [1], [0, 0, 1, 1], [], []>, transpose_lhs_hint = false} : vector<8192x128xf32>, vector<128x64xf32>, vector<8192x64xf32> -> vector<8192x64xf32>
    %get3A_32 = arith.constant 0 : index
    %get3A_33 = vector.load %arg2[%get3A_32] : memref<64xf32, #tpu.memory_space<vmem>>, vector<64xf32>
    %broadcast_in_dim3A_34 = vector.shape_cast %get3A_33 : vector<64xf32> to vector<1x64xf32>
    %add3A_35 = vector.broadcast %broadcast_in_dim3A_34 : vector<1x64xf32> to vector<8192x64xf32>
    %add3A_36 = arith.addf %dot_general3A_31, %add3A_35 : vector<8192x64xf32>
    %tanh3A_37 = math.tanh %add3A_36 : vector<8192x64xf32>
    %get3A_38 = arith.constant 0 : index
    %get3A_39 = arith.constant 0 : index
    %get3A_40 = vector.load %arg3[%get3A_38, %get3A_39] : memref<64x128xf32, #tpu.memory_space<vmem>>, vector<64x128xf32>
    %dot_general3A_41 = arith.constant dense<0.000000e+00> : vector<8192x128xf32>
    %dot_general3A_42 = tpu.matmul %tanh3A_37, %get3A_40, %dot_general3A_41 {dimension_numbers = #tpu.dot_dimension_numbers<[1], [0], [0], [1], [0, 0, 1, 1], [], []>, transpose_lhs_hint = false} : vector<8192x64xf32>, vector<64x128xf32>, vector<8192x128xf32> -> vector<8192x128xf32>
    %get3A_43 = arith.constant 0 : index
    %get3A_44 = vector.load %arg4[%get3A_43] : memref<128xf32, #tpu.memory_space<vmem>>, vector<128xf32>
    %broadcast_in_dim3A_45 = vector.shape_cast %get3A_44 : vector<128xf32> to vector<1x128xf32>
    %add3A_46 = vector.broadcast %broadcast_in_dim3A_45 : vector<1x128xf32> to vector<8192x128xf32>
    %add3A_47 = arith.addf %dot_general3A_42, %add3A_46 : vector<8192x128xf32>
    %add3A_48 = arith.addf %get3A_8, %add3A_47 : vector<8192x128xf32>
    %mul3A = arith.mulf %add3A_26, %add3A_26 : vector<8192x128xf32>
    %reduce_sum3A = arith.constant dense<0.000000e+00> : vector<8192xf32>
    %reduce_sum3A_49 = vector.multi_reduction <add>, %mul3A, %reduce_sum3A [1] : vector<8192x128xf32> to vector<8192xf32>
    %sqrt3A = math.sqrt %reduce_sum3A_49 : vector<8192xf32>
    %max3A = arith.constant 9.99999993E-9 : f32
    %max3A_50 = vector.broadcast %max3A : f32 to vector<8192xf32>
    %max3A_51 = arith.maximumf %sqrt3A, %max3A_50 : vector<8192xf32>
    %mul3A_52 = arith.mulf %add3A_48, %add3A_48 : vector<8192x128xf32>
    %reduce_sum3A_53 = arith.constant dense<0.000000e+00> : vector<8192xf32>
    %reduce_sum3A_54 = vector.multi_reduction <add>, %mul3A_52, %reduce_sum3A_53 [1] : vector<8192x128xf32> to vector<8192xf32>
    %sqrt3A_55 = math.sqrt %reduce_sum3A_54 : vector<8192xf32>
    %max3A_56 = arith.constant 9.99999993E-9 : f32
    %max3A_57 = vector.broadcast %max3A_56 : f32 to vector<8192xf32>
    %max3A_58 = arith.maximumf %sqrt3A_55, %max3A_57 : vector<8192xf32>
    %mul3A_59 = arith.mulf %add3A_26, %add3A_48 : vector<8192x128xf32>
    %reduce_sum3A_60 = arith.constant dense<0.000000e+00> : vector<8192xf32>
    %reduce_sum3A_61 = vector.multi_reduction <add>, %mul3A_59, %reduce_sum3A_60 [1] : vector<8192x128xf32> to vector<8192xf32>
    %mul3A_62 = arith.mulf %max3A_51, %max3A_58 : vector<8192xf32>
    %div3A = arith.divf %reduce_sum3A_61, %mul3A_62 : vector<8192xf32>
    %logistic3A = arith.negf %div3A : vector<8192xf32>
    %logistic3A_63 = math.exp %logistic3A : vector<8192xf32>
    %logistic3A_64 = arith.constant 1.000000e+00 : f32
    %logistic3A_65 = vector.broadcast %logistic3A_64 : f32 to vector<8192xf32>
    %logistic3A_66 = arith.addf %logistic3A_65, %logistic3A_63 : vector<8192xf32>
    %logistic3A_67 = arith.divf %logistic3A_65, %logistic3A_66 : vector<8192xf32>
    %reshape3A = vector.shape_cast %logistic3A_67 : vector<8192xf32> to vector<8192x1xf32>
    %swap3A = arith.constant 0 : index
    %swap3A_68 = arith.constant 0 : index
    %swap3A_69 = vector.load %arg5[%swap3A, %swap3A_68] : memref<8192x1xf32, #tpu.memory_space<vmem>>, vector<8192x1xf32>
    tpu.vector_store %arg5[%swap3A, %swap3A_68], %reshape3A {strides = array<i32>} : memref<8192x1xf32, #tpu.memory_space<vmem>>, vector<8192x1xf32>,
    return
  }
}

</mosaic_0001>

<sc_bundles>
// kernel: pair_gather.3.cloned.1.call-start
scs
__scs_entry_jumppad:
0x0: {  	(pc) =	sbr.rel $0x88, $3  }
0x1: {  	(tag) =	ssettag $0x0;
	lr =	simm.s32 $0x1  }
0x2: {  	[smem:$0x3F8B] =	sst lr;
	_ =	strace $0xD0000000  }
0x3: {  	_ = 	snop  }
0x4: {  	_ = 	snop  }
0x5: {  	_ = 	snop  }
0x6: {  	_ = 	snop  }
0x7: {  	_ = 	snop  }
__scs_overlays_trampoline_lowered:
0x8: {  	[smem:$0x3F9A] =	sst s0  }
0x9: {  	[smem:$0x3F9B] =	sst s1  }
0xa: {  	[smem:$0x3F9C] =	sst s2  }
0xb: {  	[smem:$0x3F9D] =	sst s3  }
0xc: {  	[smem:$0x3F9E] =	sst s4  }
0xd: {  	[smem:$0x3F9F] =	sst s5  }
0xe: {  	[smem:$0x3FA0] =	sst s6  }
0xf: {  	[smem:$0x3FA1] =	sst s7  }
0x10: {  	[smem:$0x3FA2] =	sst s8  }
0x11: {  	[smem:$0x3FA3] =	sst s9;
	s0 =	simm.s32 @!p0 $0x0  }
0x12: {  	s1 =	sld [smem:$0x3F89];
	s0 =	simm.s32 @p0 $0x1  }
0x13: {  	[smem:$0x3FA4] =	sst s0;
	s0 =	simm.s32 @!p1 $0x0  }
0x14: {  	s2 =	sld [smem:$0x3F88];
	s0 =	simm.s32 @p1 $0x1  }
0x15: {  	[smem:$0x3FA5] =	sst s0;
	s0 =	simm.s32 @!p2 $0x0  }
0x16: {  	s3 =	sld [smem:$0x3FDB];
	s0 =	simm.s32 @p2 $0x1  }
0x17: {  	s4 =	simm.s32 $0x1BF5;
	[smem:$0x3FA7] =	sst s0  }
0x18: {  	s0 =	sld [smem:$0x3F8A];
	_ =	swait.ge [sflag:s4], $0x0  }
0x19: {  	s7 =	sld [smem:$0x3F8B]  }
0x1a: {  	s8 =	sadd.s32 $0xFFFFE003, lr  }
0x1b: {  	s9 =	sadd.s32 $0xFFFFFEF7, lr;
	s5 =	simm.s32 $0xFFFFFFFF;
	p2 =	slt.u32 s8, $0xFFFFF086  }
0x1c: {  	p1 =	slt.u32 s9, $0xF7A;
	s5 =	simm.s32 @!p2 $0x0  }
0x1d: {  	s5 =	simm.s32 @p1 $0x1;
	p0 =	seq.s32 s7, s2  }
0x1e: {  	s7 =	smul.u32 @!p0 $0xF7A, s2;
	p2 =	seq.s32 @!p0 s5, $0x0  }
0x1f: {  	s9 =	smul.u32 $0xF7A, s1;
	s8 =	simm.s32 @!p0 $0x1BF5;
	p2 =	por !p2, p0  }
0x20: {  	[sflag:s8] =	ssyncset.s32 @!p0 $0xFFFFF086;
	s6 =	sadd.s32 @!p0 s3, s7;
	s7 =	simm.s32 @!p0 $0x108  }
0x21: {  	s3 =	sadd.s32 s3, s9;
	s6 =	sadd.s32 @!p0 $0x88, s6;
	s7 =	simm.s32 @p2 $0x1082  }
0x22: {  	[simem:s7], [sflag:s8] =	dma.local @!p0 [hbm:s6], $0xF7A  }
0x23: {  	s9 =	sor.u32 $0xD0000000, s2;
	s6 =	simm.s32 $0x108;
	_ =	swait.ge @!p0 [sflag:s8], $0x0  }
0x24: {  	s3 =	sadd.s32 $0x88, s3;
	s6 =	simm.s32 @!p1 $0x1082;
	[sflag:s4] =	ssyncset.s32 $0xFFFFF086  }
0x25: {  	[simem:s6], [sflag:s4] =	dma.local [hbm:s3], $0xF7A  }
0x26: {  	[smem:$0x3F8B] =	sst s1;
	(tag) =	ssettag s2;
	_ =	strace s9  }
0x27: {  	s1 =	sld [smem:$0x3F9B]  }
0x28: {  	s2 =	sld [smem:$0x3F9C]  }
0x29: {  	s4 =	sld [smem:$0x3F9E]  }
0x2a: {  	p0 =	seq.s32 s5, $0x0;
	s5 =	sld [smem:$0x3F9F]  }
0x2b: {  	s6 =	sld [smem:$0x3FA0]  }
0x2c: {  	s7 =	sld [smem:$0x3FA1]  }
0x2d: {  	s3 =	simm.s32 $0x108;
	s8 =	sld [smem:$0x3FA2]  }
0x2e: {  	s3 =	simm.s32 @!p0 $0x1082;
	s9 =	sld [smem:$0x3FA3]  }
0x2f: {  	lr =	sadd.s32 s0, s3;
	s0 =	sld [smem:$0x3F9A]  }
0x30: {  	s3 =	sld [smem:$0x3F9D]  }
0x31: {  	[smem:$0x3FA6] =	sst s10  }
0x32: {  	s10 =	sld [smem:$0x3FA4];
	_ =	sdelay $0x3  }
0x33: {  	p0 =	seq.s32 s10, $0x1;
	s10 =	sld [smem:$0x3FA6];
	_ =	sdelay $0x3  }
0x34: {  	[smem:$0x3FA6] =	sst s10  }
0x35: {  	s10 =	sld [smem:$0x3FA5];
	_ =	sdelay $0x3  }
0x36: {  	p1 =	seq.s32 s10, $0x1;
	s10 =	sld [smem:$0x3FA6];
	_ =	sdelay $0x3  }
0x37: {  	[smem:$0x3FA6] =	sst s10  }
0x38: {  	s10 =	sld [smem:$0x3FA7]  }
0x39: {  	_ = 	snop;
	(pc) =	sbr.ind lr, $3  }
0x3a: {  	_ = 	snop  }
0x3b: {  	_ = 	snop  }
0x3c: {  	p2 =	seq.s32 s10, $0x1;
	s10 =	sld [smem:$0x3FA6]  }
0x3d: {  	_ =	shalt  }
0x3e: {  	_ =	shalt  }
0x3f: {  	_ =	shalt  }
0x40: {  	_ =	shalt  }
0x41: {  	_ =	shalt  }
0x42: {  	_ =	shalt  }
0x43: {  	_ =	shalt  }
0x44: {  	_ =	shalt  }
0x45: {  	_ =	shalt  }
0x46: {  	_ =	shalt  }
0x47: {  	_ =	shalt  }
0x48: {  	_ =	shalt  }
0x49: {  	_ =	shalt  }
0x4a: {  	_ =	shalt  }
0x4b: {  	_ =	shalt  }
0x4c: {  	_ =	shalt  }
0x4d: {  	_ =	shalt  }
0x4e: {  	_ =	shalt  }
0x4f: {  	_ =	shalt  }
0x50: {  	_ =	shalt  }
0x51: {  	_ =	shalt  }
0x52: {  	_ =	shalt  }
0x53: {  	_ =	shalt  }
0x54: {  	_ =	shalt  }
0x55: {  	_ =	shalt  }
0x56: {  	_ =	shalt  }
0x57: {  	_ =	shalt  }
0x58: {  	_ =	shalt  }
0x59: {  	_ =	shalt  }
0x5a: {  	_ =	shalt  }
0x5b: {  	_ =	shalt  }
0x5c: {  	_ =	shalt  }
0x5d: {  	_ =	shalt  }
0x5e: {  	_ =	shalt  }
0x5f: {  	_ =	shalt  }
0x60: {  	_ =	shalt  }
0x61: {  	_ =	shalt  }
0x62: {  	_ =	shalt  }
0x63: {  	_ =	shalt  }
0x64: {  	_ =	shalt  }
0x65: {  	_ =	shalt  }
0x66: {  	_ =	shalt  }
0x67: {  	_ =	shalt  }
0x68: {  	_ =	shalt  }
0x69: {  	_ =	shalt  }
0x6a: {  	_ =	shalt  }
0x6b: {  	_ =	shalt  }
0x6c: {  	_ =	shalt  }
0x6d: {  	_ =	shalt  }
0x6e: {  	_ =	shalt  }
0x6f: {  	_ =	shalt  }
0x70: {  	_ =	shalt  }
0x71: {  	_ =	shalt  }
0x72: {  	_ =	shalt  }
0x73: {  	_ =	shalt  }
0x74: {  	_ =	shalt  }
0x75: {  	_ =	shalt  }
0x76: {  	_ =	shalt  }
0x77: {  	_ =	shalt  }
0x78: {  	_ =	shalt  }
0x79: {  	_ =	shalt  }
0x7a: {  	_ =	shalt  }
0x7b: {  	_ =	shalt  }
0x7c: {  	_ =	shalt  }
0x7d: {  	_ =	shalt  }
0x7e: {  	_ =	shalt  }
0x7f: {  	_ =	shalt  }
0x80: {  	_ =	shalt  }
0x81: {  	_ =	shalt  }
0x82: {  	_ =	shalt  }
0x83: {  	_ =	shalt  }
0x84: {  	_ =	shalt  }
0x85: {  	_ =	shalt  }
0x86: {  	_ =	shalt  }
0x87: {  	_ =	shalt  }
.Lfunc_end0:
.L_simem_size_0:
called_computation.2_lowered:
.L_overlay_start_0:
0x88: {  	s2 =	sld [smem:$0x3FD9]  }
0x89: {  	s3 =	sld [smem:$0x3FFE];
	_ =	sdelay $0x1  }
0x8a: {  	s1 =	srdreg.scid  }
0x8b: {  	s0 =	sand.u32 $0x1, s1  }
0x8c: {  	s16 =	sshll.u32 s0, $0xA;
	s2 =	sadd.s32 s3, s2  }
0x8d: {  	s2 =	sadd.s32 s2, s16  }
0x8e: {  	[smem:$0x3FB2] =	sst s2  }
0x8f: {  	_ = 	snop  }
0x90: {  	(tm) =	ssettm $0x1  }
0x91: {  	s17 =	sld [smem:$0x3FFB];
	_ =	sdelay $0x3  }
0x92: {  	_ =	strace s17  }
0x93: {  	s2 =	sld [smem:$0x3FFC];
	_ =	sdelay $0x3  }
0x94: {  	_ =	strace s2  }
0x95: {  	s2 =	sld [smem:$0x3FFD];
	_ =	sdelay $0x3  }
0x96: {  	_ =	strace s2  }
0x97: {  	_ =	strace $0x8FFFFFFF  }
0x98: {  	s18 =	sld [smem:$0x3FDB];
	_ =	sdelay $0x1  }
0x99: {  	s19 =	simm.s32 $_scs_section_size  }
0x9a: {  	s4 =	simm.s32 $_size__tile_overlayer_lowered;
	s5 =	simm.s32 $_tile_overlayer_lowered  }
0x9b: {  	s22 =	simm.s32 $0x1BFF;
	s21 =	sshll.u32 s5, $0x1;
	s2 =	sadd.s32 s19, s18  }
0x9c: {  	s6 =	simm.s32 $0x0;
	s20 =	sshll.u32 s4, $0x1;
	s4 =	sadd.s32 s21, s2  }
0x9d: {  	[timem:s6], [sflag:s22] =	dma.local [hbm:s4], s20  }
0x9e: {  	_ =	swait.ge [sflag:s22], s20  }
0x9f: {  	s3 =	ssub.s32 $0x0, s20;
	[sflag:s22] =	ssyncset.done $0x0  }
0xa0: {  	[sflag:s22] =	ssyncadd.s32 s3;
	_ =	sdelay $0x1  }
0xa1: {  	s23 =	simm.s32 $0x1B8B  }
0xa2: {  	_ =	swait.ge [sflag:s23], $0x1  }
0xa3: {  	[sflag:s23] =	ssyncset.done $0x0  }
0xa4: {  	s25 =	simm.s32 $0x1B8E;
	s24 =	sld [smem:$0x3FFE];
	[sflag:s23] =	ssyncadd.s32 $0xFFFFFFFF  }
0xa5: {  	s26 =	simm.s32 $execute0_lowered;
	[smem:$0x3FD2] =	sst s25  }
0xa6: {  	s4 =	sshll.u32 s26, $0x1;
	_ =	strace $0x8000004C;
	[dreg:$0x1] =	wrdreg $0xFFFFFFFF  }
0xa7: {  	s28 =	simm.s32 $_size_execute0_lowered;
	s2 =	sadd.s32 s2, s4;
	[dreg:$0x0] =	wrdreg $0x0  }
0xa8: {  	s4 =	sshll.u32 s28, $0x1;
	[dreg:$0x2] =	wrdreg s2  }
0xa9: {  	[dreg:$0x3] =	wrdreg s4  }
0xaa: {  	[dreg:$0x4] =	wrdreg $0xC0  }
0xab: {  	_ =	task [dreg:s6], $0x5FFFF  }
0xac: {  	[dreg:$0x1] =	wrdreg $0xFFFFFFFF  }
0xad: {  	[dreg:$0x0] =	wrdreg $0x60  }
0xae: {  	[dreg:$0x2] =	wrdreg s24  }
0xaf: {  	[dreg:$0x3] =	wrdreg $0x9  }
0xb0: {  	_ =	task.clear_ibuf [dreg:s6], $0x4FFFF;
	_ =	strace $0x9000004C  }
0xb1: {  	s29 =	simm.s32 $0x9;
	_ =	strace $0x8000004E  }
0xb2: {  	_ =	swait.ge [sflag:s29], $0x1  }
0xb3: {  	[sflag:s29] =	ssyncadd.s32 $0xFFFFFFFF  }
0xb4: {  	_ =	strace $0x9000004E  }
0xb5: {  	_ =	sfence  }
0xb6: {  	s30 =	sld [smem:$0x0];
	_ =	sdelay $0x2  }
0xb7: {  	s31 =	sshll.u32 s1, $0xD;
	s1 =	sshrl.u32 s1, $0x2  }
0xb8: {  	s3 =	sand.u32 $0x4000, s31;
	s1 =	sadd.s32 s1, s30  }
0xb9: {  	s0 =	sor.u32 s3, s0;
	s1 =	sshll.u32 s1, $0x11  }
0xba: {  	s0 =	sor.u32 s1, s0  }
0xbb: {  	s0 =	sadd.s32 $0x8F2B, s0  }
0xbc: {  	[sflag:s0] =	ssyncadd.remote.s32 $0x1  }
0xbd: {  	_ =	sfence.sel $0xFFFF  }
0xbe: {  	[dreg:$0x0] =	wrdreg $0xFFFFFFFF;
	(pc) =	sbr.abs _section_cstart, $3  }
0xbf: {  	[dreg:$0x1] =	wrdreg $0xFFFFFFFF  }
0xc0: {  	_ =	task.clear_ibuf [dreg:s6], $0x2FFFF;
	_ =	strace $0x9FFFFFFF  }
0xc1: {  	(tm) =	ssettm $0x7FFFFFFF  }
tec
execute0_lowered:
.L_overlay_start_1:
0x0: {  	(tag) =	ssettag $0x1  }
0x1: {  	s1 =	srdreg.scid  }
0x2: {  	s0 =	stileid.u32;
	s13 =	sand.u32 $0x1, s1  }
0x3: {  	s9 =	rddreg [dreg:$0x0];
	s3 =	sshll.u32 s0, $0x6;
	s4 =	sshll.u32 s13, $0xA  }
0x4: {  	s2 =	simm.s32 $0x0;
	s1 =	rddreg [dreg:$0x1];
	s3 =	sor.u32 s3, s4  }
0x5: {  	[smem:$0x7FF] =	sst s2;
	s3 =	sadd.s32 s3, s9  }
0x6: {  	_ =	strace $0x8000004D;
	s4 =	sadd.s32 $0xB3C00, s3;
	s3 =	simm.s32 $0x2  }
0x7: {  	[tilespmem:s2], [sflag:$0x2] =	stream.linear.gather [hbm4b:s4+s2], $0x200, $0x38;
	[tilespmem:$0x4200] =	vst v63  }
0x8: {  	s6 =	simm.s32 $0x80;
	_ =	swait.ge [sflag:s3], $0x200  }
0x9: {  	s7 =	simm.s32 $0x200;
	s8 =	simm.s32 $0x1;
	[sflag:s3] =	ssyncset.done $0x0  }
0xa: {  	s5 =	sadd.s32 $0x3800, s9;
	s10 =	sshll.u32 s13, $0x11;
	[sflag:s3] =	ssyncadd.s32 $0xFFFFFE00  }
0xb: {  	[tilespmem:s7], [sflag:$0x1] =	stream.indirect.gather [hbm4b:s5+s6], $0x80, s2, s6, $0xb8;
	[tilespmem:$0x4200] =	vst v63  }
0xc: {  	s31 =	sshll.u32 s0, $0xD;
	s9 =	sadd.s32 s10, s9;
	_ =	swait.ge [sflag:s8], $0x4000  }
0xd: {  	s14 =	sadd.s32 s31, s9;
	[sflag:s8] =	ssyncset.done $0x0  }
0xe: {  	s9 =	sadd.s32 $0x2AA00, s14;
	[sflag:s8] =	ssyncadd.s32 $0xFFFFC000  }
0xf: {  	[hbm4b:s9+s2] =	stream.linear.scatter [tilespmem:s7], [sflag:$0x2], $0x4000, $0x38;
	[tilespmem:$0x4200] =	vst v63  }
0x10: {  	_ =	swait.ge [sflag:s3], $0x4000  }
0x11: {  	[sflag:s3] =	ssyncset.done $0x0  }
0x12: {  	[sflag:s3] =	ssyncadd.s32 $0xFFFFC000  }
0x13: {  	[tilespmem:s7], [sflag:$0x1] =	stream.indirect.gather [hbm4b:s5+s6], $0x80, s6, s6, $0xb8;
	[tilespmem:$0x4200] =	vst v63  }
0x14: {  	_ =	swait.ge [sflag:s8], $0x4000  }
0x15: {  	[sflag:s8] =	ssyncset.done $0x0  }
0x16: {  	s10 =	sadd.s32 $0x2B200, s14;
	[sflag:s8] =	ssyncadd.s32 $0xFFFFC000  }
0x17: {  	[hbm4b:s10+s2] =	stream.linear.scatter [tilespmem:s7], [sflag:$0x2], $0x4000, $0x38;
	[tilespmem:$0x4200] =	vst v63  }
0x18: {  	_ =	swait.ge [sflag:s3], $0x4000  }
0x19: {  	[sflag:s3] =	ssyncset.done $0x0  }
0x1a: {  	s11 =	simm.s32 $0x100;
	[sflag:s3] =	ssyncadd.s32 $0xFFFFC000  }
0x1b: {  	[tilespmem:s7], [sflag:$0x1] =	stream.indirect.gather [hbm4b:s5+s6], $0x80, s11, s6, $0xb8;
	[tilespmem:$0x4200] =	vst v63  }
0x1c: {  	_ =	swait.ge [sflag:s8], $0x4000  }
0x1d: {  	[sflag:s8] =	ssyncset.done $0x0  }
0x1e: {  	s15 =	ssub.s32 $0x2, s13;
	s12 =	sadd.s32 $0x2BA00, s14;
	[sflag:s8] =	ssyncadd.s32 $0xFFFFC000  }
0x1f: {  	[hbm4b:s12+s2] =	stream.linear.scatter [tilespmem:s7], [sflag:$0x2], $0x4000, $0x38;
	[tilespmem:$0x4200] =	vst v63  }
0x20: {  	s16 =	sshrl.u32 s15, $0x1;
	_ =	swait.ge [sflag:s3], $0x4000  }
0x21: {  	s15 =	ssub.s32 s15, s16;
	[sflag:s3] =	ssyncset.done $0x0  }
0x22: {  	s13 =	simm.s32 $0x180;
	s15 =	smax.u32 s15, $0x1;
	[sflag:s3] =	ssyncadd.s32 $0xFFFFC000  }
0x23: {  	[tilespmem:s7], [sflag:$0x1] =	stream.indirect.gather [hbm4b:s5+s6], $0x80, s13, s6, $0xb8;
	[tilespmem:$0x4200] =	vst v63  }
0x24: {  	p0 =	sne.s32 s15, $0x1;
	_ =	swait.ge [sflag:s8], $0x4000  }
.Ltmp0:
0x25: {  	[sflag:s8] =	ssyncset.done $0x0;
	(pc) =	sbr.rel @!p0 .LBB2_2-.Ltmp0, $4  }
0x26: {  	s14 =	sadd.s32 $0x2C200, s14;
	[sflag:s8] =	ssyncadd.s32 $0xFFFFC000  }
0x27: {  	[hbm4b:s14+s2] =	stream.linear.scatter [tilespmem:s7], [sflag:$0x2], $0x4000, $0x38;
	[tilespmem:$0x4200] =	vst v63  }
0x28: {  	_ =	swait.ge [sflag:s3], $0x4000  }
0x29: {  	s15 =	sadd.s32 $0xFFFFFFFF, s15;
	[sflag:s3] =	ssyncset.done $0x0  }
.LBB2_1:
0x2a: {  	p0 =	sne.s32 s15, $0x1;
	s15 =	sadd.s32 $0xFFFFFFFF, s15;
	[sflag:s3] =	ssyncadd.s32 $0xFFFFC000  }
0x2b: {  	[tilespmem:s2], [sflag:$0x2] =	stream.linear.gather [hbm4b:s4+s2], $0x200, $0x38;
	[tilespmem:$0x4200] =	vst v63  }
0x2c: {  	_ =	swait.ge [sflag:s3], $0x200  }
0x2d: {  	[sflag:s3] =	ssyncset.done $0x0  }
0x2e: {  	[sflag:s3] =	ssyncadd.s32 $0xFFFFFE00  }
0x2f: {  	[tilespmem:s7], [sflag:$0x1] =	stream.indirect.gather [hbm4b:s5+s6], $0x80, s2, s6, $0xb8;
	[tilespmem:$0x4200] =	vst v63  }
0x30: {  	_ =	swait.ge [sflag:s8], $0x4000  }
0x31: {  	[sflag:s8] =	ssyncset.done $0x0  }
0x32: {  	[sflag:s8] =	ssyncadd.s32 $0xFFFFC000  }
0x33: {  	[hbm4b:s9+s2] =	stream.linear.scatter [tilespmem:s7], [sflag:$0x2], $0x4000, $0x38;
	[tilespmem:$0x4200] =	vst v63  }
0x34: {  	_ =	swait.ge [sflag:s3], $0x4000  }
0x35: {  	[sflag:s3] =	ssyncset.done $0x0  }
0x36: {  	[sflag:s3] =	ssyncadd.s32 $0xFFFFC000  }
0x37: {  	[tilespmem:s7], [sflag:$0x1] =	stream.indirect.gather [hbm4b:s5+s6], $0x80, s6, s6, $0xb8;
	[tilespmem:$0x4200] =	vst v63  }
0x38: {  	_ =	swait.ge [sflag:s8], $0x4000  }
0x39: {  	[sflag:s8] =	ssyncset.done $0x0  }
0x3a: {  	[sflag:s8] =	ssyncadd.s32 $0xFFFFC000  }
0x3b: {  	[hbm4b:s10+s2] =	stream.linear.scatter [tilespmem:s7], [sflag:$0x2], $0x4000, $0x38;
	[tilespmem:$0x4200] =	vst v63  }
0x3c: {  	_ =	swait.ge [sflag:s3], $0x4000  }
0x3d: {  	[sflag:s3] =	ssyncset.done $0x0  }
0x3e: {  	[sflag:s3] =	ssyncadd.s32 $0xFFFFC000  }
0x3f: {  	[tilespmem:s7], [sflag:$0x1] =	stream.indirect.gather [hbm4b:s5+s6], $0x80, s11, s6, $0xb8;
	[tilespmem:$0x4200] =	vst v63  }
0x40: {  	_ =	swait.ge [sflag:s8], $0x4000  }
0x41: {  	[sflag:s8] =	ssyncset.done $0x0  }
0x42: {  	[sflag:s8] =	ssyncadd.s32 $0xFFFFC000  }
0x43: {  	[hbm4b:s12+s2] =	stream.linear.scatter [tilespmem:s7], [sflag:$0x2], $0x4000, $0x38;
	[tilespmem:$0x4200] =	vst v63  }
0x44: {  	_ =	swait.ge [sflag:s3], $0x4000  }
0x45: {  	[sflag:s3] =	ssyncset.done $0x0  }
0x46: {  	[sflag:s3] =	ssyncadd.s32 $0xFFFFC000  }
0x47: {  	[tilespmem:s7], [sflag:$0x1] =	stream.indirect.gather [hbm4b:s5+s6], $0x80, s13, s6, $0xb8;
	[tilespmem:$0x4200] =	vst v63  }
0x48: {  	_ =	swait.ge [sflag:s8], $0x4000  }
.Ltmp1:
0x49: {  	[sflag:s8] =	ssyncset.done $0x0;
	(pc) =	sbr.rel @p0 .LBB2_1-.Ltmp1, $4  }
0x4a: {  	[sflag:s8] =	ssyncadd.s32 $0xFFFFC000  }
0x4b: {  	[hbm4b:s14+s2] =	stream.linear.scatter [tilespmem:s7], [sflag:$0x2], $0x4000, $0x38;
	[tilespmem:$0x4200] =	vst v63  }
0x4c: {  	_ =	swait.ge [sflag:s3], $0x4000  }
0x4d: {  	[sflag:s3] =	ssyncset.done $0x0  }
.LBB2_2:
0x4e: {  	[sflag:s3] =	ssyncadd.s32 $0xFFFFC000  }
0x4f: {  	_ =	sfence.sel $0x180000  }
0x50: {  	[bflag:$0x0] =	sbarrier.arrive $0xFFFF  }
0x51: {  	p0 =	sne.s32 s0, $0x0;
	_ =	strace $0x9000004D  }
0x52: {  	s0 =	sadd.s32 @!p0 $0x100000, s1;
	[bflag:$0x2] =	sbarrier.arrive $0xFFFF  }
0x53: {  	[sflag:s0] =	ssyncadd.tile.s32 @!p0 $0x1;
	_ =	shalt  }
.Lfunc_end2:
_tile_overlayer_lowered:
.L_overlay_start_2:
0x54: {  	(tag) =	ssettag $0x2  }
0x55: {  	s0 =	rddreg [dreg:$0x0];
	s2 =	stileid.u32  }
0x56: {  	s1 =	rddreg [dreg:$0x1];
	p0 =	sne.s32 s2, $0x0  }
0x57: {  	s3 =	rddreg [dreg:$0x2];
	[bflag:$0x3] =	sbarrier.arrive $0xFFFF;
	s2 =	simm.s32 @!p0 $0x1C02  }
0x58: {  	[timem:s3], [sflag:s2] =	dma.local @!p0 [hbm:s0], s1  }
0x59: {  	s0 =	simm.s32 @!p0 $0x2  }
0x5a: {  	_ =	swait.ge @!p0 [sflag:s0], s1  }
0x5b: {  	s1 =	ssub.s32 @!p0 $0x0, s1;
	[sflag:s0] =	ssyncset.done @!p0 $0x0  }
0x5c: {  	[sflag:s0] =	ssyncadd.s32 @!p0 s1  }
0x5d: {  	[bflag:$0x3] =	sbarrier.arrive $0xFFFF  }
0x5e: {  	_ =	shalt  }

// kernel: sage_agg_deg0.3.cloned.1.call-start
scs
__scs_entry_jumppad:
0x0: {  	(pc) =	sbr.rel $0x88, $3  }
0x1: {  	(tag) =	ssettag $0x0;
	lr =	simm.s32 $0x1  }
0x2: {  	[smem:$0x3F8B] =	sst lr;
	_ =	strace $0xD0000000  }
0x3: {  	_ = 	snop  }
0x4: {  	_ = 	snop  }
0x5: {  	_ = 	snop  }
0x6: {  	_ = 	snop  }
0x7: {  	_ = 	snop  }
__scs_overlays_trampoline_lowered:
0x8: {  	[smem:$0x3F9A] =	sst s0  }
0x9: {  	[smem:$0x3F9B] =	sst s1  }
0xa: {  	[smem:$0x3F9C] =	sst s2  }
0xb: {  	[smem:$0x3F9D] =	sst s3  }
0xc: {  	[smem:$0x3F9E] =	sst s4  }
0xd: {  	[smem:$0x3F9F] =	sst s5  }
0xe: {  	[smem:$0x3FA0] =	sst s6  }
0xf: {  	[smem:$0x3FA1] =	sst s7  }
0x10: {  	[smem:$0x3FA2] =	sst s8  }
0x11: {  	[smem:$0x3FA3] =	sst s9;
	s0 =	simm.s32 @!p0 $0x0  }
0x12: {  	s1 =	sld [smem:$0x3F89];
	s0 =	simm.s32 @p0 $0x1  }
0x13: {  	[smem:$0x3FA4] =	sst s0;
	s0 =	simm.s32 @!p1 $0x0  }
0x14: {  	s2 =	sld [smem:$0x3F88];
	s0 =	simm.s32 @p1 $0x1  }
0x15: {  	[smem:$0x3FA5] =	sst s0;
	s0 =	simm.s32 @!p2 $0x0  }
0x16: {  	s3 =	sld [smem:$0x3FDB];
	s0 =	simm.s32 @p2 $0x1  }
0x17: {  	s4 =	simm.s32 $0x1BF5;
	[smem:$0x3FA7] =	sst s0  }
0x18: {  	s0 =	sld [smem:$0x3F8A];
	_ =	swait.ge [sflag:s4], $0x0  }
0x19: {  	s7 =	sld [smem:$0x3F8B]  }
0x1a: {  	s8 =	sadd.s32 $0xFFFFE003, lr  }
0x1b: {  	s9 =	sadd.s32 $0xFFFFFEF7, lr;
	s5 =	simm.s32 $0xFFFFFFFF;
	p2 =	slt.u32 s8, $0xFFFFF086  }
0x1c: {  	p1 =	slt.u32 s9, $0xF7A;
	s5 =	simm.s32 @!p2 $0x0  }
0x1d: {  	s5 =	simm.s32 @p1 $0x1;
	p0 =	seq.s32 s7, s2  }
0x1e: {  	s7 =	smul.u32 @!p0 $0xF7A, s2;
	p2 =	seq.s32 @!p0 s5, $0x0  }
0x1f: {  	s9 =	smul.u32 $0xF7A, s1;
	s8 =	simm.s32 @!p0 $0x1BF5;
	p2 =	por !p2, p0  }
0x20: {  	[sflag:s8] =	ssyncset.s32 @!p0 $0xFFFFF086;
	s6 =	sadd.s32 @!p0 s3, s7;
	s7 =	simm.s32 @!p0 $0x108  }
0x21: {  	s3 =	sadd.s32 s3, s9;
	s6 =	sadd.s32 @!p0 $0x88, s6;
	s7 =	simm.s32 @p2 $0x1082  }
0x22: {  	[simem:s7], [sflag:s8] =	dma.local @!p0 [hbm:s6], $0xF7A  }
0x23: {  	s9 =	sor.u32 $0xD0000000, s2;
	s6 =	simm.s32 $0x108;
	_ =	swait.ge @!p0 [sflag:s8], $0x0  }
0x24: {  	s3 =	sadd.s32 $0x88, s3;
	s6 =	simm.s32 @!p1 $0x1082;
	[sflag:s4] =	ssyncset.s32 $0xFFFFF086  }
0x25: {  	[simem:s6], [sflag:s4] =	dma.local [hbm:s3], $0xF7A  }
0x26: {  	[smem:$0x3F8B] =	sst s1;
	(tag) =	ssettag s2;
	_ =	strace s9  }
0x27: {  	s1 =	sld [smem:$0x3F9B]  }
0x28: {  	s2 =	sld [smem:$0x3F9C]  }
0x29: {  	s4 =	sld [smem:$0x3F9E]  }
0x2a: {  	p0 =	seq.s32 s5, $0x0;
	s5 =	sld [smem:$0x3F9F]  }
0x2b: {  	s6 =	sld [smem:$0x3FA0]  }
0x2c: {  	s7 =	sld [smem:$0x3FA1]  }
0x2d: {  	s3 =	simm.s32 $0x108;
	s8 =	sld [smem:$0x3FA2]  }
0x2e: {  	s3 =	simm.s32 @!p0 $0x1082;
	s9 =	sld [smem:$0x3FA3]  }
0x2f: {  	lr =	sadd.s32 s0, s3;
	s0 =	sld [smem:$0x3F9A]  }
0x30: {  	s3 =	sld [smem:$0x3F9D]  }
0x31: {  	[smem:$0x3FA6] =	sst s10  }
0x32: {  	s10 =	sld [smem:$0x3FA4];
	_ =	sdelay $0x3  }
0x33: {  	p0 =	seq.s32 s10, $0x1;
	s10 =	sld [smem:$0x3FA6];
	_ =	sdelay $0x3  }
0x34: {  	[smem:$0x3FA6] =	sst s10  }
0x35: {  	s10 =	sld [smem:$0x3FA5];
	_ =	sdelay $0x3  }
0x36: {  	p1 =	seq.s32 s10, $0x1;
	s10 =	sld [smem:$0x3FA6];
	_ =	sdelay $0x3  }
0x37: {  	[smem:$0x3FA6] =	sst s10  }
0x38: {  	s10 =	sld [smem:$0x3FA7]  }
0x39: {  	_ = 	snop;
	(pc) =	sbr.ind lr, $3  }
0x3a: {  	_ = 	snop  }
0x3b: {  	_ = 	snop  }
0x3c: {  	p2 =	seq.s32 s10, $0x1;
	s10 =	sld [smem:$0x3FA6]  }
0x3d: {  	_ =	shalt  }
0x3e: {  	_ =	shalt  }
0x3f: {  	_ =	shalt  }
0x40: {  	_ =	shalt  }
0x41: {  	_ =	shalt  }
0x42: {  	_ =	shalt  }
0x43: {  	_ =	shalt  }
0x44: {  	_ =	shalt  }
0x45: {  	_ =	shalt  }
0x46: {  	_ =	shalt  }
0x47: {  	_ =	shalt  }
0x48: {  	_ =	shalt  }
0x49: {  	_ =	shalt  }
0x4a: {  	_ =	shalt  }
0x4b: {  	_ =	shalt  }
0x4c: {  	_ =	shalt  }
0x4d: {  	_ =	shalt  }
0x4e: {  	_ =	shalt  }
0x4f: {  	_ =	shalt  }
0x50: {  	_ =	shalt  }
0x51: {  	_ =	shalt  }
0x52: {  	_ =	shalt  }
0x53: {  	_ =	shalt  }
0x54: {  	_ =	shalt  }
0x55: {  	_ =	shalt  }
0x56: {  	_ =	shalt  }
0x57: {  	_ =	shalt  }
0x58: {  	_ =	shalt  }
0x59: {  	_ =	shalt  }
0x5a: {  	_ =	shalt  }
0x5b: {  	_ =	shalt  }
0x5c: {  	_ =	shalt  }
0x5d: {  	_ =	shalt  }
0x5e: {  	_ =	shalt  }
0x5f: {  	_ =	shalt  }
0x60: {  	_ =	shalt  }
0x61: {  	_ =	shalt  }
0x62: {  	_ =	shalt  }
0x63: {  	_ =	shalt  }
0x64: {  	_ =	shalt  }
0x65: {  	_ =	shalt  }
0x66: {  	_ =	shalt  }
0x67: {  	_ =	shalt  }
0x68: {  	_ =	shalt  }
0x69: {  	_ =	shalt  }
0x6a: {  	_ =	shalt  }
0x6b: {  	_ =	shalt  }
0x6c: {  	_ =	shalt  }
0x6d: {  	_ =	shalt  }
0x6e: {  	_ =	shalt  }
0x6f: {  	_ =	shalt  }
0x70: {  	_ =	shalt  }
0x71: {  	_ =	shalt  }
0x72: {  	_ =	shalt  }
0x73: {  	_ =	shalt  }
0x74: {  	_ =	shalt  }
0x75: {  	_ =	shalt  }
0x76: {  	_ =	shalt  }
0x77: {  	_ =	shalt  }
0x78: {  	_ =	shalt  }
0x79: {  	_ =	shalt  }
0x7a: {  	_ =	shalt  }
0x7b: {  	_ =	shalt  }
0x7c: {  	_ =	shalt  }
0x7d: {  	_ =	shalt  }
0x7e: {  	_ =	shalt  }
0x7f: {  	_ =	shalt  }
0x80: {  	_ =	shalt  }
0x81: {  	_ =	shalt  }
0x82: {  	_ =	shalt  }
0x83: {  	_ =	shalt  }
0x84: {  	_ =	shalt  }
0x85: {  	_ =	shalt  }
0x86: {  	_ =	shalt  }
0x87: {  	_ =	shalt  }
.Lfunc_end0:
.L_simem_size_0:
called_computation.1_lowered:
.L_overlay_start_0:
0x88: {  	s2 =	sld [smem:$0x3FD9]  }
0x89: {  	s3 =	sld [smem:$0x3FFE];
	_ =	sdelay $0x1  }
0x8a: {  	s1 =	srdreg.scid  }
0x8b: {  	s0 =	sand.u32 $0x1, s1  }
0x8c: {  	s16 =	sshll.u32 s0, $0xA;
	s2 =	sadd.s32 s3, s2  }
0x8d: {  	s2 =	sadd.s32 s2, s16  }
0x8e: {  	[smem:$0x3FB2] =	sst s2  }
0x8f: {  	_ = 	snop  }
0x90: {  	(tm) =	ssettm $0x1  }
0x91: {  	s17 =	sld [smem:$0x3FFB];
	_ =	sdelay $0x3  }
0x92: {  	_ =	strace s17  }
0x93: {  	s2 =	sld [smem:$0x3FFC];
	_ =	sdelay $0x3  }
0x94: {  	_ =	strace s2  }
0x95: {  	s2 =	sld [smem:$0x3FFD];
	_ =	sdelay $0x3  }
0x96: {  	_ =	strace s2  }
0x97: {  	_ =	strace $0x8FFFFFFF  }
0x98: {  	s18 =	sld [smem:$0x3FDB];
	_ =	sdelay $0x1  }
0x99: {  	s19 =	simm.s32 $_scs_section_size  }
0x9a: {  	s4 =	simm.s32 $_size__tile_overlayer_lowered;
	s5 =	simm.s32 $_tile_overlayer_lowered  }
0x9b: {  	s22 =	simm.s32 $0x1BFF;
	s21 =	sshll.u32 s5, $0x1;
	s2 =	sadd.s32 s19, s18  }
0x9c: {  	s6 =	simm.s32 $0x0;
	s20 =	sshll.u32 s4, $0x1;
	s4 =	sadd.s32 s21, s2  }
0x9d: {  	[timem:s6], [sflag:s22] =	dma.local [hbm:s4], s20  }
0x9e: {  	_ =	swait.ge [sflag:s22], s20  }
0x9f: {  	s3 =	ssub.s32 $0x0, s20;
	[sflag:s22] =	ssyncset.done $0x0  }
0xa0: {  	[sflag:s22] =	ssyncadd.s32 s3;
	_ =	sdelay $0x1  }
0xa1: {  	s23 =	simm.s32 $0x1B8B  }
0xa2: {  	_ =	swait.ge [sflag:s23], $0x1  }
0xa3: {  	[sflag:s23] =	ssyncset.done $0x0  }
0xa4: {  	s25 =	simm.s32 $0x1B8E;
	s24 =	sld [smem:$0x3FFE];
	[sflag:s23] =	ssyncadd.s32 $0xFFFFFFFF  }
0xa5: {  	s26 =	simm.s32 $execute0_lowered;
	[smem:$0x3FD2] =	sst s25  }
0xa6: {  	s4 =	sshll.u32 s26, $0x1;
	_ =	strace $0x80000049;
	[dreg:$0x1] =	wrdreg $0xFFFFFFFF  }
0xa7: {  	s28 =	simm.s32 $_size_execute0_lowered;
	s2 =	sadd.s32 s2, s4;
	[dreg:$0x0] =	wrdreg $0x0  }
0xa8: {  	s4 =	sshll.u32 s28, $0x1;
	[dreg:$0x2] =	wrdreg s2  }
0xa9: {  	[dreg:$0x3] =	wrdreg s4  }
0xaa: {  	[dreg:$0x4] =	wrdreg $0xC0  }
0xab: {  	_ =	task [dreg:s6], $0x5FFFF  }
0xac: {  	[dreg:$0x1] =	wrdreg $0xFFFFFFFF  }
0xad: {  	[dreg:$0x0] =	wrdreg $0x60  }
0xae: {  	[dreg:$0x2] =	wrdreg s24  }
0xaf: {  	[dreg:$0x3] =	wrdreg $0xC0000  }
0xb0: {  	[dreg:$0x4] =	wrdreg $0x9  }
0xb1: {  	_ =	task.clear_ibuf [dreg:s6], $0x5FFFF;
	_ =	strace $0x90000049  }
0xb2: {  	s29 =	simm.s32 $0x9;
	_ =	strace $0x8000004B  }
0xb3: {  	_ =	swait.ge [sflag:s29], $0x1  }
0xb4: {  	[sflag:s29] =	ssyncadd.s32 $0xFFFFFFFF  }
0xb5: {  	_ =	strace $0x9000004B  }
0xb6: {  	_ =	sfence  }
0xb7: {  	s30 =	sld [smem:$0x0];
	_ =	sdelay $0x2  }
0xb8: {  	s31 =	sshll.u32 s1, $0xD;
	s1 =	sshrl.u32 s1, $0x2  }
0xb9: {  	s3 =	sand.u32 $0x4000, s31;
	s1 =	sadd.s32 s1, s30  }
0xba: {  	s0 =	sor.u32 s3, s0;
	s1 =	sshll.u32 s1, $0x11  }
0xbb: {  	s0 =	sor.u32 s1, s0  }
0xbc: {  	s0 =	sadd.s32 $0x8F2B, s0  }
0xbd: {  	[sflag:s0] =	ssyncadd.remote.s32 $0x1  }
0xbe: {  	_ =	sfence.sel $0xFFFF  }
0xbf: {  	[dreg:$0x0] =	wrdreg $0xFFFFFFFF;
	(pc) =	sbr.abs _section_cstart, $3  }
0xc0: {  	[dreg:$0x1] =	wrdreg $0xFFFFFFFF  }
0xc1: {  	_ =	task.clear_ibuf [dreg:s6], $0x2FFFF;
	_ =	strace $0x9FFFFFFF  }
0xc2: {  	(tm) =	ssettm $0x7FFFFFFF  }
0xc3: {  	_ =	shalt  }
tec
execute0_lowered:
.L_overlay_start_1:
0x0: {  	(tag) =	ssettag $0x1  }
0x1: {  	s0 =	rddreg [dreg:$0x0]  }
0x2: {  	s2 =	rddreg [dreg:$0x1];
	s3 =	simm.s32 $0x0  }
0x3: {  	s24 =	simm.s32 $0x80;
	[smem:$0x7FF] =	sst s3  }
0x4: {  	s25 =	simm.s32 $0x100;
	_ =	strace $0x8000004A;
	[dreg:$0x5] =	wrdreg s24  }
0x5: {  	s5 =	simm.s32 $0x180;
	[dreg:$0x6] =	wrdreg s25  }
0x6: {  	s6 =	simm.s32 $0x200;
	[dreg:$0x7] =	wrdreg s5  }
0x7: {  	s7 =	simm.s32 $0x1080;
	[dreg:$0x8] =	wrdreg s6  }
0x8: {  	s9 =	simm.s32 $0x280;
	[dreg:$0x9] =	wrdreg s7  }
0x9: {  	s10 =	simm.s32 $0x1100;
	[dreg:$0xa] =	wrdreg s9  }
0xa: {  	s11 =	simm.s32 $0x300;
	[dreg:$0xb] =	wrdreg s10  }
0xb: {  	s13 =	simm.s32 $0x1180;
	[dreg:$0xc] =	wrdreg s11  }
0xc: {  	s14 =	simm.s32 $0x380;
	[dreg:$0xd] =	wrdreg s13  }
0xd: {  	s8 =	stileid.u32;
	s15 =	simm.s32 $0x1200;
	[dreg:$0xe] =	wrdreg s14  }
0xe: {  	s26 =	srdreg.scid;
	s17 =	simm.s32 $0x400;
	[dreg:$0xf] =	wrdreg s15  }
0xf: {  	s18 =	simm.s32 $0x1280;
	s19 =	simm.s32 $0x480;
	[dreg:$0x10] =	wrdreg s17  }
0x10: {  	s20 =	simm.s32 $0x1300;
	s21 =	simm.s32 $0x500;
	[dreg:$0x11] =	wrdreg s18  }
0x11: {  	s22 =	simm.s32 $0x1380;
	s28 =	simm.s32 $0xB80;
	[dreg:$0x12] =	wrdreg s19  }
0x12: {  	s29 =	simm.s32 $0x1A00;
	s30 =	simm.s32 $0xC00;
	[dreg:$0x13] =	wrdreg s20  }
0x13: {  	s31 =	simm.s32 $0x1A80;
	s1 =	smul.u32 $0xA00, s8;
	[dreg:$0x14] =	wrdreg s21  }
0x14: {  	s16 =	sshll.u32 s8, $0x3;
	[dreg:$0x15] =	wrdreg s22;
	s25 =	simm.s32 $0x580  }
0x15: {  	s7 =	smin.u32 s16, $0x75;
	s10 =	simm.s32 $0x1480;
	[dreg:$0x16] =	wrdreg s25  }
0x16: {  	s24 =	smul.u32 $0x50000, s8;
	s11 =	simm.s32 $0x680;
	[dreg:$0x19] =	wrdreg s10  }
0x17: {  	s8 =	smul.u32 $0x14000, s8;
	s13 =	simm.s32 $0x1500;
	[dreg:$0x1a] =	wrdreg s11  }
0x18: {  	s14 =	simm.s32 $0x700;
	s15 =	simm.s32 $0x1580;
	[dreg:$0x1b] =	wrdreg s13  }
0x19: {  	s17 =	simm.s32 $0x1600;
	s18 =	simm.s32 $0x800;
	[dreg:$0x1c] =	wrdreg s14  }
0x1a: {  	s19 =	simm.s32 $0x1680;
	s20 =	simm.s32 $0x880;
	[dreg:$0x1d] =	wrdreg s15  }
0x1b: {  	s21 =	simm.s32 $0x1700;
	s22 =	simm.s32 $0x900;
	[dreg:$0x1f] =	wrdreg s17  }
0x1c: {  	s1 =	sadd.s32 s1, s0;
	s7 =	sadd.s32 $0x8, s7;
	[smem:$0x7F5] =	sst s18  }
0x1d: {  	s10 =	simm.s32 $0x2000;
	s11 =	simm.s32 $0x5;
	[smem:$0x7F6] =	sst s19  }
0x1e: {  	s13 =	simm.s32 $0x50;
	s14 =	simm.s32 $0x4800;
	[smem:$0x7F7] =	sst s20  }
0x1f: {  	s15 =	simm.s32 $0x7000;
	s17 =	simm.s32 $0x1;
	[smem:$0x7F8] =	sst s21  }
0x20: {  	s18 =	simm.s32 $0x2;
	[smem:$0x7F9] =	sst s22;
	s19 =	simm.s32 $0x3  }
0x21: {  	s25 =	simm.s32 $0x980;
	s20 =	simm.s32 $0x4;
	s4 =	sadd.s32 $0xD800, s1  }
0x22: {  	s1 =	sadd.s32 $0x3800, s1;
	s9 =	ssub.s32 s7, s16;
	[smem:$0x7FB] =	sst s25  }
0x23: {  	p0 =	sge.u32 s16, s7;
	s16 =	simm.s32 $0x780;
	[dreg:$0x3] =	wrdreg s4  }
0x24: {  	s25 =	simm.s32 $0xB00;
	[dreg:$0x4] =	wrdreg s1;
	s4 =	sand.u32 $0x1, s26  }
0x25: {  	[smem:$0x7F2] =	sst s9;
	s26 =	simm.s32 $0x1400;
	s9 =	simm.s32 $0x600  }
0x26: {  	[dreg:$0x1e] =	wrdreg s16;
	s16 =	simm.s32 $0x9800;
	s5 =	smul.u32 $0x27100, s4  }
0x27: {  	s12 =	ssub.s32 $0x2, s4;
	s4 =	smul.u32 $0x138800, s4;
	[dreg:$0x17] =	wrdreg s26  }
0x28: {  	[dreg:$0x18] =	wrdreg s9;
	s26 =	simm.s32 $0x1800;
	s9 =	simm.s32 $0xA00  }
0x29: {  	s6 =	sshrl.u32 s12, $0x1;
	[smem:$0x7FC] =	sst s26;
	s26 =	simm.s32 $0x1980  }
0x2a: {  	s5 =	sadd.s32 s5, s0;
	s0 =	sadd.s32 $0x65A00, s0;
	s1 =	ssub.s32 s12, s6  }
0x2b: {  	s12 =	sadd.s32 s8, s4;
	s6 =	simm.s32 $0x1C00;
	s4 =	simm.s32 $0x0  }
.Ltmp0:
0x2c: {  	[smem:$0x7F1] =	sst s0;
	s23 =	smax.u32 s1, $0x1;
	(pc) =	sbr.rel .LBB2_1-.Ltmp0, $4  }
0x2d: {  	s1 =	sshrl.u32 s24, $0x2;
	[smem:$0x7F4] =	sst s12;
	s24 =	simm.s32 $0x1780  }
0x2e: {  	s5 =	sadd.s32 $0x17800, s5;
	s12 =	simm.s32 $0x1000;
	[smem:$0x7FA] =	sst s24  }
0x2f: {  	s0 =	simm.s32 $0x1B80;
	s1 =	sadd.s32 s1, s2;
	[smem:$0x7FD] =	sst s23  }
0x30: {  	v0 =	vimm.f32 $0.0e+00;
	s24 =	simm.s32 $0x1900;
	[smem:$0x7F3] =	sst s1;
	s1 =	simm.s32 $0x1B00  }
.LBB2_12:
0x31: {  	_ =	swait.ge [sflag:s11], $0x500  }
0x32: {  	[sflag:s11] =	ssyncset.done $0x0;
	s23 =	sld [smem:$0x7FD]  }
0x33: {  	s9 =	simm.s32 $0xA00;
	s4 =	sld [smem:$0x7F0];
	[sflag:s11] =	ssyncadd.s32 $0xFFFFFB00  }
.LBB2_13:
0x34: {  	_ =	sdelay $0x1  }
0x35: {  	s4 =	sadd.s32 $0x1, s4  }
0x36: {  	p1 =	sne.s32 s4, s23  }
.Ltmp1:
0x37: {  	_ = 	snop;
	(pc) =	sbr.rel @!p1 .LBB2_14-.Ltmp1, $1  }
0x38: {  	_ =	sdelay $0x3  }
.LBB2_1:
0x39: {  	[smem:$0x7F0] =	sst s4;
	s7 =	simm.s32 $0x0;
	s8 =	simm.s32 $0x200  }
.LBB2_2:
0x3a: {  	p1 =	sne.s32 s8, $0x9E00;
	[tilespmem:s7+$0x2070] =	vst v0  }
0x3b: {  	[tilespmem:s7+$0x2000] =	vst v0  }
0x3c: {  	[tilespmem:s7+$0x2010] =	vst v0  }
.Ltmp2:
0x3d: {  	[tilespmem:s7+$0x2020] =	vst v0;
	(pc) =	sbr.rel @p1 .LBB2_2-.Ltmp2, $4  }
0x3e: {  	[tilespmem:s7+$0x2030] =	vst v0  }
0x3f: {  	[tilespmem:s7+$0x2040] =	vst v0  }
0x40: {  	[tilespmem:s7+$0x2050] =	vst v0  }
0x41: {  	[tilespmem:s7+$0x2060] =	vst v0;
	s7 =	sshra.s32 s8, $0x2;
	s8 =	sadd.s32 $0x200, s8  }
0x42: {  	[tilespmem:s7+$0x2070] =	vst v0  }
0x43: {  	[tilespmem:s7+$0x2000] =	vst v0  }
0x44: {  	[tilespmem:s7+$0x2010] =	vst v0  }
.Ltmp3:
0x45: {  	[tilespmem:s7+$0x2020] =	vst v0;
	(pc) =	sbr.rel @p0 .LBB2_7-.Ltmp3, $4  }
0x46: {  	[tilespmem:s7+$0x2030] =	vst v0  }
0x47: {  	[tilespmem:s7+$0x2040] =	vst v0  }
0x48: {  	[tilespmem:s7+$0x2050] =	vst v0  }
0x49: {  	[tilespmem:s7+$0x2060] =	vst v0  }
0x4a: {  	s4 =	sld [smem:$0x7F2];
	_ =	sdelay $0x2  }
0x4b: {  	s7 =	sld [smem:$0x7F3];
	p1 =	sne.s32 s4, $0x1  }
.Ltmp4:
0x4c: {  	_ = 	snop;
	(pc) =	sbr.rel @!p1 .LBB2_6-.Ltmp4, $4  }
0x4d: {  	_ = 	snop  }
0x4e: {  	[spmem:s7] =	stream.linear.scatter [tilespmem:s10], [sflag:$0x5], $0x2800, $0x38;
	[tilespmem:$0x1F880] =	vst v63  }
0x4f: {  	_ =	swait.ge [sflag:s11], $0x2800  }
0x50: {  	s4 =	sadd.s32 $0xFFFFFFFF, s4;
	[sflag:s11] =	ssyncset.done $0x0  }
.LBB2_5:
0x51: {  	p1 =	sne.s32 s4, $0x1;
	[sflag:s11] =	ssyncadd.s32 $0xFFFFD800;
	s7 =	sadd.s32 $0x2800, s7  }
.Ltmp5:
0x52: {  	s4 =	sadd.s32 $0xFFFFFFFF, s4;
	(pc) =	sbr.rel @p1 .LBB2_5-.Ltmp5, $4  }
0x53: {  	_ = 	snop  }
0x54: {  	[spmem:s7] =	stream.linear.scatter [tilespmem:s10], [sflag:$0x5], $0x2800, $0x38;
	[tilespmem:$0x1F880] =	vst v63  }
0x55: {  	_ =	swait.ge [sflag:s11], $0x2800  }
0x56: {  	[sflag:s11] =	ssyncset.done $0x0  }
.LBB2_6:
0x57: {  	[sflag:s11] =	ssyncadd.s32 $0xFFFFD800  }
.LBB2_7:
0x58: {  	[bflag:$0x0] =	sbarrier.arrive $0xFFFF  }
0x59: {  	s4 =	rddreg [dreg:$0x4]  }
0x5a: {  	s4 =	sadd.s32 $0x0, s4  }
0x5b: {  	[tilespmem:s3], [sflag:$0x5] =	stream.linear.gather [hbm4b:s4+s3], $0xC80, $0x38;
	[tilespmem:$0x1F880] =	vst v63  }
0x5c: {  	_ =	swait.ge [sflag:s11], $0xC80  }
0x5d: {  	s8 =	rddreg [dreg:$0x3];
	[sflag:s11] =	ssyncset.done $0x0  }
0x5e: {  	[sflag:s11] =	ssyncadd.s32 $0xFFFFF380;
	s4 =	sadd.s32 $0x0, s8  }
0x5f: {  	[tilespmem:s12], [sflag:$0x5] =	stream.linear.gather [hbm4b:s4+s3], $0xC80, $0x38;
	[tilespmem:$0x1F880] =	vst v63  }
0x60: {  	_ =	swait.ge [sflag:s11], $0xC80  }
0x61: {  	[sflag:s11] =	ssyncset.done $0x0  }
0x62: {  	[sflag:s11] =	ssyncadd.s32 $0xFFFFF380  }
0x63: {  	[tilespmem:s10], [sflag:$0x1] =	stream.indirect.gather [hbm4b:s5+s13], $0x80, s3, s13, $0xb8;
	[tilespmem:$0x1F880] =	vst v63  }
0x64: {  	s21 =	rddreg [dreg:$0x5]  }
0x65: {  	[tilespmem:s14], [sflag:$0x2] =	stream.indirect.gather [hbm4b:s5+s13], $0x80, s21, s13, $0xb8;
	[tilespmem:$0x1F880] =	vst v63  }
0x66: {  	s7 =	rddreg [dreg:$0x6]  }
0x67: {  	[tilespmem:s15], [sflag:$0x3] =	stream.indirect.gather [hbm4b:s5+s13], $0x80, s7, s13, $0xb8;
	[tilespmem:$0x1F880] =	vst v63  }
0x68: {  	s22 =	rddreg [dreg:$0x7]  }
0x69: {  	[tilespmem:s16], [sflag:$0x4] =	stream.indirect.gather [hbm4b:s5+s13], $0x80, s22, s13, $0xb8;
	[tilespmem:$0x1F880] =	vst v63  }
0x6a: {  	_ =	swait.ge [sflag:s17], $0x2800  }
0x6b: {  	[sflag:s17] =	ssyncset.done $0x0  }
0x6c: {  	[sflag:s17] =	ssyncadd.s32 $0xFFFFD800  }
0x6d: {  	[spmem:s2] =	stream.indirect.scatter.add.f32 [tilespmem:s10], [sflag:$0x5], $0x80, s12, s13, $0xb8;
	[tilespmem:$0x1F880] =	vst v63  }
0x6e: {  	_ =	swait.ge [sflag:s11], $0x2800  }
0x6f: {  	[sflag:s11] =	ssyncset.done $0x0  }
0x70: {  	s7 =	rddreg [dreg:$0x8];
	[sflag:s11] =	ssyncadd.s32 $0xFFFFD800  }
0x71: {  	[tilespmem:s10], [sflag:$0x1] =	stream.indirect.gather [hbm4b:s5+s13], $0x80, s7, s13, $0xb8;
	[tilespmem:$0x1F880] =	vst v63  }
0x72: {  	_ =	swait.ge [sflag:s18], $0x2800  }
0x73: {  	[sflag:s18] =	ssyncset.done $0x0  }
0x74: {  	s8 =	rddreg [dreg:$0x9];
	[sflag:s18] =	ssyncadd.s32 $0xFFFFD800  }
0x75: {  	[spmem:s2] =	stream.indirect.scatter.add.f32 [tilespmem:s14], [sflag:$0x5], $0x80, s8, s13, $0xb8;
	[tilespmem:$0x1F880] =	vst v63  }
0x76: {  	_ =	swait.ge [sflag:s11], $0x2800  }
0x77: {  	[sflag:s11] =	ssyncset.done $0x0  }
0x78: {  	s21 =	rddreg [dreg:$0xa];
	[sflag:s11] =	ssyncadd.s32 $0xFFFFD800  }
0x79: {  	[tilespmem:s14], [sflag:$0x2] =	stream.indirect.gather [hbm4b:s5+s13], $0x80, s21, s13, $0xb8;
	[tilespmem:$0x1F880] =	vst v63  }
0x7a: {  	_ =	swait.ge [sflag:s19], $0x2800  }
0x7b: {  	[sflag:s19] =	ssyncset.done $0x0  }
0x7c: {  	s22 =	rddreg [dreg:$0xb];
	[sflag:s19] =	ssyncadd.s32 $0xFFFFD800  }
0x7d: {  	[spmem:s2] =	stream.indirect.scatter.add.f32 [tilespmem:s15], [sflag:$0x5], $0x80, s22, s13, $0xb8;
	[tilespmem:$0x1F880] =	vst v63  }
0x7e: {  	_ =	swait.ge [sflag:s11], $0x2800  }
0x7f: {  	[sflag:s11] =	ssyncset.done $0x0  }
0x80: {  	s7 =	rddreg [dreg:$0xc];
	[sflag:s11] =	ssyncadd.s32 $0xFFFFD800  }
0x81: {  	[tilespmem:s15], [sflag:$0x3] =	stream.indirect.gather [hbm4b:s5+s13], $0x80, s7, s13, $0xb8;
	[tilespmem:$0x1F880] =	vst v63  }
0x82: {  	_ =	swait.ge [sflag:s20], $0x2800  }
0x83: {  	[sflag:s20] =	ssyncset.done $0x0  }
0x84: {  	s8 =	rddreg [dreg:$0xd];
	[sflag:s20] =	ssyncadd.s32 $0xFFFFD800  }
0x85: {  	[spmem:s2] =	stream.indirect.scatter.add.f32 [tilespmem:s16], [sflag:$0x5], $0x80, s8, s13, $0xb8;
	[tilespmem:$0x1F880] =	vst v63  }
0x86: {  	_ =	swait.ge [sflag:s11], $0x2800  }
0x87: {  	[sflag:s11] =	ssyncset.done $0x0  }
0x88: {  	s21 =	rddreg [dreg:$0xe];
	[sflag:s11] =	ssyncadd.s32 $0xFFFFD800  }
0x89: {  	[tilespmem:s16], [sflag:$0x4] =	stream.indirect.gather [hbm4b:s5+s13], $0x80, s21, s13, $0xb8;
	[tilespmem:$0x1F880] =	vst v63  }
0x8a: {  	_ =	swait.ge [sflag:s17], $0x2800  }
0x8b: {  	[sflag:s17] =	ssyncset.done $0x0  }
0x8c: {  	s22 =	rddreg [dreg:$0xf];
	[sflag:s17] =	ssyncadd.s32 $0xFFFFD800  }
0x8d: {  	[spmem:s2] =	stream.indirect.scatter.add.f32 [tilespmem:s10], [sflag:$0x5], $0x80, s22, s13, $0xb8;
	[tilespmem:$0x1F880] =	vst v63  }
0x8e: {  	_ =	swait.ge [sflag:s11], $0x2800  }
0x8f: {  	[sflag:s11] =	ssyncset.done $0x0  }
0x90: {  	s7 =	rddreg [dreg:$0x10];
	[sflag:s11] =	ssyncadd.s32 $0xFFFFD800  }
0x91: {  	[tilespmem:s10], [sflag:$0x1] =	stream.indirect.gather [hbm4b:s5+s13], $0x80, s7, s13, $0xb8;
	[tilespmem:$0x1F880] =	vst v63  }
0x92: {  	_ =	swait.ge [sflag:s18], $0x2800  }
0x93: {  	[sflag:s18] =	ssyncset.done $0x0  }
0x94: {  	s8 =	rddreg [dreg:$0x11];
	[sflag:s18] =	ssyncadd.s32 $0xFFFFD800  }
0x95: {  	[spmem:s2] =	stream.indirect.scatter.add.f32 [tilespmem:s14], [sflag:$0x5], $0x80, s8, s13, $0xb8;
	[tilespmem:$0x1F880] =	vst v63  }
0x96: {  	_ =	swait.ge [sflag:s11], $0x2800  }
0x97: {  	[sflag:s11] =	ssyncset.done $0x0  }
0x98: {  	s21 =	rddreg [dreg:$0x12];
	[sflag:s11] =	ssyncadd.s32 $0xFFFFD800  }
0x99: {  	[tilespmem:s14], [sflag:$0x2] =	stream.indirect.gather [hbm4b:s5+s13], $0x80, s21, s13, $0xb8;
	[tilespmem:$0x1F880] =	vst v63  }
0x9a: {  	_ =	swait.ge [sflag:s19], $0x2800  }
0x9b: {  	[sflag:s19] =	ssyncset.done $0x0  }
0x9c: {  	s22 =	rddreg [dreg:$0x13];
	[sflag:s19] =	ssyncadd.s32 $0xFFFFD800  }
0x9d: {  	[spmem:s2] =	stream.indirect.scatter.add.f32 [tilespmem:s15], [sflag:$0x5], $0x80, s22, s13, $0xb8;
	[tilespmem:$0x1F880] =	vst v63  }
0x9e: {  	_ =	swait.ge [sflag:s11], $0x2800  }
0x9f: {  	[sflag:s11] =	ssyncset.done $0x0  }
0xa0: {  	s7 =	rddreg [dreg:$0x14];
	[sflag:s11] =	ssyncadd.s32 $0xFFFFD800  }
0xa1: {  	[tilespmem:s15], [sflag:$0x3] =	stream.indirect.gather [hbm4b:s5+s13], $0x80, s7, s13, $0xb8;
	[tilespmem:$0x1F880] =	vst v63  }
0xa2: {  	_ =	swait.ge [sflag:s20], $0x2800  }
0xa3: {  	[sflag:s20] =	ssyncset.done $0x0  }
0xa4: {  	s8 =	rddreg [dreg:$0x15];
	[sflag:s20] =	ssyncadd.s32 $0xFFFFD800  }
0xa5: {  	[spmem:s2] =	stream.indirect.scatter.add.f32 [tilespmem:s16], [sflag:$0x5], $0x80, s8, s13, $0xb8;
	[tilespmem:$0x1F880] =	vst v63  }
0xa6: {  	_ =	swait.ge [sflag:s11], $0x2800  }
0xa7: {  	[sflag:s11] =	ssyncset.done $0x0  }
0xa8: {  	s21 =	rddreg [dreg:$0x16];
	[sflag:s11] =	ssyncadd.s32 $0xFFFFD800  }
0xa9: {  	[tilespmem:s16], [sflag:$0x4] =	stream.indirect.gather [hbm4b:s5+s13], $0x80, s21, s13, $0xb8;
	[tilespmem:$0x1F880] =	vst v63  }
0xaa: {  	_ =	swait.ge [sflag:s17], $0x2800  }
0xab: {  	[sflag:s17] =	ssyncset.done $0x0  }
0xac: {  	s22 =	rddreg [dreg:$0x17];
	[sflag:s17] =	ssyncadd.s32 $0xFFFFD800  }
0xad: {  	[spmem:s2] =	stream.indirect.scatter.add.f32 [tilespmem:s10], [sflag:$0x5], $0x80, s22, s13, $0xb8;
	[tilespmem:$0x1F880] =	vst v63  }
0xae: {  	_ =	swait.ge [sflag:s11], $0x2800  }
0xaf: {  	[sflag:s11] =	ssyncset.done $0x0  }
0xb0: {  	s7 =	rddreg [dreg:$0x18];
	[sflag:s11] =	ssyncadd.s32 $0xFFFFD800  }
0xb1: {  	[tilespmem:s10], [sflag:$0x1] =	stream.indirect.gather [hbm4b:s5+s13], $0x80, s7, s13, $0xb8;
	[tilespmem:$0x1F880] =	vst v63  }
0xb2: {  	_ =	swait.ge [sflag:s18], $0x2800  }
0xb3: {  	[sflag:s18] =	ssyncset.done $0x0  }
0xb4: {  	s8 =	rddreg [dreg:$0x19];
	[sflag:s18] =	ssyncadd.s32 $0xFFFFD800  }
0xb5: {  	[spmem:s2] =	stream.indirect.scatter.add.f32 [tilespmem:s14], [sflag:$0x5], $0x80, s8, s13, $0xb8;
	[tilespmem:$0x1F880] =	vst v63  }
0xb6: {  	_ =	swait.ge [sflag:s11], $0x2800  }
0xb7: {  	[sflag:s11] =	ssyncset.done $0x0  }
0xb8: {  	s21 =	rddreg [dreg:$0x1a];
	[sflag:s11] =	ssyncadd.s32 $0xFFFFD800  }
0xb9: {  	[tilespmem:s14], [sflag:$0x2] =	stream.indirect.gather [hbm4b:s5+s13], $0x80, s21, s13, $0xb8;
	[tilespmem:$0x1F880] =	vst v63  }
0xba: {  	_ =	swait.ge [sflag:s19], $0x2800  }
0xbb: {  	[sflag:s19] =	ssyncset.done $0x0  }
0xbc: {  	s22 =	rddreg [dreg:$0x1b];
	[sflag:s19] =	ssyncadd.s32 $0xFFFFD800  }
0xbd: {  	[spmem:s2] =	stream.indirect.scatter.add.f32 [tilespmem:s15], [sflag:$0x5], $0x80, s22, s13, $0xb8;
	[tilespmem:$0x1F880] =	vst v63  }
0xbe: {  	_ =	swait.ge [sflag:s11], $0x2800  }
0xbf: {  	[sflag:s11] =	ssyncset.done $0x0  }
0xc0: {  	s7 =	rddreg [dreg:$0x1c];
	[sflag:s11] =	ssyncadd.s32 $0xFFFFD800  }
0xc1: {  	[tilespmem:s15], [sflag:$0x3] =	stream.indirect.gather [hbm4b:s5+s13], $0x80, s7, s13, $0xb8;
	[tilespmem:$0x1F880] =	vst v63  }
0xc2: {  	_ =	swait.ge [sflag:s20], $0x2800  }
0xc3: {  	[sflag:s20] =	ssyncset.done $0x0  }
0xc4: {  	s8 =	rddreg [dreg:$0x1d];
	[sflag:s20] =	ssyncadd.s32 $0xFFFFD800  }
0xc5: {  	[spmem:s2] =	stream.indirect.scatter.add.f32 [tilespmem:s16], [sflag:$0x5], $0x80, s8, s13, $0xb8;
	[tilespmem:$0x1F880] =	vst v63  }
0xc6: {  	_ =	swait.ge [sflag:s11], $0x2800  }
0xc7: {  	[sflag:s11] =	ssyncset.done $0x0  }
0xc8: {  	s21 =	rddreg [dreg:$0x1e];
	[sflag:s11] =	ssyncadd.s32 $0xFFFFD800  }
0xc9: {  	[tilespmem:s16], [sflag:$0x4] =	stream.indirect.gather [hbm4b:s5+s13], $0x80, s21, s13, $0xb8;
	[tilespmem:$0x1F880] =	vst v63  }
0xca: {  	_ =	swait.ge [sflag:s17], $0x2800  }
0xcb: {  	[sflag:s17] =	ssyncset.done $0x0  }
0xcc: {  	s22 =	rddreg [dreg:$0x1f];
	[sflag:s17] =	ssyncadd.s32 $0xFFFFD800  }
0xcd: {  	[spmem:s2] =	stream.indirect.scatter.add.f32 [tilespmem:s10], [sflag:$0x5], $0x80, s22, s13, $0xb8;
	[tilespmem:$0x1F880] =	vst v63  }
0xce: {  	_ =	swait.ge [sflag:s11], $0x2800  }
0xcf: {  	s7 =	sld [smem:$0x7F5]  }
0xd0: {  	[sflag:s11] =	ssyncset.done $0x0  }
0xd1: {  	[sflag:s11] =	ssyncadd.s32 $0xFFFFD800  }
0xd2: {  	[tilespmem:s10], [sflag:$0x1] =	stream.indirect.gather [hbm4b:s5+s13], $0x80, s7, s13, $0xb8;
	[tilespmem:$0x1F880] =	vst v63  }
0xd3: {  	_ =	swait.ge [sflag:s18], $0x2800  }
0xd4: {  	s8 =	sld [smem:$0x7F6]  }
0xd5: {  	[sflag:s18] =	ssyncset.done $0x0  }
0xd6: {  	[sflag:s18] =	ssyncadd.s32 $0xFFFFD800  }
0xd7: {  	[spmem:s2] =	stream.indirect.scatter.add.f32 [tilespmem:s14], [sflag:$0x5], $0x80, s8, s13, $0xb8;
	[tilespmem:$0x1F880] =	vst v63  }
0xd8: {  	_ =	swait.ge [sflag:s11], $0x2800  }
0xd9: {  	s21 =	sld [smem:$0x7F7]  }
0xda: {  	[sflag:s11] =	ssyncset.done $0x0  }
0xdb: {  	[sflag:s11] =	ssyncadd.s32 $0xFFFFD800  }
0xdc: {  	[tilespmem:s14], [sflag:$0x2] =	stream.indirect.gather [hbm4b:s5+s13], $0x80, s21, s13, $0xb8;
	[tilespmem:$0x1F880] =	vst v63  }
0xdd: {  	_ =	swait.ge [sflag:s19], $0x2800  }
0xde: {  	s22 =	sld [smem:$0x7F8]  }
0xdf: {  	[sflag:s19] =	ssyncset.done $0x0  }
0xe0: {  	[sflag:s19] =	ssyncadd.s32 $0xFFFFD800  }
0xe1: {  	[spmem:s2] =	stream.indirect.scatter.add.f32 [tilespmem:s15], [sflag:$0x5], $0x80, s22, s13, $0xb8;
	[tilespmem:$0x1F880] =	vst v63  }
0xe2: {  	_ =	swait.ge [sflag:s11], $0x2800  }
0xe3: {  	s7 =	sld [smem:$0x7F9]  }
0xe4: {  	[sflag:s11] =	ssyncset.done $0x0  }
0xe5: {  	[sflag:s11] =	ssyncadd.s32 $0xFFFFD800  }
0xe6: {  	[tilespmem:s15], [sflag:$0x3] =	stream.indirect.gather [hbm4b:s5+s13], $0x80, s7, s13, $0xb8;
	[tilespmem:$0x1F880] =	vst v63  }
0xe7: {  	_ =	swait.ge [sflag:s20], $0x2800  }
0xe8: {  	s8 =	sld [smem:$0x7FA]  }
0xe9: {  	[sflag:s20] =	ssyncset.done $0x0  }
0xea: {  	[sflag:s20] =	ssyncadd.s32 $0xFFFFD800  }
0xeb: {  	[spmem:s2] =	stream.indirect.scatter.add.f32 [tilespmem:s16], [sflag:$0x5], $0x80, s8, s13, $0xb8;
	[tilespmem:$0x1F880] =	vst v63  }
0xec: {  	_ =	swait.ge [sflag:s11], $0x2800  }
0xed: {  	s21 =	sld [smem:$0x7FB]  }
0xee: {  	[sflag:s11] =	ssyncset.done $0x0  }
0xef: {  	[sflag:s11] =	ssyncadd.s32 $0xFFFFD800  }
0xf0: {  	[tilespmem:s16], [sflag:$0x4] =	stream.indirect.gather [hbm4b:s5+s13], $0x80, s21, s13, $0xb8;
	[tilespmem:$0x1F880] =	vst v63  }
0xf1: {  	_ =	swait.ge [sflag:s17], $0x2800  }
0xf2: {  	s22 =	sld [smem:$0x7FC]  }
0xf3: {  	[sflag:s17] =	ssyncset.done $0x0  }
0xf4: {  	[sflag:s17] =	ssyncadd.s32 $0xFFFFD800  }
0xf5: {  	[spmem:s2] =	stream.indirect.scatter.add.f32 [tilespmem:s10], [sflag:$0x5], $0x80, s22, s13, $0xb8;
	[tilespmem:$0x1F880] =	vst v63  }
0xf6: {  	_ =	swait.ge [sflag:s11], $0x2800  }
0xf7: {  	[sflag:s11] =	ssyncset.done $0x0  }
0xf8: {  	[sflag:s11] =	ssyncadd.s32 $0xFFFFD800  }
0xf9: {  	[tilespmem:s10], [sflag:$0x1] =	stream.indirect.gather [hbm4b:s5+s13], $0x80, s9, s13, $0xb8;
	[tilespmem:$0x1F880] =	vst v63  }
0xfa: {  	_ =	swait.ge [sflag:s18], $0x2800  }
0xfb: {  	[sflag:s18] =	ssyncset.done $0x0  }
0xfc: {  	s21 =	simm.s32 $0x1880;
	[sflag:s18] =	ssyncadd.s32 $0xFFFFD800  }
0xfd: {  	[spmem:s2] =	stream.indirect.scatter.add.f32 [tilespmem:s14], [sflag:$0x5], $0x80, s21, s13, $0xb8;
	[tilespmem:$0x1F880] =	vst v63  }
0xfe: {  	_ =	swait.ge [sflag:s11], $0x2800  }
0xff: {  	[sflag:s11] =	ssyncset.done $0x0  }
0x100: {  	s22 =	simm.s32 $0xA80;
	[sflag:s11] =	ssyncadd.s32 $0xFFFFD800  }
0x101: {  	[tilespmem:s14], [sflag:$0x2] =	stream.indirect.gather [hbm4b:s5+s13], $0x80, s22, s13, $0xb8;
	[tilespmem:$0x1F880] =	vst v63  }
0x102: {  	_ =	swait.ge [sflag:s19], $0x2800  }
0x103: {  	[sflag:s19] =	ssyncset.done $0x0  }
0x104: {  	[sflag:s19] =	ssyncadd.s32 $0xFFFFD800  }
0x105: {  	[spmem:s2] =	stream.indirect.scatter.add.f32 [tilespmem:s15], [sflag:$0x5], $0x80, s24, s13, $0xb8;
	[tilespmem:$0x1F880] =	vst v63  }
0x106: {  	_ =	swait.ge [sflag:s11], $0x2800  }
0x107: {  	[sflag:s11] =	ssyncset.done $0x0  }
0x108: {  	[sflag:s11] =	ssyncadd.s32 $0xFFFFD800  }
0x109: {  	[tilespmem:s15], [sflag:$0x3] =	stream.indirect.gather [hbm4b:s5+s13], $0x80, s25, s13, $0xb8;
	[tilespmem:$0x1F880] =	vst v63  }
0x10a: {  	_ =	swait.ge [sflag:s20], $0x2800  }
0x10b: {  	[sflag:s20] =	ssyncset.done $0x0  }
0x10c: {  	[sflag:s20] =	ssyncadd.s32 $0xFFFFD800  }
0x10d: {  	[spmem:s2] =	stream.indirect.scatter.add.f32 [tilespmem:s16], [sflag:$0x5], $0x80, s26, s13, $0xb8;
	[tilespmem:$0x1F880] =	vst v63  }
0x10e: {  	_ =	swait.ge [sflag:s11], $0x2800  }
0x10f: {  	[sflag:s11] =	ssyncset.done $0x0  }
0x110: {  	[sflag:s11] =	ssyncadd.s32 $0xFFFFD800  }
0x111: {  	[tilespmem:s16], [sflag:$0x4] =	stream.indirect.gather [hbm4b:s5+s13], $0x80, s28, s13, $0xb8;
	[tilespmem:$0x1F880] =	vst v63  }
0x112: {  	_ =	swait.ge [sflag:s17], $0x2800  }
0x113: {  	[sflag:s17] =	ssyncset.done $0x0  }
0x114: {  	[sflag:s17] =	ssyncadd.s32 $0xFFFFD800  }
0x115: {  	[spmem:s2] =	stream.indirect.scatter.add.f32 [tilespmem:s10], [sflag:$0x5], $0x80, s29, s13, $0xb8;
	[tilespmem:$0x1F880] =	vst v63  }
0x116: {  	_ =	swait.ge [sflag:s11], $0x2800  }
0x117: {  	[sflag:s11] =	ssyncset.done $0x0  }
0x118: {  	[sflag:s11] =	ssyncadd.s32 $0xFFFFD800  }
0x119: {  	[tilespmem:s10], [sflag:$0x1] =	stream.indirect.gather [hbm4b:s5+s13], $0x80, s30, s13, $0xb8;
	[tilespmem:$0x1F880] =	vst v63  }
0x11a: {  	_ =	swait.ge [sflag:s18], $0x2800  }
0x11b: {  	[sflag:s18] =	ssyncset.done $0x0  }
0x11c: {  	[sflag:s18] =	ssyncadd.s32 $0xFFFFD800  }
0x11d: {  	[spmem:s2] =	stream.indirect.scatter.add.f32 [tilespmem:s14], [sflag:$0x5], $0x80, s31, s13, $0xb8;
	[tilespmem:$0x1F880] =	vst v63  }
0x11e: {  	_ =	swait.ge [sflag:s11], $0x2800  }
0x11f: {  	[sflag:s11] =	ssyncset.done $0x0  }
0x120: {  	[sflag:s11] =	ssyncadd.s32 $0xFFFFD800  }
0x121: {  	_ =	swait.ge [sflag:s19], $0x2800  }
0x122: {  	[sflag:s19] =	ssyncset.done $0x0  }
0x123: {  	[sflag:s19] =	ssyncadd.s32 $0xFFFFD800  }
0x124: {  	[spmem:s2] =	stream.indirect.scatter.add.f32 [tilespmem:s15], [sflag:$0x5], $0x80, s1, s13, $0xb8;
	[tilespmem:$0x1F880] =	vst v63  }
0x125: {  	_ =	swait.ge [sflag:s11], $0x2800  }
0x126: {  	[sflag:s11] =	ssyncset.done $0x0  }
0x127: {  	[sflag:s11] =	ssyncadd.s32 $0xFFFFD800  }
0x128: {  	_ =	swait.ge [sflag:s20], $0x2800  }
0x129: {  	[sflag:s20] =	ssyncset.done $0x0  }
0x12a: {  	[sflag:s20] =	ssyncadd.s32 $0xFFFFD800  }
0x12b: {  	[spmem:s2] =	stream.indirect.scatter.add.f32 [tilespmem:s16], [sflag:$0x5], $0x80, s0, s13, $0xb8;
	[tilespmem:$0x1F880] =	vst v63  }
0x12c: {  	_ =	swait.ge [sflag:s11], $0x2800  }
0x12d: {  	[sflag:s11] =	ssyncset.done $0x0  }
0x12e: {  	[sflag:s11] =	ssyncadd.s32 $0xFFFFD800  }
0x12f: {  	_ =	swait.ge [sflag:s17], $0x2800  }
0x130: {  	[sflag:s17] =	ssyncset.done $0x0  }
0x131: {  	[sflag:s17] =	ssyncadd.s32 $0xFFFFD800  }
0x132: {  	[spmem:s2] =	stream.indirect.scatter.add.f32 [tilespmem:s10], [sflag:$0x5], $0x80, s6, s13, $0xb8;
	[tilespmem:$0x1F880] =	vst v63  }
0x133: {  	s7 =	simm.s32 $0x200;
	_ =	swait.ge [sflag:s11], $0x2800  }
0x134: {  	s8 =	simm.s32 $0x400;
	s4 =	rddreg [dreg:$0x4];
	[sflag:s11] =	ssyncset.done $0x0  }
.LBB2_8:
0x135: {  	[sflag:s11] =	ssyncadd.s32 $0xFFFFD800;
	s4 =	sadd.s32 s7, s4  }
0x136: {  	[tilespmem:s3], [sflag:$0x5] =	stream.linear.gather [hbm4b:s4+s3], $0xC80, $0x38;
	[tilespmem:$0x1F880] =	vst v63  }
0x137: {  	_ =	swait.ge [sflag:s11], $0xC80  }
0x138: {  	s4 =	rddreg [dreg:$0x3];
	[sflag:s11] =	ssyncset.done $0x0  }
0x139: {  	[sflag:s11] =	ssyncadd.s32 $0xFFFFF380;
	s4 =	sadd.s32 s7, s4  }
0x13a: {  	[tilespmem:s12], [sflag:$0x5] =	stream.linear.gather [hbm4b:s4+s3], $0xC80, $0x38;
	[tilespmem:$0x1F880] =	vst v63  }
0x13b: {  	_ =	swait.ge [sflag:s11], $0xC80  }
0x13c: {  	[sflag:s11] =	ssyncset.done $0x0  }
0x13d: {  	[sflag:s11] =	ssyncadd.s32 $0xFFFFF380  }
0x13e: {  	[tilespmem:s10], [sflag:$0x1] =	stream.indirect.gather [hbm4b:s5+s13], $0x80, s3, s13, $0xb8;
	[tilespmem:$0x1F880] =	vst v63  }
0x13f: {  	s9 =	smov.u32 s8;
	s4 =	rddreg [dreg:$0x5]  }
0x140: {  	[tilespmem:s14], [sflag:$0x2] =	stream.indirect.gather [hbm4b:s5+s13], $0x80, s4, s13, $0xb8;
	[tilespmem:$0x1F880] =	vst v63  }
0x141: {  	s7 =	smov.u32 s9;
	s9 =	rddreg [dreg:$0x6]  }
0x142: {  	[tilespmem:s15], [sflag:$0x3] =	stream.indirect.gather [hbm4b:s5+s13], $0x80, s9, s13, $0xb8;
	[tilespmem:$0x1F880] =	vst v63  }
0x143: {  	s4 =	rddreg [dreg:$0x7]  }
0x144: {  	[tilespmem:s16], [sflag:$0x4] =	stream.indirect.gather [hbm4b:s5+s13], $0x80, s4, s13, $0xb8;
	[tilespmem:$0x1F880] =	vst v63  }
0x145: {  	_ =	swait.ge [sflag:s17], $0x2800  }
0x146: {  	[sflag:s17] =	ssyncset.done $0x0  }
0x147: {  	[sflag:s17] =	ssyncadd.s32 $0xFFFFD800  }
0x148: {  	[spmem:s2] =	stream.indirect.scatter.add.f32 [tilespmem:s10], [sflag:$0x5], $0x80, s12, s13, $0xb8;
	[tilespmem:$0x1F880] =	vst v63  }
0x149: {  	_ =	swait.ge [sflag:s11], $0x2800  }
0x14a: {  	[sflag:s11] =	ssyncset.done $0x0  }
0x14b: {  	s4 =	rddreg [dreg:$0x8];
	[sflag:s11] =	ssyncadd.s32 $0xFFFFD800  }
0x14c: {  	[tilespmem:s10], [sflag:$0x1] =	stream.indirect.gather [hbm4b:s5+s13], $0x80, s4, s13, $0xb8;
	[tilespmem:$0x1F880] =	vst v63  }
0x14d: {  	_ =	swait.ge [sflag:s18], $0x2800  }
0x14e: {  	[sflag:s18] =	ssyncset.done $0x0  }
0x14f: {  	s4 =	rddreg [dreg:$0x9];
	[sflag:s18] =	ssyncadd.s32 $0xFFFFD800  }
0x150: {  	[spmem:s2] =	stream.indirect.scatter.add.f32 [tilespmem:s14], [sflag:$0x5], $0x80, s4, s13, $0xb8;
	[tilespmem:$0x1F880] =	vst v63  }
0x151: {  	_ =	swait.ge [sflag:s11], $0x2800  }
0x152: {  	[sflag:s11] =	ssyncset.done $0x0  }
0x153: {  	s4 =	rddreg [dreg:$0xa];
	[sflag:s11] =	ssyncadd.s32 $0xFFFFD800  }
0x154: {  	[tilespmem:s14], [sflag:$0x2] =	stream.indirect.gather [hbm4b:s5+s13], $0x80, s4, s13, $0xb8;
	[tilespmem:$0x1F880] =	vst v63  }
0x155: {  	_ =	swait.ge [sflag:s19], $0x2800  }
0x156: {  	[sflag:s19] =	ssyncset.done $0x0  }
0x157: {  	s4 =	rddreg [dreg:$0xb];
	[sflag:s19] =	ssyncadd.s32 $0xFFFFD800  }
0x158: {  	[spmem:s2] =	stream.indirect.scatter.add.f32 [tilespmem:s15], [sflag:$0x5], $0x80, s4, s13, $0xb8;
	[tilespmem:$0x1F880] =	vst v63  }
0x159: {  	_ =	swait.ge [sflag:s11], $0x2800  }
0x15a: {  	[sflag:s11] =	ssyncset.done $0x0  }
0x15b: {  	s4 =	rddreg [dreg:$0xc];
	[sflag:s11] =	ssyncadd.s32 $0xFFFFD800  }
0x15c: {  	[tilespmem:s15], [sflag:$0x3] =	stream.indirect.gather [hbm4b:s5+s13], $0x80, s4, s13, $0xb8;
	[tilespmem:$0x1F880] =	vst v63  }
0x15d: {  	_ =	swait.ge [sflag:s20], $0x2800  }
0x15e: {  	[sflag:s20] =	ssyncset.done $0x0  }
0x15f: {  	s4 =	rddreg [dreg:$0xd];
	[sflag:s20] =	ssyncadd.s32 $0xFFFFD800  }
0x160: {  	[spmem:s2] =	stream.indirect.scatter.add.f32 [tilespmem:s16], [sflag:$0x5], $0x80, s4, s13, $0xb8;
	[tilespmem:$0x1F880] =	vst v63  }
0x161: {  	_ =	swait.ge [sflag:s11], $0x2800  }
0x162: {  	[sflag:s11] =	ssyncset.done $0x0  }
0x163: {  	s4 =	rddreg [dreg:$0xe];
	[sflag:s11] =	ssyncadd.s32 $0xFFFFD800  }
0x164: {  	[tilespmem:s16], [sflag:$0x4] =	stream.indirect.gather [hbm4b:s5+s13], $0x80, s4, s13, $0xb8;
	[tilespmem:$0x1F880] =	vst v63  }
0x165: {  	_ =	swait.ge [sflag:s17], $0x2800  }
0x166: {  	[sflag:s17] =	ssyncset.done $0x0  }
0x167: {  	s4 =	rddreg [dreg:$0xf];
	[sflag:s17] =	ssyncadd.s32 $0xFFFFD800  }
0x168: {  	[spmem:s2] =	stream.indirect.scatter.add.f32 [tilespmem:s10], [sflag:$0x5], $0x80, s4, s13, $0xb8;
	[tilespmem:$0x1F880] =	vst v63  }
0x169: {  	_ =	swait.ge [sflag:s11], $0x2800  }
0x16a: {  	[sflag:s11] =	ssyncset.done $0x0  }
0x16b: {  	s4 =	rddreg [dreg:$0x10];
	[sflag:s11] =	ssyncadd.s32 $0xFFFFD800  }
0x16c: {  	[tilespmem:s10], [sflag:$0x1] =	stream.indirect.gather [hbm4b:s5+s13], $0x80, s4, s13, $0xb8;
	[tilespmem:$0x1F880] =	vst v63  }
0x16d: {  	_ =	swait.ge [sflag:s18], $0x2800  }
0x16e: {  	[sflag:s18] =	ssyncset.done $0x0  }
0x16f: {  	s4 =	rddreg [dreg:$0x11];
	[sflag:s18] =	ssyncadd.s32 $0xFFFFD800  }
0x170: {  	[spmem:s2] =	stream.indirect.scatter.add.f32 [tilespmem:s14], [sflag:$0x5], $0x80, s4, s13, $0xb8;
	[tilespmem:$0x1F880] =	vst v63  }
0x171: {  	_ =	swait.ge [sflag:s11], $0x2800  }
0x172: {  	[sflag:s11] =	ssyncset.done $0x0  }
0x173: {  	s4 =	rddreg [dreg:$0x12];
	[sflag:s11] =	ssyncadd.s32 $0xFFFFD800  }
0x174: {  	[tilespmem:s14], [sflag:$0x2] =	stream.indirect.gather [hbm4b:s5+s13], $0x80, s4, s13, $0xb8;
	[tilespmem:$0x1F880] =	vst v63  }
0x175: {  	_ =	swait.ge [sflag:s19], $0x2800  }
0x176: {  	[sflag:s19] =	ssyncset.done $0x0  }
0x177: {  	s4 =	rddreg [dreg:$0x13];
	[sflag:s19] =	ssyncadd.s32 $0xFFFFD800  }
0x178: {  	[spmem:s2] =	stream.indirect.scatter.add.f32 [tilespmem:s15], [sflag:$0x5], $0x80, s4, s13, $0xb8;
	[tilespmem:$0x1F880] =	vst v63  }
0x179: {  	_ =	swait.ge [sflag:s11], $0x2800  }
0x17a: {  	[sflag:s11] =	ssyncset.done $0x0  }
0x17b: {  	s4 =	rddreg [dreg:$0x14];
	[sflag:s11] =	ssyncadd.s32 $0xFFFFD800  }
0x17c: {  	[tilespmem:s15], [sflag:$0x3] =	stream.indirect.gather [hbm4b:s5+s13], $0x80, s4, s13, $0xb8;
	[tilespmem:$0x1F880] =	vst v63  }
0x17d: {  	_ =	swait.ge [sflag:s20], $0x2800  }
0x17e: {  	[sflag:s20] =	ssyncset.done $0x0  }
0x17f: {  	s4 =	rddreg [dreg:$0x15];
	[sflag:s20] =	ssyncadd.s32 $0xFFFFD800  }
0x180: {  	[spmem:s2] =	stream.indirect.scatter.add.f32 [tilespmem:s16], [sflag:$0x5], $0x80, s4, s13, $0xb8;
	[tilespmem:$0x1F880] =	vst v63  }
0x181: {  	_ =	swait.ge [sflag:s11], $0x2800  }
0x182: {  	[sflag:s11] =	ssyncset.done $0x0  }
0x183: {  	s4 =	rddreg [dreg:$0x16];
	[sflag:s11] =	ssyncadd.s32 $0xFFFFD800  }
0x184: {  	[tilespmem:s16], [sflag:$0x4] =	stream.indirect.gather [hbm4b:s5+s13], $0x80, s4, s13, $0xb8;
	[tilespmem:$0x1F880] =	vst v63  }
0x185: {  	_ =	swait.ge [sflag:s17], $0x2800  }
0x186: {  	[sflag:s17] =	ssyncset.done $0x0  }
0x187: {  	s4 =	rddreg [dreg:$0x17];
	[sflag:s17] =	ssyncadd.s32 $0xFFFFD800  }
0x188: {  	[spmem:s2] =	stream.indirect.scatter.add.f32 [tilespmem:s10], [sflag:$0x5], $0x80, s4, s13, $0xb8;
	[tilespmem:$0x1F880] =	vst v63  }
0x189: {  	_ =	swait.ge [sflag:s11], $0x2800  }
0x18a: {  	[sflag:s11] =	ssyncset.done $0x0  }
0x18b: {  	s4 =	rddreg [dreg:$0x18];
	[sflag:s11] =	ssyncadd.s32 $0xFFFFD800  }
0x18c: {  	[tilespmem:s10], [sflag:$0x1] =	stream.indirect.gather [hbm4b:s5+s13], $0x80, s4, s13, $0xb8;
	[tilespmem:$0x1F880] =	vst v63  }
0x18d: {  	_ =	swait.ge [sflag:s18], $0x2800  }
0x18e: {  	[sflag:s18] =	ssyncset.done $0x0  }
0x18f: {  	s4 =	rddreg [dreg:$0x19];
	[sflag:s18] =	ssyncadd.s32 $0xFFFFD800  }
0x190: {  	[spmem:s2] =	stream.indirect.scatter.add.f32 [tilespmem:s14], [sflag:$0x5], $0x80, s4, s13, $0xb8;
	[tilespmem:$0x1F880] =	vst v63  }
0x191: {  	_ =	swait.ge [sflag:s11], $0x2800  }
0x192: {  	[sflag:s11] =	ssyncset.done $0x0  }
0x193: {  	s4 =	rddreg [dreg:$0x1a];
	[sflag:s11] =	ssyncadd.s32 $0xFFFFD800  }
0x194: {  	[tilespmem:s14], [sflag:$0x2] =	stream.indirect.gather [hbm4b:s5+s13], $0x80, s4, s13, $0xb8;
	[tilespmem:$0x1F880] =	vst v63  }
0x195: {  	_ =	swait.ge [sflag:s19], $0x2800  }
0x196: {  	[sflag:s19] =	ssyncset.done $0x0  }
0x197: {  	s4 =	rddreg [dreg:$0x1b];
	[sflag:s19] =	ssyncadd.s32 $0xFFFFD800  }
0x198: {  	[spmem:s2] =	stream.indirect.scatter.add.f32 [tilespmem:s15], [sflag:$0x5], $0x80, s4, s13, $0xb8;
	[tilespmem:$0x1F880] =	vst v63  }
0x199: {  	_ =	swait.ge [sflag:s11], $0x2800  }
0x19a: {  	[sflag:s11] =	ssyncset.done $0x0  }
0x19b: {  	s4 =	rddreg [dreg:$0x1c];
	[sflag:s11] =	ssyncadd.s32 $0xFFFFD800  }
0x19c: {  	[tilespmem:s15], [sflag:$0x3] =	stream.indirect.gather [hbm4b:s5+s13], $0x80, s4, s13, $0xb8;
	[tilespmem:$0x1F880] =	vst v63  }
0x19d: {  	_ =	swait.ge [sflag:s20], $0x2800  }
0x19e: {  	[sflag:s20] =	ssyncset.done $0x0  }
0x19f: {  	s4 =	rddreg [dreg:$0x1d];
	[sflag:s20] =	ssyncadd.s32 $0xFFFFD800  }
0x1a0: {  	[spmem:s2] =	stream.indirect.scatter.add.f32 [tilespmem:s16], [sflag:$0x5], $0x80, s4, s13, $0xb8;
	[tilespmem:$0x1F880] =	vst v63  }
0x1a1: {  	_ =	swait.ge [sflag:s11], $0x2800  }
0x1a2: {  	[sflag:s11] =	ssyncset.done $0x0  }
0x1a3: {  	s4 =	rddreg [dreg:$0x1e];
	[sflag:s11] =	ssyncadd.s32 $0xFFFFD800  }
0x1a4: {  	[tilespmem:s16], [sflag:$0x4] =	stream.indirect.gather [hbm4b:s5+s13], $0x80, s4, s13, $0xb8;
	[tilespmem:$0x1F880] =	vst v63  }
0x1a5: {  	_ =	swait.ge [sflag:s17], $0x2800  }
0x1a6: {  	[sflag:s17] =	ssyncset.done $0x0  }
0x1a7: {  	s4 =	rddreg [dreg:$0x1f];
	[sflag:s17] =	ssyncadd.s32 $0xFFFFD800  }
0x1a8: {  	[spmem:s2] =	stream.indirect.scatter.add.f32 [tilespmem:s10], [sflag:$0x5], $0x80, s4, s13, $0xb8;
	[tilespmem:$0x1F880] =	vst v63  }
0x1a9: {  	_ =	swait.ge [sflag:s11], $0x2800  }
0x1aa: {  	s4 =	sld [smem:$0x7F5]  }
0x1ab: {  	[sflag:s11] =	ssyncset.done $0x0  }
0x1ac: {  	[sflag:s11] =	ssyncadd.s32 $0xFFFFD800  }
0x1ad: {  	[tilespmem:s10], [sflag:$0x1] =	stream.indirect.gather [hbm4b:s5+s13], $0x80, s4, s13, $0xb8;
	[tilespmem:$0x1F880] =	vst v63  }
0x1ae: {  	_ =	swait.ge [sflag:s18], $0x2800  }
0x1af: {  	s4 =	sld [smem:$0x7F6]  }
0x1b0: {  	[sflag:s18] =	ssyncset.done $0x0  }
0x1b1: {  	[sflag:s18] =	ssyncadd.s32 $0xFFFFD800  }
0x1b2: {  	[spmem:s2] =	stream.indirect.scatter.add.f32 [tilespmem:s14], [sflag:$0x5], $0x80, s4, s13, $0xb8;
	[tilespmem:$0x1F880] =	vst v63  }
0x1b3: {  	_ =	swait.ge [sflag:s11], $0x2800  }
0x1b4: {  	s4 =	sld [smem:$0x7F7]  }
0x1b5: {  	[sflag:s11] =	ssyncset.done $0x0  }
0x1b6: {  	[sflag:s11] =	ssyncadd.s32 $0xFFFFD800  }
0x1b7: {  	[tilespmem:s14], [sflag:$0x2] =	stream.indirect.gather [hbm4b:s5+s13], $0x80, s4, s13, $0xb8;
	[tilespmem:$0x1F880] =	vst v63  }
0x1b8: {  	_ =	swait.ge [sflag:s19], $0x2800  }
0x1b9: {  	s4 =	sld [smem:$0x7F8]  }
0x1ba: {  	[sflag:s19] =	ssyncset.done $0x0  }
0x1bb: {  	[sflag:s19] =	ssyncadd.s32 $0xFFFFD800  }
0x1bc: {  	[spmem:s2] =	stream.indirect.scatter.add.f32 [tilespmem:s15], [sflag:$0x5], $0x80, s4, s13, $0xb8;
	[tilespmem:$0x1F880] =	vst v63  }
0x1bd: {  	_ =	swait.ge [sflag:s11], $0x2800  }
0x1be: {  	s4 =	sld [smem:$0x7F9]  }
0x1bf: {  	[sflag:s11] =	ssyncset.done $0x0  }
0x1c0: {  	[sflag:s11] =	ssyncadd.s32 $0xFFFFD800  }
0x1c1: {  	[tilespmem:s15], [sflag:$0x3] =	stream.indirect.gather [hbm4b:s5+s13], $0x80, s4, s13, $0xb8;
	[tilespmem:$0x1F880] =	vst v63  }
0x1c2: {  	_ =	swait.ge [sflag:s20], $0x2800  }
0x1c3: {  	s4 =	sld [smem:$0x7FA]  }
0x1c4: {  	[sflag:s20] =	ssyncset.done $0x0  }
0x1c5: {  	[sflag:s20] =	ssyncadd.s32 $0xFFFFD800  }
0x1c6: {  	[spmem:s2] =	stream.indirect.scatter.add.f32 [tilespmem:s16], [sflag:$0x5], $0x80, s4, s13, $0xb8;
	[tilespmem:$0x1F880] =	vst v63  }
0x1c7: {  	_ =	swait.ge [sflag:s11], $0x2800  }
0x1c8: {  	s4 =	sld [smem:$0x7FB]  }
0x1c9: {  	[sflag:s11] =	ssyncset.done $0x0  }
0x1ca: {  	[sflag:s11] =	ssyncadd.s32 $0xFFFFD800  }
0x1cb: {  	[tilespmem:s16], [sflag:$0x4] =	stream.indirect.gather [hbm4b:s5+s13], $0x80, s4, s13, $0xb8;
	[tilespmem:$0x1F880] =	vst v63  }
0x1cc: {  	_ =	swait.ge [sflag:s17], $0x2800  }
0x1cd: {  	s4 =	sld [smem:$0x7FC]  }
0x1ce: {  	[sflag:s17] =	ssyncset.done $0x0  }
0x1cf: {  	[sflag:s17] =	ssyncadd.s32 $0xFFFFD800  }
0x1d0: {  	[spmem:s2] =	stream.indirect.scatter.add.f32 [tilespmem:s10], [sflag:$0x5], $0x80, s4, s13, $0xb8;
	[tilespmem:$0x1F880] =	vst v63  }
0x1d1: {  	_ =	swait.ge [sflag:s11], $0x2800  }
0x1d2: {  	[sflag:s11] =	ssyncset.done $0x0  }
0x1d3: {  	s9 =	simm.s32 $0xA00;
	[sflag:s11] =	ssyncadd.s32 $0xFFFFD800  }
0x1d4: {  	[tilespmem:s10], [sflag:$0x1] =	stream.indirect.gather [hbm4b:s5+s13], $0x80, s9, s13, $0xb8;
	[tilespmem:$0x1F880] =	vst v63  }
0x1d5: {  	_ =	swait.ge [sflag:s18], $0x2800  }
0x1d6: {  	[sflag:s18] =	ssyncset.done $0x0  }
0x1d7: {  	[sflag:s18] =	ssyncadd.s32 $0xFFFFD800  }
0x1d8: {  	[spmem:s2] =	stream.indirect.scatter.add.f32 [tilespmem:s14], [sflag:$0x5], $0x80, s21, s13, $0xb8;
	[tilespmem:$0x1F880] =	vst v63  }
0x1d9: {  	_ =	swait.ge [sflag:s11], $0x2800  }
0x1da: {  	[sflag:s11] =	ssyncset.done $0x0  }
0x1db: {  	[sflag:s11] =	ssyncadd.s32 $0xFFFFD800  }
0x1dc: {  	[tilespmem:s14], [sflag:$0x2] =	stream.indirect.gather [hbm4b:s5+s13], $0x80, s22, s13, $0xb8;
	[tilespmem:$0x1F880] =	vst v63  }
0x1dd: {  	_ =	swait.ge [sflag:s19], $0x2800  }
0x1de: {  	[sflag:s19] =	ssyncset.done $0x0  }
0x1df: {  	[sflag:s19] =	ssyncadd.s32 $0xFFFFD800  }
0x1e0: {  	[spmem:s2] =	stream.indirect.scatter.add.f32 [tilespmem:s15], [sflag:$0x5], $0x80, s24, s13, $0xb8;
	[tilespmem:$0x1F880] =	vst v63  }
0x1e1: {  	_ =	swait.ge [sflag:s11], $0x2800  }
0x1e2: {  	[sflag:s11] =	ssyncset.done $0x0  }
0x1e3: {  	[sflag:s11] =	ssyncadd.s32 $0xFFFFD800  }
0x1e4: {  	[tilespmem:s15], [sflag:$0x3] =	stream.indirect.gather [hbm4b:s5+s13], $0x80, s25, s13, $0xb8;
	[tilespmem:$0x1F880] =	vst v63  }
0x1e5: {  	_ =	swait.ge [sflag:s20], $0x2800  }
0x1e6: {  	[sflag:s20] =	ssyncset.done $0x0  }
0x1e7: {  	[sflag:s20] =	ssyncadd.s32 $0xFFFFD800  }
0x1e8: {  	[spmem:s2] =	stream.indirect.scatter.add.f32 [tilespmem:s16], [sflag:$0x5], $0x80, s26, s13, $0xb8;
	[tilespmem:$0x1F880] =	vst v63  }
0x1e9: {  	_ =	swait.ge [sflag:s11], $0x2800  }
0x1ea: {  	[sflag:s11] =	ssyncset.done $0x0  }
0x1eb: {  	[sflag:s11] =	ssyncadd.s32 $0xFFFFD800  }
0x1ec: {  	[tilespmem:s16], [sflag:$0x4] =	stream.indirect.gather [hbm4b:s5+s13], $0x80, s28, s13, $0xb8;
	[tilespmem:$0x1F880] =	vst v63  }
0x1ed: {  	_ =	swait.ge [sflag:s17], $0x2800  }
0x1ee: {  	[sflag:s17] =	ssyncset.done $0x0  }
0x1ef: {  	[sflag:s17] =	ssyncadd.s32 $0xFFFFD800  }
0x1f0: {  	[spmem:s2] =	stream.indirect.scatter.add.f32 [tilespmem:s10], [sflag:$0x5], $0x80, s29, s13, $0xb8;
	[tilespmem:$0x1F880] =	vst v63  }
0x1f1: {  	_ =	swait.ge [sflag:s11], $0x2800  }
0x1f2: {  	[sflag:s11] =	ssyncset.done $0x0  }
0x1f3: {  	[sflag:s11] =	ssyncadd.s32 $0xFFFFD800  }
0x1f4: {  	[tilespmem:s10], [sflag:$0x1] =	stream.indirect.gather [hbm4b:s5+s13], $0x80, s30, s13, $0xb8;
	[tilespmem:$0x1F880] =	vst v63  }
0x1f5: {  	_ =	swait.ge [sflag:s18], $0x2800  }
0x1f6: {  	[sflag:s18] =	ssyncset.done $0x0  }
0x1f7: {  	[sflag:s18] =	ssyncadd.s32 $0xFFFFD800  }
0x1f8: {  	[spmem:s2] =	stream.indirect.scatter.add.f32 [tilespmem:s14], [sflag:$0x5], $0x80, s31, s13, $0xb8;
	[tilespmem:$0x1F880] =	vst v63  }
0x1f9: {  	_ =	swait.ge [sflag:s11], $0x2800  }
0x1fa: {  	[sflag:s11] =	ssyncset.done $0x0  }
0x1fb: {  	[sflag:s11] =	ssyncadd.s32 $0xFFFFD800  }
0x1fc: {  	_ =	swait.ge [sflag:s19], $0x2800  }
0x1fd: {  	[sflag:s19] =	ssyncset.done $0x0  }
0x1fe: {  	[sflag:s19] =	ssyncadd.s32 $0xFFFFD800  }
0x1ff: {  	[spmem:s2] =	stream.indirect.scatter.add.f32 [tilespmem:s15], [sflag:$0x5], $0x80, s1, s13, $0xb8;
	[tilespmem:$0x1F880] =	vst v63  }
0x200: {  	_ =	swait.ge [sflag:s11], $0x2800  }
0x201: {  	[sflag:s11] =	ssyncset.done $0x0  }
0x202: {  	[sflag:s11] =	ssyncadd.s32 $0xFFFFD800  }
0x203: {  	_ =	swait.ge [sflag:s20], $0x2800  }
0x204: {  	[sflag:s20] =	ssyncset.done $0x0  }
0x205: {  	[sflag:s20] =	ssyncadd.s32 $0xFFFFD800  }
0x206: {  	[spmem:s2] =	stream.indirect.scatter.add.f32 [tilespmem:s16], [sflag:$0x5], $0x80, s0, s13, $0xb8;
	[tilespmem:$0x1F880] =	vst v63  }
0x207: {  	_ =	swait.ge [sflag:s11], $0x2800  }
0x208: {  	[sflag:s11] =	ssyncset.done $0x0  }
0x209: {  	[sflag:s11] =	ssyncadd.s32 $0xFFFFD800  }
0x20a: {  	p1 =	sne.s32 s8, $0x800;
	_ =	swait.ge [sflag:s17], $0x2800  }
.Ltmp6:
0x20b: {  	[sflag:s17] =	ssyncset.done $0x0;
	(pc) =	sbr.rel @p1 .LBB2_8-.Ltmp6, $4  }
0x20c: {  	[sflag:s17] =	ssyncadd.s32 $0xFFFFD800  }
0x20d: {  	[spmem:s2] =	stream.indirect.scatter.add.f32 [tilespmem:s10], [sflag:$0x5], $0x80, s6, s13, $0xb8;
	[tilespmem:$0x1F880] =	vst v63  }
0x20e: {  	_ =	swait.ge [sflag:s11], $0x2800  }
0x20f: {  	s8 =	sadd.s32 $0x200, s8;
	s4 =	rddreg [dreg:$0x4];
	[sflag:s11] =	ssyncset.done $0x0  }
0x210: {  	[sflag:s11] =	ssyncadd.s32 $0xFFFFD800;
	s4 =	sadd.s32 s7, s4  }
0x211: {  	[tilespmem:s3], [sflag:$0x5] =	stream.linear.gather [hbm4b:s4+s3], $0xC80, $0x38;
	[tilespmem:$0x1F880] =	vst v63  }
0x212: {  	_ =	swait.ge [sflag:s11], $0xC80  }
0x213: {  	s8 =	rddreg [dreg:$0x3];
	[sflag:s11] =	ssyncset.done $0x0  }
0x214: {  	[sflag:s11] =	ssyncadd.s32 $0xFFFFF380;
	s4 =	sadd.s32 s7, s8  }
0x215: {  	[tilespmem:s12], [sflag:$0x5] =	stream.linear.gather [hbm4b:s4+s3], $0xC80, $0x38;
	[tilespmem:$0x1F880] =	vst v63  }
0x216: {  	_ =	swait.ge [sflag:s11], $0xC80  }
0x217: {  	[sflag:s11] =	ssyncset.done $0x0  }
0x218: {  	[sflag:s11] =	ssyncadd.s32 $0xFFFFF380  }
0x219: {  	[tilespmem:s10], [sflag:$0x1] =	stream.indirect.gather [hbm4b:s5+s13], $0x80, s3, s13, $0xb8;
	[tilespmem:$0x1F880] =	vst v63  }
0x21a: {  	s8 =	rddreg [dreg:$0x5]  }
0x21b: {  	[tilespmem:s14], [sflag:$0x2] =	stream.indirect.gather [hbm4b:s5+s13], $0x80, s8, s13, $0xb8;
	[tilespmem:$0x1F880] =	vst v63  }
0x21c: {  	s7 =	rddreg [dreg:$0x6]  }
0x21d: {  	[tilespmem:s15], [sflag:$0x3] =	stream.indirect.gather [hbm4b:s5+s13], $0x80, s7, s13, $0xb8;
	[tilespmem:$0x1F880] =	vst v63  }
0x21e: {  	s8 =	rddreg [dreg:$0x7]  }
0x21f: {  	[tilespmem:s16], [sflag:$0x4] =	stream.indirect.gather [hbm4b:s5+s13], $0x80, s8, s13, $0xb8;
	[tilespmem:$0x1F880] =	vst v63  }
0x220: {  	_ =	swait.ge [sflag:s17], $0x2800  }
0x221: {  	[sflag:s17] =	ssyncset.done $0x0  }
0x222: {  	[sflag:s17] =	ssyncadd.s32 $0xFFFFD800  }
0x223: {  	[spmem:s2] =	stream.indirect.scatter.add.f32 [tilespmem:s10], [sflag:$0x5], $0x80, s12, s13, $0xb8;
	[tilespmem:$0x1F880] =	vst v63  }
0x224: {  	_ =	swait.ge [sflag:s11], $0x2800  }
0x225: {  	[sflag:s11] =	ssyncset.done $0x0  }
0x226: {  	s7 =	rddreg [dreg:$0x8];
	[sflag:s11] =	ssyncadd.s32 $0xFFFFD800  }
0x227: {  	[tilespmem:s10], [sflag:$0x1] =	stream.indirect.gather [hbm4b:s5+s13], $0x80, s7, s13, $0xb8;
	[tilespmem:$0x1F880] =	vst v63  }
0x228: {  	_ =	swait.ge [sflag:s18], $0x2800  }
0x229: {  	[sflag:s18] =	ssyncset.done $0x0  }
0x22a: {  	s8 =	rddreg [dreg:$0x9];
	[sflag:s18] =	ssyncadd.s32 $0xFFFFD800  }
0x22b: {  	[spmem:s2] =	stream.indirect.scatter.add.f32 [tilespmem:s14], [sflag:$0x5], $0x80, s8, s13, $0xb8;
	[tilespmem:$0x1F880] =	vst v63  }
0x22c: {  	_ =	swait.ge [sflag:s11], $0x2800  }
0x22d: {  	[sflag:s11] =	ssyncset.done $0x0  }
0x22e: {  	s7 =	rddreg [dreg:$0xa];
	[sflag:s11] =	ssyncadd.s32 $0xFFFFD800  }
0x22f: {  	[tilespmem:s14], [sflag:$0x2] =	stream.indirect.gather [hbm4b:s5+s13], $0x80, s7, s13, $0xb8;
	[tilespmem:$0x1F880] =	vst v63  }
0x230: {  	_ =	swait.ge [sflag:s19], $0x2800  }
0x231: {  	[sflag:s19] =	ssyncset.done $0x0  }
0x232: {  	s8 =	rddreg [dreg:$0xb];
	[sflag:s19] =	ssyncadd.s32 $0xFFFFD800  }
0x233: {  	[spmem:s2] =	stream.indirect.scatter.add.f32 [tilespmem:s15], [sflag:$0x5], $0x80, s8, s13, $0xb8;
	[tilespmem:$0x1F880] =	vst v63  }
0x234: {  	_ =	swait.ge [sflag:s11], $0x2800  }
0x235: {  	[sflag:s11] =	ssyncset.done $0x0  }
0x236: {  	s7 =	rddreg [dreg:$0xc];
	[sflag:s11] =	ssyncadd.s32 $0xFFFFD800  }
0x237: {  	[tilespmem:s15], [sflag:$0x3] =	stream.indirect.gather [hbm4b:s5+s13], $0x80, s7, s13, $0xb8;
	[tilespmem:$0x1F880] =	vst v63  }
0x238: {  	_ =	swait.ge [sflag:s20], $0x2800  }
0x239: {  	[sflag:s20] =	ssyncset.done $0x0  }
0x23a: {  	s8 =	rddreg [dreg:$0xd];
	[sflag:s20] =	ssyncadd.s32 $0xFFFFD800  }
0x23b: {  	[spmem:s2] =	stream.indirect.scatter.add.f32 [tilespmem:s16], [sflag:$0x5], $0x80, s8, s13, $0xb8;
	[tilespmem:$0x1F880] =	vst v63  }
0x23c: {  	_ =	swait.ge [sflag:s11], $0x2800  }
0x23d: {  	[sflag:s11] =	ssyncset.done $0x0  }
0x23e: {  	s7 =	rddreg [dreg:$0xe];
	[sflag:s11] =	ssyncadd.s32 $0xFFFFD800  }
0x23f: {  	[tilespmem:s16], [sflag:$0x4] =	stream.indirect.gather [hbm4b:s5+s13], $0x80, s7, s13, $0xb8;
	[tilespmem:$0x1F880] =	vst v63  }
0x240: {  	_ =	swait.ge [sflag:s17], $0x2800  }
0x241: {  	[sflag:s17] =	ssyncset.done $0x0  }
0x242: {  	s8 =	rddreg [dreg:$0xf];
	[sflag:s17] =	ssyncadd.s32 $0xFFFFD800  }
0x243: {  	[spmem:s2] =	stream.indirect.scatter.add.f32 [tilespmem:s10], [sflag:$0x5], $0x80, s8, s13, $0xb8;
	[tilespmem:$0x1F880] =	vst v63  }
0x244: {  	_ =	swait.ge [sflag:s11], $0x2800  }
0x245: {  	[sflag:s11] =	ssyncset.done $0x0  }
0x246: {  	s7 =	rddreg [dreg:$0x10];
	[sflag:s11] =	ssyncadd.s32 $0xFFFFD800  }
0x247: {  	[tilespmem:s10], [sflag:$0x1] =	stream.indirect.gather [hbm4b:s5+s13], $0x80, s7, s13, $0xb8;
	[tilespmem:$0x1F880] =	vst v63  }
0x248: {  	_ =	swait.ge [sflag:s18], $0x2800  }
0x249: {  	[sflag:s18] =	ssyncset.done $0x0  }
0x24a: {  	s8 =	rddreg [dreg:$0x11];
	[sflag:s18] =	ssyncadd.s32 $0xFFFFD800  }
0x24b: {  	[spmem:s2] =	stream.indirect.scatter.add.f32 [tilespmem:s14], [sflag:$0x5], $0x80, s8, s13, $0xb8;
	[tilespmem:$0x1F880] =	vst v63  }
0x24c: {  	_ =	swait.ge [sflag:s11], $0x2800  }
0x24d: {  	[sflag:s11] =	ssyncset.done $0x0  }
0x24e: {  	s7 =	rddreg [dreg:$0x12];
	[sflag:s11] =	ssyncadd.s32 $0xFFFFD800  }
0x24f: {  	[tilespmem:s14], [sflag:$0x2] =	stream.indirect.gather [hbm4b:s5+s13], $0x80, s7, s13, $0xb8;
	[tilespmem:$0x1F880] =	vst v63  }
0x250: {  	_ =	swait.ge [sflag:s19], $0x2800  }
0x251: {  	[sflag:s19] =	ssyncset.done $0x0  }
0x252: {  	s8 =	rddreg [dreg:$0x13];
	[sflag:s19] =	ssyncadd.s32 $0xFFFFD800  }
0x253: {  	[spmem:s2] =	stream.indirect.scatter.add.f32 [tilespmem:s15], [sflag:$0x5], $0x80, s8, s13, $0xb8;
	[tilespmem:$0x1F880] =	vst v63  }
0x254: {  	_ =	swait.ge [sflag:s11], $0x2800  }
0x255: {  	[sflag:s11] =	ssyncset.done $0x0  }
0x256: {  	s7 =	rddreg [dreg:$0x14];
	[sflag:s11] =	ssyncadd.s32 $0xFFFFD800  }
0x257: {  	[tilespmem:s15], [sflag:$0x3] =	stream.indirect.gather [hbm4b:s5+s13], $0x80, s7, s13, $0xb8;
	[tilespmem:$0x1F880] =	vst v63  }
0x258: {  	_ =	swait.ge [sflag:s20], $0x2800  }
0x259: {  	[sflag:s20] =	ssyncset.done $0x0  }
0x25a: {  	s8 =	rddreg [dreg:$0x15];
	[sflag:s20] =	ssyncadd.s32 $0xFFFFD800  }
0x25b: {  	[spmem:s2] =	stream.indirect.scatter.add.f32 [tilespmem:s16], [sflag:$0x5], $0x80, s8, s13, $0xb8;
	[tilespmem:$0x1F880] =	vst v63  }
0x25c: {  	_ =	swait.ge [sflag:s11], $0x2800  }
0x25d: {  	[sflag:s11] =	ssyncset.done $0x0  }
0x25e: {  	s7 =	rddreg [dreg:$0x16];
	[sflag:s11] =	ssyncadd.s32 $0xFFFFD800  }
0x25f: {  	[tilespmem:s16], [sflag:$0x4] =	stream.indirect.gather [hbm4b:s5+s13], $0x80, s7, s13, $0xb8;
	[tilespmem:$0x1F880] =	vst v63  }
0x260: {  	_ =	swait.ge [sflag:s17], $0x2800  }
0x261: {  	[sflag:s17] =	ssyncset.done $0x0  }
0x262: {  	s8 =	rddreg [dreg:$0x17];
	[sflag:s17] =	ssyncadd.s32 $0xFFFFD800  }
0x263: {  	[spmem:s2] =	stream.indirect.scatter.add.f32 [tilespmem:s10], [sflag:$0x5], $0x80, s8, s13, $0xb8;
	[tilespmem:$0x1F880] =	vst v63  }
0x264: {  	_ =	swait.ge [sflag:s11], $0x2800  }
0x265: {  	[sflag:s11] =	ssyncset.done $0x0  }
0x266: {  	s7 =	rddreg [dreg:$0x18];
	[sflag:s11] =	ssyncadd.s32 $0xFFFFD800  }
0x267: {  	[tilespmem:s10], [sflag:$0x1] =	stream.indirect.gather [hbm4b:s5+s13], $0x80, s7, s13, $0xb8;
	[tilespmem:$0x1F880] =	vst v63  }
0x268: {  	_ =	swait.ge [sflag:s18], $0x2800  }
0x269: {  	[sflag:s18] =	ssyncset.done $0x0  }
0x26a: {  	s8 =	rddreg [dreg:$0x19];
	[sflag:s18] =	ssyncadd.s32 $0xFFFFD800  }
0x26b: {  	[spmem:s2] =	stream.indirect.scatter.add.f32 [tilespmem:s14], [sflag:$0x5], $0x80, s8, s13, $0xb8;
	[tilespmem:$0x1F880] =	vst v63  }
0x26c: {  	_ =	swait.ge [sflag:s11], $0x2800  }
0x26d: {  	[sflag:s11] =	ssyncset.done $0x0  }
0x26e: {  	s7 =	rddreg [dreg:$0x1a];
	[sflag:s11] =	ssyncadd.s32 $0xFFFFD800  }
0x26f: {  	[tilespmem:s14], [sflag:$0x2] =	stream.indirect.gather [hbm4b:s5+s13], $0x80, s7, s13, $0xb8;
	[tilespmem:$0x1F880] =	vst v63  }
0x270: {  	_ =	swait.ge [sflag:s19], $0x2800  }
0x271: {  	[sflag:s19] =	ssyncset.done $0x0  }
0x272: {  	s8 =	rddreg [dreg:$0x1b];
	[sflag:s19] =	ssyncadd.s32 $0xFFFFD800  }
0x273: {  	[spmem:s2] =	stream.indirect.scatter.add.f32 [tilespmem:s15], [sflag:$0x5], $0x80, s8, s13, $0xb8;
	[tilespmem:$0x1F880] =	vst v63  }
0x274: {  	_ =	swait.ge [sflag:s11], $0x2800  }
0x275: {  	[sflag:s11] =	ssyncset.done $0x0  }
0x276: {  	s7 =	rddreg [dreg:$0x1c];
	[sflag:s11] =	ssyncadd.s32 $0xFFFFD800  }
0x277: {  	[tilespmem:s15], [sflag:$0x3] =	stream.indirect.gather [hbm4b:s5+s13], $0x80, s7, s13, $0xb8;
	[tilespmem:$0x1F880] =	vst v63  }
0x278: {  	_ =	swait.ge [sflag:s20], $0x2800  }
0x279: {  	[sflag:s20] =	ssyncset.done $0x0  }
0x27a: {  	s8 =	rddreg [dreg:$0x1d];
	[sflag:s20] =	ssyncadd.s32 $0xFFFFD800  }
0x27b: {  	[spmem:s2] =	stream.indirect.scatter.add.f32 [tilespmem:s16], [sflag:$0x5], $0x80, s8, s13, $0xb8;
	[tilespmem:$0x1F880] =	vst v63  }
0x27c: {  	_ =	swait.ge [sflag:s11], $0x2800  }
0x27d: {  	[sflag:s11] =	ssyncset.done $0x0  }
0x27e: {  	s7 =	rddreg [dreg:$0x1e];
	[sflag:s11] =	ssyncadd.s32 $0xFFFFD800  }
0x27f: {  	[tilespmem:s16], [sflag:$0x4] =	stream.indirect.gather [hbm4b:s5+s13], $0x80, s7, s13, $0xb8;
	[tilespmem:$0x1F880] =	vst v63  }
0x280: {  	_ =	swait.ge [sflag:s17], $0x2800  }
0x281: {  	[sflag:s17] =	ssyncset.done $0x0  }
0x282: {  	s8 =	rddreg [dreg:$0x1f];
	[sflag:s17] =	ssyncadd.s32 $0xFFFFD800  }
0x283: {  	[spmem:s2] =	stream.indirect.scatter.add.f32 [tilespmem:s10], [sflag:$0x5], $0x80, s8, s13, $0xb8;
	[tilespmem:$0x1F880] =	vst v63  }
0x284: {  	_ =	swait.ge [sflag:s11], $0x2800  }
0x285: {  	s7 =	sld [smem:$0x7F5]  }
0x286: {  	[sflag:s11] =	ssyncset.done $0x0  }
0x287: {  	[sflag:s11] =	ssyncadd.s32 $0xFFFFD800  }
0x288: {  	[tilespmem:s10], [sflag:$0x1] =	stream.indirect.gather [hbm4b:s5+s13], $0x80, s7, s13, $0xb8;
	[tilespmem:$0x1F880] =	vst v63  }
0x289: {  	_ =	swait.ge [sflag:s18], $0x2800  }
0x28a: {  	s8 =	sld [smem:$0x7F6]  }
0x28b: {  	[sflag:s18] =	ssyncset.done $0x0  }
0x28c: {  	[sflag:s18] =	ssyncadd.s32 $0xFFFFD800  }
0x28d: {  	[spmem:s2] =	stream.indirect.scatter.add.f32 [tilespmem:s14], [sflag:$0x5], $0x80, s8, s13, $0xb8;
	[tilespmem:$0x1F880] =	vst v63  }
0x28e: {  	_ =	swait.ge [sflag:s11], $0x2800  }
0x28f: {  	s7 =	sld [smem:$0x7F7]  }
0x290: {  	[sflag:s11] =	ssyncset.done $0x0  }
0x291: {  	[sflag:s11] =	ssyncadd.s32 $0xFFFFD800  }
0x292: {  	[tilespmem:s14], [sflag:$0x2] =	stream.indirect.gather [hbm4b:s5+s13], $0x80, s7, s13, $0xb8;
	[tilespmem:$0x1F880] =	vst v63  }
0x293: {  	_ =	swait.ge [sflag:s19], $0x2800  }
0x294: {  	s8 =	sld [smem:$0x7F8]  }
0x295: {  	[sflag:s19] =	ssyncset.done $0x0  }
0x296: {  	[sflag:s19] =	ssyncadd.s32 $0xFFFFD800  }
0x297: {  	[spmem:s2] =	stream.indirect.scatter.add.f32 [tilespmem:s15], [sflag:$0x5], $0x80, s8, s13, $0xb8;
	[tilespmem:$0x1F880] =	vst v63  }
0x298: {  	_ =	swait.ge [sflag:s11], $0x2800  }
0x299: {  	s7 =	sld [smem:$0x7F9]  }
0x29a: {  	[sflag:s11] =	ssyncset.done $0x0  }
0x29b: {  	[sflag:s11] =	ssyncadd.s32 $0xFFFFD800  }
0x29c: {  	[tilespmem:s15], [sflag:$0x3] =	stream.indirect.gather [hbm4b:s5+s13], $0x80, s7, s13, $0xb8;
	[tilespmem:$0x1F880] =	vst v63  }
0x29d: {  	_ =	swait.ge [sflag:s20], $0x2800  }
0x29e: {  	s8 =	sld [smem:$0x7FA]  }
0x29f: {  	[sflag:s20] =	ssyncset.done $0x0  }
0x2a0: {  	[sflag:s20] =	ssyncadd.s32 $0xFFFFD800  }
0x2a1: {  	[spmem:s2] =	stream.indirect.scatter.add.f32 [tilespmem:s16], [sflag:$0x5], $0x80, s8, s13, $0xb8;
	[tilespmem:$0x1F880] =	vst v63  }
0x2a2: {  	_ =	swait.ge [sflag:s11], $0x2800  }
0x2a3: {  	s7 =	sld [smem:$0x7FB]  }
0x2a4: {  	[sflag:s11] =	ssyncset.done $0x0  }
0x2a5: {  	[sflag:s11] =	ssyncadd.s32 $0xFFFFD800  }
0x2a6: {  	[tilespmem:s16], [sflag:$0x4] =	stream.indirect.gather [hbm4b:s5+s13], $0x80, s7, s13, $0xb8;
	[tilespmem:$0x1F880] =	vst v63  }
0x2a7: {  	_ =	swait.ge [sflag:s17], $0x2800  }
0x2a8: {  	s8 =	sld [smem:$0x7FC]  }
0x2a9: {  	[sflag:s17] =	ssyncset.done $0x0  }
0x2aa: {  	[sflag:s17] =	ssyncadd.s32 $0xFFFFD800  }
0x2ab: {  	[spmem:s2] =	stream.indirect.scatter.add.f32 [tilespmem:s10], [sflag:$0x5], $0x80, s8, s13, $0xb8;
	[tilespmem:$0x1F880] =	vst v63  }
0x2ac: {  	_ =	swait.ge [sflag:s11], $0x2800  }
0x2ad: {  	[sflag:s11] =	ssyncset.done $0x0  }
0x2ae: {  	[sflag:s11] =	ssyncadd.s32 $0xFFFFD800  }
0x2af: {  	[tilespmem:s10], [sflag:$0x1] =	stream.indirect.gather [hbm4b:s5+s13], $0x80, s9, s13, $0xb8;
	[tilespmem:$0x1F880] =	vst v63  }
0x2b0: {  	_ =	swait.ge [sflag:s18], $0x2800  }
0x2b1: {  	[sflag:s18] =	ssyncset.done $0x0  }
0x2b2: {  	[sflag:s18] =	ssyncadd.s32 $0xFFFFD800  }
0x2b3: {  	[spmem:s2] =	stream.indirect.scatter.add.f32 [tilespmem:s14], [sflag:$0x5], $0x80, s21, s13, $0xb8;
	[tilespmem:$0x1F880] =	vst v63  }
0x2b4: {  	_ =	swait.ge [sflag:s11], $0x2800  }
0x2b5: {  	[sflag:s11] =	ssyncset.done $0x0  }
0x2b6: {  	[sflag:s11] =	ssyncadd.s32 $0xFFFFD800  }
0x2b7: {  	[tilespmem:s14], [sflag:$0x2] =	stream.indirect.gather [hbm4b:s5+s13], $0x80, s22, s13, $0xb8;
	[tilespmem:$0x1F880] =	vst v63  }
0x2b8: {  	_ =	swait.ge [sflag:s19], $0x2800  }
0x2b9: {  	[sflag:s19] =	ssyncset.done $0x0  }
0x2ba: {  	[sflag:s19] =	ssyncadd.s32 $0xFFFFD800  }
0x2bb: {  	[spmem:s2] =	stream.indirect.scatter.add.f32 [tilespmem:s15], [sflag:$0x5], $0x80, s24, s13, $0xb8;
	[tilespmem:$0x1F880] =	vst v63  }
0x2bc: {  	_ =	swait.ge [sflag:s11], $0x2800  }
0x2bd: {  	[sflag:s11] =	ssyncset.done $0x0  }
0x2be: {  	[sflag:s11] =	ssyncadd.s32 $0xFFFFD800  }
0x2bf: {  	[tilespmem:s15], [sflag:$0x3] =	stream.indirect.gather [hbm4b:s5+s13], $0x80, s25, s13, $0xb8;
	[tilespmem:$0x1F880] =	vst v63  }
0x2c0: {  	_ =	swait.ge [sflag:s20], $0x2800  }
0x2c1: {  	[sflag:s20] =	ssyncset.done $0x0  }
0x2c2: {  	[sflag:s20] =	ssyncadd.s32 $0xFFFFD800  }
0x2c3: {  	[spmem:s2] =	stream.indirect.scatter.add.f32 [tilespmem:s16], [sflag:$0x5], $0x80, s26, s13, $0xb8;
	[tilespmem:$0x1F880] =	vst v63  }
0x2c4: {  	_ =	swait.ge [sflag:s11], $0x2800  }
0x2c5: {  	[sflag:s11] =	ssyncset.done $0x0  }
0x2c6: {  	[sflag:s11] =	ssyncadd.s32 $0xFFFFD800  }
0x2c7: {  	[tilespmem:s16], [sflag:$0x4] =	stream.indirect.gather [hbm4b:s5+s13], $0x80, s28, s13, $0xb8;
	[tilespmem:$0x1F880] =	vst v63  }
0x2c8: {  	_ =	swait.ge [sflag:s17], $0x2800  }
0x2c9: {  	[sflag:s17] =	ssyncset.done $0x0  }
0x2ca: {  	[sflag:s17] =	ssyncadd.s32 $0xFFFFD800  }
0x2cb: {  	[spmem:s2] =	stream.indirect.scatter.add.f32 [tilespmem:s10], [sflag:$0x5], $0x80, s29, s13, $0xb8;
	[tilespmem:$0x1F880] =	vst v63  }
0x2cc: {  	_ =	swait.ge [sflag:s11], $0x2800  }
0x2cd: {  	[sflag:s11] =	ssyncset.done $0x0  }
0x2ce: {  	[sflag:s11] =	ssyncadd.s32 $0xFFFFD800  }
0x2cf: {  	[tilespmem:s10], [sflag:$0x1] =	stream.indirect.gather [hbm4b:s5+s13], $0x80, s30, s13, $0xb8;
	[tilespmem:$0x1F880] =	vst v63  }
0x2d0: {  	_ =	swait.ge [sflag:s18], $0x2800  }
0x2d1: {  	[sflag:s18] =	ssyncset.done $0x0  }
0x2d2: {  	[sflag:s18] =	ssyncadd.s32 $0xFFFFD800  }
0x2d3: {  	[spmem:s2] =	stream.indirect.scatter.add.f32 [tilespmem:s14], [sflag:$0x5], $0x80, s31, s13, $0xb8;
	[tilespmem:$0x1F880] =	vst v63  }
0x2d4: {  	_ =	swait.ge [sflag:s11], $0x2800  }
0x2d5: {  	[sflag:s11] =	ssyncset.done $0x0  }
0x2d6: {  	[sflag:s11] =	ssyncadd.s32 $0xFFFFD800  }
0x2d7: {  	_ =	swait.ge [sflag:s19], $0x2800  }
0x2d8: {  	[sflag:s19] =	ssyncset.done $0x0  }
0x2d9: {  	[sflag:s19] =	ssyncadd.s32 $0xFFFFD800  }
0x2da: {  	[spmem:s2] =	stream.indirect.scatter.add.f32 [tilespmem:s15], [sflag:$0x5], $0x80, s1, s13, $0xb8;
	[tilespmem:$0x1F880] =	vst v63  }
0x2db: {  	_ =	swait.ge [sflag:s11], $0x2800  }
0x2dc: {  	[sflag:s11] =	ssyncset.done $0x0  }
0x2dd: {  	[sflag:s11] =	ssyncadd.s32 $0xFFFFD800  }
0x2de: {  	_ =	swait.ge [sflag:s20], $0x2800  }
0x2df: {  	[sflag:s20] =	ssyncset.done $0x0  }
0x2e0: {  	[sflag:s20] =	ssyncadd.s32 $0xFFFFD800  }
0x2e1: {  	[spmem:s2] =	stream.indirect.scatter.add.f32 [tilespmem:s16], [sflag:$0x5], $0x80, s0, s13, $0xb8;
	[tilespmem:$0x1F880] =	vst v63  }
0x2e2: {  	_ =	swait.ge [sflag:s11], $0x2800  }
0x2e3: {  	[sflag:s11] =	ssyncset.done $0x0  }
0x2e4: {  	[sflag:s11] =	ssyncadd.s32 $0xFFFFD800  }
0x2e5: {  	_ =	swait.ge [sflag:s17], $0x2800  }
0x2e6: {  	[sflag:s17] =	ssyncset.done $0x0  }
0x2e7: {  	[sflag:s17] =	ssyncadd.s32 $0xFFFFD800  }
0x2e8: {  	[spmem:s2] =	stream.indirect.scatter.add.f32 [tilespmem:s10], [sflag:$0x5], $0x80, s6, s13, $0xb8;
	[tilespmem:$0x1F880] =	vst v63  }
.Ltmp7:
0x2e9: {  	_ =	swait.ge [sflag:s11], $0x2800;
	(pc) =	sbr.rel @p0 .LBB2_13-.Ltmp7, $4  }
0x2ea: {  	[sflag:s11] =	ssyncset.done $0x0  }
0x2eb: {  	[sflag:s11] =	ssyncadd.s32 $0xFFFFD800  }
0x2ec: {  	[bflag:$0x0] =	sbarrier.arrive $0xFFFF  }
0x2ed: {  	s4 =	sld [smem:$0x7F0]  }
0x2ee: {  	s4 =	stileid.u32  }
0x2ef: {  	s23 =	sld [smem:$0x7F2];
	s4 =	sshll.u32 s4, $0x6  }
0x2f0: {  	[smem:$0x7EF] =	sst s4  }
0x2f1: {  	s4 =	sld [smem:$0x7F4]  }
0x2f2: {  	s21 =	sld [smem:$0x7F1];
	_ =	sdelay $0x1  }
0x2f3: {  	s22 =	sld [smem:$0x7F3];
	s7 =	sshrl.u32 s4, $0x3  }
0x2f4: {  	p1 =	sne.s32 s23, $0x1;
	s9 =	sadd.s32 s21, s7;
	s7 =	sld [smem:$0x7EF]  }
.Ltmp8:
0x2f5: {  	_ = 	snop;
	(pc) =	sbr.rel @!p1 .LBB2_12-.Ltmp8, $4  }
0x2f6: {  	_ = 	snop  }
0x2f7: {  	s8 =	sshrl.u32 s22, $0x3;
	s7 =	sor.u32 $0x1C05, s7  }
0x2f8: {  	[hbm:s9], [sflag:s7] =	dma.local [spmem:s8], $0x500  }
0x2f9: {  	s8 =	sadd.s32 $0xFFFFFFFF, s23;
	s9 =	sadd.s32 $0x2800, s22;
	s23 =	smov.u32 s21  }
.LBB2_11:
0x2fa: {  	_ =	swait.ge [sflag:s11], $0x500  }
0x2fb: {  	s4 =	sadd.s32 $0x2800, s4;
	s22 =	sshrl.u32 s9, $0x3;
	p1 =	sne.s32 s8, $0x1  }
.Ltmp9:
0x2fc: {  	s21 =	sshrl.u32 s4, $0x3;
	[sflag:s11] =	ssyncset.done $0x0;
	(pc) =	sbr.rel @p1 .LBB2_11-.Ltmp9, $4  }
0x2fd: {  	s21 =	sadd.s32 s23, s21;
	[sflag:s11] =	ssyncadd.s32 $0xFFFFFB00  }
0x2fe: {  	[hbm:s21], [sflag:s7] =	dma.local [spmem:s22], $0x500  }
0x2ff: {  	s8 =	sadd.s32 $0xFFFFFFFF, s8  }
0x300: {  	s9 =	sadd.s32 $0x2800, s9  }
.Ltmp10:
0x301: {  	_ = 	snop;
	(pc) =	sbr.rel .LBB2_12-.Ltmp10, $1  }
0x302: {  	_ =	sdelay $0x3  }
.LBB2_14:
0x303: {  	_ =	sfence.sel $0x180000  }
0x304: {  	[bflag:$0x0] =	sbarrier.arrive $0xFFFF  }
0x305: {  	_ =	strace $0x9000004A  }
0x306: {  	s0 =	stileid.u32;
	[bflag:$0x2] =	sbarrier.arrive $0xFFFF  }
0x307: {  	p0 =	sne.s32 s0, $0x0;
	s0 =	rddreg [dreg:$0x2]  }
0x308: {  	s0 =	sadd.s32 @!p0 $0x100000, s0  }
0x309: {  	[sflag:s0] =	ssyncadd.tile.s32 @!p0 $0x1;
	_ =	shalt  }
.Lfunc_end2:
_tile_overlayer_lowered:
.L_overlay_start_2:
0x30a: {  	(tag) =	ssettag $0x2  }
0x30b: {  	s0 =	rddreg [dreg:$0x0];
	s2 =	stileid.u32  }
0x30c: {  	s1 =	rddreg [dreg:$0x1];
	p0 =	sne.s32 s2, $0x0  }
0x30d: {  	s3 =	rddreg [dreg:$0x2];
	[bflag:$0x3] =	sbarrier.arrive $0xFFFF;
	s2 =	simm.s32 @!p0 $0x1C05  }
0x30e: {  	[timem:s3], [sflag:s2] =	dma.local @!p0 [hbm:s0], s1  }
0x30f: {  	s0 =	simm.s32 @!p0 $0x5  }
0x310: {  	_ =	swait.ge @!p0 [sflag:s0], s1  }
0x311: {  	s1 =	ssub.s32 @!p0 $0x0, s1;
	[sflag:s0] =	ssyncset.done @!p0 $0x0  }
0x312: {  	[sflag:s0] =	ssyncadd.s32 @!p0 s1  }
0x313: {  	[bflag:$0x3] =	sbarrier.arrive $0xFFFF  }
0x314: {  	_ =	shalt  }

// kernel: sage_agg_deg1.3.cloned.1.call-start
scs
__scs_entry_jumppad:
0x0: {  	(pc) =	sbr.rel $0x88, $3  }
0x1: {  	(tag) =	ssettag $0x0;
	lr =	simm.s32 $0x1  }
0x2: {  	[smem:$0x3F8B] =	sst lr;
	_ =	strace $0xD0000000  }
0x3: {  	_ = 	snop  }
0x4: {  	_ = 	snop  }
0x5: {  	_ = 	snop  }
0x6: {  	_ = 	snop  }
0x7: {  	_ = 	snop  }
__scs_overlays_trampoline_lowered:
0x8: {  	[smem:$0x3F9A] =	sst s0  }
0x9: {  	[smem:$0x3F9B] =	sst s1  }
0xa: {  	[smem:$0x3F9C] =	sst s2  }
0xb: {  	[smem:$0x3F9D] =	sst s3  }
0xc: {  	[smem:$0x3F9E] =	sst s4  }
0xd: {  	[smem:$0x3F9F] =	sst s5  }
0xe: {  	[smem:$0x3FA0] =	sst s6  }
0xf: {  	[smem:$0x3FA1] =	sst s7  }
0x10: {  	[smem:$0x3FA2] =	sst s8  }
0x11: {  	[smem:$0x3FA3] =	sst s9;
	s0 =	simm.s32 @!p0 $0x0  }
0x12: {  	s1 =	sld [smem:$0x3F89];
	s0 =	simm.s32 @p0 $0x1  }
0x13: {  	[smem:$0x3FA4] =	sst s0;
	s0 =	simm.s32 @!p1 $0x0  }
0x14: {  	s2 =	sld [smem:$0x3F88];
	s0 =	simm.s32 @p1 $0x1  }
0x15: {  	[smem:$0x3FA5] =	sst s0;
	s0 =	simm.s32 @!p2 $0x0  }
0x16: {  	s3 =	sld [smem:$0x3FDB];
	s0 =	simm.s32 @p2 $0x1  }
0x17: {  	s4 =	simm.s32 $0x1BF5;
	[smem:$0x3FA7] =	sst s0  }
0x18: {  	s0 =	sld [smem:$0x3F8A];
	_ =	swait.ge [sflag:s4], $0x0  }
0x19: {  	s7 =	sld [smem:$0x3F8B]  }
0x1a: {  	s8 =	sadd.s32 $0xFFFFE003, lr  }
0x1b: {  	s9 =	sadd.s32 $0xFFFFFEF7, lr;
	s5 =	simm.s32 $0xFFFFFFFF;
	p2 =	slt.u32 s8, $0xFFFFF086  }
0x1c: {  	p1 =	slt.u32 s9, $0xF7A;
	s5 =	simm.s32 @!p2 $0x0  }
0x1d: {  	s5 =	simm.s32 @p1 $0x1;
	p0 =	seq.s32 s7, s2  }
0x1e: {  	s7 =	smul.u32 @!p0 $0xF7A, s2;
	p2 =	seq.s32 @!p0 s5, $0x0  }
0x1f: {  	s9 =	smul.u32 $0xF7A, s1;
	s8 =	simm.s32 @!p0 $0x1BF5;
	p2 =	por !p2, p0  }
0x20: {  	[sflag:s8] =	ssyncset.s32 @!p0 $0xFFFFF086;
	s6 =	sadd.s32 @!p0 s3, s7;
	s7 =	simm.s32 @!p0 $0x108  }
0x21: {  	s3 =	sadd.s32 s3, s9;
	s6 =	sadd.s32 @!p0 $0x88, s6;
	s7 =	simm.s32 @p2 $0x1082  }
0x22: {  	[simem:s7], [sflag:s8] =	dma.local @!p0 [hbm:s6], $0xF7A  }
0x23: {  	s9 =	sor.u32 $0xD0000000, s2;
	s6 =	simm.s32 $0x108;
	_ =	swait.ge @!p0 [sflag:s8], $0x0  }
0x24: {  	s3 =	sadd.s32 $0x88, s3;
	s6 =	simm.s32 @!p1 $0x1082;
	[sflag:s4] =	ssyncset.s32 $0xFFFFF086  }
0x25: {  	[simem:s6], [sflag:s4] =	dma.local [hbm:s3], $0xF7A  }
0x26: {  	[smem:$0x3F8B] =	sst s1;
	(tag) =	ssettag s2;
	_ =	strace s9  }
0x27: {  	s1 =	sld [smem:$0x3F9B]  }
0x28: {  	s2 =	sld [smem:$0x3F9C]  }
0x29: {  	s4 =	sld [smem:$0x3F9E]  }
0x2a: {  	p0 =	seq.s32 s5, $0x0;
	s5 =	sld [smem:$0x3F9F]  }
0x2b: {  	s6 =	sld [smem:$0x3FA0]  }
0x2c: {  	s7 =	sld [smem:$0x3FA1]  }
0x2d: {  	s3 =	simm.s32 $0x108;
	s8 =	sld [smem:$0x3FA2]  }
0x2e: {  	s3 =	simm.s32 @!p0 $0x1082;
	s9 =	sld [smem:$0x3FA3]  }
0x2f: {  	lr =	sadd.s32 s0, s3;
	s0 =	sld [smem:$0x3F9A]  }
0x30: {  	s3 =	sld [smem:$0x3F9D]  }
0x31: {  	[smem:$0x3FA6] =	sst s10  }
0x32: {  	s10 =	sld [smem:$0x3FA4];
	_ =	sdelay $0x3  }
0x33: {  	p0 =	seq.s32 s10, $0x1;
	s10 =	sld [smem:$0x3FA6];
	_ =	sdelay $0x3  }
0x34: {  	[smem:$0x3FA6] =	sst s10  }
0x35: {  	s10 =	sld [smem:$0x3FA5];
	_ =	sdelay $0x3  }
0x36: {  	p1 =	seq.s32 s10, $0x1;
	s10 =	sld [smem:$0x3FA6];
	_ =	sdelay $0x3  }
0x37: {  	[smem:$0x3FA6] =	sst s10  }
0x38: {  	s10 =	sld [smem:$0x3FA7]  }
0x39: {  	_ = 	snop;
	(pc) =	sbr.ind lr, $3  }
0x3a: {  	_ = 	snop  }
0x3b: {  	_ = 	snop  }
0x3c: {  	p2 =	seq.s32 s10, $0x1;
	s10 =	sld [smem:$0x3FA6]  }
0x3d: {  	_ =	shalt  }
0x3e: {  	_ =	shalt  }
0x3f: {  	_ =	shalt  }
0x40: {  	_ =	shalt  }
0x41: {  	_ =	shalt  }
0x42: {  	_ =	shalt  }
0x43: {  	_ =	shalt  }
0x44: {  	_ =	shalt  }
0x45: {  	_ =	shalt  }
0x46: {  	_ =	shalt  }
0x47: {  	_ =	shalt  }
0x48: {  	_ =	shalt  }
0x49: {  	_ =	shalt  }
0x4a: {  	_ =	shalt  }
0x4b: {  	_ =	shalt  }
0x4c: {  	_ =	shalt  }
0x4d: {  	_ =	shalt  }
0x4e: {  	_ =	shalt  }
0x4f: {  	_ =	shalt  }
0x50: {  	_ =	shalt  }
0x51: {  	_ =	shalt  }
0x52: {  	_ =	shalt  }
0x53: {  	_ =	shalt  }
0x54: {  	_ =	shalt  }
0x55: {  	_ =	shalt  }
0x56: {  	_ =	shalt  }
0x57: {  	_ =	shalt  }
0x58: {  	_ =	shalt  }
0x59: {  	_ =	shalt  }
0x5a: {  	_ =	shalt  }
0x5b: {  	_ =	shalt  }
0x5c: {  	_ =	shalt  }
0x5d: {  	_ =	shalt  }
0x5e: {  	_ =	shalt  }
0x5f: {  	_ =	shalt  }
0x60: {  	_ =	shalt  }
0x61: {  	_ =	shalt  }
0x62: {  	_ =	shalt  }
0x63: {  	_ =	shalt  }
0x64: {  	_ =	shalt  }
0x65: {  	_ =	shalt  }
0x66: {  	_ =	shalt  }
0x67: {  	_ =	shalt  }
0x68: {  	_ =	shalt  }
0x69: {  	_ =	shalt  }
0x6a: {  	_ =	shalt  }
0x6b: {  	_ =	shalt  }
0x6c: {  	_ =	shalt  }
0x6d: {  	_ =	shalt  }
0x6e: {  	_ =	shalt  }
0x6f: {  	_ =	shalt  }
0x70: {  	_ =	shalt  }
0x71: {  	_ =	shalt  }
0x72: {  	_ =	shalt  }
0x73: {  	_ =	shalt  }
0x74: {  	_ =	shalt  }
0x75: {  	_ =	shalt  }
0x76: {  	_ =	shalt  }
0x77: {  	_ =	shalt  }
0x78: {  	_ =	shalt  }
0x79: {  	_ =	shalt  }
0x7a: {  	_ =	shalt  }
0x7b: {  	_ =	shalt  }
0x7c: {  	_ =	shalt  }
0x7d: {  	_ =	shalt  }
0x7e: {  	_ =	shalt  }
0x7f: {  	_ =	shalt  }
0x80: {  	_ =	shalt  }
0x81: {  	_ =	shalt  }
0x82: {  	_ =	shalt  }
0x83: {  	_ =	shalt  }
0x84: {  	_ =	shalt  }
0x85: {  	_ =	shalt  }
0x86: {  	_ =	shalt  }
0x87: {  	_ =	shalt  }
.Lfunc_end0:
.L_simem_size_0:
called_computation_lowered:
.L_overlay_start_0:
0x88: {  	s2 =	sld [smem:$0x3FD9]  }
0x89: {  	s3 =	sld [smem:$0x3FFE];
	_ =	sdelay $0x1  }
0x8a: {  	s1 =	srdreg.scid  }
0x8b: {  	s0 =	sand.u32 $0x1, s1  }
0x8c: {  	s14 =	sshll.u32 s0, $0xA;
	s2 =	sadd.s32 s3, s2  }
0x8d: {  	s2 =	sadd.s32 s2, s14  }
0x8e: {  	[smem:$0x3FB2] =	sst s2  }
0x8f: {  	_ = 	snop  }
0x90: {  	s2 =	sld [smem:$0x3FD0];
	_ =	sdelay $0x2  }
0x91: {  	s15 =	simm.s32 $0xA;
	s4 =	simm.s32 $0x10  }
0x92: {  	[smem:s4], [sflag:s15] =	dma.local [hbm:s2], $0x1  }
0x93: {  	_ =	swait.eq [sflag:s15], $0x1  }
0x94: {  	[sflag:s15] =	ssyncset.done $0x0  }
0x95: {  	[sflag:s15] =	ssyncadd.s32 $0xFFFFFFFF  }
0x96: {  	s16 =	sld [smem:$0x11];
	(tm) =	ssettm $0x1  }
0x97: {  	s17 =	sld [smem:$0x3FFB];
	_ =	sdelay $0x3  }
0x98: {  	_ =	strace s17  }
0x99: {  	s3 =	sld [smem:$0x3FFC];
	_ =	sdelay $0x3  }
0x9a: {  	_ =	strace s3  }
0x9b: {  	s3 =	sld [smem:$0x3FFD];
	_ =	sdelay $0x3  }
0x9c: {  	_ =	strace s3  }
0x9d: {  	_ =	strace $0x8FFFFFFF  }
0x9e: {  	s18 =	sld [smem:$0x3FDB];
	_ =	sdelay $0x1  }
0x9f: {  	s19 =	simm.s32 $_scs_section_size  }
0xa0: {  	s5 =	simm.s32 $_size__tile_overlayer_lowered;
	s6 =	simm.s32 $_tile_overlayer_lowered  }
0xa1: {  	s22 =	simm.s32 $0x1BFF;
	s21 =	sshll.u32 s6, $0x1;
	s3 =	sadd.s32 s19, s18  }
0xa2: {  	s7 =	simm.s32 $0x0;
	s20 =	sshll.u32 s5, $0x1;
	s5 =	sadd.s32 s21, s3  }
0xa3: {  	[timem:s7], [sflag:s22] =	dma.local [hbm:s5], s20  }
0xa4: {  	_ =	swait.ge [sflag:s22], s20  }
0xa5: {  	s4 =	ssub.s32 $0x0, s20;
	[sflag:s22] =	ssyncset.done $0x0  }
0xa6: {  	[sflag:s22] =	ssyncadd.s32 s4;
	_ =	sdelay $0x1  }
0xa7: {  	s23 =	simm.s32 $0x1B8B  }
0xa8: {  	_ =	swait.ge [sflag:s23], $0x1  }
0xa9: {  	[sflag:s23] =	ssyncset.done $0x0  }
0xaa: {  	s25 =	simm.s32 $0x1B8E;
	s24 =	sld [smem:$0x3FFE];
	[sflag:s23] =	ssyncadd.s32 $0xFFFFFFFF  }
0xab: {  	s26 =	simm.s32 $execute0_lowered;
	[smem:$0x3FD2] =	sst s25  }
0xac: {  	s5 =	sshll.u32 s26, $0x1;
	_ =	strace $0x80000046;
	[dreg:$0x1] =	wrdreg $0xFFFFFFFF  }
0xad: {  	s28 =	simm.s32 $_size_execute0_lowered;
	s3 =	sadd.s32 s3, s5;
	[dreg:$0x0] =	wrdreg $0x0  }
0xae: {  	s5 =	sshll.u32 s28, $0x1;
	[dreg:$0x2] =	wrdreg s3  }
0xaf: {  	[dreg:$0x3] =	wrdreg s5  }
0xb0: {  	[dreg:$0x4] =	wrdreg $0xC0  }
0xb1: {  	_ =	task [dreg:s7], $0x5FFFF  }
0xb2: {  	[dreg:$0x1] =	wrdreg $0xFFFFFFFF  }
0xb3: {  	[dreg:$0x0] =	wrdreg $0x60  }
0xb4: {  	[dreg:$0x2] =	wrdreg s24  }
0xb5: {  	[dreg:$0x3] =	wrdreg s16  }
0xb6: {  	[dreg:$0x4] =	wrdreg $0xC0800  }
0xb7: {  	[dreg:$0x5] =	wrdreg $0x1F9000  }
0xb8: {  	[dreg:$0x6] =	wrdreg $0x9  }
0xb9: {  	_ =	task.clear_ibuf [dreg:s7], $0x7FFFF;
	_ =	strace $0x90000046  }
0xba: {  	s29 =	simm.s32 $0x9;
	_ =	strace $0x80000048  }
0xbb: {  	_ =	swait.ge [sflag:s29], $0x1  }
0xbc: {  	[sflag:s29] =	ssyncadd.s32 $0xFFFFFFFF  }
0xbd: {  	_ =	strace $0x90000048  }
0xbe: {  	_ =	sfence  }
0xbf: {  	s30 =	sld [smem:$0x0];
	_ =	sdelay $0x2  }
0xc0: {  	s31 =	sshll.u32 s1, $0xD;
	s1 =	sshrl.u32 s1, $0x2  }
0xc1: {  	s3 =	sand.u32 $0x4000, s31;
	s1 =	sadd.s32 s1, s30  }
0xc2: {  	s0 =	sor.u32 s3, s0;
	s1 =	sshll.u32 s1, $0x11  }
0xc3: {  	s0 =	sor.u32 s1, s0  }
0xc4: {  	s0 =	sadd.s32 $0x8F2B, s0  }
0xc5: {  	[sflag:s0] =	ssyncadd.remote.s32 $0x1  }
0xc6: {  	_ =	sfence.sel $0xFFFF  }
0xc7: {  	[dreg:$0x0] =	wrdreg $0xFFFFFFFF;
	(pc) =	sbr.abs _section_cstart, $3  }
0xc8: {  	[dreg:$0x1] =	wrdreg $0xFFFFFFFF  }
0xc9: {  	_ =	task.clear_ibuf [dreg:s7], $0x2FFFF;
	_ =	strace $0x9FFFFFFF  }
0xca: {  	(tm) =	ssettm $0x7FFFFFFF  }
0xcb: {  	_ =	shalt  }
tec
execute0_lowered:
.L_overlay_start_1:
0x0: {  	(tag) =	ssettag $0x1  }
0x1: {  	s0 =	rddreg [dreg:$0x0]  }
0x2: {  	s2 =	rddreg [dreg:$0x2]  }
0x3: {  	s3 =	rddreg [dreg:$0x3];
	s1 =	simm.s32 $0x0;
	s18 =	srdreg.scid  }
0x4: {  	s20 =	stileid.u32;
	s17 =	simm.s32 $0x2000;
	s28 =	simm.s32 $0x9800  }
0x5: {  	s29 =	simm.s32 $0x1;
	s30 =	simm.s32 $0x2;
	s31 =	simm.s32 $0x4  }
0x6: {  	s16 =	simm.s32 $0xC000;
	[smem:$0x7FF] =	sst s1;
	s8 =	smul.u32 $0x5000, s20  }
0x7: {  	s5 =	sadd.s32 $0x17800, s0;
	s4 =	sadd.s32 $0x3800, s0;
	s10 =	smul.u32 $0x50000, s20  }
0x8: {  	s19 =	sadd.s32 $0xD800, s0;
	s1 =	sand.u32 $0x1, s18;
	s24 =	smul.u32 $0xA00, s20  }
0x9: {  	s12 =	sadd.s32 $0x65A00, s0;
	s7 =	sshll.u32 s20, $0x3;
	s11 =	smul.u32 $0x14000, s20  }
0xa: {  	s26 =	smul.u32 $0x280, s20;
	_ =	strace $0x80000047;
	[dreg:$0x5] =	wrdreg s4  }
0xb: {  	s18 =	simm.s32 $0x5;
	[dreg:$0x6] =	wrdreg s19;
	s21 =	ssub.s32 $0x2, s1  }
0xc: {  	s22 =	smin.u32 s7, $0x75;
	s23 =	smul.u32 $0x138800, s1;
	p0 =	seq.s32 s1, $0x1  }
0xd: {  	s19 =	simm.s32 $0x6;
	v0 =	vmov s1;
	s1 =	simm.s32 $0x0;
	[dreg:$0x7] =	wrdreg s12  }
0xe: {  	s6 =	sshrl.u32 s21, $0x1;
	[dreg:$0x8] =	wrdreg s8;
	s10 =	sshrl.u32 s10, $0x2  }
0xf: {  	[dreg:$0xe] =	wrdreg s26;
	s0 =	ssub.s32 s21, s6;
	s6 =	sadd.s32 $0x8, s22  }
0x10: {  	s9 =	sadd.s32 s10, s2;
	s25 =	sadd.s32 s11, s23;
	s21 =	simm.s32 $0x50  }
.Ltmp0:
0x11: {  	s23 =	simm.s32 $0x4800;
	[dreg:$0xb] =	wrdreg s9;
	(pc) =	sbr.rel .LBB2_1-.Ltmp0, $4  }
0x12: {  	p1 =	sle.u32 s6, s7;
	s0 =	smax.u32 s0, $0x1;
	[dreg:$0xd] =	wrdreg s25  }
0x13: {  	s13 =	ssub.s32 s6, s7;
	[dreg:$0x9] =	wrdreg s0;
	s0 =	sshrl.u32 s24, $0x2  }
0x14: {  	p2 =	sge.u32 s7, s6;
	[dreg:$0xa] =	wrdreg s13;
	s0 =	sadd.s32 s0, s3  }
0x15: {  	v1 =	vimm.f32 $0.0e+00;
	v2 =	vimm.f32 $1.000000000e+00;
	s25 =	simm.s32 $0x7000;
	p1 =	por p0, p1;
	[dreg:$0xc] =	wrdreg s0  }
.LBB2_24:
0x16: {  	[sflag:s18] =	ssyncadd.s32 $0xFFFFFFB0;
	s1 =	rddreg [dreg:$0xf]  }
.LBB2_25:
0x17: {  	s1 =	sadd.s32 $0x1, s1;
	s0 =	rddreg [dreg:$0x9]  }
0x18: {  	p3 =	sne.s32 s1, s0  }
.Ltmp1:
0x19: {  	_ = 	snop;
	(pc) =	sbr.rel @!p3 .LBB2_26-.Ltmp1, $1  }
0x1a: {  	_ =	sdelay $0x3  }
.LBB2_1:
0x1b: {  	[dreg:$0xf] =	wrdreg s1;
	s0 =	simm.s32 $0x0;
	s1 =	simm.s32 $0x200  }
.LBB2_2:
0x1c: {  	p3 =	sne.s32 s1, $0x9E00;
	[tilespmem:s0+$0x2070] =	vst v1  }
0x1d: {  	[tilespmem:s0+$0x2000] =	vst v1  }
0x1e: {  	[tilespmem:s0+$0x2010] =	vst v1  }
.Ltmp2:
0x1f: {  	[tilespmem:s0+$0x2020] =	vst v1;
	(pc) =	sbr.rel @p3 .LBB2_2-.Ltmp2, $4  }
0x20: {  	[tilespmem:s0+$0x2030] =	vst v1  }
0x21: {  	[tilespmem:s0+$0x2040] =	vst v1  }
0x22: {  	[tilespmem:s0+$0x2050] =	vst v1  }
0x23: {  	[tilespmem:s0+$0x2060] =	vst v1;
	s0 =	sshra.s32 s1, $0x2;
	s1 =	sadd.s32 $0x200, s1  }
0x24: {  	[tilespmem:s0+$0x2070] =	vst v1  }
0x25: {  	[tilespmem:s0+$0x2000] =	vst v1  }
0x26: {  	[tilespmem:s0+$0x2010] =	vst v1  }
.Ltmp3:
0x27: {  	[tilespmem:s0+$0x2020] =	vst v1;
	(pc) =	sbr.rel @p2 .LBB2_7-.Ltmp3, $4  }
0x28: {  	[tilespmem:s0+$0x2030] =	vst v1  }
0x29: {  	[tilespmem:s0+$0x2040] =	vst v1  }
0x2a: {  	[tilespmem:s0+$0x2050] =	vst v1  }
0x2b: {  	[tilespmem:s0+$0x2060] =	vst v1;
	p3 =	sne.s32 s13, $0x1;
	s0 =	sadd.s32 $0xFFFFFFFF, s13  }
.Ltmp4:
0x2c: {  	(pc) =	sbr.rel @!p3 .LBB2_6-.Ltmp4, $4  }
0x2d: {  	s6 =	rddreg [dreg:$0xb]  }
0x2e: {  	[spmem:s6] =	stream.linear.scatter [tilespmem:s17], [sflag:$0x5], $0x2800, $0x38;
	[tilespmem:$0x1FB78] =	vst v63  }
0x2f: {  	_ =	swait.ge [sflag:s18], $0x2800  }
0x30: {  	s1 =	sadd.s32 $0xFFFFFFFF, s13;
	[sflag:s18] =	ssyncset.done $0x0  }
.LBB2_5:
0x31: {  	p4 =	sne.s32 s1, $0x1;
	[sflag:s18] =	ssyncadd.s32 $0xFFFFD800;
	s6 =	sadd.s32 $0x2800, s6  }
.Ltmp5:
0x32: {  	s1 =	sadd.s32 $0xFFFFFFFF, s1;
	(pc) =	sbr.rel @p4 .LBB2_5-.Ltmp5, $4  }
0x33: {  	_ = 	snop  }
0x34: {  	[spmem:s6] =	stream.linear.scatter [tilespmem:s17], [sflag:$0x5], $0x2800, $0x38;
	[tilespmem:$0x1FB78] =	vst v63  }
0x35: {  	_ =	swait.ge [sflag:s18], $0x2800  }
0x36: {  	[sflag:s18] =	ssyncset.done $0x0  }
.LBB2_6:
0x37: {  	[sflag:s18] =	ssyncadd.s32 $0xFFFFD800  }
.LBB2_7:
.Ltmp6:
0x38: {  	[tilespmem:$0xC000] =	vst v1;
	(pc) =	sbr.rel @p1 .LBB2_11-.Ltmp6, $4  }
0x39: {  	[tilespmem:$0xC010] =	vst v1  }
0x3a: {  	[tilespmem:$0xC020] =	vst v1  }
0x3b: {  	[tilespmem:$0xC030] =	vst v1  }
0x3c: {  	[tilespmem:$0xC040] =	vst v1  }
.Ltmp7:
0x3d: {  	(pc) =	sbr.rel @!p3 .LBB2_10-.Ltmp7, $4  }
0x3e: {  	s1 =	rddreg [dreg:$0xc]  }
0x3f: {  	[spmem:s1] =	stream.linear.scatter [tilespmem:s16], [sflag:$0x5], $0x50, $0x38;
	[tilespmem:$0x1FB78] =	vst v63  }
0x40: {  	_ =	swait.ge [sflag:s18], $0x50  }
0x41: {  	[sflag:s18] =	ssyncset.done $0x0  }
.LBB2_9:
0x42: {  	p3 =	sne.s32 s0, $0x1;
	[sflag:s18] =	ssyncadd.s32 $0xFFFFFFB0;
	s1 =	sadd.s32 $0x50, s1  }
.Ltmp8:
0x43: {  	s0 =	sadd.s32 $0xFFFFFFFF, s0;
	(pc) =	sbr.rel @p3 .LBB2_9-.Ltmp8, $4  }
0x44: {  	_ = 	snop  }
0x45: {  	[spmem:s1] =	stream.linear.scatter [tilespmem:s16], [sflag:$0x5], $0x50, $0x38;
	[tilespmem:$0x1FB78] =	vst v63  }
0x46: {  	_ =	swait.ge [sflag:s18], $0x50  }
0x47: {  	[sflag:s18] =	ssyncset.done $0x0  }
.LBB2_10:
0x48: {  	[sflag:s18] =	ssyncadd.s32 $0xFFFFFFB0  }
.LBB2_11:
0x49: {  	[bflag:$0x0] =	sbarrier.arrive $0xFFFF  }
0x4a: {  	[tilespmem:$0xC000] =	vst v2  }
0x4b: {  	[tilespmem:$0xC010] =	vst v2  }
0x4c: {  	[tilespmem:$0xC020] =	vst v2  }
0x4d: {  	[tilespmem:$0xC030] =	vst v2  }
0x4e: {  	s1 =	simm.s32 $0x0;
	[tilespmem:$0xC040] =	vst v2  }
.LBB2_12:
0x4f: {  	s0 =	sshll.u32 s1, $0xC;
	s20 =	rddreg [dreg:$0x8]  }
0x50: {  	s0 =	sadd.s32 s20, s0  }
0x51: {  	s22 =	rddreg [dreg:$0x5];
	s0 =	sshrl.u32 s0, $0x3  }
0x52: {  	[dreg:$0x10] =	wrdreg s1;
	s4 =	simm.s32 $0x0;
	s1 =	sadd.s32 s22, s0  }
0x53: {  	[tilespmem:s4], [sflag:$0x6] =	stream.linear.gather [hbm4b:s1+s4], $0xC80, $0x38;
	[tilespmem:$0x1FB78] =	vst v63  }
0x54: {  	_ =	swait.ge [sflag:s19], $0xC80  }
0x55: {  	[sflag:s19] =	ssyncset.done $0x0;
	s24 =	rddreg [dreg:$0x6]  }
0x56: {  	s26 =	simm.s32 $0x1000;
	[sflag:s19] =	ssyncadd.s32 $0xFFFFF380;
	s0 =	sadd.s32 s24, s0  }
0x57: {  	[tilespmem:s26], [sflag:$0x6] =	stream.linear.gather [hbm4b:s0+s4], $0xC80, $0x38;
	[tilespmem:$0x1FB78] =	vst v63  }
0x58: {  	_ =	swait.ge [sflag:s19], $0xC80  }
0x59: {  	[sflag:s19] =	ssyncset.done $0x0  }
0x5a: {  	s0 =	simm.s32 $0x0;
	[sflag:s19] =	ssyncadd.s32 $0xFFFFF380  }
0x5b: {  	v5 =	vld [tilespmem:s0+$0x0]  }
0x5c: {  	v6 =	vld [tilespmem:s0+$0x10]  }
0x5d: {  	v4 =	vld [tilespmem:s0+$0x20]  }
0x5e: {  	s1 =	simm.s32 $0x200;
	v3 =	vld [tilespmem:s0+$0x30]  }
.LBB2_13:
0x5f: {  	p3 =	sne.s32 s1, $0x3000;
	v7 =	vld [tilespmem:s0+$0x40]  }
0x60: {  	v5 =	vshll.u32 v5, $0x1  }
0x61: {  	v5 =	vor.u32 v0, v5;
	v6 =	vshll.u32 v6, $0x1  }
.Ltmp9:
0x62: {  	s6 =	sshra.s32 s1, $0x2;
	[tilespmem:s0+$0x0] =	vst v5;
	v6 =	vor.u32 v0, v6;
	v4 =	vshll.u32 v4, $0x1;
	(pc) =	sbr.rel @p3 .LBB2_13-.Ltmp9, $4  }
0x63: {  	v5 =	vld [tilespmem:s6+$0x0];
	[tilespmem:s0+$0x10] =	vst v6;
	v4 =	vor.u32 v0, v4;
	v3 =	vshll.u32 v3, $0x1  }
0x64: {  	v6 =	vld [tilespmem:s6+$0x10];
	[tilespmem:s0+$0x20] =	vst v4;
	v3 =	vor.u32 v0, v3;
	v7 =	vshll.u32 v7, $0x1  }
0x65: {  	v4 =	vld [tilespmem:s6+$0x20];
	[tilespmem:s0+$0x30] =	vst v3;
	v7 =	vor.u32 v0, v7  }
0x66: {  	s1 =	sadd.s32 $0x200, s1;
	v3 =	vld [tilespmem:s6+$0x30];
	[tilespmem:s0+$0x40] =	vst v7;
	s0 =	smov.u32 s6  }
0x67: {  	v7 =	vld [tilespmem:s0+$0x40]  }
0x68: {  	v5 =	vshll.u32 v5, $0x1  }
0x69: {  	v5 =	vor.u32 v0, v5;
	v6 =	vshll.u32 v6, $0x1  }
0x6a: {  	[tilespmem:s0+$0x0] =	vst v5;
	v62 =	vor.u32 v0, v6;
	v4 =	vshll.u32 v4, $0x1  }
0x6b: {  	[tilespmem:s0+$0x10] =	vst v62;
	v4 =	vor.u32 v0, v4;
	v3 =	vshll.u32 v3, $0x1  }
0x6c: {  	[tilespmem:s0+$0x20] =	vst v4;
	v3 =	vor.u32 v0, v3;
	v63 =	vshll.u32 v7, $0x1  }
0x6d: {  	[tilespmem:s0+$0x30] =	vst v3;
	v3 =	vor.u32 v0, v63  }
0x6e: {  	s8 =	simm.s32 $0x0;
	[tilespmem:s0+$0x40] =	vst v3  }
0x6f: {  	[tilespmem:s17], [sflag:$0x1] =	stream.indirect.gather [hbm4b:s5+s21], $0x80, s8, s21, $0xb8;
	[tilespmem:$0x1FB78] =	vst v63  }
0x70: {  	s9 =	simm.s32 $0x80  }
0x71: {  	[tilespmem:s23], [sflag:$0x2] =	stream.indirect.gather [hbm4b:s5+s21], $0x80, s9, s21, $0xb8;
	[tilespmem:$0x1FB78] =	vst v63  }
0x72: {  	s10 =	simm.s32 $0x100  }
0x73: {  	[tilespmem:s25], [sflag:$0x3] =	stream.indirect.gather [hbm4b:s5+s21], $0x80, s10, s21, $0xb8;
	[tilespmem:$0x1FB78] =	vst v63  }
0x74: {  	s11 =	simm.s32 $0x180  }
0x75: {  	[tilespmem:s28], [sflag:$0x4] =	stream.indirect.gather [hbm4b:s5+s21], $0x80, s11, s21, $0xb8;
	[tilespmem:$0x1FB78] =	vst v63  }
0x76: {  	_ =	swait.ge [sflag:s29], $0x2800  }
0x77: {  	[sflag:s29] =	ssyncset.done $0x0  }
0x78: {  	s0 =	simm.s32 $0x1000;
	[sflag:s29] =	ssyncadd.s32 $0xFFFFD800  }
0x79: {  	[spmem:s2] =	stream.indirect.scatter.add.f32 [tilespmem:s17], [sflag:$0x6], $0x80, s0, s21, $0xb8;
	[tilespmem:$0x1FB78] =	vst v63  }
0x7a: {  	_ =	swait.ge [sflag:s19], $0x2800  }
0x7b: {  	s22 =	simm.s32 @!p0 $0x6;
	[sflag:s19] =	ssyncset.done $0x0  }
0x7c: {  	s13 =	simm.s32 @!p0 $0x50;
	s20 =	simm.s32 @!p0 $0xC000;
	[sflag:s19] =	ssyncadd.s32 $0xFFFFD800  }
0x7d: {  	[spmem:s3] =	stream.indirect.scatter.add.f32 @!p0 [tilespmem:s20], [sflag:$0x6], $0x1, s0, s13, $0xb8;
	[tilespmem:$0x1FB78] =	vst v63  }
0x7e: {  	_ =	swait.ge @!p0 [sflag:s22], $0x50  }
0x7f: {  	[sflag:s22] =	ssyncset.done @!p0 $0x0  }
0x80: {  	s12 =	simm.s32 $0x200;
	[sflag:s22] =	ssyncadd.s32 @!p0 $0xFFFFFFB0  }
0x81: {  	[tilespmem:s17], [sflag:$0x1] =	stream.indirect.gather [hbm4b:s5+s21], $0x80, s12, s21, $0xb8;
	[tilespmem:$0x1FB78] =	vst v63  }
0x82: {  	_ =	swait.ge [sflag:s30], $0x2800  }
0x83: {  	[sflag:s30] =	ssyncset.done $0x0  }
0x84: {  	s1 =	simm.s32 $0x1080;
	[sflag:s30] =	ssyncadd.s32 $0xFFFFD800  }
0x85: {  	[spmem:s2] =	stream.indirect.scatter.add.f32 [tilespmem:s23], [sflag:$0x6], $0x80, s1, s21, $0xb8;
	[tilespmem:$0x1FB78] =	vst v63  }
0x86: {  	_ =	swait.ge [sflag:s19], $0x2800  }
0x87: {  	s15 =	simm.s32 @p0 $0x3;
	s6 =	simm.s32 @p0 $0x280;
	[sflag:s19] =	ssyncset.done $0x0  }
0x88: {  	s24 =	simm.s32 @p0 $0x50;
	s0 =	simm.s32 @p0 $0x4800;
	[sflag:s19] =	ssyncadd.s32 $0xFFFFD800  }
0x89: {  	[tilespmem:s0], [sflag:$0x2] =	stream.indirect.gather @p0 [hbm4b:s5+s24], $0x80, s6, s24, $0xb8;
	[tilespmem:$0x1FB78] =	vst v63  }
0x8a: {  	_ =	swait.ge @p0 [sflag:s15], $0x2800  }
0x8b: {  	s26 =	simm.s32 @p0 $0x6;
	[sflag:s15] =	ssyncset.done @p0 $0x0  }
0x8c: {  	s7 =	simm.s32 @p0 $0x7000;
	s6 =	simm.s32 @p0 $0x1100;
	[sflag:s15] =	ssyncadd.s32 @p0 $0xFFFFD800  }
0x8d: {  	[spmem:s2] =	stream.indirect.scatter.add.f32 @p0 [tilespmem:s7], [sflag:$0x6], $0x80, s6, s24, $0xb8;
	[tilespmem:$0x1FB78] =	vst v63  }
0x8e: {  	_ =	swait.ge @p0 [sflag:s26], $0x2800  }
0x8f: {  	[sflag:s26] =	ssyncset.done @p0 $0x0  }
0x90: {  	[sflag:s26] =	ssyncadd.s32 @p0 $0xFFFFD800  }
0x91: {  	[spmem:s3] =	stream.indirect.scatter.add.f32 @!p0 [tilespmem:s20], [sflag:$0x6], $0x1, s1, s13, $0xb8;
	[tilespmem:$0x1FB78] =	vst v63  }
0x92: {  	_ =	swait.ge @!p0 [sflag:s22], $0x50  }
0x93: {  	s8 =	simm.s32 @!p0 $0x3;
	[sflag:s22] =	ssyncset.done @!p0 $0x0  }
0x94: {  	s11 =	simm.s32 @!p0 $0x4800;
	s1 =	simm.s32 @!p0 $0x280;
	[sflag:s22] =	ssyncadd.s32 @!p0 $0xFFFFFFB0  }
0x95: {  	[tilespmem:s11], [sflag:$0x2] =	stream.indirect.gather @!p0 [hbm4b:s5+s13], $0x80, s1, s13, $0xb8;
	[tilespmem:$0x1FB78] =	vst v63  }
0x96: {  	_ =	swait.ge @!p0 [sflag:s8], $0x2800  }
0x97: {  	[sflag:s8] =	ssyncset.done @!p0 $0x0  }
0x98: {  	s10 =	simm.s32 @!p0 $0x7000;
	s1 =	simm.s32 @!p0 $0x1100;
	[sflag:s8] =	ssyncadd.s32 @!p0 $0xFFFFD800  }
0x99: {  	[spmem:s2] =	stream.indirect.scatter.add.f32 @!p0 [tilespmem:s10], [sflag:$0x6], $0x80, s1, s13, $0xb8;
	[tilespmem:$0x1FB78] =	vst v63  }
0x9a: {  	_ =	swait.ge @!p0 [sflag:s22], $0x2800  }
0x9b: {  	[sflag:s22] =	ssyncset.done @!p0 $0x0  }
0x9c: {  	[sflag:s22] =	ssyncadd.s32 @!p0 $0xFFFFD800  }
0x9d: {  	[spmem:s3] =	stream.indirect.scatter.add.f32 @!p0 [tilespmem:s20], [sflag:$0x6], $0x1, s1, s13, $0xb8;
	[tilespmem:$0x1FB78] =	vst v63  }
0x9e: {  	_ =	swait.ge @!p0 [sflag:s22], $0x50  }
0x9f: {  	[sflag:s22] =	ssyncset.done @!p0 $0x0  }
0xa0: {  	s14 =	simm.s32 $0x300;
	[sflag:s22] =	ssyncadd.s32 @!p0 $0xFFFFFFB0  }
0xa1: {  	[tilespmem:s25], [sflag:$0x3] =	stream.indirect.gather [hbm4b:s5+s21], $0x80, s14, s21, $0xb8;
	[tilespmem:$0x1FB78] =	vst v63  }
0xa2: {  	_ =	swait.ge [sflag:s31], $0x2800  }
0xa3: {  	[sflag:s31] =	ssyncset.done $0x0  }
0xa4: {  	s1 =	simm.s32 $0x1180;
	[sflag:s31] =	ssyncadd.s32 $0xFFFFD800  }
0xa5: {  	[spmem:s2] =	stream.indirect.scatter.add.f32 [tilespmem:s28], [sflag:$0x6], $0x80, s1, s21, $0xb8;
	[tilespmem:$0x1FB78] =	vst v63  }
0xa6: {  	_ =	swait.ge [sflag:s19], $0x2800  }
0xa7: {  	[sflag:s19] =	ssyncset.done $0x0  }
0xa8: {  	[sflag:s19] =	ssyncadd.s32 $0xFFFFD800  }
0xa9: {  	[spmem:s3] =	stream.indirect.scatter.add.f32 @!p0 [tilespmem:s20], [sflag:$0x6], $0x1, s1, s13, $0xb8;
	[tilespmem:$0x1FB78] =	vst v63  }
0xaa: {  	_ =	swait.ge @!p0 [sflag:s22], $0x50  }
0xab: {  	[sflag:s22] =	ssyncset.done @!p0 $0x0  }
0xac: {  	s6 =	simm.s32 $0x800;
	s1 =	simm.s32 $0x380;
	[sflag:s22] =	ssyncadd.s32 @!p0 $0xFFFFFFB0  }
.LBB2_15:
0xad: {  	[tilespmem:s28], [sflag:$0x4] =	stream.indirect.gather [hbm4b:s5+s21], $0x80, s1, s21, $0xb8;
	[tilespmem:$0x1FB78] =	vst v63  }
0xae: {  	s1 =	smov.u32 s6;
	s6 =	sadd.s32 $0x800, s6;
	_ =	swait.ge [sflag:s29], $0x2800  }
0xaf: {  	s14 =	sshra.s32 s1, $0x2;
	p3 =	sne.s32 s6, $0x2800;
	[sflag:s29] =	ssyncset.done $0x0  }
0xb0: {  	s4 =	sadd.s32 $0x1000, s14;
	[sflag:s29] =	ssyncadd.s32 $0xFFFFD800  }
0xb1: {  	[spmem:s2] =	stream.indirect.scatter.add.f32 [tilespmem:s17], [sflag:$0x6], $0x80, s4, s21, $0xb8;
	[tilespmem:$0x1FB78] =	vst v63  }
0xb2: {  	_ =	swait.ge [sflag:s19], $0x2800  }
0xb3: {  	[sflag:s19] =	ssyncset.done $0x0  }
0xb4: {  	[sflag:s19] =	ssyncadd.s32 $0xFFFFD800  }
0xb5: {  	[spmem:s3] =	stream.indirect.scatter.add.f32 @!p0 [tilespmem:s20], [sflag:$0x6], $0x1, s4, s13, $0xb8;
	[tilespmem:$0x1FB78] =	vst v63  }
0xb6: {  	_ =	swait.ge @!p0 [sflag:s22], $0x50  }
0xb7: {  	[sflag:s22] =	ssyncset.done @!p0 $0x0  }
0xb8: {  	s4 =	sadd.s32 $0x200, s14;
	[sflag:s22] =	ssyncadd.s32 @!p0 $0xFFFFFFB0  }
0xb9: {  	[tilespmem:s17], [sflag:$0x1] =	stream.indirect.gather [hbm4b:s5+s21], $0x80, s4, s21, $0xb8;
	[tilespmem:$0x1FB78] =	vst v63  }
0xba: {  	_ =	swait.ge [sflag:s30], $0x2800  }
0xbb: {  	[sflag:s30] =	ssyncset.done $0x0  }
0xbc: {  	s4 =	sadd.s32 $0x1080, s14;
	[sflag:s30] =	ssyncadd.s32 $0xFFFFD800  }
0xbd: {  	[spmem:s2] =	stream.indirect.scatter.add.f32 [tilespmem:s23], [sflag:$0x6], $0x80, s4, s21, $0xb8;
	[tilespmem:$0x1FB78] =	vst v63  }
0xbe: {  	_ =	swait.ge [sflag:s19], $0x2800  }
0xbf: {  	s12 =	sshra.s32 @p0 s1, $0x2;
	[sflag:s19] =	ssyncset.done $0x0  }
0xc0: {  	s9 =	sadd.s32 @p0 $0x280, s12;
	[sflag:s19] =	ssyncadd.s32 $0xFFFFD800  }
0xc1: {  	[tilespmem:s0], [sflag:$0x2] =	stream.indirect.gather @p0 [hbm4b:s5+s24], $0x80, s9, s24, $0xb8;
	[tilespmem:$0x1FB78] =	vst v63  }
0xc2: {  	_ =	swait.ge @p0 [sflag:s15], $0x2800  }
0xc3: {  	[sflag:s15] =	ssyncset.done @p0 $0x0  }
0xc4: {  	s9 =	sadd.s32 @p0 $0x1100, s12;
	[sflag:s15] =	ssyncadd.s32 @p0 $0xFFFFD800  }
0xc5: {  	[spmem:s2] =	stream.indirect.scatter.add.f32 @p0 [tilespmem:s7], [sflag:$0x6], $0x80, s9, s24, $0xb8;
	[tilespmem:$0x1FB78] =	vst v63  }
0xc6: {  	_ =	swait.ge @p0 [sflag:s26], $0x2800  }
0xc7: {  	[sflag:s26] =	ssyncset.done @p0 $0x0  }
0xc8: {  	[sflag:s26] =	ssyncadd.s32 @p0 $0xFFFFD800  }
0xc9: {  	[spmem:s3] =	stream.indirect.scatter.add.f32 @!p0 [tilespmem:s20], [sflag:$0x6], $0x1, s4, s13, $0xb8;
	[tilespmem:$0x1FB78] =	vst v63  }
0xca: {  	_ =	swait.ge @!p0 [sflag:s22], $0x50  }
0xcb: {  	s1 =	sshra.s32 @!p0 s1, $0x2;
	[sflag:s22] =	ssyncset.done @!p0 $0x0  }
0xcc: {  	s4 =	sadd.s32 @!p0 $0x280, s1;
	[sflag:s22] =	ssyncadd.s32 @!p0 $0xFFFFFFB0  }
0xcd: {  	[tilespmem:s11], [sflag:$0x2] =	stream.indirect.gather @!p0 [hbm4b:s5+s13], $0x80, s4, s13, $0xb8;
	[tilespmem:$0x1FB78] =	vst v63  }
0xce: {  	_ =	swait.ge @!p0 [sflag:s8], $0x2800  }
0xcf: {  	[sflag:s8] =	ssyncset.done @!p0 $0x0  }
0xd0: {  	s1 =	sadd.s32 @!p0 $0x1100, s1;
	[sflag:s8] =	ssyncadd.s32 @!p0 $0xFFFFD800  }
0xd1: {  	[spmem:s2] =	stream.indirect.scatter.add.f32 @!p0 [tilespmem:s10], [sflag:$0x6], $0x80, s1, s13, $0xb8;
	[tilespmem:$0x1FB78] =	vst v63  }
0xd2: {  	_ =	swait.ge @!p0 [sflag:s22], $0x2800  }
0xd3: {  	[sflag:s22] =	ssyncset.done @!p0 $0x0  }
0xd4: {  	[sflag:s22] =	ssyncadd.s32 @!p0 $0xFFFFD800  }
0xd5: {  	[spmem:s3] =	stream.indirect.scatter.add.f32 @!p0 [tilespmem:s20], [sflag:$0x6], $0x1, s1, s13, $0xb8;
	[tilespmem:$0x1FB78] =	vst v63  }
0xd6: {  	_ =	swait.ge @!p0 [sflag:s22], $0x50  }
0xd7: {  	[sflag:s22] =	ssyncset.done @!p0 $0x0  }
0xd8: {  	s1 =	sadd.s32 $0x300, s14;
	[sflag:s22] =	ssyncadd.s32 @!p0 $0xFFFFFFB0  }
0xd9: {  	[tilespmem:s25], [sflag:$0x3] =	stream.indirect.gather [hbm4b:s5+s21], $0x80, s1, s21, $0xb8;
	[tilespmem:$0x1FB78] =	vst v63  }
0xda: {  	_ =	swait.ge [sflag:s31], $0x2800  }
0xdb: {  	[sflag:s31] =	ssyncset.done $0x0  }
0xdc: {  	s1 =	sadd.s32 $0x1180, s14;
	[sflag:s31] =	ssyncadd.s32 $0xFFFFD800  }
0xdd: {  	[spmem:s2] =	stream.indirect.scatter.add.f32 [tilespmem:s28], [sflag:$0x6], $0x80, s1, s21, $0xb8;
	[tilespmem:$0x1FB78] =	vst v63  }
0xde: {  	_ =	swait.ge [sflag:s19], $0x2800  }
0xdf: {  	[sflag:s19] =	ssyncset.done $0x0  }
.Ltmp10:
0xe0: {  	[sflag:s19] =	ssyncadd.s32 $0xFFFFD800;
	(pc) =	sbr.rel @p3 .LBB2_15-.Ltmp10, $4  }
0xe1: {  	[spmem:s3] =	stream.indirect.scatter.add.f32 @!p0 [tilespmem:s20], [sflag:$0x6], $0x1, s1, s13, $0xb8;
	[tilespmem:$0x1FB78] =	vst v63  }
0xe2: {  	_ =	swait.ge @!p0 [sflag:s22], $0x50  }
0xe3: {  	[sflag:s22] =	ssyncset.done @!p0 $0x0  }
0xe4: {  	s1 =	sadd.s32 $0x380, s14;
	[sflag:s22] =	ssyncadd.s32 @!p0 $0xFFFFFFB0  }
0xe5: {  	[tilespmem:s28], [sflag:$0x4] =	stream.indirect.gather [hbm4b:s5+s21], $0x80, s1, s21, $0xb8;
	[tilespmem:$0x1FB78] =	vst v63  }
0xe6: {  	_ =	swait.ge [sflag:s29], $0x2800  }
0xe7: {  	[sflag:s29] =	ssyncset.done $0x0  }
0xe8: {  	s12 =	simm.s32 $0x1A00;
	[sflag:s29] =	ssyncadd.s32 $0xFFFFD800  }
0xe9: {  	[spmem:s2] =	stream.indirect.scatter.add.f32 [tilespmem:s17], [sflag:$0x6], $0x80, s12, s21, $0xb8;
	[tilespmem:$0x1FB78] =	vst v63  }
0xea: {  	_ =	swait.ge [sflag:s19], $0x2800  }
0xeb: {  	[sflag:s19] =	ssyncset.done $0x0  }
0xec: {  	s1 =	simm.s32 @p0 $0xC00;
	s4 =	simm.s32 @p0 $0x2000;
	[sflag:s19] =	ssyncadd.s32 $0xFFFFD800  }
0xed: {  	[tilespmem:s4], [sflag:$0x1] =	stream.indirect.gather @p0 [hbm4b:s5+s24], $0x80, s1, s24, $0xb8;
	[tilespmem:$0x1FB78] =	vst v63  }
0xee: {  	s1 =	simm.s32 @p0 $0x2  }
0xef: {  	_ =	swait.ge @p0 [sflag:s1], $0x2800  }
0xf0: {  	[sflag:s1] =	ssyncset.done @p0 $0x0  }
0xf1: {  	[sflag:s1] =	ssyncadd.s32 @p0 $0xFFFFD800;
	s1 =	simm.s32 @p0 $0x1A80  }
0xf2: {  	[spmem:s2] =	stream.indirect.scatter.add.f32 @p0 [tilespmem:s0], [sflag:$0x6], $0x80, s1, s24, $0xb8;
	[tilespmem:$0x1FB78] =	vst v63  }
0xf3: {  	_ =	swait.ge @p0 [sflag:s26], $0x2800  }
0xf4: {  	[sflag:s26] =	ssyncset.done @p0 $0x0  }
0xf5: {  	s0 =	simm.s32 @!p0 $0x1A00;
	[sflag:s26] =	ssyncadd.s32 @p0 $0xFFFFD800  }
0xf6: {  	[spmem:s3] =	stream.indirect.scatter.add.f32 @!p0 [tilespmem:s20], [sflag:$0x6], $0x1, s0, s13, $0xb8;
	[tilespmem:$0x1FB78] =	vst v63  }
0xf7: {  	_ =	swait.ge @!p0 [sflag:s22], $0x50  }
0xf8: {  	[sflag:s22] =	ssyncset.done @!p0 $0x0  }
0xf9: {  	s1 =	simm.s32 @!p0 $0x2000;
	s0 =	simm.s32 @!p0 $0xC00;
	[sflag:s22] =	ssyncadd.s32 @!p0 $0xFFFFFFB0  }
0xfa: {  	[tilespmem:s1], [sflag:$0x1] =	stream.indirect.gather @!p0 [hbm4b:s5+s13], $0x80, s0, s13, $0xb8;
	[tilespmem:$0x1FB78] =	vst v63  }
0xfb: {  	s0 =	simm.s32 @!p0 $0x2  }
0xfc: {  	_ =	swait.ge @!p0 [sflag:s0], $0x2800  }
0xfd: {  	[sflag:s0] =	ssyncset.done @!p0 $0x0  }
0xfe: {  	[sflag:s0] =	ssyncadd.s32 @!p0 $0xFFFFD800;
	s0 =	simm.s32 @!p0 $0x1A80  }
0xff: {  	[spmem:s2] =	stream.indirect.scatter.add.f32 @!p0 [tilespmem:s11], [sflag:$0x6], $0x80, s0, s13, $0xb8;
	[tilespmem:$0x1FB78] =	vst v63  }
0x100: {  	_ =	swait.ge @!p0 [sflag:s22], $0x2800  }
0x101: {  	[sflag:s22] =	ssyncset.done @!p0 $0x0  }
0x102: {  	[sflag:s22] =	ssyncadd.s32 @!p0 $0xFFFFD800  }
0x103: {  	[spmem:s3] =	stream.indirect.scatter.add.f32 @!p0 [tilespmem:s20], [sflag:$0x6], $0x1, s0, s13, $0xb8;
	[tilespmem:$0x1FB78] =	vst v63  }
0x104: {  	_ =	swait.ge @!p0 [sflag:s22], $0x50  }
0x105: {  	[sflag:s22] =	ssyncset.done @!p0 $0x0  }
0x106: {  	s14 =	simm.s32 $0x3;
	[sflag:s22] =	ssyncadd.s32 @!p0 $0xFFFFFFB0  }
0x107: {  	_ =	swait.ge [sflag:s14], $0x2800  }
0x108: {  	[sflag:s14] =	ssyncset.done $0x0  }
0x109: {  	s15 =	simm.s32 $0x1B00;
	[sflag:s14] =	ssyncadd.s32 $0xFFFFD800  }
0x10a: {  	[spmem:s2] =	stream.indirect.scatter.add.f32 [tilespmem:s25], [sflag:$0x6], $0x80, s15, s21, $0xb8;
	[tilespmem:$0x1FB78] =	vst v63  }
0x10b: {  	_ =	swait.ge [sflag:s19], $0x2800  }
0x10c: {  	[sflag:s19] =	ssyncset.done $0x0  }
0x10d: {  	s0 =	simm.s32 @p0 $0x4;
	[sflag:s19] =	ssyncadd.s32 $0xFFFFD800  }
0x10e: {  	_ =	swait.ge @p0 [sflag:s0], $0x2800  }
0x10f: {  	[sflag:s0] =	ssyncset.done @p0 $0x0  }
0x110: {  	s1 =	simm.s32 @p0 $0x9800;
	[sflag:s0] =	ssyncadd.s32 @p0 $0xFFFFD800;
	s0 =	simm.s32 @p0 $0x1B80  }
0x111: {  	[spmem:s2] =	stream.indirect.scatter.add.f32 @p0 [tilespmem:s1], [sflag:$0x6], $0x80, s0, s24, $0xb8;
	[tilespmem:$0x1FB78] =	vst v63  }
0x112: {  	_ =	swait.ge @p0 [sflag:s26], $0x2800  }
0x113: {  	[sflag:s26] =	ssyncset.done @p0 $0x0  }
0x114: {  	s0 =	simm.s32 @!p0 $0x1B00;
	[sflag:s26] =	ssyncadd.s32 @p0 $0xFFFFD800  }
0x115: {  	[spmem:s3] =	stream.indirect.scatter.add.f32 @!p0 [tilespmem:s20], [sflag:$0x6], $0x1, s0, s13, $0xb8;
	[tilespmem:$0x1FB78] =	vst v63  }
0x116: {  	_ =	swait.ge @!p0 [sflag:s22], $0x50  }
0x117: {  	[sflag:s22] =	ssyncset.done @!p0 $0x0  }
0x118: {  	s0 =	simm.s32 @!p0 $0x4;
	[sflag:s22] =	ssyncadd.s32 @!p0 $0xFFFFFFB0  }
0x119: {  	_ =	swait.ge @!p0 [sflag:s0], $0x2800  }
0x11a: {  	[sflag:s0] =	ssyncset.done @!p0 $0x0  }
0x11b: {  	s1 =	simm.s32 @!p0 $0x9800;
	[sflag:s0] =	ssyncadd.s32 @!p0 $0xFFFFD800;
	s0 =	simm.s32 @!p0 $0x1B80  }
0x11c: {  	[spmem:s2] =	stream.indirect.scatter.add.f32 @!p0 [tilespmem:s1], [sflag:$0x6], $0x80, s0, s13, $0xb8;
	[tilespmem:$0x1FB78] =	vst v63  }
0x11d: {  	_ =	swait.ge @!p0 [sflag:s22], $0x2800  }
0x11e: {  	[sflag:s22] =	ssyncset.done @!p0 $0x0  }
0x11f: {  	[sflag:s22] =	ssyncadd.s32 @!p0 $0xFFFFD800  }
0x120: {  	[spmem:s3] =	stream.indirect.scatter.add.f32 @!p0 [tilespmem:s20], [sflag:$0x6], $0x1, s0, s13, $0xb8;
	[tilespmem:$0x1FB78] =	vst v63  }
0x121: {  	_ =	swait.ge @!p0 [sflag:s22], $0x50  }
0x122: {  	[sflag:s22] =	ssyncset.done @!p0 $0x0  }
0x123: {  	[sflag:s22] =	ssyncadd.s32 @!p0 $0xFFFFFFB0  }
0x124: {  	_ =	swait.ge [sflag:s29], $0x2800  }
0x125: {  	[sflag:s29] =	ssyncset.done $0x0  }
0x126: {  	s24 =	simm.s32 $0x1C00;
	[sflag:s29] =	ssyncadd.s32 $0xFFFFD800  }
0x127: {  	[spmem:s2] =	stream.indirect.scatter.add.f32 [tilespmem:s17], [sflag:$0x6], $0x80, s24, s21, $0xb8;
	[tilespmem:$0x1FB78] =	vst v63  }
0x128: {  	_ =	swait.ge [sflag:s19], $0x2800  }
0x129: {  	[sflag:s19] =	ssyncset.done $0x0  }
0x12a: {  	s0 =	simm.s32 @!p0 $0x1C00;
	[sflag:s19] =	ssyncadd.s32 $0xFFFFD800  }
0x12b: {  	[spmem:s3] =	stream.indirect.scatter.add.f32 @!p0 [tilespmem:s20], [sflag:$0x5], $0x1, s0, s13, $0xb8;
	[tilespmem:$0x1FB78] =	vst v63  }
0x12c: {  	s0 =	simm.s32 @!p0 $0x5  }
0x12d: {  	_ =	swait.ge @!p0 [sflag:s0], $0x50  }
0x12e: {  	s26 =	rddreg [dreg:$0x10]  }
0x12f: {  	s1 =	sadd.s32 $0x1, s26  }
0x130: {  	p3 =	sne.s32 s1, $0x5  }
.Ltmp11:
0x131: {  	_ = 	snop;
	(pc) =	sbr.rel @p3 .LBB2_12-.Ltmp11, $3  }
0x132: {  	_ =	sdelay $0x1  }
0x133: {  	[sflag:s0] =	ssyncset.done @!p0 $0x0  }
0x134: {  	[sflag:s0] =	ssyncadd.s32 @!p0 $0xFFFFFFB0  }
.Ltmp12:
0x135: {  	(pc) =	sbr.rel @p2 .LBB2_21-.Ltmp12, $4  }
0x136: {  	[bflag:$0x0] =	sbarrier.arrive $0xFFFF  }
0x137: {  	s9 =	rddreg [dreg:$0x1]  }
0x138: {  	s12 =	rddreg [dreg:$0x7]  }
0x139: {  	s10 =	simm.s32 $0x0;
	s13 =	rddreg [dreg:$0xa]  }
0x13a: {  	s0 =	stileid.u32;
	p3 =	sne.s32 s13, $0x1  }
.Ltmp13:
0x13b: {  	s7 =	rddreg [dreg:$0xd];
	(pc) =	sbr.rel @!p3 .LBB2_20-.Ltmp13, $4  }
0x13c: {  	s6 =	rddreg [dreg:$0xb];
	s0 =	sshll.u32 s0, $0x6;
	s1 =	sshrl.u32 s7, $0x3  }
0x13d: {  	s4 =	sshrl.u32 s6, $0x3;
	s1 =	sadd.s32 s12, s1;
	s0 =	sadd.s32 $0x1C05, s0  }
0x13e: {  	[hbm:s1], [sflag:s0] =	dma.local [spmem:s4], $0x500  }
0x13f: {  	s6 =	sadd.s32 $0x2800, s6;
	s1 =	sadd.s32 $0xFFFFFFFF, s13  }
.LBB2_19:
0x140: {  	_ =	swait.ge [sflag:s18], $0x500  }
0x141: {  	s7 =	sadd.s32 $0x2800, s7;
	s8 =	sshrl.u32 s6, $0x3;
	p3 =	sne.s32 s1, $0x1  }
.Ltmp14:
0x142: {  	s4 =	sshrl.u32 s7, $0x3;
	[sflag:s18] =	ssyncset.done $0x0;
	(pc) =	sbr.rel @p3 .LBB2_19-.Ltmp14, $4  }
0x143: {  	s4 =	sadd.s32 s12, s4;
	[sflag:s18] =	ssyncadd.s32 $0xFFFFFB00  }
0x144: {  	[hbm:s4], [sflag:s0] =	dma.local [spmem:s8], $0x500  }
0x145: {  	s1 =	sadd.s32 $0xFFFFFFFF, s1  }
0x146: {  	s6 =	sadd.s32 $0x2800, s6  }
.LBB2_20:
0x147: {  	_ =	swait.ge [sflag:s18], $0x500  }
0x148: {  	[sflag:s18] =	ssyncset.done $0x0  }
0x149: {  	[sflag:s18] =	ssyncadd.s32 $0xFFFFFB00  }
.LBB2_21:
.Ltmp15:
0x14a: {  	(pc) =	sbr.rel @p1 .LBB2_25-.Ltmp15, $2  }
0x14b: {  	_ =	sdelay $0x2  }
0x14c: {  	s1 =	rddreg [dreg:$0xf]  }
0x14d: {  	s6 =	rddreg [dreg:$0xc]  }
0x14e: {  	[tilespmem:s16], [sflag:$0x5] =	stream.linear.gather [spmem:s6], $0x50, $0x38;
	[tilespmem:$0x1FB78] =	vst v63  }
0x14f: {  	_ =	swait.ge [sflag:s18], $0x50  }
0x150: {  	p3 =	sne.s32 s13, $0x1;
	s1 =	rddreg [dreg:$0xe]  }
.Ltmp16:
0x151: {  	[sflag:s18] =	ssyncset.done $0x0;
	s0 =	sshrl.u32 s1, $0x3;
	(pc) =	sbr.rel @!p3 .LBB2_24-.Ltmp16, $4  }
0x152: {  	[sflag:s18] =	ssyncadd.s32 $0xFFFFFFB0;
	s0 =	sadd.s32 s9, s0  }
0x153: {  	[hbm4b:s0+s10] =	stream.linear.scatter [tilespmem:s16], [sflag:$0x5], $0x50, $0x38;
	[tilespmem:$0x1FB78] =	vst v63  }
0x154: {  	_ =	swait.ge [sflag:s18], $0x50  }
0x155: {  	s0 =	sadd.s32 $0xFFFFFFFF, s13;
	[sflag:s18] =	ssyncset.done $0x0  }
.LBB2_23:
0x156: {  	[sflag:s18] =	ssyncadd.s32 $0xFFFFFFB0;
	s1 =	sadd.s32 $0x50, s1;
	s6 =	sadd.s32 $0x50, s6  }
0x157: {  	[tilespmem:s16], [sflag:$0x5] =	stream.linear.gather [spmem:s6], $0x50, $0x38;
	[tilespmem:$0x1FB78] =	vst v63  }
0x158: {  	p3 =	sne.s32 s0, $0x1;
	s0 =	sadd.s32 $0xFFFFFFFF, s0;
	_ =	swait.ge [sflag:s18], $0x50  }
.Ltmp17:
0x159: {  	s4 =	sshrl.u32 s1, $0x3;
	[sflag:s18] =	ssyncset.done $0x0;
	(pc) =	sbr.rel @p3 .LBB2_23-.Ltmp17, $4  }
0x15a: {  	s4 =	sadd.s32 s9, s4;
	[sflag:s18] =	ssyncadd.s32 $0xFFFFFFB0  }
0x15b: {  	[hbm4b:s4+s10] =	stream.linear.scatter [tilespmem:s16], [sflag:$0x5], $0x50, $0x38;
	[tilespmem:$0x1FB78] =	vst v63  }
0x15c: {  	_ =	swait.ge [sflag:s18], $0x50  }
0x15d: {  	[sflag:s18] =	ssyncset.done $0x0  }
.Ltmp18:
0x15e: {  	_ = 	snop;
	(pc) =	sbr.rel .LBB2_24-.Ltmp18, $1  }
0x15f: {  	_ =	sdelay $0x3  }
.LBB2_26:
0x160: {  	_ =	sfence.sel $0x180000  }
0x161: {  	[bflag:$0x0] =	sbarrier.arrive $0xFFFF  }
0x162: {  	_ =	strace $0x90000047  }
0x163: {  	s0 =	stileid.u32;
	[bflag:$0x2] =	sbarrier.arrive $0xFFFF  }
0x164: {  	p0 =	sne.s32 s0, $0x0;
	s0 =	rddreg [dreg:$0x4]  }
0x165: {  	s0 =	sadd.s32 @!p0 $0x100000, s0  }
0x166: {  	[sflag:s0] =	ssyncadd.tile.s32 @!p0 $0x1;
	_ =	shalt  }
.Lfunc_end2:
_tile_overlayer_lowered:
.L_overlay_start_2:
0x167: {  	(tag) =	ssettag $0x2  }
0x168: {  	s0 =	rddreg [dreg:$0x0];
	s2 =	stileid.u32  }
0x169: {  	s1 =	rddreg [dreg:$0x1];
	p0 =	sne.s32 s2, $0x0  }
0x16a: {  	s3 =	rddreg [dreg:$0x2];
	[bflag:$0x3] =	sbarrier.arrive $0xFFFF;
	s2 =	simm.s32 @!p0 $0x1C05  }
0x16b: {  	[timem:s3], [sflag:s2] =	dma.local @!p0 [hbm:s0], s1  }
0x16c: {  	s0 =	simm.s32 @!p0 $0x5  }
0x16d: {  	_ =	swait.ge @!p0 [sflag:s0], s1  }
0x16e: {  	s1 =	ssub.s32 @!p0 $0x0, s1;
	[sflag:s0] =	ssyncset.done @!p0 $0x0  }
0x16f: {  	[sflag:s0] =	ssyncadd.s32 @!p0 s1  }
0x170: {  	[bflag:$0x3] =	sbarrier.arrive $0xFFFF  }
0x171: {  	_ =	shalt  }

</sc_bundles>
